<compile_context>
chip_gen: v7x
topology: tpu7x:2x2x1
jax: 0.10.2.dev20260603
libtpu: 0.0.44.dev20260713+nightly
codegen_flags: <defaults>
</compile_context>

<pallas_src>
import functools

import jax
import jax.numpy as jnp
import numpy as np
from jax import lax
from jax.experimental import pallas as pl
from jax.experimental.pallas import tpu as pltpu
from jax.experimental.pallas import tpu_sc as plsc

N = 10000
E = 320000
EMB = 64
NB = 16
LAYERS = 3
MAXR = 5.0
G = 64
NEI = 16.5397
INV = 1.0 / float(np.sqrt(NEI))

CH = 128
NW = 32
EPAD = 323584
PER_W = EPAD // NW
NCH_G = PER_W // CH
PER_T = EPAD // 16
NCH_S = PER_T // CH
NPADROW = 240
NACC = N + NPADROW
BN = 256
NBLK = NACC // BN
BE = 2048
EBLK = EPAD // BE
DG = 256
DT = 256

_f32 = jnp.float32



def _sc_gather(table, idx, dcols):
    mesh = plsc.VectorSubcoreMesh(core_axis_name="c", subcore_axis_name="s")

    @functools.partial(
        pl.kernel,
        out_type=jax.ShapeDtypeStruct((EPAD, dcols), _f32),
        mesh=mesh,
        scratch_types=[
            pltpu.VMEM((CH,), jnp.int32),
            pltpu.VMEM((CH, dcols), _f32),
            pltpu.SemaphoreType.DMA,
        ],
    )
    def k(table_h, idx_h, out_h, idx_v, buf, sem):
        cid = lax.axis_index("c")
        sid = lax.axis_index("s")
        wid = sid * 2 + cid
        base = wid * PER_W

        def body(j, carry):
            e0 = base + j * CH
            pltpu.sync_copy(idx_h.at[pl.ds(e0, CH)], idx_v)
            pltpu.async_copy(table_h.at[idx_v], buf, sem).wait()
            pltpu.sync_copy(buf, out_h.at[pl.ds(e0, CH)])
            return carry

        lax.fori_loop(0, NCH_G, body, 0)

    return k(table, idx)


def _sc_scatter_add(msgs, dst, zeros_half):
    mesh = plsc.VectorSubcoreMesh(core_axis_name="c", subcore_axis_name="s")
    rows_t = NACC // 16

    @functools.partial(
        pl.kernel,
        out_type=jax.ShapeDtypeStruct((NACC, 2 * CH), _f32),
        mesh=mesh,
        scratch_types=[
            pltpu.VMEM((CH,), jnp.int32),
            pltpu.VMEM((CH, CH), _f32),
            pltpu.VMEM_SHARED((NACC, CH), _f32),
            pltpu.SemaphoreType.DMA,
        ],
    )
    def k(m_h, dst_h, z_h, out_h, didx, mbuf, acc, sem):
        cid = lax.axis_index("c")
        sid = lax.axis_index("s")
        r0 = sid * rows_t
        c0 = cid * CH
        pltpu.sync_copy(z_h.at[pl.ds(r0, rows_t)], acc.at[pl.ds(r0, rows_t)])
        plsc.subcore_barrier()

        def body(j, carry):
            e0 = sid * PER_T + j * CH
            pltpu.sync_copy(dst_h.at[pl.ds(e0, CH)], didx)
            pltpu.sync_copy(m_h.at[pl.ds(e0, CH), pl.ds(c0, CH)], mbuf)
            pltpu.sync_copy(mbuf, acc.at[didx], add=True)
            return carry

        lax.fori_loop(0, NCH_S, body, 0)
        plsc.subcore_barrier()
        pltpu.sync_copy(acc.at[pl.ds(r0, rows_t)],
                        out_h.at[pl.ds(r0, rows_t), pl.ds(c0, CH)])

    return k(msgs, dst, zeros_half)



def _node_prep(pos_p, x_p, z_p, Wx, bx2, Wz, bz2, WB, WC):
    def body(pos_r, x_r, z_r, wx_r, bx_r, wz_r, bz_r, wb_r, wc_r,
             zs_o, tsrc_o, tdst_o, t0_o):
        zs = jnp.dot(z_r[...], wz_r[...], preferred_element_type=_f32, precision=lax.Precision.HIGHEST) + bz_r[...]
        s0 = jnp.dot(x_r[...], wx_r[...], preferred_element_type=_f32, precision=lax.Precision.HIGHEST) + bx_r[...]
        wb = wb_r[...]
        wc = wc_r[...]
        zb = [jnp.dot(zs, wb[l], preferred_element_type=_f32, precision=lax.Precision.HIGHEST) for l in range(LAYERS)]
        zc = [jnp.dot(zs, wc[l], preferred_element_type=_f32, precision=lax.Precision.HIGHEST) for l in range(LAYERS)]
        posb = pos_r[...]
        padc = jnp.zeros((BN, DG - 3 - 3 * EMB), _f32)
        zs_o[...] = zs
        tsrc_o[...] = jnp.concatenate([posb] + zb + [padc], axis=1)
        tdst_o[...] = jnp.concatenate([posb] + zc + [padc], axis=1)
        t0_o[...] = jnp.concatenate([s0, jnp.zeros((BN, 3 * EMB), _f32)], axis=1)

    grid = (NBLK,)
    bspec = lambda bshape, imap: pl.BlockSpec(bshape, imap)
    full = lambda arr: pl.BlockSpec(arr.shape, lambda i: tuple(0 for _ in arr.shape))
    return pl.pallas_call(
        body,
        grid=grid,
        in_specs=[
            bspec((BN, 3), lambda i: (i, 0)),
            bspec((BN, 128), lambda i: (i, 0)),
            bspec((BN, 128), lambda i: (i, 0)),
            full(Wx), full(bx2), full(Wz), full(bz2), full(WB), full(WC),
        ],
        out_specs=[
            bspec((BN, EMB), lambda i: (i, 0)),
            bspec((BN, DG), lambda i: (i, 0)),
            bspec((BN, DG), lambda i: (i, 0)),
            bspec((BN, DT), lambda i: (i, 0)),
        ],
        out_shape=[
            jax.ShapeDtypeStruct((NACC, EMB), _f32),
            jax.ShapeDtypeStruct((NACC, DG), _f32),
            jax.ShapeDtypeStruct((NACC, DG), _f32),
            jax.ShapeDtypeStruct((NACC, DT), _f32),
        ],
    )(pos_p, x_p, z_p, Wx, bx2, Wz, bz2, WB, WC)


def _edge_prep(gs, gd, WA):
    width = MAXR / NB

    def body(gs_r, gd_r, wa_r, p_o, y_o):
        centers = (lax.broadcasted_iota(jnp.int32, (1, NB), 1).astype(_f32)
                   * (MAXR / (NB - 1)))
        gsb = gs_r[...]
        gdb = gd_r[...]
        ps = gsb[:, 0:3]
        pd = gdb[:, 0:3]
        ev = pd - ps
        d2 = jnp.sum(ev * ev, axis=1, keepdims=True)
        d = jnp.sqrt(d2 + 1e-12)
        y1 = ev / (d + 1e-9)
        rbf = jnp.exp(-(((d - centers) / width) ** 2))
        cut = jnp.where(d < MAXR, 0.5 * (jnp.cos(jnp.pi * d / MAXR) + 1.0), 0.0)
        rbf = rbf * cut
        wa = wa_r[...]
        for l in range(LAYERS):
            p_o[l, :, :] = (jnp.dot(rbf, wa[l], preferred_element_type=_f32, precision=lax.Precision.HIGHEST)
                            + gsb[:, 3 + EMB * l:3 + EMB * (l + 1)]
                            + gdb[:, 3 + EMB * l:3 + EMB * (l + 1)])
        y_o[...] = jnp.concatenate([y1, d, jnp.zeros((BE, 4), _f32)], axis=1)

    return pl.pallas_call(
        body,
        grid=(EBLK,),
        in_specs=[
            pl.BlockSpec((BE, DG), lambda i: (i, 0)),
            pl.BlockSpec((BE, DG), lambda i: (i, 0)),
            pl.BlockSpec(WA.shape, lambda i: (0, 0, 0)),
        ],
        out_specs=[
            pl.BlockSpec((LAYERS, BE, EMB), lambda i: (0, i, 0)),
            pl.BlockSpec((BE, 8), lambda i: (i, 0)),
        ],
        out_shape=[
            jax.ShapeDtypeStruct((LAYERS, EPAD, EMB), _f32),
            jax.ShapeDtypeStruct((EPAD, 8), _f32),
        ],
    )(gs, gd, WA)


def _edge_layer(P, Y, Gt, Wr2, l):
    def body(p_r, y_r, g_r, w2_r, m_o):
        h = jax.nn.silu(p_r[0])
        w = jnp.dot(h, w2_r[0], preferred_element_type=_f32, precision=lax.Precision.HIGHEST)
        gb = g_r[...]
        yb = y_r[...]
        s_src = gb[:, 0:EMB]
        v0 = gb[:, EMB:2 * EMB]
        v1 = gb[:, 2 * EMB:3 * EMB]
        v2 = gb[:, 3 * EMB:4 * EMB]
        y0 = yb[:, 0:1]
        y1 = yb[:, 1:2]
        y2 = yb[:, 2:3]
        w1 = w[:, 0:EMB]
        w2 = w[:, EMB:2 * EMB]
        w3 = w[:, 2 * EMB:3 * EMB]
        w4 = w[:, 3 * EMB:4 * EMB]
        w5 = w[:, 4 * EMB:5 * EMB]
        vdot = v0 * y0 + v1 * y1 + v2 * y2
        ms = (w1 * s_src + w4 * vdot) * INV
        ws = w2 * s_src
        mv0 = (ws * y0 + w3 * v0 + w5 * (v1 * y2 - v2 * y1)) * INV
        mv1 = (ws * y1 + w3 * v1 + w5 * (v2 * y0 - v0 * y2)) * INV
        mv2 = (ws * y2 + w3 * v2 + w5 * (v0 * y1 - v1 * y0)) * INV
        m_o[...] = jnp.concatenate([ms, mv0, mv1, mv2], axis=1)

    return pl.pallas_call(
        body,
        grid=(EBLK,),
        in_specs=[
            pl.BlockSpec((1, BE, EMB), lambda i, l=l: (l, i, 0)),
            pl.BlockSpec((BE, 8), lambda i: (i, 0)),
            pl.BlockSpec((BE, DT), lambda i: (i, 0)),
            pl.BlockSpec((1, EMB, 5 * EMB), lambda i, l=l: (l, 0, 0)),
        ],
        out_specs=pl.BlockSpec((BE, DT), lambda i: (i, 0)),
        out_shape=jax.ShapeDtypeStruct((EPAD, DT), _f32),
    )(P, Y, Gt, Wr2)


def _node_layer(A, T, zs, Wsl, Wss, Wvl, Wsv, l):
    def body(a_r, t_r, zs_r, wsl_r, wss_r, wvl_r, wsv_r, t_o):
        ab = a_r[...]
        tb = t_r[...]
        zsb = zs_r[...]
        s_agg = ab[:, 0:EMB]
        s = tb[:, 0:EMB]
        st = (jnp.dot(s_agg, wsl_r[0], preferred_element_type=_f32, precision=lax.Precision.HIGHEST)
              + jnp.dot(s * zsb, wss_r[0], preferred_element_type=_f32, precision=lax.Precision.HIGHEST))
        wvl = wvl_r[0]
        wsv = wsv_r[0]
        vt = []
        for xx in range(3):
            va = ab[:, EMB * (xx + 1):EMB * (xx + 2)]
            vv = tb[:, EMB * (xx + 1):EMB * (xx + 2)]
            vt.append(jnp.dot(va, wvl, preferred_element_type=_f32, precision=lax.Precision.HIGHEST)
                      + jnp.dot(vv, wsv, preferred_element_type=_f32, precision=lax.Precision.HIGHEST))
        sn = jax.nn.silu(st[:, 0:EMB])
        gate = jax.nn.sigmoid(st[:, EMB:2 * EMB])
        t_o[...] = jnp.concatenate([sn] + [v * gate for v in vt], axis=1)

    return pl.pallas_call(
        body,
        grid=(NBLK,),
        in_specs=[
            pl.BlockSpec((BN, DT), lambda i: (i, 0)),
            pl.BlockSpec((BN, DT), lambda i: (i, 0)),
            pl.BlockSpec((BN, EMB), lambda i: (i, 0)),
            pl.BlockSpec((1, EMB, 2 * EMB), lambda i, l=l: (l, 0, 0)),
            pl.BlockSpec((1, EMB, 2 * EMB), lambda i, l=l: (l, 0, 0)),
            pl.BlockSpec((1, EMB, EMB), lambda i, l=l: (l, 0, 0)),
            pl.BlockSpec((1, EMB, EMB), lambda i, l=l: (l, 0, 0)),
        ],
        out_specs=pl.BlockSpec((BN, DT), lambda i: (i, 0)),
        out_shape=jax.ShapeDtypeStruct((NACC, DT), _f32),
    )(A, T, zs, Wsl, Wss, Wvl, Wsv)


def _head(T, pos_p, batch3, Wout_s, Wvout, Wm1, bm12, Wm2, bm22):
    def body(t_r, pos_r, b_r, wos_r, wvo_r, wm1_r, bm1_r, wm2_r, bm2_r, o_r):
        tb = t_r[...]
        posb = pos_r[...]
        s = tb[:, 0:EMB]
        vflat = tb[:, EMB:4 * EMB]
        so = jnp.dot(s, wos_r[...], preferred_element_type=_f32, precision=lax.Precision.HIGHEST)
        vout = jnp.dot(vflat, wvo_r[...], preferred_element_type=_f32, precision=lax.Precision.HIGHEST)
        hdd = jax.nn.silu(jnp.dot(so, wm1_r[...], preferred_element_type=_f32, precision=lax.Precision.HIGHEST)
                          + bm1_r[...])
        q = jnp.dot(hdd, wm2_r[...], preferred_element_type=_f32, precision=lax.Precision.HIGHEST) + bm2_r[...]
        r2 = jnp.sum(posb * posb, axis=1, keepdims=True)
        contrib = jnp.concatenate([q * posb + vout, q * r2], axis=1)
        bb = b_r[...].reshape(1, BN)
        oh = (lax.broadcasted_iota(jnp.int32, (G, BN), 0) == bb).astype(_f32)
        part = jnp.dot(oh, contrib, preferred_element_type=_f32, precision=lax.Precision.HIGHEST)

        @pl.when(pl.program_id(0) == 0)
        def _():
            o_r[...] = jnp.zeros((G, 4), _f32)

        o_r[...] += part

    return pl.pallas_call(
        body,
        grid=(NBLK,),
        in_specs=[
            pl.BlockSpec((BN, DT), lambda i: (i, 0)),
            pl.BlockSpec((BN, 3), lambda i: (i, 0)),
            pl.BlockSpec((1, 1, BN), lambda i: (i, 0, 0)),
            pl.BlockSpec((EMB, EMB), lambda i: (0, 0)),
            pl.BlockSpec((3 * EMB, 3), lambda i: (0, 0)),
            pl.BlockSpec((EMB, EMB), lambda i: (0, 0)),
            pl.BlockSpec((1, EMB), lambda i: (0, 0)),
            pl.BlockSpec((EMB, 1), lambda i: (0, 0)),
            pl.BlockSpec((1, 1), lambda i: (0, 0)),
        ],
        out_specs=pl.BlockSpec((G, 4), lambda i: (0, 0)),
        out_shape=jax.ShapeDtypeStruct((G, 4), _f32),
    )(T, pos_p, batch3, Wout_s, Wvout, Wm1, bm12, Wm2, bm22)



def kernel(pos, x, z, edge_index, batch, Wx, bx, Wz, bz, Wr1, Wr2,
           Ws_lin, Wv_lin, Wsc_s, Wsc_v, Wout_s, Wout_v, Wm1, bm1, Wm2, bm2):
    src = edge_index[0].astype(jnp.int32)
    dst = edge_index[1].astype(jnp.int32)
    npad_e = EPAD - E
    pad_idx = N + (jnp.arange(npad_e, dtype=jnp.int32) % NPADROW)
    srcp = jnp.concatenate([src, pad_idx])
    dstp = jnp.concatenate([dst, pad_idx])

    pos_p = jnp.pad(pos, ((0, NPADROW), (0, 0)))
    x_p = jnp.pad(x, ((0, NPADROW), (0, 0)))
    z_p = jnp.pad(z, ((0, NPADROW), (0, 0)))
    batch_p = jnp.pad(batch.astype(jnp.int32), (0, NPADROW), constant_values=G)
    batch3 = batch_p.reshape(NBLK, 1, BN)

    WA = Wr1[:, :NB, :]
    WB = Wr1[:, NB:NB + EMB, :]
    WC = Wr1[:, NB + EMB:, :]
    bx2 = bx[None, :]
    bz2 = bz[None, :]
    bm12 = bm1[None, :]
    bm22 = bm2[None, :]
    Wvout = jax.scipy.linalg.block_diag(Wout_v, Wout_v, Wout_v)
    zeros_half = jnp.zeros((NACC, CH), _f32)

    zs, tsrc, tdst, T = _node_prep(pos_p, x_p, z_p, Wx, bx2, Wz, bz2, WB, WC)
    gs = _sc_gather(tsrc, srcp, DG)
    gd = _sc_gather(tdst, dstp, DG)
    P, Y = _edge_prep(gs, gd, WA)

    for l in range(LAYERS):
        Gt = _sc_gather(T, srcp, DT)
        M = _edge_layer(P, Y, Gt, Wr2, l)
        A = _sc_scatter_add(M, dstp, zeros_half)
        T = _node_layer(A, T, zs, Ws_lin, Wsc_s, Wv_lin, Wsc_v, l)

    return _head(T, pos_p, batch3, Wout_s, Wvout, Wm1, bm12, Wm2, bm22)

# --- scband reference (transcript-rebuilt; emitter-appended) ---
"""Pipeline reference for scband-charges-model-21638045237887 (READ-ONLY COPY).

The authoritative reference and input builder live on the scoring server;
editing this copy changes nothing except your own understanding.
"""

import jax, jax.numpy as jnp
import numpy as np

N = 10000
E = 320000
XD = 128
ZD = 128
EMB = 64
NB = 16
LAYERS = 3
MAXR = 5.0
G = 64
NEI = 16.5397


def setup_inputs(seed: int = 0) -> dict:
    key = jax.random.key(seed)
    ks = jax.random.split(key, 20)
    s = 0.05
    RIN = NB + 2 * EMB
    inp = {}
    inp['pos'] = jax.random.normal(ks[0], (N, 3), dtype=jnp.float32) * 3.0
    inp['x'] = jax.random.normal(ks[1], (N, XD), dtype=jnp.float32)
    inp['z'] = jax.random.uniform(ks[2], (N, ZD), dtype=jnp.float32)
    inp['edge_index'] = jax.random.randint(ks[3], (2, E), 0, N, dtype=jnp.int64) if jax.config.jax_enable_x64 else jax.random.randint(ks[3], (2, E), 0, N, dtype=jnp.int32)
    inp['batch'] = jnp.sort(jax.random.randint(ks[4], (N,), 0, G))
    inp['Wx'] = jax.random.normal(ks[5], (XD, EMB)) * s
    inp['bx'] = jnp.zeros((EMB,), jnp.float32)
    inp['Wz'] = jax.random.normal(ks[6], (ZD, EMB)) * s
    inp['bz'] = jnp.zeros((EMB,), jnp.float32)
    inp['Wr1'] = jax.random.normal(ks[7], (LAYERS, RIN, 64)) * s
    inp['Wr2'] = jax.random.normal(ks[8], (LAYERS, 64, 5 * EMB)) * s
    inp['Ws_lin'] = jax.random.normal(ks[9], (LAYERS, EMB, 2 * EMB)) * s
    inp['Wv_lin'] = jax.random.normal(ks[10], (LAYERS, EMB, EMB)) * s
    inp['Wsc_s'] = jax.random.normal(ks[11], (LAYERS, EMB, 2 * EMB)) * s
    inp['Wsc_v'] = jax.random.normal(ks[12], (LAYERS, EMB, EMB)) * s
    inp['Wout_s'] = jax.random.normal(ks[13], (EMB, EMB)) * s
    inp['Wout_v'] = jax.random.normal(ks[14], (EMB, 1)) * s
    inp['Wm1'] = jax.random.normal(ks[15], (EMB, 64)) * s
    inp['bm1'] = jnp.zeros((64,), jnp.float32)
    inp['Wm2'] = jax.random.normal(ks[16], (64, 1)) * s
    inp['bm2'] = jnp.zeros((1,), jnp.float32)
    return inp


def reference(pos, x, z, edge_index, batch, Wx, bx, Wz, bz, Wr1, Wr2, Ws_lin, Wv_lin, Wsc_s, Wsc_v, Wout_s, Wout_v, Wm1, bm1, Wm2, bm2):
    src = edge_index[0]
    dst = edge_index[1]
    # graph preprocessing: edge vectors, spherical harmonics (l=1), radial embedding
    evec = pos[dst] - pos[src]
    d = jnp.sqrt(jnp.sum(evec * evec, axis=1) + 1e-12)
    Y1 = evec / (d[:, None] + 1e-9)
    centers = jnp.linspace(0.0, MAXR, NB)
    width = MAXR / NB
    rbf = jnp.exp(-((d[:, None] - centers) / width) ** 2)
    cutoff = jnp.where(d < MAXR, 0.5 * (jnp.cos(jnp.pi * d / MAXR) + 1.0), 0.0)
    rbf = rbf * cutoff[:, None]
    # node attribute embedding (z_emb + ExtractIr scalars)
    z_s = z @ Wz + bz
    edge_scal = jnp.concatenate([rbf, z_s[src], z_s[dst]], axis=1)
    # input embedding
    s = x @ Wx + bx
    v = jnp.zeros((pos.shape[0], EMB, 3), jnp.float32)
    inv = 1.0 / jnp.sqrt(NEI)
    for l in range(LAYERS):
        h = jax.nn.silu(edge_scal @ Wr1[l])
        w = h @ Wr2[l]
        w1, w2, w3, w4, w5 = jnp.split(w, 5, axis=1)
        s_src = s[src]
        v_src = v[src]
        msg_s = w1 * s_src + w4 * jnp.einsum('ecx,ex->ec', v_src, Y1)
        msg_v = (w2 * s_src)[:, :, None] * Y1[:, None, :] + w3[:, :, None] * v_src + w5[:, :, None] * jnp.cross(v_src, Y1[:, None, :])
        s_agg = jax.ops.segment_sum(msg_s, dst, num_segments=pos.shape[0]) * inv
        v_agg = jax.ops.segment_sum(msg_v, dst, num_segments=pos.shape[0]) * inv
        s_tot = s_agg @ Ws_lin[l] + (s * z_s) @ Wsc_s[l]
        v_tot = jnp.einsum('ncx,cd->ndx', v_agg, Wv_lin[l]) + jnp.einsum('ncx,cd->ndx', v, Wsc_v[l])
        s = jax.nn.silu(s_tot[:, :EMB])
        v = v_tot * jax.nn.sigmoid(s_tot[:, EMB:])[:, :, None]
    # project to irreps_out: EMBx0e + 1x1o
    s_out = s @ Wout_s
    v_out = jnp.einsum('ncx,cd->ndx', v, Wout_v)[:, 0, :]
    # Dipole_R2 head
    hdd = jax.nn.silu(s_out @ Wm1 + bm1)
    q = hdd @ Wm2 + bm2
    mu = jax.ops.segment_sum(q * pos + v_out, batch, num_segments=G)
    R2 = jax.ops.segment_sum(q * jnp.sum(pos ** 2, axis=1, keepdims=True), batch, num_segments=G)
    return jnp.concatenate([mu, R2], axis=1)

if __name__ == "__main__":
    import jax
    _d = setup_inputs()
    print(jax.jit(kernel)(*tuple(_d.values())))

</pallas_src>

<mosaic_0001>
#map = affine_map<(d0, d1) -> (0, 0)>
#map1 = affine_map<(d0, d1) -> (0)>
module attributes {stable_mosaic.version = 14 : i64} {
  func.func @k(%arg0: i32, %arg1: i32, %arg2: memref<323584x256xf32, #tpu.memory_space<hbm>>, %arg3: memref<323584xi32, #tpu.memory_space<hbm>>, %arg4: memref<10240x128xf32, #tpu.memory_space<hbm>>, %arg5: memref<10240x256xf32, #tpu.memory_space<hbm>>, %arg6: memref<128xi32, #tpu.memory_space<vmem>>, %arg7: memref<128x128xf32, #tpu.memory_space<vmem>>, %arg8: memref<10240x128xf32, #tpu.memory_space<vmem_shared>>, %arg9: memref<!tpu.dma_semaphore, #tpu.memory_space<semaphore_mem>>) attributes {dimension_semantics = [#tpu.dimension_semantics<core_parallel>, #tpu.dimension_semantics<subcore_parallel>], iteration_bounds = array<i64: 2, 16>, scalar_prefetch = 0 : i64, scratch_operands = 4 : i64, tpu.core_type = #tpu.core_type<sc_vector_subcore>, window_params = [{transform_indices = #map}, {transform_indices = #map1}, {transform_indices = #map}, {transform_indices = #map}]} {
    %mul3A = arith.constant 640 : i32
    %mul3A_0 = arith.muli %arg1, %mul3A : i32
    %mul3A_1 = arith.constant 128 : i32
    %mul3A_2 = arith.muli %arg0, %mul3A_1 : i32
    "tpu.region"() ({
      %run_scoped3A = tpu.sem_alloc : memref<!tpu.dma_semaphore, #tpu.memory_space<semaphore_mem>>
      %dma_start3A = arith.constant 0 : i32
      %dma_start3A_9 = tpu.memref_slice %arg8[%mul3A_0, %dma_start3A] : memref<10240x128xf32, #tpu.memory_space<vmem_shared>> -> memref<640x128xf32, #tpu.memory_space<vmem_shared>>
      %dma_start3A_10 = arith.constant 0 : i32
      %dma_start3A_11 = tpu.memref_slice %arg4[%mul3A_0, %dma_start3A_10] : memref<10240x128xf32, #tpu.memory_space<hbm>> -> memref<640x128xf32, #tpu.memory_space<hbm>>
      tpu.enqueue_dma source(%dma_start3A_11 : memref<640x128xf32, #tpu.memory_space<hbm>>) target(%dma_start3A_9 : memref<640x128xf32, #tpu.memory_space<vmem_shared>>) target_semaphore(%run_scoped3A : memref<!tpu.dma_semaphore, #tpu.memory_space<semaphore_mem>>)
      %dma_wait3A = arith.constant 0 : i32
      %dma_wait3A_12 = tpu.memref_slice %arg8[%mul3A_0, %dma_wait3A] : memref<10240x128xf32, #tpu.memory_space<vmem_shared>> -> memref<640x128xf32, #tpu.memory_space<vmem_shared>>
      %dma_wait3A_13 = arith.constant 0 : i32
      %dma_wait3A_14 = tpu.memref_slice %arg4[%mul3A_0, %dma_wait3A_13] : memref<10240x128xf32, #tpu.memory_space<hbm>> -> memref<640x128xf32, #tpu.memory_space<hbm>>
      tpu.wait_dma2 semaphore(%run_scoped3A : memref<!tpu.dma_semaphore, #tpu.memory_space<semaphore_mem>>) src(%dma_wait3A_14 : memref<640x128xf32, #tpu.memory_space<hbm>>) dst(%dma_wait3A_12 : memref<640x128xf32, #tpu.memory_space<vmem_shared>>)
      tpu.yield
    }) : () -> ()
    %barrier3A = arith.constant 0 : index
    tpu.barrier barrier_id(%barrier3A)
    %scan3A = arith.constant 0 : i32
    %scan3A_3 = arith.constant 0 : i32
    %scan3A_4 = arith.constant 158 : i32
    %scan3A_5 = arith.addi %scan3A_3, %scan3A_4 : i32
    %scan3A_6 = arith.constant 1 : i32
    scf.for %scan3A_9 = %scan3A_3 to %scan3A_5 step %scan3A_6  : i32 {
      %mul3A_10 = arith.constant 20224 : i32
      %mul3A_11 = arith.muli %arg1, %mul3A_10 : i32
      %mul3A_12 = arith.constant 128 : i32
      %mul3A_13 = arith.muli %scan3A_9, %mul3A_12 : i32
      %add3A = arith.addi %mul3A_11, %mul3A_13 : i32
      "tpu.region"() ({
        %run_scoped3A = tpu.sem_alloc : memref<!tpu.dma_semaphore, #tpu.memory_space<semaphore_mem>>
        %dma_start3A = tpu.memref_slice %arg3[%add3A] : memref<323584xi32, #tpu.memory_space<hbm>> -> memref<128xi32, #tpu.memory_space<hbm>>
        %dma_start3A_14 = tpu.memref_slice %arg3[%add3A] : memref<323584xi32, #tpu.memory_space<hbm>> -> memref<128xi32, #tpu.memory_space<hbm>>
        tpu.enqueue_dma source(%dma_start3A_14 : memref<128xi32, #tpu.memory_space<hbm>>) target(%arg6 : memref<128xi32, #tpu.memory_space<vmem>>) target_semaphore(%run_scoped3A : memref<!tpu.dma_semaphore, #tpu.memory_space<semaphore_mem>>)
        %dma_wait3A = tpu.memref_slice %arg3[%add3A] : memref<323584xi32, #tpu.memory_space<hbm>> -> memref<128xi32, #tpu.memory_space<hbm>>
        %dma_wait3A_15 = tpu.memref_slice %arg3[%add3A] : memref<323584xi32, #tpu.memory_space<hbm>> -> memref<128xi32, #tpu.memory_space<hbm>>
        tpu.wait_dma2 semaphore(%run_scoped3A : memref<!tpu.dma_semaphore, #tpu.memory_space<semaphore_mem>>) src(%dma_wait3A_15 : memref<128xi32, #tpu.memory_space<hbm>>) dst(%arg6 : memref<128xi32, #tpu.memory_space<vmem>>)
        tpu.yield
      }) : () -> ()
      "tpu.region"() ({
        %run_scoped3A = tpu.sem_alloc : memref<!tpu.dma_semaphore, #tpu.memory_space<semaphore_mem>>
        %dma_start3A = tpu.memref_slice %arg2[%add3A, %mul3A_2] : memref<323584x256xf32, #tpu.memory_space<hbm>> -> memref<128x128xf32, #tpu.memory_space<hbm>>
        %dma_start3A_14 = tpu.memref_slice %arg2[%add3A, %mul3A_2] : memref<323584x256xf32, #tpu.memory_space<hbm>> -> memref<128x128xf32, #tpu.memory_space<hbm>>
        tpu.enqueue_dma source(%dma_start3A_14 : memref<128x128xf32, #tpu.memory_space<hbm>>) target(%arg7 : memref<128x128xf32, #tpu.memory_space<vmem>>) target_semaphore(%run_scoped3A : memref<!tpu.dma_semaphore, #tpu.memory_space<semaphore_mem>>)
        %dma_wait3A = tpu.memref_slice %arg2[%add3A, %mul3A_2] : memref<323584x256xf32, #tpu.memory_space<hbm>> -> memref<128x128xf32, #tpu.memory_space<hbm>>
        %dma_wait3A_15 = tpu.memref_slice %arg2[%add3A, %mul3A_2] : memref<323584x256xf32, #tpu.memory_space<hbm>> -> memref<128x128xf32, #tpu.memory_space<hbm>>
        tpu.wait_dma2 semaphore(%run_scoped3A : memref<!tpu.dma_semaphore, #tpu.memory_space<semaphore_mem>>) src(%dma_wait3A_15 : memref<128x128xf32, #tpu.memory_space<hbm>>) dst(%arg7 : memref<128x128xf32, #tpu.memory_space<vmem>>)
        tpu.yield
      }) : () -> ()
      "tpu.region"() ({
        %run_scoped3A = tpu.sem_alloc : memref<!tpu.dma_semaphore, #tpu.memory_space<semaphore_mem>>
        %dma_start3A = arith.constant 0 : i32
        %dma_start3A_14 = arith.constant 0 : i32
        %dma_start3A_15 = tpu.memref_slice %arg8[%dma_start3A, %dma_start3A_14] : memref<10240x128xf32, #tpu.memory_space<vmem_shared>> -> memref<10240x128xf32, #tpu.memory_space<vmem_shared>>
        tpu.enqueue_indirect_dma source(%arg7 : memref<128x128xf32, #tpu.memory_space<vmem>>) target(%dma_start3A_15 : memref<10240x128xf32, #tpu.memory_space<vmem_shared>>) offsets(%arg6 : memref<128xi32, #tpu.memory_space<vmem>>) semaphore(%run_scoped3A : memref<!tpu.dma_semaphore, #tpu.memory_space<semaphore_mem>>) {add = true}
        %dma_wait3A = arith.constant 0 : i32
        %dma_wait3A_16 = arith.constant 0 : i32
        %dma_wait3A_17 = tpu.memref_slice %arg8[%dma_wait3A, %dma_wait3A_16] : memref<10240x128xf32, #tpu.memory_space<vmem_shared>> -> memref<10240x128xf32, #tpu.memory_space<vmem_shared>>
        tpu.wait_indirect_dma semaphore(%run_scoped3A : memref<!tpu.dma_semaphore, #tpu.memory_space<semaphore_mem>>) src(%arg7 : memref<128x128xf32, #tpu.memory_space<vmem>>) dst(%dma_wait3A_17 : memref<10240x128xf32, #tpu.memory_space<vmem_shared>>)
        tpu.yield
      }) : () -> ()
    }
    %scan3A_7 = arith.constant 158 : i32
    %barrier3A_8 = arith.constant 0 : index
    tpu.barrier barrier_id(%barrier3A_8)
    "tpu.region"() ({
      %run_scoped3A = tpu.sem_alloc : memref<!tpu.dma_semaphore, #tpu.memory_space<semaphore_mem>>
      %dma_start3A = tpu.memref_slice %arg5[%mul3A_0, %mul3A_2] : memref<10240x256xf32, #tpu.memory_space<hbm>> -> memref<640x128xf32, #tpu.memory_space<hbm>>
      %dma_start3A_9 = arith.constant 0 : i32
      %dma_start3A_10 = tpu.memref_slice %arg8[%mul3A_0, %dma_start3A_9] : memref<10240x128xf32, #tpu.memory_space<vmem_shared>> -> memref<640x128xf32, #tpu.memory_space<vmem_shared>>
      tpu.enqueue_dma source(%dma_start3A_10 : memref<640x128xf32, #tpu.memory_space<vmem_shared>>) target(%dma_start3A : memref<640x128xf32, #tpu.memory_space<hbm>>) target_semaphore(%run_scoped3A : memref<!tpu.dma_semaphore, #tpu.memory_space<semaphore_mem>>)
      %dma_wait3A = tpu.memref_slice %arg5[%mul3A_0, %mul3A_2] : memref<10240x256xf32, #tpu.memory_space<hbm>> -> memref<640x128xf32, #tpu.memory_space<hbm>>
      %dma_wait3A_11 = arith.constant 0 : i32
      %dma_wait3A_12 = tpu.memref_slice %arg8[%mul3A_0, %dma_wait3A_11] : memref<10240x128xf32, #tpu.memory_space<vmem_shared>> -> memref<640x128xf32, #tpu.memory_space<vmem_shared>>
      tpu.wait_dma2 semaphore(%run_scoped3A : memref<!tpu.dma_semaphore, #tpu.memory_space<semaphore_mem>>) src(%dma_wait3A_12 : memref<640x128xf32, #tpu.memory_space<vmem_shared>>) dst(%dma_wait3A : memref<640x128xf32, #tpu.memory_space<hbm>>)
      tpu.yield
    }) : () -> ()
    return
  }
}

#map = affine_map<(d0, d1) -> (0, 0)>
#map1 = affine_map<(d0, d1) -> (0)>
module attributes {stable_mosaic.version = 14 : i64} {
  func.func @k(%arg0: i32, %arg1: i32, %arg2: memref<10240x256xf32, #tpu.memory_space<hbm>>, %arg3: memref<323584xi32, #tpu.memory_space<hbm>>, %arg4: memref<323584x256xf32, #tpu.memory_space<hbm>>, %arg5: memref<128xi32, #tpu.memory_space<vmem>>, %arg6: memref<128x256xf32, #tpu.memory_space<vmem>>, %arg7: memref<!tpu.dma_semaphore, #tpu.memory_space<semaphore_mem>>) attributes {dimension_semantics = [#tpu.dimension_semantics<core_parallel>, #tpu.dimension_semantics<subcore_parallel>], iteration_bounds = array<i64: 2, 16>, scalar_prefetch = 0 : i64, scratch_operands = 3 : i64, tpu.core_type = #tpu.core_type<sc_vector_subcore>, window_params = [{transform_indices = #map}, {transform_indices = #map1}, {transform_indices = #map}]} {
    %mul3A = arith.constant 2 : i32
    %mul3A_0 = arith.muli %arg1, %mul3A : i32
    %add3A = arith.addi %mul3A_0, %arg0 : i32
    %mul3A_1 = arith.constant 10112 : i32
    %mul3A_2 = arith.muli %add3A, %mul3A_1 : i32
    %scan3A = arith.constant 0 : i32
    %scan3A_3 = arith.constant 0 : i32
    %scan3A_4 = arith.constant 79 : i32
    %scan3A_5 = arith.addi %scan3A_3, %scan3A_4 : i32
    %scan3A_6 = arith.constant 1 : i32
    scf.for %scan3A_8 = %scan3A_3 to %scan3A_5 step %scan3A_6  : i32 {
      %mul3A_9 = arith.constant 128 : i32
      %mul3A_10 = arith.muli %scan3A_8, %mul3A_9 : i32
      %add3A_11 = arith.addi %mul3A_2, %mul3A_10 : i32
      "tpu.region"() ({
        %run_scoped3A = tpu.sem_alloc : memref<!tpu.dma_semaphore, #tpu.memory_space<semaphore_mem>>
        %dma_start3A_16 = tpu.memref_slice %arg3[%add3A_11] : memref<323584xi32, #tpu.memory_space<hbm>> -> memref<128xi32, #tpu.memory_space<hbm>>
        %dma_start3A_17 = tpu.memref_slice %arg3[%add3A_11] : memref<323584xi32, #tpu.memory_space<hbm>> -> memref<128xi32, #tpu.memory_space<hbm>>
        tpu.enqueue_dma source(%dma_start3A_17 : memref<128xi32, #tpu.memory_space<hbm>>) target(%arg5 : memref<128xi32, #tpu.memory_space<vmem>>) target_semaphore(%run_scoped3A : memref<!tpu.dma_semaphore, #tpu.memory_space<semaphore_mem>>)
        %dma_wait3A_18 = tpu.memref_slice %arg3[%add3A_11] : memref<323584xi32, #tpu.memory_space<hbm>> -> memref<128xi32, #tpu.memory_space<hbm>>
        %dma_wait3A_19 = tpu.memref_slice %arg3[%add3A_11] : memref<323584xi32, #tpu.memory_space<hbm>> -> memref<128xi32, #tpu.memory_space<hbm>>
        tpu.wait_dma2 semaphore(%run_scoped3A : memref<!tpu.dma_semaphore, #tpu.memory_space<semaphore_mem>>) src(%dma_wait3A_19 : memref<128xi32, #tpu.memory_space<hbm>>) dst(%arg5 : memref<128xi32, #tpu.memory_space<vmem>>)
        tpu.yield
      }) : () -> ()
      %dma_start3A = arith.constant 0 : i32
      %dma_start3A_12 = arith.constant 0 : i32
      %dma_start3A_13 = tpu.memref_slice %arg2[%dma_start3A, %dma_start3A_12] : memref<10240x256xf32, #tpu.memory_space<hbm>> -> memref<10240x256xf32, #tpu.memory_space<hbm>>
      tpu.enqueue_indirect_dma source(%dma_start3A_13 : memref<10240x256xf32, #tpu.memory_space<hbm>>) target(%arg6 : memref<128x256xf32, #tpu.memory_space<vmem>>) offsets(%arg5 : memref<128xi32, #tpu.memory_space<vmem>>) semaphore(%arg7 : memref<!tpu.dma_semaphore, #tpu.memory_space<semaphore_mem>>)
      %dma_wait3A = arith.constant 0 : i32
      %dma_wait3A_14 = arith.constant 0 : i32
      %dma_wait3A_15 = tpu.memref_slice %arg2[%dma_wait3A, %dma_wait3A_14] : memref<10240x256xf32, #tpu.memory_space<hbm>> -> memref<10240x256xf32, #tpu.memory_space<hbm>>
      tpu.wait_indirect_dma semaphore(%arg7 : memref<!tpu.dma_semaphore, #tpu.memory_space<semaphore_mem>>) src(%dma_wait3A_15 : memref<10240x256xf32, #tpu.memory_space<hbm>>) dst(%arg6 : memref<128x256xf32, #tpu.memory_space<vmem>>)
      "tpu.region"() ({
        %run_scoped3A = tpu.sem_alloc : memref<!tpu.dma_semaphore, #tpu.memory_space<semaphore_mem>>
        %dma_start3A_16 = arith.constant 0 : i32
        %dma_start3A_17 = tpu.memref_slice %arg4[%add3A_11, %dma_start3A_16] : memref<323584x256xf32, #tpu.memory_space<hbm>> -> memref<128x256xf32, #tpu.memory_space<hbm>>
        %dma_start3A_18 = arith.constant 0 : i32
        %dma_start3A_19 = tpu.memref_slice %arg4[%add3A_11, %dma_start3A_18] : memref<323584x256xf32, #tpu.memory_space<hbm>> -> memref<128x256xf32, #tpu.memory_space<hbm>>
        tpu.enqueue_dma source(%arg6 : memref<128x256xf32, #tpu.memory_space<vmem>>) target(%dma_start3A_19 : memref<128x256xf32, #tpu.memory_space<hbm>>) target_semaphore(%run_scoped3A : memref<!tpu.dma_semaphore, #tpu.memory_space<semaphore_mem>>)
        %dma_wait3A_20 = arith.constant 0 : i32
        %dma_wait3A_21 = tpu.memref_slice %arg4[%add3A_11, %dma_wait3A_20] : memref<323584x256xf32, #tpu.memory_space<hbm>> -> memref<128x256xf32, #tpu.memory_space<hbm>>
        %dma_wait3A_22 = arith.constant 0 : i32
        %dma_wait3A_23 = tpu.memref_slice %arg4[%add3A_11, %dma_wait3A_22] : memref<323584x256xf32, #tpu.memory_space<hbm>> -> memref<128x256xf32, #tpu.memory_space<hbm>>
        tpu.wait_dma2 semaphore(%run_scoped3A : memref<!tpu.dma_semaphore, #tpu.memory_space<semaphore_mem>>) src(%arg6 : memref<128x256xf32, #tpu.memory_space<vmem>>) dst(%dma_wait3A_23 : memref<128x256xf32, #tpu.memory_space<hbm>>)
        tpu.yield
      }) : () -> ()
    }
    %scan3A_7 = arith.constant 79 : i32
    return
  }
}

#map = affine_map<(d0, d1) -> (0, 0)>
#map1 = affine_map<(d0, d1) -> (0)>
module attributes {stable_mosaic.version = 14 : i64} {
  func.func @k(%arg0: i32, %arg1: i32, %arg2: memref<10240x256xf32, #tpu.memory_space<hbm>>, %arg3: memref<323584xi32, #tpu.memory_space<hbm>>, %arg4: memref<323584x256xf32, #tpu.memory_space<hbm>>, %arg5: memref<128xi32, #tpu.memory_space<vmem>>, %arg6: memref<128x256xf32, #tpu.memory_space<vmem>>, %arg7: memref<!tpu.dma_semaphore, #tpu.memory_space<semaphore_mem>>) attributes {dimension_semantics = [#tpu.dimension_semantics<core_parallel>, #tpu.dimension_semantics<subcore_parallel>], iteration_bounds = array<i64: 2, 16>, scalar_prefetch = 0 : i64, scratch_operands = 3 : i64, tpu.core_type = #tpu.core_type<sc_vector_subcore>, window_params = [{transform_indices = #map}, {transform_indices = #map1}, {transform_indices = #map}]} {
    %mul3A = arith.constant 2 : i32
    %mul3A_0 = arith.muli %arg1, %mul3A : i32
    %add3A = arith.addi %mul3A_0, %arg0 : i32
    %mul3A_1 = arith.constant 10112 : i32
    %mul3A_2 = arith.muli %add3A, %mul3A_1 : i32
    %scan3A = arith.constant 0 : i32
    %scan3A_3 = arith.constant 0 : i32
    %scan3A_4 = arith.constant 79 : i32
    %scan3A_5 = arith.addi %scan3A_3, %scan3A_4 : i32
    %scan3A_6 = arith.constant 1 : i32
    scf.for %scan3A_8 = %scan3A_3 to %scan3A_5 step %scan3A_6  : i32 {
      %mul3A_9 = arith.constant 128 : i32
      %mul3A_10 = arith.muli %scan3A_8, %mul3A_9 : i32
      %add3A_11 = arith.addi %mul3A_2, %mul3A_10 : i32
      "tpu.region"() ({
        %run_scoped3A = tpu.sem_alloc : memref<!tpu.dma_semaphore, #tpu.memory_space<semaphore_mem>>
        %dma_start3A_16 = tpu.memref_slice %arg3[%add3A_11] : memref<323584xi32, #tpu.memory_space<hbm>> -> memref<128xi32, #tpu.memory_space<hbm>>
        %dma_start3A_17 = tpu.memref_slice %arg3[%add3A_11] : memref<323584xi32, #tpu.memory_space<hbm>> -> memref<128xi32, #tpu.memory_space<hbm>>
        tpu.enqueue_dma source(%dma_start3A_17 : memref<128xi32, #tpu.memory_space<hbm>>) target(%arg5 : memref<128xi32, #tpu.memory_space<vmem>>) target_semaphore(%run_scoped3A : memref<!tpu.dma_semaphore, #tpu.memory_space<semaphore_mem>>)
        %dma_wait3A_18 = tpu.memref_slice %arg3[%add3A_11] : memref<323584xi32, #tpu.memory_space<hbm>> -> memref<128xi32, #tpu.memory_space<hbm>>
        %dma_wait3A_19 = tpu.memref_slice %arg3[%add3A_11] : memref<323584xi32, #tpu.memory_space<hbm>> -> memref<128xi32, #tpu.memory_space<hbm>>
        tpu.wait_dma2 semaphore(%run_scoped3A : memref<!tpu.dma_semaphore, #tpu.memory_space<semaphore_mem>>) src(%dma_wait3A_19 : memref<128xi32, #tpu.memory_space<hbm>>) dst(%arg5 : memref<128xi32, #tpu.memory_space<vmem>>)
        tpu.yield
      }) : () -> ()
      %dma_start3A = arith.constant 0 : i32
      %dma_start3A_12 = arith.constant 0 : i32
      %dma_start3A_13 = tpu.memref_slice %arg2[%dma_start3A, %dma_start3A_12] : memref<10240x256xf32, #tpu.memory_space<hbm>> -> memref<10240x256xf32, #tpu.memory_space<hbm>>
      tpu.enqueue_indirect_dma source(%dma_start3A_13 : memref<10240x256xf32, #tpu.memory_space<hbm>>) target(%arg6 : memref<128x256xf32, #tpu.memory_space<vmem>>) offsets(%arg5 : memref<128xi32, #tpu.memory_space<vmem>>) semaphore(%arg7 : memref<!tpu.dma_semaphore, #tpu.memory_space<semaphore_mem>>)
      %dma_wait3A = arith.constant 0 : i32
      %dma_wait3A_14 = arith.constant 0 : i32
      %dma_wait3A_15 = tpu.memref_slice %arg2[%dma_wait3A, %dma_wait3A_14] : memref<10240x256xf32, #tpu.memory_space<hbm>> -> memref<10240x256xf32, #tpu.memory_space<hbm>>
      tpu.wait_indirect_dma semaphore(%arg7 : memref<!tpu.dma_semaphore, #tpu.memory_space<semaphore_mem>>) src(%dma_wait3A_15 : memref<10240x256xf32, #tpu.memory_space<hbm>>) dst(%arg6 : memref<128x256xf32, #tpu.memory_space<vmem>>)
      "tpu.region"() ({
        %run_scoped3A = tpu.sem_alloc : memref<!tpu.dma_semaphore, #tpu.memory_space<semaphore_mem>>
        %dma_start3A_16 = arith.constant 0 : i32
        %dma_start3A_17 = tpu.memref_slice %arg4[%add3A_11, %dma_start3A_16] : memref<323584x256xf32, #tpu.memory_space<hbm>> -> memref<128x256xf32, #tpu.memory_space<hbm>>
        %dma_start3A_18 = arith.constant 0 : i32
        %dma_start3A_19 = tpu.memref_slice %arg4[%add3A_11, %dma_start3A_18] : memref<323584x256xf32, #tpu.memory_space<hbm>> -> memref<128x256xf32, #tpu.memory_space<hbm>>
        tpu.enqueue_dma source(%arg6 : memref<128x256xf32, #tpu.memory_space<vmem>>) target(%dma_start3A_19 : memref<128x256xf32, #tpu.memory_space<hbm>>) target_semaphore(%run_scoped3A : memref<!tpu.dma_semaphore, #tpu.memory_space<semaphore_mem>>)
        %dma_wait3A_20 = arith.constant 0 : i32
        %dma_wait3A_21 = tpu.memref_slice %arg4[%add3A_11, %dma_wait3A_20] : memref<323584x256xf32, #tpu.memory_space<hbm>> -> memref<128x256xf32, #tpu.memory_space<hbm>>
        %dma_wait3A_22 = arith.constant 0 : i32
        %dma_wait3A_23 = tpu.memref_slice %arg4[%add3A_11, %dma_wait3A_22] : memref<323584x256xf32, #tpu.memory_space<hbm>> -> memref<128x256xf32, #tpu.memory_space<hbm>>
        tpu.wait_dma2 semaphore(%run_scoped3A : memref<!tpu.dma_semaphore, #tpu.memory_space<semaphore_mem>>) src(%arg6 : memref<128x256xf32, #tpu.memory_space<vmem>>) dst(%dma_wait3A_23 : memref<128x256xf32, #tpu.memory_space<hbm>>)
        tpu.yield
      }) : () -> ()
    }
    %scan3A_7 = arith.constant 79 : i32
    return
  }
}

#map = affine_map<(d0, d1) -> (0, 0)>
#map1 = affine_map<(d0, d1) -> (0)>
module attributes {stable_mosaic.version = 14 : i64} {
  func.func @k(%arg0: i32, %arg1: i32, %arg2: memref<10240x256xf32, #tpu.memory_space<hbm>>, %arg3: memref<323584xi32, #tpu.memory_space<hbm>>, %arg4: memref<323584x256xf32, #tpu.memory_space<hbm>>, %arg5: memref<128xi32, #tpu.memory_space<vmem>>, %arg6: memref<128x256xf32, #tpu.memory_space<vmem>>, %arg7: memref<!tpu.dma_semaphore, #tpu.memory_space<semaphore_mem>>) attributes {dimension_semantics = [#tpu.dimension_semantics<core_parallel>, #tpu.dimension_semantics<subcore_parallel>], iteration_bounds = array<i64: 2, 16>, scalar_prefetch = 0 : i64, scratch_operands = 3 : i64, tpu.core_type = #tpu.core_type<sc_vector_subcore>, window_params = [{transform_indices = #map}, {transform_indices = #map1}, {transform_indices = #map}]} {
    %mul3A = arith.constant 2 : i32
    %mul3A_0 = arith.muli %arg1, %mul3A : i32
    %add3A = arith.addi %mul3A_0, %arg0 : i32
    %mul3A_1 = arith.constant 10112 : i32
    %mul3A_2 = arith.muli %add3A, %mul3A_1 : i32
    %scan3A = arith.constant 0 : i32
    %scan3A_3 = arith.constant 0 : i32
    %scan3A_4 = arith.constant 79 : i32
    %scan3A_5 = arith.addi %scan3A_3, %scan3A_4 : i32
    %scan3A_6 = arith.constant 1 : i32
    scf.for %scan3A_8 = %scan3A_3 to %scan3A_5 step %scan3A_6  : i32 {
      %mul3A_9 = arith.constant 128 : i32
      %mul3A_10 = arith.muli %scan3A_8, %mul3A_9 : i32
      %add3A_11 = arith.addi %mul3A_2, %mul3A_10 : i32
      "tpu.region"() ({
        %run_scoped3A = tpu.sem_alloc : memref<!tpu.dma_semaphore, #tpu.memory_space<semaphore_mem>>
        %dma_start3A_16 = tpu.memref_slice %arg3[%add3A_11] : memref<323584xi32, #tpu.memory_space<hbm>> -> memref<128xi32, #tpu.memory_space<hbm>>
        %dma_start3A_17 = tpu.memref_slice %arg3[%add3A_11] : memref<323584xi32, #tpu.memory_space<hbm>> -> memref<128xi32, #tpu.memory_space<hbm>>
        tpu.enqueue_dma source(%dma_start3A_17 : memref<128xi32, #tpu.memory_space<hbm>>) target(%arg5 : memref<128xi32, #tpu.memory_space<vmem>>) target_semaphore(%run_scoped3A : memref<!tpu.dma_semaphore, #tpu.memory_space<semaphore_mem>>)
        %dma_wait3A_18 = tpu.memref_slice %arg3[%add3A_11] : memref<323584xi32, #tpu.memory_space<hbm>> -> memref<128xi32, #tpu.memory_space<hbm>>
        %dma_wait3A_19 = tpu.memref_slice %arg3[%add3A_11] : memref<323584xi32, #tpu.memory_space<hbm>> -> memref<128xi32, #tpu.memory_space<hbm>>
        tpu.wait_dma2 semaphore(%run_scoped3A : memref<!tpu.dma_semaphore, #tpu.memory_space<semaphore_mem>>) src(%dma_wait3A_19 : memref<128xi32, #tpu.memory_space<hbm>>) dst(%arg5 : memref<128xi32, #tpu.memory_space<vmem>>)
        tpu.yield
      }) : () -> ()
      %dma_start3A = arith.constant 0 : i32
      %dma_start3A_12 = arith.constant 0 : i32
      %dma_start3A_13 = tpu.memref_slice %arg2[%dma_start3A, %dma_start3A_12] : memref<10240x256xf32, #tpu.memory_space<hbm>> -> memref<10240x256xf32, #tpu.memory_space<hbm>>
      tpu.enqueue_indirect_dma source(%dma_start3A_13 : memref<10240x256xf32, #tpu.memory_space<hbm>>) target(%arg6 : memref<128x256xf32, #tpu.memory_space<vmem>>) offsets(%arg5 : memref<128xi32, #tpu.memory_space<vmem>>) semaphore(%arg7 : memref<!tpu.dma_semaphore, #tpu.memory_space<semaphore_mem>>)
      %dma_wait3A = arith.constant 0 : i32
      %dma_wait3A_14 = arith.constant 0 : i32
      %dma_wait3A_15 = tpu.memref_slice %arg2[%dma_wait3A, %dma_wait3A_14] : memref<10240x256xf32, #tpu.memory_space<hbm>> -> memref<10240x256xf32, #tpu.memory_space<hbm>>
      tpu.wait_indirect_dma semaphore(%arg7 : memref<!tpu.dma_semaphore, #tpu.memory_space<semaphore_mem>>) src(%dma_wait3A_15 : memref<10240x256xf32, #tpu.memory_space<hbm>>) dst(%arg6 : memref<128x256xf32, #tpu.memory_space<vmem>>)
      "tpu.region"() ({
        %run_scoped3A = tpu.sem_alloc : memref<!tpu.dma_semaphore, #tpu.memory_space<semaphore_mem>>
        %dma_start3A_16 = arith.constant 0 : i32
        %dma_start3A_17 = tpu.memref_slice %arg4[%add3A_11, %dma_start3A_16] : memref<323584x256xf32, #tpu.memory_space<hbm>> -> memref<128x256xf32, #tpu.memory_space<hbm>>
        %dma_start3A_18 = arith.constant 0 : i32
        %dma_start3A_19 = tpu.memref_slice %arg4[%add3A_11, %dma_start3A_18] : memref<323584x256xf32, #tpu.memory_space<hbm>> -> memref<128x256xf32, #tpu.memory_space<hbm>>
        tpu.enqueue_dma source(%arg6 : memref<128x256xf32, #tpu.memory_space<vmem>>) target(%dma_start3A_19 : memref<128x256xf32, #tpu.memory_space<hbm>>) target_semaphore(%run_scoped3A : memref<!tpu.dma_semaphore, #tpu.memory_space<semaphore_mem>>)
        %dma_wait3A_20 = arith.constant 0 : i32
        %dma_wait3A_21 = tpu.memref_slice %arg4[%add3A_11, %dma_wait3A_20] : memref<323584x256xf32, #tpu.memory_space<hbm>> -> memref<128x256xf32, #tpu.memory_space<hbm>>
        %dma_wait3A_22 = arith.constant 0 : i32
        %dma_wait3A_23 = tpu.memref_slice %arg4[%add3A_11, %dma_wait3A_22] : memref<323584x256xf32, #tpu.memory_space<hbm>> -> memref<128x256xf32, #tpu.memory_space<hbm>>
        tpu.wait_dma2 semaphore(%run_scoped3A : memref<!tpu.dma_semaphore, #tpu.memory_space<semaphore_mem>>) src(%arg6 : memref<128x256xf32, #tpu.memory_space<vmem>>) dst(%dma_wait3A_23 : memref<128x256xf32, #tpu.memory_space<hbm>>)
        tpu.yield
      }) : () -> ()
    }
    %scan3A_7 = arith.constant 79 : i32
    return
  }
}

#map = affine_map<(d0, d1) -> (0, 0)>
#map1 = affine_map<(d0, d1) -> (0)>
module attributes {stable_mosaic.version = 14 : i64} {
  func.func @k(%arg0: i32, %arg1: i32, %arg2: memref<10240x256xf32, #tpu.memory_space<hbm>>, %arg3: memref<323584xi32, #tpu.memory_space<hbm>>, %arg4: memref<323584x256xf32, #tpu.memory_space<hbm>>, %arg5: memref<128xi32, #tpu.memory_space<vmem>>, %arg6: memref<128x256xf32, #tpu.memory_space<vmem>>, %arg7: memref<!tpu.dma_semaphore, #tpu.memory_space<semaphore_mem>>) attributes {dimension_semantics = [#tpu.dimension_semantics<core_parallel>, #tpu.dimension_semantics<subcore_parallel>], iteration_bounds = array<i64: 2, 16>, scalar_prefetch = 0 : i64, scratch_operands = 3 : i64, tpu.core_type = #tpu.core_type<sc_vector_subcore>, window_params = [{transform_indices = #map}, {transform_indices = #map1}, {transform_indices = #map}]} {
    %mul3A = arith.constant 2 : i32
    %mul3A_0 = arith.muli %arg1, %mul3A : i32
    %add3A = arith.addi %mul3A_0, %arg0 : i32
    %mul3A_1 = arith.constant 10112 : i32
    %mul3A_2 = arith.muli %add3A, %mul3A_1 : i32
    %scan3A = arith.constant 0 : i32
    %scan3A_3 = arith.constant 0 : i32
    %scan3A_4 = arith.constant 79 : i32
    %scan3A_5 = arith.addi %scan3A_3, %scan3A_4 : i32
    %scan3A_6 = arith.constant 1 : i32
    scf.for %scan3A_8 = %scan3A_3 to %scan3A_5 step %scan3A_6  : i32 {
      %mul3A_9 = arith.constant 128 : i32
      %mul3A_10 = arith.muli %scan3A_8, %mul3A_9 : i32
      %add3A_11 = arith.addi %mul3A_2, %mul3A_10 : i32
      "tpu.region"() ({
        %run_scoped3A = tpu.sem_alloc : memref<!tpu.dma_semaphore, #tpu.memory_space<semaphore_mem>>
        %dma_start3A_16 = tpu.memref_slice %arg3[%add3A_11] : memref<323584xi32, #tpu.memory_space<hbm>> -> memref<128xi32, #tpu.memory_space<hbm>>
        %dma_start3A_17 = tpu.memref_slice %arg3[%add3A_11] : memref<323584xi32, #tpu.memory_space<hbm>> -> memref<128xi32, #tpu.memory_space<hbm>>
        tpu.enqueue_dma source(%dma_start3A_17 : memref<128xi32, #tpu.memory_space<hbm>>) target(%arg5 : memref<128xi32, #tpu.memory_space<vmem>>) target_semaphore(%run_scoped3A : memref<!tpu.dma_semaphore, #tpu.memory_space<semaphore_mem>>)
        %dma_wait3A_18 = tpu.memref_slice %arg3[%add3A_11] : memref<323584xi32, #tpu.memory_space<hbm>> -> memref<128xi32, #tpu.memory_space<hbm>>
        %dma_wait3A_19 = tpu.memref_slice %arg3[%add3A_11] : memref<323584xi32, #tpu.memory_space<hbm>> -> memref<128xi32, #tpu.memory_space<hbm>>
        tpu.wait_dma2 semaphore(%run_scoped3A : memref<!tpu.dma_semaphore, #tpu.memory_space<semaphore_mem>>) src(%dma_wait3A_19 : memref<128xi32, #tpu.memory_space<hbm>>) dst(%arg5 : memref<128xi32, #tpu.memory_space<vmem>>)
        tpu.yield
      }) : () -> ()
      %dma_start3A = arith.constant 0 : i32
      %dma_start3A_12 = arith.constant 0 : i32
      %dma_start3A_13 = tpu.memref_slice %arg2[%dma_start3A, %dma_start3A_12] : memref<10240x256xf32, #tpu.memory_space<hbm>> -> memref<10240x256xf32, #tpu.memory_space<hbm>>
      tpu.enqueue_indirect_dma source(%dma_start3A_13 : memref<10240x256xf32, #tpu.memory_space<hbm>>) target(%arg6 : memref<128x256xf32, #tpu.memory_space<vmem>>) offsets(%arg5 : memref<128xi32, #tpu.memory_space<vmem>>) semaphore(%arg7 : memref<!tpu.dma_semaphore, #tpu.memory_space<semaphore_mem>>)
      %dma_wait3A = arith.constant 0 : i32
      %dma_wait3A_14 = arith.constant 0 : i32
      %dma_wait3A_15 = tpu.memref_slice %arg2[%dma_wait3A, %dma_wait3A_14] : memref<10240x256xf32, #tpu.memory_space<hbm>> -> memref<10240x256xf32, #tpu.memory_space<hbm>>
      tpu.wait_indirect_dma semaphore(%arg7 : memref<!tpu.dma_semaphore, #tpu.memory_space<semaphore_mem>>) src(%dma_wait3A_15 : memref<10240x256xf32, #tpu.memory_space<hbm>>) dst(%arg6 : memref<128x256xf32, #tpu.memory_space<vmem>>)
      "tpu.region"() ({
        %run_scoped3A = tpu.sem_alloc : memref<!tpu.dma_semaphore, #tpu.memory_space<semaphore_mem>>
        %dma_start3A_16 = arith.constant 0 : i32
        %dma_start3A_17 = tpu.memref_slice %arg4[%add3A_11, %dma_start3A_16] : memref<323584x256xf32, #tpu.memory_space<hbm>> -> memref<128x256xf32, #tpu.memory_space<hbm>>
        %dma_start3A_18 = arith.constant 0 : i32
        %dma_start3A_19 = tpu.memref_slice %arg4[%add3A_11, %dma_start3A_18] : memref<323584x256xf32, #tpu.memory_space<hbm>> -> memref<128x256xf32, #tpu.memory_space<hbm>>
        tpu.enqueue_dma source(%arg6 : memref<128x256xf32, #tpu.memory_space<vmem>>) target(%dma_start3A_19 : memref<128x256xf32, #tpu.memory_space<hbm>>) target_semaphore(%run_scoped3A : memref<!tpu.dma_semaphore, #tpu.memory_space<semaphore_mem>>)
        %dma_wait3A_20 = arith.constant 0 : i32
        %dma_wait3A_21 = tpu.memref_slice %arg4[%add3A_11, %dma_wait3A_20] : memref<323584x256xf32, #tpu.memory_space<hbm>> -> memref<128x256xf32, #tpu.memory_space<hbm>>
        %dma_wait3A_22 = arith.constant 0 : i32
        %dma_wait3A_23 = tpu.memref_slice %arg4[%add3A_11, %dma_wait3A_22] : memref<323584x256xf32, #tpu.memory_space<hbm>> -> memref<128x256xf32, #tpu.memory_space<hbm>>
        tpu.wait_dma2 semaphore(%run_scoped3A : memref<!tpu.dma_semaphore, #tpu.memory_space<semaphore_mem>>) src(%arg6 : memref<128x256xf32, #tpu.memory_space<vmem>>) dst(%dma_wait3A_23 : memref<128x256xf32, #tpu.memory_space<hbm>>)
        tpu.yield
      }) : () -> ()
    }
    %scan3A_7 = arith.constant 79 : i32
    return
  }
}

#map = affine_map<(d0, d1) -> (0, 0)>
#map1 = affine_map<(d0, d1) -> (0)>
module attributes {stable_mosaic.version = 14 : i64} {
  func.func @k(%arg0: i32, %arg1: i32, %arg2: memref<323584x256xf32, #tpu.memory_space<hbm>>, %arg3: memref<323584xi32, #tpu.memory_space<hbm>>, %arg4: memref<10240x128xf32, #tpu.memory_space<hbm>>, %arg5: memref<10240x256xf32, #tpu.memory_space<hbm>>, %arg6: memref<128xi32, #tpu.memory_space<vmem>>, %arg7: memref<128x128xf32, #tpu.memory_space<vmem>>, %arg8: memref<10240x128xf32, #tpu.memory_space<vmem_shared>>, %arg9: memref<!tpu.dma_semaphore, #tpu.memory_space<semaphore_mem>>) attributes {dimension_semantics = [#tpu.dimension_semantics<core_parallel>, #tpu.dimension_semantics<subcore_parallel>], iteration_bounds = array<i64: 2, 16>, scalar_prefetch = 0 : i64, scratch_operands = 4 : i64, tpu.core_type = #tpu.core_type<sc_vector_subcore>, window_params = [{transform_indices = #map}, {transform_indices = #map1}, {transform_indices = #map}, {transform_indices = #map}]} {
    %mul3A = arith.constant 640 : i32
    %mul3A_0 = arith.muli %arg1, %mul3A : i32
    %mul3A_1 = arith.constant 128 : i32
    %mul3A_2 = arith.muli %arg0, %mul3A_1 : i32
    "tpu.region"() ({
      %run_scoped3A = tpu.sem_alloc : memref<!tpu.dma_semaphore, #tpu.memory_space<semaphore_mem>>
      %dma_start3A = arith.constant 0 : i32
      %dma_start3A_9 = tpu.memref_slice %arg8[%mul3A_0, %dma_start3A] : memref<10240x128xf32, #tpu.memory_space<vmem_shared>> -> memref<640x128xf32, #tpu.memory_space<vmem_shared>>
      %dma_start3A_10 = arith.constant 0 : i32
      %dma_start3A_11 = tpu.memref_slice %arg4[%mul3A_0, %dma_start3A_10] : memref<10240x128xf32, #tpu.memory_space<hbm>> -> memref<640x128xf32, #tpu.memory_space<hbm>>
      tpu.enqueue_dma source(%dma_start3A_11 : memref<640x128xf32, #tpu.memory_space<hbm>>) target(%dma_start3A_9 : memref<640x128xf32, #tpu.memory_space<vmem_shared>>) target_semaphore(%run_scoped3A : memref<!tpu.dma_semaphore, #tpu.memory_space<semaphore_mem>>)
      %dma_wait3A = arith.constant 0 : i32
      %dma_wait3A_12 = tpu.memref_slice %arg8[%mul3A_0, %dma_wait3A] : memref<10240x128xf32, #tpu.memory_space<vmem_shared>> -> memref<640x128xf32, #tpu.memory_space<vmem_shared>>
      %dma_wait3A_13 = arith.constant 0 : i32
      %dma_wait3A_14 = tpu.memref_slice %arg4[%mul3A_0, %dma_wait3A_13] : memref<10240x128xf32, #tpu.memory_space<hbm>> -> memref<640x128xf32, #tpu.memory_space<hbm>>
      tpu.wait_dma2 semaphore(%run_scoped3A : memref<!tpu.dma_semaphore, #tpu.memory_space<semaphore_mem>>) src(%dma_wait3A_14 : memref<640x128xf32, #tpu.memory_space<hbm>>) dst(%dma_wait3A_12 : memref<640x128xf32, #tpu.memory_space<vmem_shared>>)
      tpu.yield
    }) : () -> ()
    %barrier3A = arith.constant 0 : index
    tpu.barrier barrier_id(%barrier3A)
    %scan3A = arith.constant 0 : i32
    %scan3A_3 = arith.constant 0 : i32
    %scan3A_4 = arith.constant 158 : i32
    %scan3A_5 = arith.addi %scan3A_3, %scan3A_4 : i32
    %scan3A_6 = arith.constant 1 : i32
    scf.for %scan3A_9 = %scan3A_3 to %scan3A_5 step %scan3A_6  : i32 {
      %mul3A_10 = arith.constant 20224 : i32
      %mul3A_11 = arith.muli %arg1, %mul3A_10 : i32
      %mul3A_12 = arith.constant 128 : i32
      %mul3A_13 = arith.muli %scan3A_9, %mul3A_12 : i32
      %add3A = arith.addi %mul3A_11, %mul3A_13 : i32
      "tpu.region"() ({
        %run_scoped3A = tpu.sem_alloc : memref<!tpu.dma_semaphore, #tpu.memory_space<semaphore_mem>>
        %dma_start3A = tpu.memref_slice %arg3[%add3A] : memref<323584xi32, #tpu.memory_space<hbm>> -> memref<128xi32, #tpu.memory_space<hbm>>
        %dma_start3A_14 = tpu.memref_slice %arg3[%add3A] : memref<323584xi32, #tpu.memory_space<hbm>> -> memref<128xi32, #tpu.memory_space<hbm>>
        tpu.enqueue_dma source(%dma_start3A_14 : memref<128xi32, #tpu.memory_space<hbm>>) target(%arg6 : memref<128xi32, #tpu.memory_space<vmem>>) target_semaphore(%run_scoped3A : memref<!tpu.dma_semaphore, #tpu.memory_space<semaphore_mem>>)
        %dma_wait3A = tpu.memref_slice %arg3[%add3A] : memref<323584xi32, #tpu.memory_space<hbm>> -> memref<128xi32, #tpu.memory_space<hbm>>
        %dma_wait3A_15 = tpu.memref_slice %arg3[%add3A] : memref<323584xi32, #tpu.memory_space<hbm>> -> memref<128xi32, #tpu.memory_space<hbm>>
        tpu.wait_dma2 semaphore(%run_scoped3A : memref<!tpu.dma_semaphore, #tpu.memory_space<semaphore_mem>>) src(%dma_wait3A_15 : memref<128xi32, #tpu.memory_space<hbm>>) dst(%arg6 : memref<128xi32, #tpu.memory_space<vmem>>)
        tpu.yield
      }) : () -> ()
      "tpu.region"() ({
        %run_scoped3A = tpu.sem_alloc : memref<!tpu.dma_semaphore, #tpu.memory_space<semaphore_mem>>
        %dma_start3A = tpu.memref_slice %arg2[%add3A, %mul3A_2] : memref<323584x256xf32, #tpu.memory_space<hbm>> -> memref<128x128xf32, #tpu.memory_space<hbm>>
        %dma_start3A_14 = tpu.memref_slice %arg2[%add3A, %mul3A_2] : memref<323584x256xf32, #tpu.memory_space<hbm>> -> memref<128x128xf32, #tpu.memory_space<hbm>>
        tpu.enqueue_dma source(%dma_start3A_14 : memref<128x128xf32, #tpu.memory_space<hbm>>) target(%arg7 : memref<128x128xf32, #tpu.memory_space<vmem>>) target_semaphore(%run_scoped3A : memref<!tpu.dma_semaphore, #tpu.memory_space<semaphore_mem>>)
        %dma_wait3A = tpu.memref_slice %arg2[%add3A, %mul3A_2] : memref<323584x256xf32, #tpu.memory_space<hbm>> -> memref<128x128xf32, #tpu.memory_space<hbm>>
        %dma_wait3A_15 = tpu.memref_slice %arg2[%add3A, %mul3A_2] : memref<323584x256xf32, #tpu.memory_space<hbm>> -> memref<128x128xf32, #tpu.memory_space<hbm>>
        tpu.wait_dma2 semaphore(%run_scoped3A : memref<!tpu.dma_semaphore, #tpu.memory_space<semaphore_mem>>) src(%dma_wait3A_15 : memref<128x128xf32, #tpu.memory_space<hbm>>) dst(%arg7 : memref<128x128xf32, #tpu.memory_space<vmem>>)
        tpu.yield
      }) : () -> ()
      "tpu.region"() ({
        %run_scoped3A = tpu.sem_alloc : memref<!tpu.dma_semaphore, #tpu.memory_space<semaphore_mem>>
        %dma_start3A = arith.constant 0 : i32
        %dma_start3A_14 = arith.constant 0 : i32
        %dma_start3A_15 = tpu.memref_slice %arg8[%dma_start3A, %dma_start3A_14] : memref<10240x128xf32, #tpu.memory_space<vmem_shared>> -> memref<10240x128xf32, #tpu.memory_space<vmem_shared>>
        tpu.enqueue_indirect_dma source(%arg7 : memref<128x128xf32, #tpu.memory_space<vmem>>) target(%dma_start3A_15 : memref<10240x128xf32, #tpu.memory_space<vmem_shared>>) offsets(%arg6 : memref<128xi32, #tpu.memory_space<vmem>>) semaphore(%run_scoped3A : memref<!tpu.dma_semaphore, #tpu.memory_space<semaphore_mem>>) {add = true}
        %dma_wait3A = arith.constant 0 : i32
        %dma_wait3A_16 = arith.constant 0 : i32
        %dma_wait3A_17 = tpu.memref_slice %arg8[%dma_wait3A, %dma_wait3A_16] : memref<10240x128xf32, #tpu.memory_space<vmem_shared>> -> memref<10240x128xf32, #tpu.memory_space<vmem_shared>>
        tpu.wait_indirect_dma semaphore(%run_scoped3A : memref<!tpu.dma_semaphore, #tpu.memory_space<semaphore_mem>>) src(%arg7 : memref<128x128xf32, #tpu.memory_space<vmem>>) dst(%dma_wait3A_17 : memref<10240x128xf32, #tpu.memory_space<vmem_shared>>)
        tpu.yield
      }) : () -> ()
    }
    %scan3A_7 = arith.constant 158 : i32
    %barrier3A_8 = arith.constant 0 : index
    tpu.barrier barrier_id(%barrier3A_8)
    "tpu.region"() ({
      %run_scoped3A = tpu.sem_alloc : memref<!tpu.dma_semaphore, #tpu.memory_space<semaphore_mem>>
      %dma_start3A = tpu.memref_slice %arg5[%mul3A_0, %mul3A_2] : memref<10240x256xf32, #tpu.memory_space<hbm>> -> memref<640x128xf32, #tpu.memory_space<hbm>>
      %dma_start3A_9 = arith.constant 0 : i32
      %dma_start3A_10 = tpu.memref_slice %arg8[%mul3A_0, %dma_start3A_9] : memref<10240x128xf32, #tpu.memory_space<vmem_shared>> -> memref<640x128xf32, #tpu.memory_space<vmem_shared>>
      tpu.enqueue_dma source(%dma_start3A_10 : memref<640x128xf32, #tpu.memory_space<vmem_shared>>) target(%dma_start3A : memref<640x128xf32, #tpu.memory_space<hbm>>) target_semaphore(%run_scoped3A : memref<!tpu.dma_semaphore, #tpu.memory_space<semaphore_mem>>)
      %dma_wait3A = tpu.memref_slice %arg5[%mul3A_0, %mul3A_2] : memref<10240x256xf32, #tpu.memory_space<hbm>> -> memref<640x128xf32, #tpu.memory_space<hbm>>
      %dma_wait3A_11 = arith.constant 0 : i32
      %dma_wait3A_12 = tpu.memref_slice %arg8[%mul3A_0, %dma_wait3A_11] : memref<10240x128xf32, #tpu.memory_space<vmem_shared>> -> memref<640x128xf32, #tpu.memory_space<vmem_shared>>
      tpu.wait_dma2 semaphore(%run_scoped3A : memref<!tpu.dma_semaphore, #tpu.memory_space<semaphore_mem>>) src(%dma_wait3A_12 : memref<640x128xf32, #tpu.memory_space<vmem_shared>>) dst(%dma_wait3A : memref<640x128xf32, #tpu.memory_space<hbm>>)
      tpu.yield
    }) : () -> ()
    return
  }
}

#map = affine_map<(d0, d1) -> (0, 0)>
#map1 = affine_map<(d0, d1) -> (0)>
module attributes {stable_mosaic.version = 14 : i64} {
  func.func @k(%arg0: i32, %arg1: i32, %arg2: memref<10240x256xf32, #tpu.memory_space<hbm>>, %arg3: memref<323584xi32, #tpu.memory_space<hbm>>, %arg4: memref<323584x256xf32, #tpu.memory_space<hbm>>, %arg5: memref<128xi32, #tpu.memory_space<vmem>>, %arg6: memref<128x256xf32, #tpu.memory_space<vmem>>, %arg7: memref<!tpu.dma_semaphore, #tpu.memory_space<semaphore_mem>>) attributes {dimension_semantics = [#tpu.dimension_semantics<core_parallel>, #tpu.dimension_semantics<subcore_parallel>], iteration_bounds = array<i64: 2, 16>, scalar_prefetch = 0 : i64, scratch_operands = 3 : i64, tpu.core_type = #tpu.core_type<sc_vector_subcore>, window_params = [{transform_indices = #map}, {transform_indices = #map1}, {transform_indices = #map}]} {
    %mul3A = arith.constant 2 : i32
    %mul3A_0 = arith.muli %arg1, %mul3A : i32
    %add3A = arith.addi %mul3A_0, %arg0 : i32
    %mul3A_1 = arith.constant 10112 : i32
    %mul3A_2 = arith.muli %add3A, %mul3A_1 : i32
    %scan3A = arith.constant 0 : i32
    %scan3A_3 = arith.constant 0 : i32
    %scan3A_4 = arith.constant 79 : i32
    %scan3A_5 = arith.addi %scan3A_3, %scan3A_4 : i32
    %scan3A_6 = arith.constant 1 : i32
    scf.for %scan3A_8 = %scan3A_3 to %scan3A_5 step %scan3A_6  : i32 {
      %mul3A_9 = arith.constant 128 : i32
      %mul3A_10 = arith.muli %scan3A_8, %mul3A_9 : i32
      %add3A_11 = arith.addi %mul3A_2, %mul3A_10 : i32
      "tpu.region"() ({
        %run_scoped3A = tpu.sem_alloc : memref<!tpu.dma_semaphore, #tpu.memory_space<semaphore_mem>>
        %dma_start3A_16 = tpu.memref_slice %arg3[%add3A_11] : memref<323584xi32, #tpu.memory_space<hbm>> -> memref<128xi32, #tpu.memory_space<hbm>>
        %dma_start3A_17 = tpu.memref_slice %arg3[%add3A_11] : memref<323584xi32, #tpu.memory_space<hbm>> -> memref<128xi32, #tpu.memory_space<hbm>>
        tpu.enqueue_dma source(%dma_start3A_17 : memref<128xi32, #tpu.memory_space<hbm>>) target(%arg5 : memref<128xi32, #tpu.memory_space<vmem>>) target_semaphore(%run_scoped3A : memref<!tpu.dma_semaphore, #tpu.memory_space<semaphore_mem>>)
        %dma_wait3A_18 = tpu.memref_slice %arg3[%add3A_11] : memref<323584xi32, #tpu.memory_space<hbm>> -> memref<128xi32, #tpu.memory_space<hbm>>
        %dma_wait3A_19 = tpu.memref_slice %arg3[%add3A_11] : memref<323584xi32, #tpu.memory_space<hbm>> -> memref<128xi32, #tpu.memory_space<hbm>>
        tpu.wait_dma2 semaphore(%run_scoped3A : memref<!tpu.dma_semaphore, #tpu.memory_space<semaphore_mem>>) src(%dma_wait3A_19 : memref<128xi32, #tpu.memory_space<hbm>>) dst(%arg5 : memref<128xi32, #tpu.memory_space<vmem>>)
        tpu.yield
      }) : () -> ()
      %dma_start3A = arith.constant 0 : i32
      %dma_start3A_12 = arith.constant 0 : i32
      %dma_start3A_13 = tpu.memref_slice %arg2[%dma_start3A, %dma_start3A_12] : memref<10240x256xf32, #tpu.memory_space<hbm>> -> memref<10240x256xf32, #tpu.memory_space<hbm>>
      tpu.enqueue_indirect_dma source(%dma_start3A_13 : memref<10240x256xf32, #tpu.memory_space<hbm>>) target(%arg6 : memref<128x256xf32, #tpu.memory_space<vmem>>) offsets(%arg5 : memref<128xi32, #tpu.memory_space<vmem>>) semaphore(%arg7 : memref<!tpu.dma_semaphore, #tpu.memory_space<semaphore_mem>>)
      %dma_wait3A = arith.constant 0 : i32
      %dma_wait3A_14 = arith.constant 0 : i32
      %dma_wait3A_15 = tpu.memref_slice %arg2[%dma_wait3A, %dma_wait3A_14] : memref<10240x256xf32, #tpu.memory_space<hbm>> -> memref<10240x256xf32, #tpu.memory_space<hbm>>
      tpu.wait_indirect_dma semaphore(%arg7 : memref<!tpu.dma_semaphore, #tpu.memory_space<semaphore_mem>>) src(%dma_wait3A_15 : memref<10240x256xf32, #tpu.memory_space<hbm>>) dst(%arg6 : memref<128x256xf32, #tpu.memory_space<vmem>>)
      "tpu.region"() ({
        %run_scoped3A = tpu.sem_alloc : memref<!tpu.dma_semaphore, #tpu.memory_space<semaphore_mem>>
        %dma_start3A_16 = arith.constant 0 : i32
        %dma_start3A_17 = tpu.memref_slice %arg4[%add3A_11, %dma_start3A_16] : memref<323584x256xf32, #tpu.memory_space<hbm>> -> memref<128x256xf32, #tpu.memory_space<hbm>>
        %dma_start3A_18 = arith.constant 0 : i32
        %dma_start3A_19 = tpu.memref_slice %arg4[%add3A_11, %dma_start3A_18] : memref<323584x256xf32, #tpu.memory_space<hbm>> -> memref<128x256xf32, #tpu.memory_space<hbm>>
        tpu.enqueue_dma source(%arg6 : memref<128x256xf32, #tpu.memory_space<vmem>>) target(%dma_start3A_19 : memref<128x256xf32, #tpu.memory_space<hbm>>) target_semaphore(%run_scoped3A : memref<!tpu.dma_semaphore, #tpu.memory_space<semaphore_mem>>)
        %dma_wait3A_20 = arith.constant 0 : i32
        %dma_wait3A_21 = tpu.memref_slice %arg4[%add3A_11, %dma_wait3A_20] : memref<323584x256xf32, #tpu.memory_space<hbm>> -> memref<128x256xf32, #tpu.memory_space<hbm>>
        %dma_wait3A_22 = arith.constant 0 : i32
        %dma_wait3A_23 = tpu.memref_slice %arg4[%add3A_11, %dma_wait3A_22] : memref<323584x256xf32, #tpu.memory_space<hbm>> -> memref<128x256xf32, #tpu.memory_space<hbm>>
        tpu.wait_dma2 semaphore(%run_scoped3A : memref<!tpu.dma_semaphore, #tpu.memory_space<semaphore_mem>>) src(%arg6 : memref<128x256xf32, #tpu.memory_space<vmem>>) dst(%dma_wait3A_23 : memref<128x256xf32, #tpu.memory_space<hbm>>)
        tpu.yield
      }) : () -> ()
    }
    %scan3A_7 = arith.constant 79 : i32
    return
  }
}

#map = affine_map<(d0, d1) -> (0, 0)>
#map1 = affine_map<(d0, d1) -> (0)>
module attributes {stable_mosaic.version = 14 : i64} {
  func.func @k(%arg0: i32, %arg1: i32, %arg2: memref<323584x256xf32, #tpu.memory_space<hbm>>, %arg3: memref<323584xi32, #tpu.memory_space<hbm>>, %arg4: memref<10240x128xf32, #tpu.memory_space<hbm>>, %arg5: memref<10240x256xf32, #tpu.memory_space<hbm>>, %arg6: memref<128xi32, #tpu.memory_space<vmem>>, %arg7: memref<128x128xf32, #tpu.memory_space<vmem>>, %arg8: memref<10240x128xf32, #tpu.memory_space<vmem_shared>>, %arg9: memref<!tpu.dma_semaphore, #tpu.memory_space<semaphore_mem>>) attributes {dimension_semantics = [#tpu.dimension_semantics<core_parallel>, #tpu.dimension_semantics<subcore_parallel>], iteration_bounds = array<i64: 2, 16>, scalar_prefetch = 0 : i64, scratch_operands = 4 : i64, tpu.core_type = #tpu.core_type<sc_vector_subcore>, window_params = [{transform_indices = #map}, {transform_indices = #map1}, {transform_indices = #map}, {transform_indices = #map}]} {
    %mul3A = arith.constant 640 : i32
    %mul3A_0 = arith.muli %arg1, %mul3A : i32
    %mul3A_1 = arith.constant 128 : i32
    %mul3A_2 = arith.muli %arg0, %mul3A_1 : i32
    "tpu.region"() ({
      %run_scoped3A = tpu.sem_alloc : memref<!tpu.dma_semaphore, #tpu.memory_space<semaphore_mem>>
      %dma_start3A = arith.constant 0 : i32
      %dma_start3A_9 = tpu.memref_slice %arg8[%mul3A_0, %dma_start3A] : memref<10240x128xf32, #tpu.memory_space<vmem_shared>> -> memref<640x128xf32, #tpu.memory_space<vmem_shared>>
      %dma_start3A_10 = arith.constant 0 : i32
      %dma_start3A_11 = tpu.memref_slice %arg4[%mul3A_0, %dma_start3A_10] : memref<10240x128xf32, #tpu.memory_space<hbm>> -> memref<640x128xf32, #tpu.memory_space<hbm>>
      tpu.enqueue_dma source(%dma_start3A_11 : memref<640x128xf32, #tpu.memory_space<hbm>>) target(%dma_start3A_9 : memref<640x128xf32, #tpu.memory_space<vmem_shared>>) target_semaphore(%run_scoped3A : memref<!tpu.dma_semaphore, #tpu.memory_space<semaphore_mem>>)
      %dma_wait3A = arith.constant 0 : i32
      %dma_wait3A_12 = tpu.memref_slice %arg8[%mul3A_0, %dma_wait3A] : memref<10240x128xf32, #tpu.memory_space<vmem_shared>> -> memref<640x128xf32, #tpu.memory_space<vmem_shared>>
      %dma_wait3A_13 = arith.constant 0 : i32
      %dma_wait3A_14 = tpu.memref_slice %arg4[%mul3A_0, %dma_wait3A_13] : memref<10240x128xf32, #tpu.memory_space<hbm>> -> memref<640x128xf32, #tpu.memory_space<hbm>>
      tpu.wait_dma2 semaphore(%run_scoped3A : memref<!tpu.dma_semaphore, #tpu.memory_space<semaphore_mem>>) src(%dma_wait3A_14 : memref<640x128xf32, #tpu.memory_space<hbm>>) dst(%dma_wait3A_12 : memref<640x128xf32, #tpu.memory_space<vmem_shared>>)
      tpu.yield
    }) : () -> ()
    %barrier3A = arith.constant 0 : index
    tpu.barrier barrier_id(%barrier3A)
    %scan3A = arith.constant 0 : i32
    %scan3A_3 = arith.constant 0 : i32
    %scan3A_4 = arith.constant 158 : i32
    %scan3A_5 = arith.addi %scan3A_3, %scan3A_4 : i32
    %scan3A_6 = arith.constant 1 : i32
    scf.for %scan3A_9 = %scan3A_3 to %scan3A_5 step %scan3A_6  : i32 {
      %mul3A_10 = arith.constant 20224 : i32
      %mul3A_11 = arith.muli %arg1, %mul3A_10 : i32
      %mul3A_12 = arith.constant 128 : i32
      %mul3A_13 = arith.muli %scan3A_9, %mul3A_12 : i32
      %add3A = arith.addi %mul3A_11, %mul3A_13 : i32
      "tpu.region"() ({
        %run_scoped3A = tpu.sem_alloc : memref<!tpu.dma_semaphore, #tpu.memory_space<semaphore_mem>>
        %dma_start3A = tpu.memref_slice %arg3[%add3A] : memref<323584xi32, #tpu.memory_space<hbm>> -> memref<128xi32, #tpu.memory_space<hbm>>
        %dma_start3A_14 = tpu.memref_slice %arg3[%add3A] : memref<323584xi32, #tpu.memory_space<hbm>> -> memref<128xi32, #tpu.memory_space<hbm>>
        tpu.enqueue_dma source(%dma_start3A_14 : memref<128xi32, #tpu.memory_space<hbm>>) target(%arg6 : memref<128xi32, #tpu.memory_space<vmem>>) target_semaphore(%run_scoped3A : memref<!tpu.dma_semaphore, #tpu.memory_space<semaphore_mem>>)
        %dma_wait3A = tpu.memref_slice %arg3[%add3A] : memref<323584xi32, #tpu.memory_space<hbm>> -> memref<128xi32, #tpu.memory_space<hbm>>
        %dma_wait3A_15 = tpu.memref_slice %arg3[%add3A] : memref<323584xi32, #tpu.memory_space<hbm>> -> memref<128xi32, #tpu.memory_space<hbm>>
        tpu.wait_dma2 semaphore(%run_scoped3A : memref<!tpu.dma_semaphore, #tpu.memory_space<semaphore_mem>>) src(%dma_wait3A_15 : memref<128xi32, #tpu.memory_space<hbm>>) dst(%arg6 : memref<128xi32, #tpu.memory_space<vmem>>)
        tpu.yield
      }) : () -> ()
      "tpu.region"() ({
        %run_scoped3A = tpu.sem_alloc : memref<!tpu.dma_semaphore, #tpu.memory_space<semaphore_mem>>
        %dma_start3A = tpu.memref_slice %arg2[%add3A, %mul3A_2] : memref<323584x256xf32, #tpu.memory_space<hbm>> -> memref<128x128xf32, #tpu.memory_space<hbm>>
        %dma_start3A_14 = tpu.memref_slice %arg2[%add3A, %mul3A_2] : memref<323584x256xf32, #tpu.memory_space<hbm>> -> memref<128x128xf32, #tpu.memory_space<hbm>>
        tpu.enqueue_dma source(%dma_start3A_14 : memref<128x128xf32, #tpu.memory_space<hbm>>) target(%arg7 : memref<128x128xf32, #tpu.memory_space<vmem>>) target_semaphore(%run_scoped3A : memref<!tpu.dma_semaphore, #tpu.memory_space<semaphore_mem>>)
        %dma_wait3A = tpu.memref_slice %arg2[%add3A, %mul3A_2] : memref<323584x256xf32, #tpu.memory_space<hbm>> -> memref<128x128xf32, #tpu.memory_space<hbm>>
        %dma_wait3A_15 = tpu.memref_slice %arg2[%add3A, %mul3A_2] : memref<323584x256xf32, #tpu.memory_space<hbm>> -> memref<128x128xf32, #tpu.memory_space<hbm>>
        tpu.wait_dma2 semaphore(%run_scoped3A : memref<!tpu.dma_semaphore, #tpu.memory_space<semaphore_mem>>) src(%dma_wait3A_15 : memref<128x128xf32, #tpu.memory_space<hbm>>) dst(%arg7 : memref<128x128xf32, #tpu.memory_space<vmem>>)
        tpu.yield
      }) : () -> ()
      "tpu.region"() ({
        %run_scoped3A = tpu.sem_alloc : memref<!tpu.dma_semaphore, #tpu.memory_space<semaphore_mem>>
        %dma_start3A = arith.constant 0 : i32
        %dma_start3A_14 = arith.constant 0 : i32
        %dma_start3A_15 = tpu.memref_slice %arg8[%dma_start3A, %dma_start3A_14] : memref<10240x128xf32, #tpu.memory_space<vmem_shared>> -> memref<10240x128xf32, #tpu.memory_space<vmem_shared>>
        tpu.enqueue_indirect_dma source(%arg7 : memref<128x128xf32, #tpu.memory_space<vmem>>) target(%dma_start3A_15 : memref<10240x128xf32, #tpu.memory_space<vmem_shared>>) offsets(%arg6 : memref<128xi32, #tpu.memory_space<vmem>>) semaphore(%run_scoped3A : memref<!tpu.dma_semaphore, #tpu.memory_space<semaphore_mem>>) {add = true}
        %dma_wait3A = arith.constant 0 : i32
        %dma_wait3A_16 = arith.constant 0 : i32
        %dma_wait3A_17 = tpu.memref_slice %arg8[%dma_wait3A, %dma_wait3A_16] : memref<10240x128xf32, #tpu.memory_space<vmem_shared>> -> memref<10240x128xf32, #tpu.memory_space<vmem_shared>>
        tpu.wait_indirect_dma semaphore(%run_scoped3A : memref<!tpu.dma_semaphore, #tpu.memory_space<semaphore_mem>>) src(%arg7 : memref<128x128xf32, #tpu.memory_space<vmem>>) dst(%dma_wait3A_17 : memref<10240x128xf32, #tpu.memory_space<vmem_shared>>)
        tpu.yield
      }) : () -> ()
    }
    %scan3A_7 = arith.constant 158 : i32
    %barrier3A_8 = arith.constant 0 : index
    tpu.barrier barrier_id(%barrier3A_8)
    "tpu.region"() ({
      %run_scoped3A = tpu.sem_alloc : memref<!tpu.dma_semaphore, #tpu.memory_space<semaphore_mem>>
      %dma_start3A = tpu.memref_slice %arg5[%mul3A_0, %mul3A_2] : memref<10240x256xf32, #tpu.memory_space<hbm>> -> memref<640x128xf32, #tpu.memory_space<hbm>>
      %dma_start3A_9 = arith.constant 0 : i32
      %dma_start3A_10 = tpu.memref_slice %arg8[%mul3A_0, %dma_start3A_9] : memref<10240x128xf32, #tpu.memory_space<vmem_shared>> -> memref<640x128xf32, #tpu.memory_space<vmem_shared>>
      tpu.enqueue_dma source(%dma_start3A_10 : memref<640x128xf32, #tpu.memory_space<vmem_shared>>) target(%dma_start3A : memref<640x128xf32, #tpu.memory_space<hbm>>) target_semaphore(%run_scoped3A : memref<!tpu.dma_semaphore, #tpu.memory_space<semaphore_mem>>)
      %dma_wait3A = tpu.memref_slice %arg5[%mul3A_0, %mul3A_2] : memref<10240x256xf32, #tpu.memory_space<hbm>> -> memref<640x128xf32, #tpu.memory_space<hbm>>
      %dma_wait3A_11 = arith.constant 0 : i32
      %dma_wait3A_12 = tpu.memref_slice %arg8[%mul3A_0, %dma_wait3A_11] : memref<10240x128xf32, #tpu.memory_space<vmem_shared>> -> memref<640x128xf32, #tpu.memory_space<vmem_shared>>
      tpu.wait_dma2 semaphore(%run_scoped3A : memref<!tpu.dma_semaphore, #tpu.memory_space<semaphore_mem>>) src(%dma_wait3A_12 : memref<640x128xf32, #tpu.memory_space<vmem_shared>>) dst(%dma_wait3A : memref<640x128xf32, #tpu.memory_space<hbm>>)
      tpu.yield
    }) : () -> ()
    return
  }
}

module attributes {stable_mosaic.version = 14 : i64} {
  func.func @body(%arg0: i32, %arg1: memref<256x3xf32, #tpu.memory_space<vmem>>, %arg2: memref<256x128xf32, #tpu.memory_space<vmem>>, %arg3: memref<256x128xf32, #tpu.memory_space<vmem>>, %arg4: memref<128x64xf32, #tpu.memory_space<vmem>>, %arg5: memref<1x64xf32, #tpu.memory_space<vmem>>, %arg6: memref<128x64xf32, #tpu.memory_space<vmem>>, %arg7: memref<1x64xf32, #tpu.memory_space<vmem>>, %arg8: memref<3x64x64xf32, #tpu.memory_space<vmem>>, %arg9: memref<3x64x64xf32, #tpu.memory_space<vmem>>, %arg10: memref<256x64xf32, #tpu.memory_space<vmem>>, %arg11: memref<256x256xf32, #tpu.memory_space<vmem>>, %arg12: memref<256x256xf32, #tpu.memory_space<vmem>>, %arg13: memref<256x256xf32, #tpu.memory_space<vmem>>) attributes {dimension_semantics = [#tpu.dimension_semantics<arbitrary>], iteration_bounds = array<i64: 40>, scalar_prefetch = 0 : i64, scratch_operands = 0 : i64, tpu.core_type = #tpu.core_type<tc>, window_params = [{transform_indices = @transform_0, window_bounds = array<i64: 256, 3>}, {transform_indices = @transform_1, window_bounds = array<i64: 256, 128>}, {transform_indices = @transform_2, window_bounds = array<i64: 256, 128>}, {pipeline_mode = #tpu.pipeline_mode<synchronous>, transform_indices = @transform_3, window_bounds = array<i64: 128, 64>}, {pipeline_mode = #tpu.pipeline_mode<synchronous>, transform_indices = @transform_4, window_bounds = array<i64: 1, 64>}, {pipeline_mode = #tpu.pipeline_mode<synchronous>, transform_indices = @transform_5, window_bounds = array<i64: 128, 64>}, {pipeline_mode = #tpu.pipeline_mode<synchronous>, transform_indices = @transform_6, window_bounds = array<i64: 1, 64>}, {pipeline_mode = #tpu.pipeline_mode<synchronous>, transform_indices = @transform_7, window_bounds = array<i64: 3, 64, 64>}, {pipeline_mode = #tpu.pipeline_mode<synchronous>, transform_indices = @transform_8, window_bounds = array<i64: 3, 64, 64>}, {transform_indices = @transform_9, window_bounds = array<i64: 256, 64>}, {transform_indices = @transform_10, window_bounds = array<i64: 256, 256>}, {transform_indices = @transform_11, window_bounds = array<i64: 256, 256>}, {transform_indices = @transform_12, window_bounds = array<i64: 256, 256>}]} {
    %get3A = arith.constant 0 : index
    %get3A_0 = arith.constant 0 : index
    %get3A_1 = vector.load %arg3[%get3A, %get3A_0] : memref<256x128xf32, #tpu.memory_space<vmem>>, vector<256x128xf32>
    %get3A_2 = arith.constant 0 : index
    %get3A_3 = arith.constant 0 : index
    %get3A_4 = vector.load %arg6[%get3A_2, %get3A_3] : memref<128x64xf32, #tpu.memory_space<vmem>>, vector<128x64xf32>
    %dot_general3A = arith.constant dense<0.000000e+00> : vector<256x64xf32>
    %dot_general3A_5 = tpu.matmul %get3A_1, %get3A_4, %dot_general3A {dimension_numbers = #tpu.dot_dimension_numbers<[1], [0], [0], [1], [0, 0, 1, 1], [], []>, precision = #tpu.contract_precision<fp32>, transpose_lhs_hint = false} : vector<256x128xf32>, vector<128x64xf32>, vector<256x64xf32> -> vector<256x64xf32>
    %get3A_6 = arith.constant 0 : index
    %get3A_7 = arith.constant 0 : index
    %get3A_8 = vector.load %arg7[%get3A_6, %get3A_7] : memref<1x64xf32, #tpu.memory_space<vmem>>, vector<1x64xf32>
    %add3A = vector.broadcast %get3A_8 : vector<1x64xf32> to vector<256x64xf32>
    %add3A_9 = arith.addf %dot_general3A_5, %add3A : vector<256x64xf32>
    %get3A_10 = arith.constant 0 : index
    %get3A_11 = arith.constant 0 : index
    %get3A_12 = vector.load %arg2[%get3A_10, %get3A_11] : memref<256x128xf32, #tpu.memory_space<vmem>>, vector<256x128xf32>
    %get3A_13 = arith.constant 0 : index
    %get3A_14 = arith.constant 0 : index
    %get3A_15 = vector.load %arg4[%get3A_13, %get3A_14] : memref<128x64xf32, #tpu.memory_space<vmem>>, vector<128x64xf32>
    %dot_general3A_16 = arith.constant dense<0.000000e+00> : vector<256x64xf32>
    %dot_general3A_17 = tpu.matmul %get3A_12, %get3A_15, %dot_general3A_16 {dimension_numbers = #tpu.dot_dimension_numbers<[1], [0], [0], [1], [0, 0, 1, 1], [], []>, precision = #tpu.contract_precision<fp32>, transpose_lhs_hint = false} : vector<256x128xf32>, vector<128x64xf32>, vector<256x64xf32> -> vector<256x64xf32>
    %get3A_18 = arith.constant 0 : index
    %get3A_19 = arith.constant 0 : index
    %get3A_20 = vector.load %arg5[%get3A_18, %get3A_19] : memref<1x64xf32, #tpu.memory_space<vmem>>, vector<1x64xf32>
    %add3A_21 = vector.broadcast %get3A_20 : vector<1x64xf32> to vector<256x64xf32>
    %add3A_22 = arith.addf %dot_general3A_17, %add3A_21 : vector<256x64xf32>
    %get3A_23 = arith.constant 0 : index
    %get3A_24 = arith.constant 0 : index
    %get3A_25 = arith.constant 0 : index
    %get3A_26 = vector.load %arg8[%get3A_23, %get3A_24, %get3A_25] : memref<3x64x64xf32, #tpu.memory_space<vmem>>, vector<3x64x64xf32>
    %get3A_27 = arith.constant 0 : index
    %get3A_28 = arith.constant 0 : index
    %get3A_29 = arith.constant 0 : index
    %get3A_30 = vector.load %arg9[%get3A_27, %get3A_28, %get3A_29] : memref<3x64x64xf32, #tpu.memory_space<vmem>>, vector<3x64x64xf32>
    %slice3A = vector.extract_strided_slice %get3A_26 {offsets = [0, 0, 0], sizes = [1, 64, 64], strides = [1, 1, 1]} : vector<3x64x64xf32> to vector<1x64x64xf32>
    %squeeze3A = vector.shape_cast %slice3A : vector<1x64x64xf32> to vector<64x64xf32>
    %dot_general3A_31 = arith.constant dense<0.000000e+00> : vector<256x64xf32>
    %dot_general3A_32 = tpu.matmul %add3A_9, %squeeze3A, %dot_general3A_31 {dimension_numbers = #tpu.dot_dimension_numbers<[1], [0], [0], [1], [0, 0, 1, 1], [], []>, precision = #tpu.contract_precision<fp32>, transpose_lhs_hint = false} : vector<256x64xf32>, vector<64x64xf32>, vector<256x64xf32> -> vector<256x64xf32>
    %slice3A_33 = vector.extract_strided_slice %get3A_26 {offsets = [1, 0, 0], sizes = [1, 64, 64], strides = [1, 1, 1]} : vector<3x64x64xf32> to vector<1x64x64xf32>
    %squeeze3A_34 = vector.shape_cast %slice3A_33 : vector<1x64x64xf32> to vector<64x64xf32>
    %dot_general3A_35 = arith.constant dense<0.000000e+00> : vector<256x64xf32>
    %dot_general3A_36 = tpu.matmul %add3A_9, %squeeze3A_34, %dot_general3A_35 {dimension_numbers = #tpu.dot_dimension_numbers<[1], [0], [0], [1], [0, 0, 1, 1], [], []>, precision = #tpu.contract_precision<fp32>, transpose_lhs_hint = false} : vector<256x64xf32>, vector<64x64xf32>, vector<256x64xf32> -> vector<256x64xf32>
    %slice3A_37 = vector.extract_strided_slice %get3A_26 {offsets = [2, 0, 0], sizes = [1, 64, 64], strides = [1, 1, 1]} : vector<3x64x64xf32> to vector<1x64x64xf32>
    %squeeze3A_38 = vector.shape_cast %slice3A_37 : vector<1x64x64xf32> to vector<64x64xf32>
    %dot_general3A_39 = arith.constant dense<0.000000e+00> : vector<256x64xf32>
    %dot_general3A_40 = tpu.matmul %add3A_9, %squeeze3A_38, %dot_general3A_39 {dimension_numbers = #tpu.dot_dimension_numbers<[1], [0], [0], [1], [0, 0, 1, 1], [], []>, precision = #tpu.contract_precision<fp32>, transpose_lhs_hint = false} : vector<256x64xf32>, vector<64x64xf32>, vector<256x64xf32> -> vector<256x64xf32>
    %slice3A_41 = vector.extract_strided_slice %get3A_30 {offsets = [0, 0, 0], sizes = [1, 64, 64], strides = [1, 1, 1]} : vector<3x64x64xf32> to vector<1x64x64xf32>
    %squeeze3A_42 = vector.shape_cast %slice3A_41 : vector<1x64x64xf32> to vector<64x64xf32>
    %dot_general3A_43 = arith.constant dense<0.000000e+00> : vector<256x64xf32>
    %dot_general3A_44 = tpu.matmul %add3A_9, %squeeze3A_42, %dot_general3A_43 {dimension_numbers = #tpu.dot_dimension_numbers<[1], [0], [0], [1], [0, 0, 1, 1], [], []>, precision = #tpu.contract_precision<fp32>, transpose_lhs_hint = false} : vector<256x64xf32>, vector<64x64xf32>, vector<256x64xf32> -> vector<256x64xf32>
    %slice3A_45 = vector.extract_strided_slice %get3A_30 {offsets = [1, 0, 0], sizes = [1, 64, 64], strides = [1, 1, 1]} : vector<3x64x64xf32> to vector<1x64x64xf32>
    %squeeze3A_46 = vector.shape_cast %slice3A_45 : vector<1x64x64xf32> to vector<64x64xf32>
    %dot_general3A_47 = arith.constant dense<0.000000e+00> : vector<256x64xf32>
    %dot_general3A_48 = tpu.matmul %add3A_9, %squeeze3A_46, %dot_general3A_47 {dimension_numbers = #tpu.dot_dimension_numbers<[1], [0], [0], [1], [0, 0, 1, 1], [], []>, precision = #tpu.contract_precision<fp32>, transpose_lhs_hint = false} : vector<256x64xf32>, vector<64x64xf32>, vector<256x64xf32> -> vector<256x64xf32>
    %slice3A_49 = vector.extract_strided_slice %get3A_30 {offsets = [2, 0, 0], sizes = [1, 64, 64], strides = [1, 1, 1]} : vector<3x64x64xf32> to vector<1x64x64xf32>
    %squeeze3A_50 = vector.shape_cast %slice3A_49 : vector<1x64x64xf32> to vector<64x64xf32>
    %dot_general3A_51 = arith.constant dense<0.000000e+00> : vector<256x64xf32>
    %dot_general3A_52 = tpu.matmul %add3A_9, %squeeze3A_50, %dot_general3A_51 {dimension_numbers = #tpu.dot_dimension_numbers<[1], [0], [0], [1], [0, 0, 1, 1], [], []>, precision = #tpu.contract_precision<fp32>, transpose_lhs_hint = false} : vector<256x64xf32>, vector<64x64xf32>, vector<256x64xf32> -> vector<256x64xf32>
    %get3A_53 = arith.constant 0 : index
    %get3A_54 = arith.constant 0 : index
    %get3A_55 = vector.load %arg1[%get3A_53, %get3A_54] : memref<256x3xf32, #tpu.memory_space<vmem>>, vector<256x3xf32>
    %broadcast_in_dim3A = arith.constant 0.000000e+00 : f32
    %broadcast_in_dim3A_56 = vector.broadcast %broadcast_in_dim3A : f32 to vector<256x61xf32>
    %swap3A = arith.constant 0 : index
    %swap3A_57 = arith.constant 0 : index
    %swap3A_58 = vector.load %arg10[%swap3A, %swap3A_57] : memref<256x64xf32, #tpu.memory_space<vmem>>, vector<256x64xf32>
    tpu.vector_store %arg10[%swap3A, %swap3A_57], %add3A_9 {strides = array<i32>} : memref<256x64xf32, #tpu.memory_space<vmem>>, vector<256x64xf32>,
    %concatenate3A = tpu.concatenate %get3A_55, %dot_general3A_32, %dot_general3A_36, %dot_general3A_40, %broadcast_in_dim3A_56 in 1 : vector<256x3xf32>, vector<256x64xf32>, vector<256x64xf32>, vector<256x64xf32>, vector<256x61xf32> -> vector<256x256xf32>
    %swap3A_59 = arith.constant 0 : index
    %swap3A_60 = arith.constant 0 : index
    %swap3A_61 = vector.load %arg11[%swap3A_59, %swap3A_60] : memref<256x256xf32, #tpu.memory_space<vmem>>, vector<256x256xf32>
    tpu.vector_store %arg11[%swap3A_59, %swap3A_60], %concatenate3A {strides = array<i32>} : memref<256x256xf32, #tpu.memory_space<vmem>>, vector<256x256xf32>,
    %concatenate3A_62 = tpu.concatenate %get3A_55, %dot_general3A_44, %dot_general3A_48, %dot_general3A_52, %broadcast_in_dim3A_56 in 1 : vector<256x3xf32>, vector<256x64xf32>, vector<256x64xf32>, vector<256x64xf32>, vector<256x61xf32> -> vector<256x256xf32>
    %swap3A_63 = arith.constant 0 : index
    %swap3A_64 = arith.constant 0 : index
    %swap3A_65 = vector.load %arg12[%swap3A_63, %swap3A_64] : memref<256x256xf32, #tpu.memory_space<vmem>>, vector<256x256xf32>
    tpu.vector_store %arg12[%swap3A_63, %swap3A_64], %concatenate3A_62 {strides = array<i32>} : memref<256x256xf32, #tpu.memory_space<vmem>>, vector<256x256xf32>,
    %broadcast_in_dim3A_66 = arith.constant 0.000000e+00 : f32
    %broadcast_in_dim3A_67 = vector.broadcast %broadcast_in_dim3A_66 : f32 to vector<256x192xf32>
    %concatenate3A_68 = tpu.concatenate %add3A_22, %broadcast_in_dim3A_67 in 1 : vector<256x64xf32>, vector<256x192xf32> -> vector<256x256xf32>
    %swap3A_69 = arith.constant 0 : index
    %swap3A_70 = arith.constant 0 : index
    %swap3A_71 = vector.load %arg13[%swap3A_69, %swap3A_70] : memref<256x256xf32, #tpu.memory_space<vmem>>, vector<256x256xf32>
    tpu.vector_store %arg13[%swap3A_69, %swap3A_70], %concatenate3A_68 {strides = array<i32>} : memref<256x256xf32, #tpu.memory_space<vmem>>, vector<256x256xf32>,
    return
  }
  func.func @transform_0(%arg0: i32) -> (i32, i32) {
    %c0_i32 = arith.constant 0 : i32
    %c0_i32_0 = arith.constant 0 : i32
    return %arg0, %c0_i32 : i32, i32
  }
  func.func @transform_1(%arg0: i32) -> (i32, i32) {
    %c0_i32 = arith.constant 0 : i32
    %c0_i32_0 = arith.constant 0 : i32
    return %arg0, %c0_i32 : i32, i32
  }
  func.func @transform_2(%arg0: i32) -> (i32, i32) {
    %c0_i32 = arith.constant 0 : i32
    %c0_i32_0 = arith.constant 0 : i32
    return %arg0, %c0_i32 : i32, i32
  }
  func.func @transform_3(%arg0: i32) -> (i32, i32) {
    %c0_i32 = arith.constant 0 : i32
    %c0_i32_0 = arith.constant 0 : i32
    %c0_i32_1 = arith.constant 0 : i32
    return %c0_i32, %c0_i32_0 : i32, i32
  }
  func.func @transform_4(%arg0: i32) -> (i32, i32) {
    %c0_i32 = arith.constant 0 : i32
    %c0_i32_0 = arith.constant 0 : i32
    %c0_i32_1 = arith.constant 0 : i32
    return %c0_i32, %c0_i32_0 : i32, i32
  }
  func.func @transform_5(%arg0: i32) -> (i32, i32) {
    %c0_i32 = arith.constant 0 : i32
    %c0_i32_0 = arith.constant 0 : i32
    %c0_i32_1 = arith.constant 0 : i32
    return %c0_i32, %c0_i32_0 : i32, i32
  }
  func.func @transform_6(%arg0: i32) -> (i32, i32) {
    %c0_i32 = arith.constant 0 : i32
    %c0_i32_0 = arith.constant 0 : i32
    %c0_i32_1 = arith.constant 0 : i32
    return %c0_i32, %c0_i32_0 : i32, i32
  }
  func.func @transform_7(%arg0: i32) -> (i32, i32, i32) {
    %c0_i32 = arith.constant 0 : i32
    %c0_i32_0 = arith.constant 0 : i32
    %c0_i32_1 = arith.constant 0 : i32
    %c0_i32_2 = arith.constant 0 : i32
    return %c0_i32, %c0_i32_0, %c0_i32_1 : i32, i32, i32
  }
  func.func @transform_8(%arg0: i32) -> (i32, i32, i32) {
    %c0_i32 = arith.constant 0 : i32
    %c0_i32_0 = arith.constant 0 : i32
    %c0_i32_1 = arith.constant 0 : i32
    %c0_i32_2 = arith.constant 0 : i32
    return %c0_i32, %c0_i32_0, %c0_i32_1 : i32, i32, i32
  }
  func.func @transform_9(%arg0: i32) -> (i32, i32) {
    %c0_i32 = arith.constant 0 : i32
    %c0_i32_0 = arith.constant 0 : i32
    return %arg0, %c0_i32 : i32, i32
  }
  func.func @transform_10(%arg0: i32) -> (i32, i32) {
    %c0_i32 = arith.constant 0 : i32
    %c0_i32_0 = arith.constant 0 : i32
    return %arg0, %c0_i32 : i32, i32
  }
  func.func @transform_11(%arg0: i32) -> (i32, i32) {
    %c0_i32 = arith.constant 0 : i32
    %c0_i32_0 = arith.constant 0 : i32
    return %arg0, %c0_i32 : i32, i32
  }
  func.func @transform_12(%arg0: i32) -> (i32, i32) {
    %c0_i32 = arith.constant 0 : i32
    %c0_i32_0 = arith.constant 0 : i32
    return %arg0, %c0_i32 : i32, i32
  }
}

module attributes {stable_mosaic.version = 14 : i64} {
  func.func @body(%arg0: i32, %arg1: memref<2048x256xf32, #tpu.memory_space<vmem>>, %arg2: memref<2048x256xf32, #tpu.memory_space<vmem>>, %arg3: memref<3x16x64xf32, #tpu.memory_space<vmem>>, %arg4: memref<3x2048x64xf32, #tpu.memory_space<vmem>>, %arg5: memref<2048x8xf32, #tpu.memory_space<vmem>>) attributes {dimension_semantics = [#tpu.dimension_semantics<arbitrary>], iteration_bounds = array<i64: 158>, scalar_prefetch = 0 : i64, scratch_operands = 0 : i64, tpu.core_type = #tpu.core_type<tc>, window_params = [{transform_indices = @transform_0, window_bounds = array<i64: 2048, 256>}, {transform_indices = @transform_1, window_bounds = array<i64: 2048, 256>}, {pipeline_mode = #tpu.pipeline_mode<synchronous>, transform_indices = @transform_2, window_bounds = array<i64: 3, 16, 64>}, {transform_indices = @transform_3, window_bounds = array<i64: 3, 2048, 64>}, {transform_indices = @transform_4, window_bounds = array<i64: 2048, 8>}]} {
    %iota3A = tpu.iota {dimensions = array<i32: 1>} : vector<1x16xi32>
    %convert_element_type3A = arith.sitofp %iota3A : vector<1x16xi32> to vector<1x16xf32>
    %mul3A = arith.constant 0.333333343 : f32
    %mul3A_0 = vector.broadcast %mul3A : f32 to vector<1x16xf32>
    %mul3A_1 = arith.mulf %convert_element_type3A, %mul3A_0 : vector<1x16xf32>
    %get3A = arith.constant 0 : index
    %get3A_2 = arith.constant 0 : index
    %get3A_3 = vector.load %arg1[%get3A, %get3A_2] : memref<2048x256xf32, #tpu.memory_space<vmem>>, vector<2048x256xf32>
    %get3A_4 = arith.constant 0 : index
    %get3A_5 = arith.constant 0 : index
    %get3A_6 = vector.load %arg2[%get3A_4, %get3A_5] : memref<2048x256xf32, #tpu.memory_space<vmem>>, vector<2048x256xf32>
    %slice3A = vector.extract_strided_slice %get3A_3 {offsets = [0, 0], sizes = [2048, 3], strides = [1, 1]} : vector<2048x256xf32> to vector<2048x3xf32>
    %slice3A_7 = vector.extract_strided_slice %get3A_6 {offsets = [0, 0], sizes = [2048, 3], strides = [1, 1]} : vector<2048x256xf32> to vector<2048x3xf32>
    %sub3A = arith.subf %slice3A_7, %slice3A : vector<2048x3xf32>
    %mul3A_8 = arith.mulf %sub3A, %sub3A : vector<2048x3xf32>
    %reduce_sum3A = arith.constant dense<0.000000e+00> : vector<2048xf32>
    %reduce_sum3A_9 = vector.multi_reduction <add>, %mul3A_8, %reduce_sum3A [1] : vector<2048x3xf32> to vector<2048xf32>
    %broadcast_in_dim3A = vector.shape_cast %reduce_sum3A_9 : vector<2048xf32> to vector<2048x1xf32>
    %add3A = arith.constant 9.99999996E-13 : f32
    %add3A_10 = vector.broadcast %add3A : f32 to vector<2048x1xf32>
    %add3A_11 = arith.addf %broadcast_in_dim3A, %add3A_10 : vector<2048x1xf32>
    %sqrt3A = math.sqrt %add3A_11 : vector<2048x1xf32>
    %add3A_12 = arith.constant 9.99999971E-10 : f32
    %add3A_13 = vector.broadcast %add3A_12 : f32 to vector<2048x1xf32>
    %add3A_14 = arith.addf %sqrt3A, %add3A_13 : vector<2048x1xf32>
    %div3A = vector.broadcast %add3A_14 : vector<2048x1xf32> to vector<2048x3xf32>
    %div3A_15 = arith.divf %sub3A, %div3A : vector<2048x3xf32>
    %sub3A_16 = vector.broadcast %sqrt3A : vector<2048x1xf32> to vector<2048x16xf32>
    %sub3A_17 = vector.broadcast %mul3A_1 : vector<1x16xf32> to vector<2048x16xf32>
    %sub3A_18 = arith.subf %sub3A_16, %sub3A_17 : vector<2048x16xf32>
    %div3A_19 = arith.constant 3.125000e-01 : f32
    %div3A_20 = vector.broadcast %div3A_19 : f32 to vector<2048x16xf32>
    %div3A_21 = arith.divf %sub3A_18, %div3A_20 : vector<2048x16xf32>
    %integer_pow3A = arith.mulf %div3A_21, %div3A_21 : vector<2048x16xf32>
    %neg3A = arith.constant 0.000000e+00 : f32
    %neg3A_22 = vector.broadcast %neg3A : f32 to vector<2048x16xf32>
    %neg3A_23 = arith.subf %neg3A_22, %integer_pow3A : vector<2048x16xf32>
    %exp3A = math.exp %neg3A_23 : vector<2048x16xf32>
    %lt3A = arith.constant 5.000000e+00 : f32
    %lt3A_24 = vector.broadcast %lt3A : f32 to vector<2048x1xf32>
    %lt3A_25 = arith.cmpf olt, %sqrt3A, %lt3A_24 : vector<2048x1xf32>
    %mul3A_26 = arith.constant 3.14159274 : f32
    %mul3A_27 = vector.broadcast %mul3A_26 : f32 to vector<2048x1xf32>
    %mul3A_28 = arith.mulf %mul3A_27, %sqrt3A : vector<2048x1xf32>
    %div3A_29 = arith.constant 5.000000e+00 : f32
    %div3A_30 = vector.broadcast %div3A_29 : f32 to vector<2048x1xf32>
    %div3A_31 = arith.divf %mul3A_28, %div3A_30 : vector<2048x1xf32>
    %cos3A = math.cos %div3A_31 : vector<2048x1xf32>
    %add3A_32 = arith.constant 1.000000e+00 : f32
    %add3A_33 = vector.broadcast %add3A_32 : f32 to vector<2048x1xf32>
    %add3A_34 = arith.addf %cos3A, %add3A_33 : vector<2048x1xf32>
    %mul3A_35 = arith.constant 5.000000e-01 : f32
    %mul3A_36 = vector.broadcast %mul3A_35 : f32 to vector<2048x1xf32>
    %mul3A_37 = arith.mulf %mul3A_36, %add3A_34 : vector<2048x1xf32>
    %jit3A = arith.constant 0.000000e+00 : f32
    %broadcast_in_dim3A_38 = vector.broadcast %jit3A : f32 to vector<2048x1xf32>
    %select_n3A = arith.select %lt3A_25, %mul3A_37, %broadcast_in_dim3A_38 : vector<2048x1xi1>, vector<2048x1xf32>
    %mul3A_39 = vector.broadcast %select_n3A : vector<2048x1xf32> to vector<2048x16xf32>
    %mul3A_40 = arith.mulf %exp3A, %mul3A_39 : vector<2048x16xf32>
    %get3A_41 = arith.constant 0 : index
    %get3A_42 = arith.constant 0 : index
    %get3A_43 = arith.constant 0 : index
    %get3A_44 = vector.load %arg3[%get3A_41, %get3A_42, %get3A_43] : memref<3x16x64xf32, #tpu.memory_space<vmem>>, vector<3x16x64xf32>
    %slice3A_45 = vector.extract_strided_slice %get3A_44 {offsets = [0, 0, 0], sizes = [1, 16, 64], strides = [1, 1, 1]} : vector<3x16x64xf32> to vector<1x16x64xf32>
    %squeeze3A = vector.shape_cast %slice3A_45 : vector<1x16x64xf32> to vector<16x64xf32>
    %dot_general3A = arith.constant dense<0.000000e+00> : vector<2048x64xf32>
    %dot_general3A_46 = tpu.matmul %mul3A_40, %squeeze3A, %dot_general3A {dimension_numbers = #tpu.dot_dimension_numbers<[1], [0], [0], [1], [0, 0, 1, 1], [], []>, precision = #tpu.contract_precision<fp32>, transpose_lhs_hint = false} : vector<2048x16xf32>, vector<16x64xf32>, vector<2048x64xf32> -> vector<2048x64xf32>
    %slice3A_47 = vector.extract_strided_slice %get3A_3 {offsets = [0, 3], sizes = [2048, 64], strides = [1, 1]} : vector<2048x256xf32> to vector<2048x64xf32>
    %add3A_48 = arith.addf %dot_general3A_46, %slice3A_47 : vector<2048x64xf32>
    %slice3A_49 = vector.extract_strided_slice %get3A_6 {offsets = [0, 3], sizes = [2048, 64], strides = [1, 1]} : vector<2048x256xf32> to vector<2048x64xf32>
    %add3A_50 = arith.addf %add3A_48, %slice3A_49 : vector<2048x64xf32>
    %swap3A = arith.constant 0 : index
    %swap3A_51 = arith.constant 0 : index
    %swap3A_52 = arith.constant 0 : index
    %swap3A_53 = vector.load %arg4[%swap3A, %swap3A_51, %swap3A_52] : memref<3x2048x64xf32, #tpu.memory_space<vmem>>, vector<1x2048x64xf32>
    %swap3A_54 = vector.shape_cast %swap3A_53 : vector<1x2048x64xf32> to vector<2048x64xf32>
    %swap3A_55 = vector.shape_cast %add3A_50 : vector<2048x64xf32> to vector<1x2048x64xf32>
    tpu.vector_store %arg4[%swap3A, %swap3A_51, %swap3A_52], %swap3A_55 {strides = array<i32>} : memref<3x2048x64xf32, #tpu.memory_space<vmem>>, vector<1x2048x64xf32>,
    %slice3A_56 = vector.extract_strided_slice %get3A_44 {offsets = [1, 0, 0], sizes = [1, 16, 64], strides = [1, 1, 1]} : vector<3x16x64xf32> to vector<1x16x64xf32>
    %squeeze3A_57 = vector.shape_cast %slice3A_56 : vector<1x16x64xf32> to vector<16x64xf32>
    %dot_general3A_58 = arith.constant dense<0.000000e+00> : vector<2048x64xf32>
    %dot_general3A_59 = tpu.matmul %mul3A_40, %squeeze3A_57, %dot_general3A_58 {dimension_numbers = #tpu.dot_dimension_numbers<[1], [0], [0], [1], [0, 0, 1, 1], [], []>, precision = #tpu.contract_precision<fp32>, transpose_lhs_hint = false} : vector<2048x16xf32>, vector<16x64xf32>, vector<2048x64xf32> -> vector<2048x64xf32>
    %slice3A_60 = vector.extract_strided_slice %get3A_3 {offsets = [0, 67], sizes = [2048, 64], strides = [1, 1]} : vector<2048x256xf32> to vector<2048x64xf32>
    %add3A_61 = arith.addf %dot_general3A_59, %slice3A_60 : vector<2048x64xf32>
    %slice3A_62 = vector.extract_strided_slice %get3A_6 {offsets = [0, 67], sizes = [2048, 64], strides = [1, 1]} : vector<2048x256xf32> to vector<2048x64xf32>
    %add3A_63 = arith.addf %add3A_61, %slice3A_62 : vector<2048x64xf32>
    %swap3A_64 = arith.constant 1 : index
    %swap3A_65 = arith.constant 0 : index
    %swap3A_66 = arith.constant 0 : index
    %swap3A_67 = vector.load %arg4[%swap3A_64, %swap3A_65, %swap3A_66] : memref<3x2048x64xf32, #tpu.memory_space<vmem>>, vector<1x2048x64xf32>
    %swap3A_68 = vector.shape_cast %swap3A_67 : vector<1x2048x64xf32> to vector<2048x64xf32>
    %swap3A_69 = vector.shape_cast %add3A_63 : vector<2048x64xf32> to vector<1x2048x64xf32>
    tpu.vector_store %arg4[%swap3A_64, %swap3A_65, %swap3A_66], %swap3A_69 {strides = array<i32>} : memref<3x2048x64xf32, #tpu.memory_space<vmem>>, vector<1x2048x64xf32>,
    %slice3A_70 = vector.extract_strided_slice %get3A_44 {offsets = [2, 0, 0], sizes = [1, 16, 64], strides = [1, 1, 1]} : vector<3x16x64xf32> to vector<1x16x64xf32>
    %squeeze3A_71 = vector.shape_cast %slice3A_70 : vector<1x16x64xf32> to vector<16x64xf32>
    %dot_general3A_72 = arith.constant dense<0.000000e+00> : vector<2048x64xf32>
    %dot_general3A_73 = tpu.matmul %mul3A_40, %squeeze3A_71, %dot_general3A_72 {dimension_numbers = #tpu.dot_dimension_numbers<[1], [0], [0], [1], [0, 0, 1, 1], [], []>, precision = #tpu.contract_precision<fp32>, transpose_lhs_hint = false} : vector<2048x16xf32>, vector<16x64xf32>, vector<2048x64xf32> -> vector<2048x64xf32>
    %slice3A_74 = vector.extract_strided_slice %get3A_3 {offsets = [0, 131], sizes = [2048, 64], strides = [1, 1]} : vector<2048x256xf32> to vector<2048x64xf32>
    %add3A_75 = arith.addf %dot_general3A_73, %slice3A_74 : vector<2048x64xf32>
    %slice3A_76 = vector.extract_strided_slice %get3A_6 {offsets = [0, 131], sizes = [2048, 64], strides = [1, 1]} : vector<2048x256xf32> to vector<2048x64xf32>
    %add3A_77 = arith.addf %add3A_75, %slice3A_76 : vector<2048x64xf32>
    %swap3A_78 = arith.constant 2 : index
    %swap3A_79 = arith.constant 0 : index
    %swap3A_80 = arith.constant 0 : index
    %swap3A_81 = vector.load %arg4[%swap3A_78, %swap3A_79, %swap3A_80] : memref<3x2048x64xf32, #tpu.memory_space<vmem>>, vector<1x2048x64xf32>
    %swap3A_82 = vector.shape_cast %swap3A_81 : vector<1x2048x64xf32> to vector<2048x64xf32>
    %swap3A_83 = vector.shape_cast %add3A_77 : vector<2048x64xf32> to vector<1x2048x64xf32>
    tpu.vector_store %arg4[%swap3A_78, %swap3A_79, %swap3A_80], %swap3A_83 {strides = array<i32>} : memref<3x2048x64xf32, #tpu.memory_space<vmem>>, vector<1x2048x64xf32>,
    %broadcast_in_dim3A_84 = arith.constant 0.000000e+00 : f32
    %broadcast_in_dim3A_85 = vector.broadcast %broadcast_in_dim3A_84 : f32 to vector<2048x4xf32>
    %concatenate3A = tpu.concatenate %div3A_15, %sqrt3A, %broadcast_in_dim3A_85 in 1 : vector<2048x3xf32>, vector<2048x1xf32>, vector<2048x4xf32> -> vector<2048x8xf32>
    %swap3A_86 = arith.constant 0 : index
    %swap3A_87 = arith.constant 0 : index
    %swap3A_88 = vector.load %arg5[%swap3A_86, %swap3A_87] : memref<2048x8xf32, #tpu.memory_space<vmem>>, vector<2048x8xf32>
    tpu.vector_store %arg5[%swap3A_86, %swap3A_87], %concatenate3A {strides = array<i32>} : memref<2048x8xf32, #tpu.memory_space<vmem>>, vector<2048x8xf32>,
    return
  }
  func.func @transform_0(%arg0: i32) -> (i32, i32) {
    %c0_i32 = arith.constant 0 : i32
    %c0_i32_0 = arith.constant 0 : i32
    return %arg0, %c0_i32 : i32, i32
  }
  func.func @transform_1(%arg0: i32) -> (i32, i32) {
    %c0_i32 = arith.constant 0 : i32
    %c0_i32_0 = arith.constant 0 : i32
    return %arg0, %c0_i32 : i32, i32
  }
  func.func @transform_2(%arg0: i32) -> (i32, i32, i32) {
    %c0_i32 = arith.constant 0 : i32
    %c0_i32_0 = arith.constant 0 : i32
    %c0_i32_1 = arith.constant 0 : i32
    %c0_i32_2 = arith.constant 0 : i32
    return %c0_i32, %c0_i32_0, %c0_i32_1 : i32, i32, i32
  }
  func.func @transform_3(%arg0: i32) -> (i32, i32, i32) {
    %c0_i32 = arith.constant 0 : i32
    %c0_i32_0 = arith.constant 0 : i32
    %c0_i32_1 = arith.constant 0 : i32
    return %c0_i32, %arg0, %c0_i32_0 : i32, i32, i32
  }
  func.func @transform_4(%arg0: i32) -> (i32, i32) {
    %c0_i32 = arith.constant 0 : i32
    %c0_i32_0 = arith.constant 0 : i32
    return %arg0, %c0_i32 : i32, i32
  }
}

module attributes {stable_mosaic.version = 14 : i64} {
  func.func @body(%arg0: i32, %arg1: memref<1x2048x64xf32, #tpu.memory_space<vmem>>, %arg2: memref<2048x8xf32, #tpu.memory_space<vmem>>, %arg3: memref<2048x256xf32, #tpu.memory_space<vmem>>, %arg4: memref<1x64x320xf32, #tpu.memory_space<vmem>>, %arg5: memref<2048x256xf32, #tpu.memory_space<vmem>>) attributes {dimension_semantics = [#tpu.dimension_semantics<arbitrary>], iteration_bounds = array<i64: 158>, scalar_prefetch = 0 : i64, scratch_operands = 0 : i64, tpu.core_type = #tpu.core_type<tc>, window_params = [{transform_indices = @transform_0, window_bounds = array<i64: 1, 2048, 64>}, {transform_indices = @transform_1, window_bounds = array<i64: 2048, 8>}, {transform_indices = @transform_2, window_bounds = array<i64: 2048, 256>}, {transform_indices = @transform_3, window_bounds = array<i64: 1, 64, 320>}, {transform_indices = @transform_4, window_bounds = array<i64: 2048, 256>}]} {
    %get3A = arith.constant 0 : index
    %get3A_0 = arith.constant 0 : index
    %get3A_1 = arith.constant 0 : index
    %get3A_2 = vector.load %arg1[%get3A, %get3A_0, %get3A_1] : memref<1x2048x64xf32, #tpu.memory_space<vmem>>, vector<1x2048x64xf32>
    %get3A_3 = vector.shape_cast %get3A_2 : vector<1x2048x64xf32> to vector<2048x64xf32>
    %logistic3A = arith.negf %get3A_3 : vector<2048x64xf32>
    %logistic3A_4 = math.exp %logistic3A : vector<2048x64xf32>
    %logistic3A_5 = arith.constant 1.000000e+00 : f32
    %logistic3A_6 = vector.broadcast %logistic3A_5 : f32 to vector<2048x64xf32>
    %logistic3A_7 = arith.addf %logistic3A_6, %logistic3A_4 : vector<2048x64xf32>
    %logistic3A_8 = arith.divf %logistic3A_6, %logistic3A_7 : vector<2048x64xf32>
    %mul3A = arith.mulf %get3A_3, %logistic3A_8 : vector<2048x64xf32>
    %get3A_9 = arith.constant 0 : index
    %get3A_10 = arith.constant 0 : index
    %get3A_11 = arith.constant 0 : index
    %get3A_12 = vector.load %arg4[%get3A_9, %get3A_10, %get3A_11] : memref<1x64x320xf32, #tpu.memory_space<vmem>>, vector<1x64x320xf32>
    %get3A_13 = vector.shape_cast %get3A_12 : vector<1x64x320xf32> to vector<64x320xf32>
    %dot_general3A = arith.constant dense<0.000000e+00> : vector<2048x320xf32>
    %dot_general3A_14 = tpu.matmul %mul3A, %get3A_13, %dot_general3A {dimension_numbers = #tpu.dot_dimension_numbers<[1], [0], [0], [1], [0, 0, 1, 1], [], []>, precision = #tpu.contract_precision<fp32>, transpose_lhs_hint = false} : vector<2048x64xf32>, vector<64x320xf32>, vector<2048x320xf32> -> vector<2048x320xf32>
    %get3A_15 = arith.constant 0 : index
    %get3A_16 = arith.constant 0 : index
    %get3A_17 = vector.load %arg3[%get3A_15, %get3A_16] : memref<2048x256xf32, #tpu.memory_space<vmem>>, vector<2048x256xf32>
    %get3A_18 = arith.constant 0 : index
    %get3A_19 = arith.constant 0 : index
    %get3A_20 = vector.load %arg2[%get3A_18, %get3A_19] : memref<2048x8xf32, #tpu.memory_space<vmem>>, vector<2048x8xf32>
    %slice3A = vector.extract_strided_slice %get3A_17 {offsets = [0, 0], sizes = [2048, 64], strides = [1, 1]} : vector<2048x256xf32> to vector<2048x64xf32>
    %slice3A_21 = vector.extract_strided_slice %get3A_17 {offsets = [0, 64], sizes = [2048, 64], strides = [1, 1]} : vector<2048x256xf32> to vector<2048x64xf32>
    %slice3A_22 = vector.extract_strided_slice %get3A_17 {offsets = [0, 128], sizes = [2048, 64], strides = [1, 1]} : vector<2048x256xf32> to vector<2048x64xf32>
    %slice3A_23 = vector.extract_strided_slice %get3A_17 {offsets = [0, 192], sizes = [2048, 64], strides = [1, 1]} : vector<2048x256xf32> to vector<2048x64xf32>
    %slice3A_24 = vector.extract_strided_slice %get3A_20 {offsets = [0, 0], sizes = [2048, 1], strides = [1, 1]} : vector<2048x8xf32> to vector<2048x1xf32>
    %slice3A_25 = vector.extract_strided_slice %get3A_20 {offsets = [0, 1], sizes = [2048, 1], strides = [1, 1]} : vector<2048x8xf32> to vector<2048x1xf32>
    %slice3A_26 = vector.extract_strided_slice %get3A_20 {offsets = [0, 2], sizes = [2048, 1], strides = [1, 1]} : vector<2048x8xf32> to vector<2048x1xf32>
    %slice3A_27 = vector.extract_strided_slice %dot_general3A_14 {offsets = [0, 0], sizes = [2048, 64], strides = [1, 1]} : vector<2048x320xf32> to vector<2048x64xf32>
    %slice3A_28 = vector.extract_strided_slice %dot_general3A_14 {offsets = [0, 64], sizes = [2048, 64], strides = [1, 1]} : vector<2048x320xf32> to vector<2048x64xf32>
    %slice3A_29 = vector.extract_strided_slice %dot_general3A_14 {offsets = [0, 128], sizes = [2048, 64], strides = [1, 1]} : vector<2048x320xf32> to vector<2048x64xf32>
    %slice3A_30 = vector.extract_strided_slice %dot_general3A_14 {offsets = [0, 192], sizes = [2048, 64], strides = [1, 1]} : vector<2048x320xf32> to vector<2048x64xf32>
    %slice3A_31 = vector.extract_strided_slice %dot_general3A_14 {offsets = [0, 256], sizes = [2048, 64], strides = [1, 1]} : vector<2048x320xf32> to vector<2048x64xf32>
    %mul3A_32 = vector.broadcast %slice3A_24 : vector<2048x1xf32> to vector<2048x64xf32>
    %mul3A_33 = arith.mulf %slice3A_21, %mul3A_32 : vector<2048x64xf32>
    %mul3A_34 = vector.broadcast %slice3A_25 : vector<2048x1xf32> to vector<2048x64xf32>
    %mul3A_35 = arith.mulf %slice3A_22, %mul3A_34 : vector<2048x64xf32>
    %add3A = arith.addf %mul3A_33, %mul3A_35 : vector<2048x64xf32>
    %mul3A_36 = vector.broadcast %slice3A_26 : vector<2048x1xf32> to vector<2048x64xf32>
    %mul3A_37 = arith.mulf %slice3A_23, %mul3A_36 : vector<2048x64xf32>
    %add3A_38 = arith.addf %add3A, %mul3A_37 : vector<2048x64xf32>
    %mul3A_39 = arith.mulf %slice3A_27, %slice3A : vector<2048x64xf32>
    %mul3A_40 = arith.mulf %slice3A_30, %add3A_38 : vector<2048x64xf32>
    %add3A_41 = arith.addf %mul3A_39, %mul3A_40 : vector<2048x64xf32>
    %mul3A_42 = arith.constant 0.245887354 : f32
    %mul3A_43 = vector.broadcast %mul3A_42 : f32 to vector<2048x64xf32>
    %mul3A_44 = arith.mulf %add3A_41, %mul3A_43 : vector<2048x64xf32>
    %mul3A_45 = arith.mulf %slice3A_28, %slice3A : vector<2048x64xf32>
    %mul3A_46 = vector.broadcast %slice3A_24 : vector<2048x1xf32> to vector<2048x64xf32>
    %mul3A_47 = arith.mulf %mul3A_45, %mul3A_46 : vector<2048x64xf32>
    %mul3A_48 = arith.mulf %slice3A_29, %slice3A_21 : vector<2048x64xf32>
    %add3A_49 = arith.addf %mul3A_47, %mul3A_48 : vector<2048x64xf32>
    %mul3A_50 = vector.broadcast %slice3A_26 : vector<2048x1xf32> to vector<2048x64xf32>
    %mul3A_51 = arith.mulf %slice3A_22, %mul3A_50 : vector<2048x64xf32>
    %mul3A_52 = vector.broadcast %slice3A_25 : vector<2048x1xf32> to vector<2048x64xf32>
    %mul3A_53 = arith.mulf %slice3A_23, %mul3A_52 : vector<2048x64xf32>
    %sub3A = arith.subf %mul3A_51, %mul3A_53 : vector<2048x64xf32>
    %mul3A_54 = arith.mulf %slice3A_31, %sub3A : vector<2048x64xf32>
    %add3A_55 = arith.addf %add3A_49, %mul3A_54 : vector<2048x64xf32>
    %mul3A_56 = arith.constant 0.245887354 : f32
    %mul3A_57 = vector.broadcast %mul3A_56 : f32 to vector<2048x64xf32>
    %mul3A_58 = arith.mulf %add3A_55, %mul3A_57 : vector<2048x64xf32>
    %mul3A_59 = vector.broadcast %slice3A_25 : vector<2048x1xf32> to vector<2048x64xf32>
    %mul3A_60 = arith.mulf %mul3A_45, %mul3A_59 : vector<2048x64xf32>
    %mul3A_61 = arith.mulf %slice3A_29, %slice3A_22 : vector<2048x64xf32>
    %add3A_62 = arith.addf %mul3A_60, %mul3A_61 : vector<2048x64xf32>
    %mul3A_63 = vector.broadcast %slice3A_24 : vector<2048x1xf32> to vector<2048x64xf32>
    %mul3A_64 = arith.mulf %slice3A_23, %mul3A_63 : vector<2048x64xf32>
    %mul3A_65 = vector.broadcast %slice3A_26 : vector<2048x1xf32> to vector<2048x64xf32>
    %mul3A_66 = arith.mulf %slice3A_21, %mul3A_65 : vector<2048x64xf32>
    %sub3A_67 = arith.subf %mul3A_64, %mul3A_66 : vector<2048x64xf32>
    %mul3A_68 = arith.mulf %slice3A_31, %sub3A_67 : vector<2048x64xf32>
    %add3A_69 = arith.addf %add3A_62, %mul3A_68 : vector<2048x64xf32>
    %mul3A_70 = arith.constant 0.245887354 : f32
    %mul3A_71 = vector.broadcast %mul3A_70 : f32 to vector<2048x64xf32>
    %mul3A_72 = arith.mulf %add3A_69, %mul3A_71 : vector<2048x64xf32>
    %mul3A_73 = vector.broadcast %slice3A_26 : vector<2048x1xf32> to vector<2048x64xf32>
    %mul3A_74 = arith.mulf %mul3A_45, %mul3A_73 : vector<2048x64xf32>
    %mul3A_75 = arith.mulf %slice3A_29, %slice3A_23 : vector<2048x64xf32>
    %add3A_76 = arith.addf %mul3A_74, %mul3A_75 : vector<2048x64xf32>
    %mul3A_77 = vector.broadcast %slice3A_25 : vector<2048x1xf32> to vector<2048x64xf32>
    %mul3A_78 = arith.mulf %slice3A_21, %mul3A_77 : vector<2048x64xf32>
    %mul3A_79 = vector.broadcast %slice3A_24 : vector<2048x1xf32> to vector<2048x64xf32>
    %mul3A_80 = arith.mulf %slice3A_22, %mul3A_79 : vector<2048x64xf32>
    %sub3A_81 = arith.subf %mul3A_78, %mul3A_80 : vector<2048x64xf32>
    %mul3A_82 = arith.mulf %slice3A_31, %sub3A_81 : vector<2048x64xf32>
    %add3A_83 = arith.addf %add3A_76, %mul3A_82 : vector<2048x64xf32>
    %mul3A_84 = arith.constant 0.245887354 : f32
    %mul3A_85 = vector.broadcast %mul3A_84 : f32 to vector<2048x64xf32>
    %mul3A_86 = arith.mulf %add3A_83, %mul3A_85 : vector<2048x64xf32>
    %concatenate3A = tpu.concatenate %mul3A_44, %mul3A_58, %mul3A_72, %mul3A_86 in 1 : vector<2048x64xf32>, vector<2048x64xf32>, vector<2048x64xf32>, vector<2048x64xf32> -> vector<2048x256xf32>
    %swap3A = arith.constant 0 : index
    %swap3A_87 = arith.constant 0 : index
    %swap3A_88 = vector.load %arg5[%swap3A, %swap3A_87] : memref<2048x256xf32, #tpu.memory_space<vmem>>, vector<2048x256xf32>
    tpu.vector_store %arg5[%swap3A, %swap3A_87], %concatenate3A {strides = array<i32>} : memref<2048x256xf32, #tpu.memory_space<vmem>>, vector<2048x256xf32>,
    return
  }
  func.func @transform_0(%arg0: i32) -> (i32, i32, i32) {
    %c0_i32 = arith.constant 0 : i32
    %c0_i32_0 = arith.constant 0 : i32
    %c0_i32_1 = arith.constant 0 : i32
    return %c0_i32, %arg0, %c0_i32_0 : i32, i32, i32
  }
  func.func @transform_1(%arg0: i32) -> (i32, i32) {
    %c0_i32 = arith.constant 0 : i32
    %c0_i32_0 = arith.constant 0 : i32
    return %arg0, %c0_i32 : i32, i32
  }
  func.func @transform_2(%arg0: i32) -> (i32, i32) {
    %c0_i32 = arith.constant 0 : i32
    %c0_i32_0 = arith.constant 0 : i32
    return %arg0, %c0_i32 : i32, i32
  }
  func.func @transform_3(%arg0: i32) -> (i32, i32, i32) {
    %c0_i32 = arith.constant 0 : i32
    %c0_i32_0 = arith.constant 0 : i32
    %c0_i32_1 = arith.constant 0 : i32
    %c0_i32_2 = arith.constant 0 : i32
    return %c0_i32, %c0_i32_0, %c0_i32_1 : i32, i32, i32
  }
  func.func @transform_4(%arg0: i32) -> (i32, i32) {
    %c0_i32 = arith.constant 0 : i32
    %c0_i32_0 = arith.constant 0 : i32
    return %arg0, %c0_i32 : i32, i32
  }
}

module attributes {stable_mosaic.version = 14 : i64} {
  func.func @body(%arg0: i32, %arg1: memref<256x256xf32, #tpu.memory_space<vmem>>, %arg2: memref<256x256xf32, #tpu.memory_space<vmem>>, %arg3: memref<256x64xf32, #tpu.memory_space<vmem>>, %arg4: memref<1x64x128xf32, #tpu.memory_space<vmem>>, %arg5: memref<1x64x128xf32, #tpu.memory_space<vmem>>, %arg6: memref<1x64x64xf32, #tpu.memory_space<vmem>>, %arg7: memref<1x64x64xf32, #tpu.memory_space<vmem>>, %arg8: memref<256x256xf32, #tpu.memory_space<vmem>>) attributes {dimension_semantics = [#tpu.dimension_semantics<arbitrary>], iteration_bounds = array<i64: 40>, scalar_prefetch = 0 : i64, scratch_operands = 0 : i64, tpu.core_type = #tpu.core_type<tc>, window_params = [{transform_indices = @transform_0, window_bounds = array<i64: 256, 256>}, {transform_indices = @transform_1, window_bounds = array<i64: 256, 256>}, {transform_indices = @transform_2, window_bounds = array<i64: 256, 64>}, {transform_indices = @transform_3, window_bounds = array<i64: 1, 64, 128>}, {transform_indices = @transform_4, window_bounds = array<i64: 1, 64, 128>}, {transform_indices = @transform_5, window_bounds = array<i64: 1, 64, 64>}, {transform_indices = @transform_6, window_bounds = array<i64: 1, 64, 64>}, {transform_indices = @transform_7, window_bounds = array<i64: 256, 256>}]} {
    %get3A = arith.constant 0 : index
    %get3A_0 = arith.constant 0 : index
    %get3A_1 = vector.load %arg1[%get3A, %get3A_0] : memref<256x256xf32, #tpu.memory_space<vmem>>, vector<256x256xf32>
    %get3A_2 = arith.constant 0 : index
    %get3A_3 = arith.constant 0 : index
    %get3A_4 = vector.load %arg2[%get3A_2, %get3A_3] : memref<256x256xf32, #tpu.memory_space<vmem>>, vector<256x256xf32>
    %get3A_5 = arith.constant 0 : index
    %get3A_6 = arith.constant 0 : index
    %get3A_7 = vector.load %arg3[%get3A_5, %get3A_6] : memref<256x64xf32, #tpu.memory_space<vmem>>, vector<256x64xf32>
    %slice3A = vector.extract_strided_slice %get3A_1 {offsets = [0, 0], sizes = [256, 64], strides = [1, 1]} : vector<256x256xf32> to vector<256x64xf32>
    %slice3A_8 = vector.extract_strided_slice %get3A_4 {offsets = [0, 0], sizes = [256, 64], strides = [1, 1]} : vector<256x256xf32> to vector<256x64xf32>
    %get3A_9 = arith.constant 0 : index
    %get3A_10 = arith.constant 0 : index
    %get3A_11 = arith.constant 0 : index
    %get3A_12 = vector.load %arg4[%get3A_9, %get3A_10, %get3A_11] : memref<1x64x128xf32, #tpu.memory_space<vmem>>, vector<1x64x128xf32>
    %get3A_13 = vector.shape_cast %get3A_12 : vector<1x64x128xf32> to vector<64x128xf32>
    %dot_general3A = arith.constant dense<0.000000e+00> : vector<256x128xf32>
    %dot_general3A_14 = tpu.matmul %slice3A, %get3A_13, %dot_general3A {dimension_numbers = #tpu.dot_dimension_numbers<[1], [0], [0], [1], [0, 0, 1, 1], [], []>, precision = #tpu.contract_precision<fp32>, transpose_lhs_hint = false} : vector<256x64xf32>, vector<64x128xf32>, vector<256x128xf32> -> vector<256x128xf32>
    %mul3A = arith.mulf %slice3A_8, %get3A_7 : vector<256x64xf32>
    %get3A_15 = arith.constant 0 : index
    %get3A_16 = arith.constant 0 : index
    %get3A_17 = arith.constant 0 : index
    %get3A_18 = vector.load %arg5[%get3A_15, %get3A_16, %get3A_17] : memref<1x64x128xf32, #tpu.memory_space<vmem>>, vector<1x64x128xf32>
    %get3A_19 = vector.shape_cast %get3A_18 : vector<1x64x128xf32> to vector<64x128xf32>
    %dot_general3A_20 = arith.constant dense<0.000000e+00> : vector<256x128xf32>
    %dot_general3A_21 = tpu.matmul %mul3A, %get3A_19, %dot_general3A_20 {dimension_numbers = #tpu.dot_dimension_numbers<[1], [0], [0], [1], [0, 0, 1, 1], [], []>, precision = #tpu.contract_precision<fp32>, transpose_lhs_hint = false} : vector<256x64xf32>, vector<64x128xf32>, vector<256x128xf32> -> vector<256x128xf32>
    %add3A = arith.addf %dot_general3A_14, %dot_general3A_21 : vector<256x128xf32>
    %get3A_22 = arith.constant 0 : index
    %get3A_23 = arith.constant 0 : index
    %get3A_24 = arith.constant 0 : index
    %get3A_25 = vector.load %arg6[%get3A_22, %get3A_23, %get3A_24] : memref<1x64x64xf32, #tpu.memory_space<vmem>>, vector<1x64x64xf32>
    %get3A_26 = vector.shape_cast %get3A_25 : vector<1x64x64xf32> to vector<64x64xf32>
    %get3A_27 = arith.constant 0 : index
    %get3A_28 = arith.constant 0 : index
    %get3A_29 = arith.constant 0 : index
    %get3A_30 = vector.load %arg7[%get3A_27, %get3A_28, %get3A_29] : memref<1x64x64xf32, #tpu.memory_space<vmem>>, vector<1x64x64xf32>
    %get3A_31 = vector.shape_cast %get3A_30 : vector<1x64x64xf32> to vector<64x64xf32>
    %slice3A_32 = vector.extract_strided_slice %get3A_1 {offsets = [0, 64], sizes = [256, 64], strides = [1, 1]} : vector<256x256xf32> to vector<256x64xf32>
    %slice3A_33 = vector.extract_strided_slice %get3A_4 {offsets = [0, 64], sizes = [256, 64], strides = [1, 1]} : vector<256x256xf32> to vector<256x64xf32>
    %dot_general3A_34 = arith.constant dense<0.000000e+00> : vector<256x64xf32>
    %dot_general3A_35 = tpu.matmul %slice3A_32, %get3A_26, %dot_general3A_34 {dimension_numbers = #tpu.dot_dimension_numbers<[1], [0], [0], [1], [0, 0, 1, 1], [], []>, precision = #tpu.contract_precision<fp32>, transpose_lhs_hint = false} : vector<256x64xf32>, vector<64x64xf32>, vector<256x64xf32> -> vector<256x64xf32>
    %dot_general3A_36 = arith.constant dense<0.000000e+00> : vector<256x64xf32>
    %dot_general3A_37 = tpu.matmul %slice3A_33, %get3A_31, %dot_general3A_36 {dimension_numbers = #tpu.dot_dimension_numbers<[1], [0], [0], [1], [0, 0, 1, 1], [], []>, precision = #tpu.contract_precision<fp32>, transpose_lhs_hint = false} : vector<256x64xf32>, vector<64x64xf32>, vector<256x64xf32> -> vector<256x64xf32>
    %add3A_38 = arith.addf %dot_general3A_35, %dot_general3A_37 : vector<256x64xf32>
    %slice3A_39 = vector.extract_strided_slice %get3A_1 {offsets = [0, 128], sizes = [256, 64], strides = [1, 1]} : vector<256x256xf32> to vector<256x64xf32>
    %slice3A_40 = vector.extract_strided_slice %get3A_4 {offsets = [0, 128], sizes = [256, 64], strides = [1, 1]} : vector<256x256xf32> to vector<256x64xf32>
    %dot_general3A_41 = arith.constant dense<0.000000e+00> : vector<256x64xf32>
    %dot_general3A_42 = tpu.matmul %slice3A_39, %get3A_26, %dot_general3A_41 {dimension_numbers = #tpu.dot_dimension_numbers<[1], [0], [0], [1], [0, 0, 1, 1], [], []>, precision = #tpu.contract_precision<fp32>, transpose_lhs_hint = false} : vector<256x64xf32>, vector<64x64xf32>, vector<256x64xf32> -> vector<256x64xf32>
    %dot_general3A_43 = arith.constant dense<0.000000e+00> : vector<256x64xf32>
    %dot_general3A_44 = tpu.matmul %slice3A_40, %get3A_31, %dot_general3A_43 {dimension_numbers = #tpu.dot_dimension_numbers<[1], [0], [0], [1], [0, 0, 1, 1], [], []>, precision = #tpu.contract_precision<fp32>, transpose_lhs_hint = false} : vector<256x64xf32>, vector<64x64xf32>, vector<256x64xf32> -> vector<256x64xf32>
    %add3A_45 = arith.addf %dot_general3A_42, %dot_general3A_44 : vector<256x64xf32>
    %slice3A_46 = vector.extract_strided_slice %get3A_1 {offsets = [0, 192], sizes = [256, 64], strides = [1, 1]} : vector<256x256xf32> to vector<256x64xf32>
    %slice3A_47 = vector.extract_strided_slice %get3A_4 {offsets = [0, 192], sizes = [256, 64], strides = [1, 1]} : vector<256x256xf32> to vector<256x64xf32>
    %dot_general3A_48 = arith.constant dense<0.000000e+00> : vector<256x64xf32>
    %dot_general3A_49 = tpu.matmul %slice3A_46, %get3A_26, %dot_general3A_48 {dimension_numbers = #tpu.dot_dimension_numbers<[1], [0], [0], [1], [0, 0, 1, 1], [], []>, precision = #tpu.contract_precision<fp32>, transpose_lhs_hint = false} : vector<256x64xf32>, vector<64x64xf32>, vector<256x64xf32> -> vector<256x64xf32>
    %dot_general3A_50 = arith.constant dense<0.000000e+00> : vector<256x64xf32>
    %dot_general3A_51 = tpu.matmul %slice3A_47, %get3A_31, %dot_general3A_50 {dimension_numbers = #tpu.dot_dimension_numbers<[1], [0], [0], [1], [0, 0, 1, 1], [], []>, precision = #tpu.contract_precision<fp32>, transpose_lhs_hint = false} : vector<256x64xf32>, vector<64x64xf32>, vector<256x64xf32> -> vector<256x64xf32>
    %add3A_52 = arith.addf %dot_general3A_49, %dot_general3A_51 : vector<256x64xf32>
    %slice3A_53 = vector.extract_strided_slice %add3A {offsets = [0, 0], sizes = [256, 64], strides = [1, 1]} : vector<256x128xf32> to vector<256x64xf32>
    %logistic3A = arith.negf %slice3A_53 : vector<256x64xf32>
    %logistic3A_54 = math.exp %logistic3A : vector<256x64xf32>
    %logistic3A_55 = arith.constant 1.000000e+00 : f32
    %logistic3A_56 = vector.broadcast %logistic3A_55 : f32 to vector<256x64xf32>
    %logistic3A_57 = arith.addf %logistic3A_56, %logistic3A_54 : vector<256x64xf32>
    %logistic3A_58 = arith.divf %logistic3A_56, %logistic3A_57 : vector<256x64xf32>
    %mul3A_59 = arith.mulf %slice3A_53, %logistic3A_58 : vector<256x64xf32>
    %slice3A_60 = vector.extract_strided_slice %add3A {offsets = [0, 64], sizes = [256, 64], strides = [1, 1]} : vector<256x128xf32> to vector<256x64xf32>
    %logistic3A_61 = arith.negf %slice3A_60 : vector<256x64xf32>
    %logistic3A_62 = math.exp %logistic3A_61 : vector<256x64xf32>
    %logistic3A_63 = arith.constant 1.000000e+00 : f32
    %logistic3A_64 = vector.broadcast %logistic3A_63 : f32 to vector<256x64xf32>
    %logistic3A_65 = arith.addf %logistic3A_64, %logistic3A_62 : vector<256x64xf32>
    %logistic3A_66 = arith.divf %logistic3A_64, %logistic3A_65 : vector<256x64xf32>
    %mul3A_67 = arith.mulf %add3A_38, %logistic3A_66 : vector<256x64xf32>
    %mul3A_68 = arith.mulf %add3A_45, %logistic3A_66 : vector<256x64xf32>
    %mul3A_69 = arith.mulf %add3A_52, %logistic3A_66 : vector<256x64xf32>
    %concatenate3A = tpu.concatenate %mul3A_59, %mul3A_67, %mul3A_68, %mul3A_69 in 1 : vector<256x64xf32>, vector<256x64xf32>, vector<256x64xf32>, vector<256x64xf32> -> vector<256x256xf32>
    %swap3A = arith.constant 0 : index
    %swap3A_70 = arith.constant 0 : index
    %swap3A_71 = vector.load %arg8[%swap3A, %swap3A_70] : memref<256x256xf32, #tpu.memory_space<vmem>>, vector<256x256xf32>
    tpu.vector_store %arg8[%swap3A, %swap3A_70], %concatenate3A {strides = array<i32>} : memref<256x256xf32, #tpu.memory_space<vmem>>, vector<256x256xf32>,
    return
  }
  func.func @transform_0(%arg0: i32) -> (i32, i32) {
    %c0_i32 = arith.constant 0 : i32
    %c0_i32_0 = arith.constant 0 : i32
    return %arg0, %c0_i32 : i32, i32
  }
  func.func @transform_1(%arg0: i32) -> (i32, i32) {
    %c0_i32 = arith.constant 0 : i32
    %c0_i32_0 = arith.constant 0 : i32
    return %arg0, %c0_i32 : i32, i32
  }
  func.func @transform_2(%arg0: i32) -> (i32, i32) {
    %c0_i32 = arith.constant 0 : i32
    %c0_i32_0 = arith.constant 0 : i32
    return %arg0, %c0_i32 : i32, i32
  }
  func.func @transform_3(%arg0: i32) -> (i32, i32, i32) {
    %c0_i32 = arith.constant 0 : i32
    %c0_i32_0 = arith.constant 0 : i32
    %c0_i32_1 = arith.constant 0 : i32
    %c0_i32_2 = arith.constant 0 : i32
    return %c0_i32, %c0_i32_0, %c0_i32_1 : i32, i32, i32
  }
  func.func @transform_4(%arg0: i32) -> (i32, i32, i32) {
    %c0_i32 = arith.constant 0 : i32
    %c0_i32_0 = arith.constant 0 : i32
    %c0_i32_1 = arith.constant 0 : i32
    %c0_i32_2 = arith.constant 0 : i32
    return %c0_i32, %c0_i32_0, %c0_i32_1 : i32, i32, i32
  }
  func.func @transform_5(%arg0: i32) -> (i32, i32, i32) {
    %c0_i32 = arith.constant 0 : i32
    %c0_i32_0 = arith.constant 0 : i32
    %c0_i32_1 = arith.constant 0 : i32
    %c0_i32_2 = arith.constant 0 : i32
    return %c0_i32, %c0_i32_0, %c0_i32_1 : i32, i32, i32
  }
  func.func @transform_6(%arg0: i32) -> (i32, i32, i32) {
    %c0_i32 = arith.constant 0 : i32
    %c0_i32_0 = arith.constant 0 : i32
    %c0_i32_1 = arith.constant 0 : i32
    %c0_i32_2 = arith.constant 0 : i32
    return %c0_i32, %c0_i32_0, %c0_i32_1 : i32, i32, i32
  }
  func.func @transform_7(%arg0: i32) -> (i32, i32) {
    %c0_i32 = arith.constant 0 : i32
    %c0_i32_0 = arith.constant 0 : i32
    return %arg0, %c0_i32 : i32, i32
  }
}

module attributes {stable_mosaic.version = 14 : i64} {
  func.func @body(%arg0: i32, %arg1: memref<1x2048x64xf32, #tpu.memory_space<vmem>>, %arg2: memref<2048x8xf32, #tpu.memory_space<vmem>>, %arg3: memref<2048x256xf32, #tpu.memory_space<vmem>>, %arg4: memref<1x64x320xf32, #tpu.memory_space<vmem>>, %arg5: memref<2048x256xf32, #tpu.memory_space<vmem>>) attributes {dimension_semantics = [#tpu.dimension_semantics<arbitrary>], iteration_bounds = array<i64: 158>, scalar_prefetch = 0 : i64, scratch_operands = 0 : i64, tpu.core_type = #tpu.core_type<tc>, window_params = [{transform_indices = @transform_0, window_bounds = array<i64: 1, 2048, 64>}, {transform_indices = @transform_1, window_bounds = array<i64: 2048, 8>}, {transform_indices = @transform_2, window_bounds = array<i64: 2048, 256>}, {transform_indices = @transform_3, window_bounds = array<i64: 1, 64, 320>}, {transform_indices = @transform_4, window_bounds = array<i64: 2048, 256>}]} {
    %get3A = arith.constant 0 : index
    %get3A_0 = arith.constant 0 : index
    %get3A_1 = arith.constant 0 : index
    %get3A_2 = vector.load %arg1[%get3A, %get3A_0, %get3A_1] : memref<1x2048x64xf32, #tpu.memory_space<vmem>>, vector<1x2048x64xf32>
    %get3A_3 = vector.shape_cast %get3A_2 : vector<1x2048x64xf32> to vector<2048x64xf32>
    %logistic3A = arith.negf %get3A_3 : vector<2048x64xf32>
    %logistic3A_4 = math.exp %logistic3A : vector<2048x64xf32>
    %logistic3A_5 = arith.constant 1.000000e+00 : f32
    %logistic3A_6 = vector.broadcast %logistic3A_5 : f32 to vector<2048x64xf32>
    %logistic3A_7 = arith.addf %logistic3A_6, %logistic3A_4 : vector<2048x64xf32>
    %logistic3A_8 = arith.divf %logistic3A_6, %logistic3A_7 : vector<2048x64xf32>
    %mul3A = arith.mulf %get3A_3, %logistic3A_8 : vector<2048x64xf32>
    %get3A_9 = arith.constant 0 : index
    %get3A_10 = arith.constant 0 : index
    %get3A_11 = arith.constant 0 : index
    %get3A_12 = vector.load %arg4[%get3A_9, %get3A_10, %get3A_11] : memref<1x64x320xf32, #tpu.memory_space<vmem>>, vector<1x64x320xf32>
    %get3A_13 = vector.shape_cast %get3A_12 : vector<1x64x320xf32> to vector<64x320xf32>
    %dot_general3A = arith.constant dense<0.000000e+00> : vector<2048x320xf32>
    %dot_general3A_14 = tpu.matmul %mul3A, %get3A_13, %dot_general3A {dimension_numbers = #tpu.dot_dimension_numbers<[1], [0], [0], [1], [0, 0, 1, 1], [], []>, precision = #tpu.contract_precision<fp32>, transpose_lhs_hint = false} : vector<2048x64xf32>, vector<64x320xf32>, vector<2048x320xf32> -> vector<2048x320xf32>
    %get3A_15 = arith.constant 0 : index
    %get3A_16 = arith.constant 0 : index
    %get3A_17 = vector.load %arg3[%get3A_15, %get3A_16] : memref<2048x256xf32, #tpu.memory_space<vmem>>, vector<2048x256xf32>
    %get3A_18 = arith.constant 0 : index
    %get3A_19 = arith.constant 0 : index
    %get3A_20 = vector.load %arg2[%get3A_18, %get3A_19] : memref<2048x8xf32, #tpu.memory_space<vmem>>, vector<2048x8xf32>
    %slice3A = vector.extract_strided_slice %get3A_17 {offsets = [0, 0], sizes = [2048, 64], strides = [1, 1]} : vector<2048x256xf32> to vector<2048x64xf32>
    %slice3A_21 = vector.extract_strided_slice %get3A_17 {offsets = [0, 64], sizes = [2048, 64], strides = [1, 1]} : vector<2048x256xf32> to vector<2048x64xf32>
    %slice3A_22 = vector.extract_strided_slice %get3A_17 {offsets = [0, 128], sizes = [2048, 64], strides = [1, 1]} : vector<2048x256xf32> to vector<2048x64xf32>
    %slice3A_23 = vector.extract_strided_slice %get3A_17 {offsets = [0, 192], sizes = [2048, 64], strides = [1, 1]} : vector<2048x256xf32> to vector<2048x64xf32>
    %slice3A_24 = vector.extract_strided_slice %get3A_20 {offsets = [0, 0], sizes = [2048, 1], strides = [1, 1]} : vector<2048x8xf32> to vector<2048x1xf32>
    %slice3A_25 = vector.extract_strided_slice %get3A_20 {offsets = [0, 1], sizes = [2048, 1], strides = [1, 1]} : vector<2048x8xf32> to vector<2048x1xf32>
    %slice3A_26 = vector.extract_strided_slice %get3A_20 {offsets = [0, 2], sizes = [2048, 1], strides = [1, 1]} : vector<2048x8xf32> to vector<2048x1xf32>
    %slice3A_27 = vector.extract_strided_slice %dot_general3A_14 {offsets = [0, 0], sizes = [2048, 64], strides = [1, 1]} : vector<2048x320xf32> to vector<2048x64xf32>
    %slice3A_28 = vector.extract_strided_slice %dot_general3A_14 {offsets = [0, 64], sizes = [2048, 64], strides = [1, 1]} : vector<2048x320xf32> to vector<2048x64xf32>
    %slice3A_29 = vector.extract_strided_slice %dot_general3A_14 {offsets = [0, 128], sizes = [2048, 64], strides = [1, 1]} : vector<2048x320xf32> to vector<2048x64xf32>
    %slice3A_30 = vector.extract_strided_slice %dot_general3A_14 {offsets = [0, 192], sizes = [2048, 64], strides = [1, 1]} : vector<2048x320xf32> to vector<2048x64xf32>
    %slice3A_31 = vector.extract_strided_slice %dot_general3A_14 {offsets = [0, 256], sizes = [2048, 64], strides = [1, 1]} : vector<2048x320xf32> to vector<2048x64xf32>
    %mul3A_32 = vector.broadcast %slice3A_24 : vector<2048x1xf32> to vector<2048x64xf32>
    %mul3A_33 = arith.mulf %slice3A_21, %mul3A_32 : vector<2048x64xf32>
    %mul3A_34 = vector.broadcast %slice3A_25 : vector<2048x1xf32> to vector<2048x64xf32>
    %mul3A_35 = arith.mulf %slice3A_22, %mul3A_34 : vector<2048x64xf32>
    %add3A = arith.addf %mul3A_33, %mul3A_35 : vector<2048x64xf32>
    %mul3A_36 = vector.broadcast %slice3A_26 : vector<2048x1xf32> to vector<2048x64xf32>
    %mul3A_37 = arith.mulf %slice3A_23, %mul3A_36 : vector<2048x64xf32>
    %add3A_38 = arith.addf %add3A, %mul3A_37 : vector<2048x64xf32>
    %mul3A_39 = arith.mulf %slice3A_27, %slice3A : vector<2048x64xf32>
    %mul3A_40 = arith.mulf %slice3A_30, %add3A_38 : vector<2048x64xf32>
    %add3A_41 = arith.addf %mul3A_39, %mul3A_40 : vector<2048x64xf32>
    %mul3A_42 = arith.constant 0.245887354 : f32
    %mul3A_43 = vector.broadcast %mul3A_42 : f32 to vector<2048x64xf32>
    %mul3A_44 = arith.mulf %add3A_41, %mul3A_43 : vector<2048x64xf32>
    %mul3A_45 = arith.mulf %slice3A_28, %slice3A : vector<2048x64xf32>
    %mul3A_46 = vector.broadcast %slice3A_24 : vector<2048x1xf32> to vector<2048x64xf32>
    %mul3A_47 = arith.mulf %mul3A_45, %mul3A_46 : vector<2048x64xf32>
    %mul3A_48 = arith.mulf %slice3A_29, %slice3A_21 : vector<2048x64xf32>
    %add3A_49 = arith.addf %mul3A_47, %mul3A_48 : vector<2048x64xf32>
    %mul3A_50 = vector.broadcast %slice3A_26 : vector<2048x1xf32> to vector<2048x64xf32>
    %mul3A_51 = arith.mulf %slice3A_22, %mul3A_50 : vector<2048x64xf32>
    %mul3A_52 = vector.broadcast %slice3A_25 : vector<2048x1xf32> to vector<2048x64xf32>
    %mul3A_53 = arith.mulf %slice3A_23, %mul3A_52 : vector<2048x64xf32>
    %sub3A = arith.subf %mul3A_51, %mul3A_53 : vector<2048x64xf32>
    %mul3A_54 = arith.mulf %slice3A_31, %sub3A : vector<2048x64xf32>
    %add3A_55 = arith.addf %add3A_49, %mul3A_54 : vector<2048x64xf32>
    %mul3A_56 = arith.constant 0.245887354 : f32
    %mul3A_57 = vector.broadcast %mul3A_56 : f32 to vector<2048x64xf32>
    %mul3A_58 = arith.mulf %add3A_55, %mul3A_57 : vector<2048x64xf32>
    %mul3A_59 = vector.broadcast %slice3A_25 : vector<2048x1xf32> to vector<2048x64xf32>
    %mul3A_60 = arith.mulf %mul3A_45, %mul3A_59 : vector<2048x64xf32>
    %mul3A_61 = arith.mulf %slice3A_29, %slice3A_22 : vector<2048x64xf32>
    %add3A_62 = arith.addf %mul3A_60, %mul3A_61 : vector<2048x64xf32>
    %mul3A_63 = vector.broadcast %slice3A_24 : vector<2048x1xf32> to vector<2048x64xf32>
    %mul3A_64 = arith.mulf %slice3A_23, %mul3A_63 : vector<2048x64xf32>
    %mul3A_65 = vector.broadcast %slice3A_26 : vector<2048x1xf32> to vector<2048x64xf32>
    %mul3A_66 = arith.mulf %slice3A_21, %mul3A_65 : vector<2048x64xf32>
    %sub3A_67 = arith.subf %mul3A_64, %mul3A_66 : vector<2048x64xf32>
    %mul3A_68 = arith.mulf %slice3A_31, %sub3A_67 : vector<2048x64xf32>
    %add3A_69 = arith.addf %add3A_62, %mul3A_68 : vector<2048x64xf32>
    %mul3A_70 = arith.constant 0.245887354 : f32
    %mul3A_71 = vector.broadcast %mul3A_70 : f32 to vector<2048x64xf32>
    %mul3A_72 = arith.mulf %add3A_69, %mul3A_71 : vector<2048x64xf32>
    %mul3A_73 = vector.broadcast %slice3A_26 : vector<2048x1xf32> to vector<2048x64xf32>
    %mul3A_74 = arith.mulf %mul3A_45, %mul3A_73 : vector<2048x64xf32>
    %mul3A_75 = arith.mulf %slice3A_29, %slice3A_23 : vector<2048x64xf32>
    %add3A_76 = arith.addf %mul3A_74, %mul3A_75 : vector<2048x64xf32>
    %mul3A_77 = vector.broadcast %slice3A_25 : vector<2048x1xf32> to vector<2048x64xf32>
    %mul3A_78 = arith.mulf %slice3A_21, %mul3A_77 : vector<2048x64xf32>
    %mul3A_79 = vector.broadcast %slice3A_24 : vector<2048x1xf32> to vector<2048x64xf32>
    %mul3A_80 = arith.mulf %slice3A_22, %mul3A_79 : vector<2048x64xf32>
    %sub3A_81 = arith.subf %mul3A_78, %mul3A_80 : vector<2048x64xf32>
    %mul3A_82 = arith.mulf %slice3A_31, %sub3A_81 : vector<2048x64xf32>
    %add3A_83 = arith.addf %add3A_76, %mul3A_82 : vector<2048x64xf32>
    %mul3A_84 = arith.constant 0.245887354 : f32
    %mul3A_85 = vector.broadcast %mul3A_84 : f32 to vector<2048x64xf32>
    %mul3A_86 = arith.mulf %add3A_83, %mul3A_85 : vector<2048x64xf32>
    %concatenate3A = tpu.concatenate %mul3A_44, %mul3A_58, %mul3A_72, %mul3A_86 in 1 : vector<2048x64xf32>, vector<2048x64xf32>, vector<2048x64xf32>, vector<2048x64xf32> -> vector<2048x256xf32>
    %swap3A = arith.constant 0 : index
    %swap3A_87 = arith.constant 0 : index
    %swap3A_88 = vector.load %arg5[%swap3A, %swap3A_87] : memref<2048x256xf32, #tpu.memory_space<vmem>>, vector<2048x256xf32>
    tpu.vector_store %arg5[%swap3A, %swap3A_87], %concatenate3A {strides = array<i32>} : memref<2048x256xf32, #tpu.memory_space<vmem>>, vector<2048x256xf32>,
    return
  }
  func.func @transform_0(%arg0: i32) -> (i32, i32, i32) {
    %c1_i32 = arith.constant 1 : i32
    %c0_i32 = arith.constant 0 : i32
    %c0_i32_0 = arith.constant 0 : i32
    return %c1_i32, %arg0, %c0_i32 : i32, i32, i32
  }
  func.func @transform_1(%arg0: i32) -> (i32, i32) {
    %c0_i32 = arith.constant 0 : i32
    %c0_i32_0 = arith.constant 0 : i32
    return %arg0, %c0_i32 : i32, i32
  }
  func.func @transform_2(%arg0: i32) -> (i32, i32) {
    %c0_i32 = arith.constant 0 : i32
    %c0_i32_0 = arith.constant 0 : i32
    return %arg0, %c0_i32 : i32, i32
  }
  func.func @transform_3(%arg0: i32) -> (i32, i32, i32) {
    %c1_i32 = arith.constant 1 : i32
    %c0_i32 = arith.constant 0 : i32
    %c0_i32_0 = arith.constant 0 : i32
    %c0_i32_1 = arith.constant 0 : i32
    return %c1_i32, %c0_i32, %c0_i32_0 : i32, i32, i32
  }
  func.func @transform_4(%arg0: i32) -> (i32, i32) {
    %c0_i32 = arith.constant 0 : i32
    %c0_i32_0 = arith.constant 0 : i32
    return %arg0, %c0_i32 : i32, i32
  }
}

module attributes {stable_mosaic.version = 14 : i64} {
  func.func @body(%arg0: i32, %arg1: memref<256x256xf32, #tpu.memory_space<vmem>>, %arg2: memref<256x256xf32, #tpu.memory_space<vmem>>, %arg3: memref<256x64xf32, #tpu.memory_space<vmem>>, %arg4: memref<1x64x128xf32, #tpu.memory_space<vmem>>, %arg5: memref<1x64x128xf32, #tpu.memory_space<vmem>>, %arg6: memref<1x64x64xf32, #tpu.memory_space<vmem>>, %arg7: memref<1x64x64xf32, #tpu.memory_space<vmem>>, %arg8: memref<256x256xf32, #tpu.memory_space<vmem>>) attributes {dimension_semantics = [#tpu.dimension_semantics<arbitrary>], iteration_bounds = array<i64: 40>, scalar_prefetch = 0 : i64, scratch_operands = 0 : i64, tpu.core_type = #tpu.core_type<tc>, window_params = [{transform_indices = @transform_0, window_bounds = array<i64: 256, 256>}, {transform_indices = @transform_1, window_bounds = array<i64: 256, 256>}, {transform_indices = @transform_2, window_bounds = array<i64: 256, 64>}, {transform_indices = @transform_3, window_bounds = array<i64: 1, 64, 128>}, {transform_indices = @transform_4, window_bounds = array<i64: 1, 64, 128>}, {transform_indices = @transform_5, window_bounds = array<i64: 1, 64, 64>}, {transform_indices = @transform_6, window_bounds = array<i64: 1, 64, 64>}, {transform_indices = @transform_7, window_bounds = array<i64: 256, 256>}]} {
    %get3A = arith.constant 0 : index
    %get3A_0 = arith.constant 0 : index
    %get3A_1 = vector.load %arg1[%get3A, %get3A_0] : memref<256x256xf32, #tpu.memory_space<vmem>>, vector<256x256xf32>
    %get3A_2 = arith.constant 0 : index
    %get3A_3 = arith.constant 0 : index
    %get3A_4 = vector.load %arg2[%get3A_2, %get3A_3] : memref<256x256xf32, #tpu.memory_space<vmem>>, vector<256x256xf32>
    %get3A_5 = arith.constant 0 : index
    %get3A_6 = arith.constant 0 : index
    %get3A_7 = vector.load %arg3[%get3A_5, %get3A_6] : memref<256x64xf32, #tpu.memory_space<vmem>>, vector<256x64xf32>
    %slice3A = vector.extract_strided_slice %get3A_1 {offsets = [0, 0], sizes = [256, 64], strides = [1, 1]} : vector<256x256xf32> to vector<256x64xf32>
    %slice3A_8 = vector.extract_strided_slice %get3A_4 {offsets = [0, 0], sizes = [256, 64], strides = [1, 1]} : vector<256x256xf32> to vector<256x64xf32>
    %get3A_9 = arith.constant 0 : index
    %get3A_10 = arith.constant 0 : index
    %get3A_11 = arith.constant 0 : index
    %get3A_12 = vector.load %arg4[%get3A_9, %get3A_10, %get3A_11] : memref<1x64x128xf32, #tpu.memory_space<vmem>>, vector<1x64x128xf32>
    %get3A_13 = vector.shape_cast %get3A_12 : vector<1x64x128xf32> to vector<64x128xf32>
    %dot_general3A = arith.constant dense<0.000000e+00> : vector<256x128xf32>
    %dot_general3A_14 = tpu.matmul %slice3A, %get3A_13, %dot_general3A {dimension_numbers = #tpu.dot_dimension_numbers<[1], [0], [0], [1], [0, 0, 1, 1], [], []>, precision = #tpu.contract_precision<fp32>, transpose_lhs_hint = false} : vector<256x64xf32>, vector<64x128xf32>, vector<256x128xf32> -> vector<256x128xf32>
    %mul3A = arith.mulf %slice3A_8, %get3A_7 : vector<256x64xf32>
    %get3A_15 = arith.constant 0 : index
    %get3A_16 = arith.constant 0 : index
    %get3A_17 = arith.constant 0 : index
    %get3A_18 = vector.load %arg5[%get3A_15, %get3A_16, %get3A_17] : memref<1x64x128xf32, #tpu.memory_space<vmem>>, vector<1x64x128xf32>
    %get3A_19 = vector.shape_cast %get3A_18 : vector<1x64x128xf32> to vector<64x128xf32>
    %dot_general3A_20 = arith.constant dense<0.000000e+00> : vector<256x128xf32>
    %dot_general3A_21 = tpu.matmul %mul3A, %get3A_19, %dot_general3A_20 {dimension_numbers = #tpu.dot_dimension_numbers<[1], [0], [0], [1], [0, 0, 1, 1], [], []>, precision = #tpu.contract_precision<fp32>, transpose_lhs_hint = false} : vector<256x64xf32>, vector<64x128xf32>, vector<256x128xf32> -> vector<256x128xf32>
    %add3A = arith.addf %dot_general3A_14, %dot_general3A_21 : vector<256x128xf32>
    %get3A_22 = arith.constant 0 : index
    %get3A_23 = arith.constant 0 : index
    %get3A_24 = arith.constant 0 : index
    %get3A_25 = vector.load %arg6[%get3A_22, %get3A_23, %get3A_24] : memref<1x64x64xf32, #tpu.memory_space<vmem>>, vector<1x64x64xf32>
    %get3A_26 = vector.shape_cast %get3A_25 : vector<1x64x64xf32> to vector<64x64xf32>
    %get3A_27 = arith.constant 0 : index
    %get3A_28 = arith.constant 0 : index
    %get3A_29 = arith.constant 0 : index
    %get3A_30 = vector.load %arg7[%get3A_27, %get3A_28, %get3A_29] : memref<1x64x64xf32, #tpu.memory_space<vmem>>, vector<1x64x64xf32>
    %get3A_31 = vector.shape_cast %get3A_30 : vector<1x64x64xf32> to vector<64x64xf32>
    %slice3A_32 = vector.extract_strided_slice %get3A_1 {offsets = [0, 64], sizes = [256, 64], strides = [1, 1]} : vector<256x256xf32> to vector<256x64xf32>
    %slice3A_33 = vector.extract_strided_slice %get3A_4 {offsets = [0, 64], sizes = [256, 64], strides = [1, 1]} : vector<256x256xf32> to vector<256x64xf32>
    %dot_general3A_34 = arith.constant dense<0.000000e+00> : vector<256x64xf32>
    %dot_general3A_35 = tpu.matmul %slice3A_32, %get3A_26, %dot_general3A_34 {dimension_numbers = #tpu.dot_dimension_numbers<[1], [0], [0], [1], [0, 0, 1, 1], [], []>, precision = #tpu.contract_precision<fp32>, transpose_lhs_hint = false} : vector<256x64xf32>, vector<64x64xf32>, vector<256x64xf32> -> vector<256x64xf32>
    %dot_general3A_36 = arith.constant dense<0.000000e+00> : vector<256x64xf32>
    %dot_general3A_37 = tpu.matmul %slice3A_33, %get3A_31, %dot_general3A_36 {dimension_numbers = #tpu.dot_dimension_numbers<[1], [0], [0], [1], [0, 0, 1, 1], [], []>, precision = #tpu.contract_precision<fp32>, transpose_lhs_hint = false} : vector<256x64xf32>, vector<64x64xf32>, vector<256x64xf32> -> vector<256x64xf32>
    %add3A_38 = arith.addf %dot_general3A_35, %dot_general3A_37 : vector<256x64xf32>
    %slice3A_39 = vector.extract_strided_slice %get3A_1 {offsets = [0, 128], sizes = [256, 64], strides = [1, 1]} : vector<256x256xf32> to vector<256x64xf32>
    %slice3A_40 = vector.extract_strided_slice %get3A_4 {offsets = [0, 128], sizes = [256, 64], strides = [1, 1]} : vector<256x256xf32> to vector<256x64xf32>
    %dot_general3A_41 = arith.constant dense<0.000000e+00> : vector<256x64xf32>
    %dot_general3A_42 = tpu.matmul %slice3A_39, %get3A_26, %dot_general3A_41 {dimension_numbers = #tpu.dot_dimension_numbers<[1], [0], [0], [1], [0, 0, 1, 1], [], []>, precision = #tpu.contract_precision<fp32>, transpose_lhs_hint = false} : vector<256x64xf32>, vector<64x64xf32>, vector<256x64xf32> -> vector<256x64xf32>
    %dot_general3A_43 = arith.constant dense<0.000000e+00> : vector<256x64xf32>
    %dot_general3A_44 = tpu.matmul %slice3A_40, %get3A_31, %dot_general3A_43 {dimension_numbers = #tpu.dot_dimension_numbers<[1], [0], [0], [1], [0, 0, 1, 1], [], []>, precision = #tpu.contract_precision<fp32>, transpose_lhs_hint = false} : vector<256x64xf32>, vector<64x64xf32>, vector<256x64xf32> -> vector<256x64xf32>
    %add3A_45 = arith.addf %dot_general3A_42, %dot_general3A_44 : vector<256x64xf32>
    %slice3A_46 = vector.extract_strided_slice %get3A_1 {offsets = [0, 192], sizes = [256, 64], strides = [1, 1]} : vector<256x256xf32> to vector<256x64xf32>
    %slice3A_47 = vector.extract_strided_slice %get3A_4 {offsets = [0, 192], sizes = [256, 64], strides = [1, 1]} : vector<256x256xf32> to vector<256x64xf32>
    %dot_general3A_48 = arith.constant dense<0.000000e+00> : vector<256x64xf32>
    %dot_general3A_49 = tpu.matmul %slice3A_46, %get3A_26, %dot_general3A_48 {dimension_numbers = #tpu.dot_dimension_numbers<[1], [0], [0], [1], [0, 0, 1, 1], [], []>, precision = #tpu.contract_precision<fp32>, transpose_lhs_hint = false} : vector<256x64xf32>, vector<64x64xf32>, vector<256x64xf32> -> vector<256x64xf32>
    %dot_general3A_50 = arith.constant dense<0.000000e+00> : vector<256x64xf32>
    %dot_general3A_51 = tpu.matmul %slice3A_47, %get3A_31, %dot_general3A_50 {dimension_numbers = #tpu.dot_dimension_numbers<[1], [0], [0], [1], [0, 0, 1, 1], [], []>, precision = #tpu.contract_precision<fp32>, transpose_lhs_hint = false} : vector<256x64xf32>, vector<64x64xf32>, vector<256x64xf32> -> vector<256x64xf32>
    %add3A_52 = arith.addf %dot_general3A_49, %dot_general3A_51 : vector<256x64xf32>
    %slice3A_53 = vector.extract_strided_slice %add3A {offsets = [0, 0], sizes = [256, 64], strides = [1, 1]} : vector<256x128xf32> to vector<256x64xf32>
    %logistic3A = arith.negf %slice3A_53 : vector<256x64xf32>
    %logistic3A_54 = math.exp %logistic3A : vector<256x64xf32>
    %logistic3A_55 = arith.constant 1.000000e+00 : f32
    %logistic3A_56 = vector.broadcast %logistic3A_55 : f32 to vector<256x64xf32>
    %logistic3A_57 = arith.addf %logistic3A_56, %logistic3A_54 : vector<256x64xf32>
    %logistic3A_58 = arith.divf %logistic3A_56, %logistic3A_57 : vector<256x64xf32>
    %mul3A_59 = arith.mulf %slice3A_53, %logistic3A_58 : vector<256x64xf32>
    %slice3A_60 = vector.extract_strided_slice %add3A {offsets = [0, 64], sizes = [256, 64], strides = [1, 1]} : vector<256x128xf32> to vector<256x64xf32>
    %logistic3A_61 = arith.negf %slice3A_60 : vector<256x64xf32>
    %logistic3A_62 = math.exp %logistic3A_61 : vector<256x64xf32>
    %logistic3A_63 = arith.constant 1.000000e+00 : f32
    %logistic3A_64 = vector.broadcast %logistic3A_63 : f32 to vector<256x64xf32>
    %logistic3A_65 = arith.addf %logistic3A_64, %logistic3A_62 : vector<256x64xf32>
    %logistic3A_66 = arith.divf %logistic3A_64, %logistic3A_65 : vector<256x64xf32>
    %mul3A_67 = arith.mulf %add3A_38, %logistic3A_66 : vector<256x64xf32>
    %mul3A_68 = arith.mulf %add3A_45, %logistic3A_66 : vector<256x64xf32>
    %mul3A_69 = arith.mulf %add3A_52, %logistic3A_66 : vector<256x64xf32>
    %concatenate3A = tpu.concatenate %mul3A_59, %mul3A_67, %mul3A_68, %mul3A_69 in 1 : vector<256x64xf32>, vector<256x64xf32>, vector<256x64xf32>, vector<256x64xf32> -> vector<256x256xf32>
    %swap3A = arith.constant 0 : index
    %swap3A_70 = arith.constant 0 : index
    %swap3A_71 = vector.load %arg8[%swap3A, %swap3A_70] : memref<256x256xf32, #tpu.memory_space<vmem>>, vector<256x256xf32>
    tpu.vector_store %arg8[%swap3A, %swap3A_70], %concatenate3A {strides = array<i32>} : memref<256x256xf32, #tpu.memory_space<vmem>>, vector<256x256xf32>,
    return
  }
  func.func @transform_0(%arg0: i32) -> (i32, i32) {
    %c0_i32 = arith.constant 0 : i32
    %c0_i32_0 = arith.constant 0 : i32
    return %arg0, %c0_i32 : i32, i32
  }
  func.func @transform_1(%arg0: i32) -> (i32, i32) {
    %c0_i32 = arith.constant 0 : i32
    %c0_i32_0 = arith.constant 0 : i32
    return %arg0, %c0_i32 : i32, i32
  }
  func.func @transform_2(%arg0: i32) -> (i32, i32) {
    %c0_i32 = arith.constant 0 : i32
    %c0_i32_0 = arith.constant 0 : i32
    return %arg0, %c0_i32 : i32, i32
  }
  func.func @transform_3(%arg0: i32) -> (i32, i32, i32) {
    %c1_i32 = arith.constant 1 : i32
    %c0_i32 = arith.constant 0 : i32
    %c0_i32_0 = arith.constant 0 : i32
    %c0_i32_1 = arith.constant 0 : i32
    return %c1_i32, %c0_i32, %c0_i32_0 : i32, i32, i32
  }
  func.func @transform_4(%arg0: i32) -> (i32, i32, i32) {
    %c1_i32 = arith.constant 1 : i32
    %c0_i32 = arith.constant 0 : i32
    %c0_i32_0 = arith.constant 0 : i32
    %c0_i32_1 = arith.constant 0 : i32
    return %c1_i32, %c0_i32, %c0_i32_0 : i32, i32, i32
  }
  func.func @transform_5(%arg0: i32) -> (i32, i32, i32) {
    %c1_i32 = arith.constant 1 : i32
    %c0_i32 = arith.constant 0 : i32
    %c0_i32_0 = arith.constant 0 : i32
    %c0_i32_1 = arith.constant 0 : i32
    return %c1_i32, %c0_i32, %c0_i32_0 : i32, i32, i32
  }
  func.func @transform_6(%arg0: i32) -> (i32, i32, i32) {
    %c1_i32 = arith.constant 1 : i32
    %c0_i32 = arith.constant 0 : i32
    %c0_i32_0 = arith.constant 0 : i32
    %c0_i32_1 = arith.constant 0 : i32
    return %c1_i32, %c0_i32, %c0_i32_0 : i32, i32, i32
  }
  func.func @transform_7(%arg0: i32) -> (i32, i32) {
    %c0_i32 = arith.constant 0 : i32
    %c0_i32_0 = arith.constant 0 : i32
    return %arg0, %c0_i32 : i32, i32
  }
}

module attributes {stable_mosaic.version = 14 : i64} {
  func.func @body(%arg0: i32, %arg1: memref<1x2048x64xf32, #tpu.memory_space<vmem>>, %arg2: memref<2048x8xf32, #tpu.memory_space<vmem>>, %arg3: memref<2048x256xf32, #tpu.memory_space<vmem>>, %arg4: memref<1x64x320xf32, #tpu.memory_space<vmem>>, %arg5: memref<2048x256xf32, #tpu.memory_space<vmem>>) attributes {dimension_semantics = [#tpu.dimension_semantics<arbitrary>], iteration_bounds = array<i64: 158>, scalar_prefetch = 0 : i64, scratch_operands = 0 : i64, tpu.core_type = #tpu.core_type<tc>, window_params = [{transform_indices = @transform_0, window_bounds = array<i64: 1, 2048, 64>}, {transform_indices = @transform_1, window_bounds = array<i64: 2048, 8>}, {transform_indices = @transform_2, window_bounds = array<i64: 2048, 256>}, {transform_indices = @transform_3, window_bounds = array<i64: 1, 64, 320>}, {transform_indices = @transform_4, window_bounds = array<i64: 2048, 256>}]} {
    %get3A = arith.constant 0 : index
    %get3A_0 = arith.constant 0 : index
    %get3A_1 = arith.constant 0 : index
    %get3A_2 = vector.load %arg1[%get3A, %get3A_0, %get3A_1] : memref<1x2048x64xf32, #tpu.memory_space<vmem>>, vector<1x2048x64xf32>
    %get3A_3 = vector.shape_cast %get3A_2 : vector<1x2048x64xf32> to vector<2048x64xf32>
    %logistic3A = arith.negf %get3A_3 : vector<2048x64xf32>
    %logistic3A_4 = math.exp %logistic3A : vector<2048x64xf32>
    %logistic3A_5 = arith.constant 1.000000e+00 : f32
    %logistic3A_6 = vector.broadcast %logistic3A_5 : f32 to vector<2048x64xf32>
    %logistic3A_7 = arith.addf %logistic3A_6, %logistic3A_4 : vector<2048x64xf32>
    %logistic3A_8 = arith.divf %logistic3A_6, %logistic3A_7 : vector<2048x64xf32>
    %mul3A = arith.mulf %get3A_3, %logistic3A_8 : vector<2048x64xf32>
    %get3A_9 = arith.constant 0 : index
    %get3A_10 = arith.constant 0 : index
    %get3A_11 = arith.constant 0 : index
    %get3A_12 = vector.load %arg4[%get3A_9, %get3A_10, %get3A_11] : memref<1x64x320xf32, #tpu.memory_space<vmem>>, vector<1x64x320xf32>
    %get3A_13 = vector.shape_cast %get3A_12 : vector<1x64x320xf32> to vector<64x320xf32>
    %dot_general3A = arith.constant dense<0.000000e+00> : vector<2048x320xf32>
    %dot_general3A_14 = tpu.matmul %mul3A, %get3A_13, %dot_general3A {dimension_numbers = #tpu.dot_dimension_numbers<[1], [0], [0], [1], [0, 0, 1, 1], [], []>, precision = #tpu.contract_precision<fp32>, transpose_lhs_hint = false} : vector<2048x64xf32>, vector<64x320xf32>, vector<2048x320xf32> -> vector<2048x320xf32>
    %get3A_15 = arith.constant 0 : index
    %get3A_16 = arith.constant 0 : index
    %get3A_17 = vector.load %arg3[%get3A_15, %get3A_16] : memref<2048x256xf32, #tpu.memory_space<vmem>>, vector<2048x256xf32>
    %get3A_18 = arith.constant 0 : index
    %get3A_19 = arith.constant 0 : index
    %get3A_20 = vector.load %arg2[%get3A_18, %get3A_19] : memref<2048x8xf32, #tpu.memory_space<vmem>>, vector<2048x8xf32>
    %slice3A = vector.extract_strided_slice %get3A_17 {offsets = [0, 0], sizes = [2048, 64], strides = [1, 1]} : vector<2048x256xf32> to vector<2048x64xf32>
    %slice3A_21 = vector.extract_strided_slice %get3A_17 {offsets = [0, 64], sizes = [2048, 64], strides = [1, 1]} : vector<2048x256xf32> to vector<2048x64xf32>
    %slice3A_22 = vector.extract_strided_slice %get3A_17 {offsets = [0, 128], sizes = [2048, 64], strides = [1, 1]} : vector<2048x256xf32> to vector<2048x64xf32>
    %slice3A_23 = vector.extract_strided_slice %get3A_17 {offsets = [0, 192], sizes = [2048, 64], strides = [1, 1]} : vector<2048x256xf32> to vector<2048x64xf32>
    %slice3A_24 = vector.extract_strided_slice %get3A_20 {offsets = [0, 0], sizes = [2048, 1], strides = [1, 1]} : vector<2048x8xf32> to vector<2048x1xf32>
    %slice3A_25 = vector.extract_strided_slice %get3A_20 {offsets = [0, 1], sizes = [2048, 1], strides = [1, 1]} : vector<2048x8xf32> to vector<2048x1xf32>
    %slice3A_26 = vector.extract_strided_slice %get3A_20 {offsets = [0, 2], sizes = [2048, 1], strides = [1, 1]} : vector<2048x8xf32> to vector<2048x1xf32>
    %slice3A_27 = vector.extract_strided_slice %dot_general3A_14 {offsets = [0, 0], sizes = [2048, 64], strides = [1, 1]} : vector<2048x320xf32> to vector<2048x64xf32>
    %slice3A_28 = vector.extract_strided_slice %dot_general3A_14 {offsets = [0, 64], sizes = [2048, 64], strides = [1, 1]} : vector<2048x320xf32> to vector<2048x64xf32>
    %slice3A_29 = vector.extract_strided_slice %dot_general3A_14 {offsets = [0, 128], sizes = [2048, 64], strides = [1, 1]} : vector<2048x320xf32> to vector<2048x64xf32>
    %slice3A_30 = vector.extract_strided_slice %dot_general3A_14 {offsets = [0, 192], sizes = [2048, 64], strides = [1, 1]} : vector<2048x320xf32> to vector<2048x64xf32>
    %slice3A_31 = vector.extract_strided_slice %dot_general3A_14 {offsets = [0, 256], sizes = [2048, 64], strides = [1, 1]} : vector<2048x320xf32> to vector<2048x64xf32>
    %mul3A_32 = vector.broadcast %slice3A_24 : vector<2048x1xf32> to vector<2048x64xf32>
    %mul3A_33 = arith.mulf %slice3A_21, %mul3A_32 : vector<2048x64xf32>
    %mul3A_34 = vector.broadcast %slice3A_25 : vector<2048x1xf32> to vector<2048x64xf32>
    %mul3A_35 = arith.mulf %slice3A_22, %mul3A_34 : vector<2048x64xf32>
    %add3A = arith.addf %mul3A_33, %mul3A_35 : vector<2048x64xf32>
    %mul3A_36 = vector.broadcast %slice3A_26 : vector<2048x1xf32> to vector<2048x64xf32>
    %mul3A_37 = arith.mulf %slice3A_23, %mul3A_36 : vector<2048x64xf32>
    %add3A_38 = arith.addf %add3A, %mul3A_37 : vector<2048x64xf32>
    %mul3A_39 = arith.mulf %slice3A_27, %slice3A : vector<2048x64xf32>
    %mul3A_40 = arith.mulf %slice3A_30, %add3A_38 : vector<2048x64xf32>
    %add3A_41 = arith.addf %mul3A_39, %mul3A_40 : vector<2048x64xf32>
    %mul3A_42 = arith.constant 0.245887354 : f32
    %mul3A_43 = vector.broadcast %mul3A_42 : f32 to vector<2048x64xf32>
    %mul3A_44 = arith.mulf %add3A_41, %mul3A_43 : vector<2048x64xf32>
    %mul3A_45 = arith.mulf %slice3A_28, %slice3A : vector<2048x64xf32>
    %mul3A_46 = vector.broadcast %slice3A_24 : vector<2048x1xf32> to vector<2048x64xf32>
    %mul3A_47 = arith.mulf %mul3A_45, %mul3A_46 : vector<2048x64xf32>
    %mul3A_48 = arith.mulf %slice3A_29, %slice3A_21 : vector<2048x64xf32>
    %add3A_49 = arith.addf %mul3A_47, %mul3A_48 : vector<2048x64xf32>
    %mul3A_50 = vector.broadcast %slice3A_26 : vector<2048x1xf32> to vector<2048x64xf32>
    %mul3A_51 = arith.mulf %slice3A_22, %mul3A_50 : vector<2048x64xf32>
    %mul3A_52 = vector.broadcast %slice3A_25 : vector<2048x1xf32> to vector<2048x64xf32>
    %mul3A_53 = arith.mulf %slice3A_23, %mul3A_52 : vector<2048x64xf32>
    %sub3A = arith.subf %mul3A_51, %mul3A_53 : vector<2048x64xf32>
    %mul3A_54 = arith.mulf %slice3A_31, %sub3A : vector<2048x64xf32>
    %add3A_55 = arith.addf %add3A_49, %mul3A_54 : vector<2048x64xf32>
    %mul3A_56 = arith.constant 0.245887354 : f32
    %mul3A_57 = vector.broadcast %mul3A_56 : f32 to vector<2048x64xf32>
    %mul3A_58 = arith.mulf %add3A_55, %mul3A_57 : vector<2048x64xf32>
    %mul3A_59 = vector.broadcast %slice3A_25 : vector<2048x1xf32> to vector<2048x64xf32>
    %mul3A_60 = arith.mulf %mul3A_45, %mul3A_59 : vector<2048x64xf32>
    %mul3A_61 = arith.mulf %slice3A_29, %slice3A_22 : vector<2048x64xf32>
    %add3A_62 = arith.addf %mul3A_60, %mul3A_61 : vector<2048x64xf32>
    %mul3A_63 = vector.broadcast %slice3A_24 : vector<2048x1xf32> to vector<2048x64xf32>
    %mul3A_64 = arith.mulf %slice3A_23, %mul3A_63 : vector<2048x64xf32>
    %mul3A_65 = vector.broadcast %slice3A_26 : vector<2048x1xf32> to vector<2048x64xf32>
    %mul3A_66 = arith.mulf %slice3A_21, %mul3A_65 : vector<2048x64xf32>
    %sub3A_67 = arith.subf %mul3A_64, %mul3A_66 : vector<2048x64xf32>
    %mul3A_68 = arith.mulf %slice3A_31, %sub3A_67 : vector<2048x64xf32>
    %add3A_69 = arith.addf %add3A_62, %mul3A_68 : vector<2048x64xf32>
    %mul3A_70 = arith.constant 0.245887354 : f32
    %mul3A_71 = vector.broadcast %mul3A_70 : f32 to vector<2048x64xf32>
    %mul3A_72 = arith.mulf %add3A_69, %mul3A_71 : vector<2048x64xf32>
    %mul3A_73 = vector.broadcast %slice3A_26 : vector<2048x1xf32> to vector<2048x64xf32>
    %mul3A_74 = arith.mulf %mul3A_45, %mul3A_73 : vector<2048x64xf32>
    %mul3A_75 = arith.mulf %slice3A_29, %slice3A_23 : vector<2048x64xf32>
    %add3A_76 = arith.addf %mul3A_74, %mul3A_75 : vector<2048x64xf32>
    %mul3A_77 = vector.broadcast %slice3A_25 : vector<2048x1xf32> to vector<2048x64xf32>
    %mul3A_78 = arith.mulf %slice3A_21, %mul3A_77 : vector<2048x64xf32>
    %mul3A_79 = vector.broadcast %slice3A_24 : vector<2048x1xf32> to vector<2048x64xf32>
    %mul3A_80 = arith.mulf %slice3A_22, %mul3A_79 : vector<2048x64xf32>
    %sub3A_81 = arith.subf %mul3A_78, %mul3A_80 : vector<2048x64xf32>
    %mul3A_82 = arith.mulf %slice3A_31, %sub3A_81 : vector<2048x64xf32>
    %add3A_83 = arith.addf %add3A_76, %mul3A_82 : vector<2048x64xf32>
    %mul3A_84 = arith.constant 0.245887354 : f32
    %mul3A_85 = vector.broadcast %mul3A_84 : f32 to vector<2048x64xf32>
    %mul3A_86 = arith.mulf %add3A_83, %mul3A_85 : vector<2048x64xf32>
    %concatenate3A = tpu.concatenate %mul3A_44, %mul3A_58, %mul3A_72, %mul3A_86 in 1 : vector<2048x64xf32>, vector<2048x64xf32>, vector<2048x64xf32>, vector<2048x64xf32> -> vector<2048x256xf32>
    %swap3A = arith.constant 0 : index
    %swap3A_87 = arith.constant 0 : index
    %swap3A_88 = vector.load %arg5[%swap3A, %swap3A_87] : memref<2048x256xf32, #tpu.memory_space<vmem>>, vector<2048x256xf32>
    tpu.vector_store %arg5[%swap3A, %swap3A_87], %concatenate3A {strides = array<i32>} : memref<2048x256xf32, #tpu.memory_space<vmem>>, vector<2048x256xf32>,
    return
  }
  func.func @transform_0(%arg0: i32) -> (i32, i32, i32) {
    %c2_i32 = arith.constant 2 : i32
    %c0_i32 = arith.constant 0 : i32
    %c0_i32_0 = arith.constant 0 : i32
    return %c2_i32, %arg0, %c0_i32 : i32, i32, i32
  }
  func.func @transform_1(%arg0: i32) -> (i32, i32) {
    %c0_i32 = arith.constant 0 : i32
    %c0_i32_0 = arith.constant 0 : i32
    return %arg0, %c0_i32 : i32, i32
  }
  func.func @transform_2(%arg0: i32) -> (i32, i32) {
    %c0_i32 = arith.constant 0 : i32
    %c0_i32_0 = arith.constant 0 : i32
    return %arg0, %c0_i32 : i32, i32
  }
  func.func @transform_3(%arg0: i32) -> (i32, i32, i32) {
    %c2_i32 = arith.constant 2 : i32
    %c0_i32 = arith.constant 0 : i32
    %c0_i32_0 = arith.constant 0 : i32
    %c0_i32_1 = arith.constant 0 : i32
    return %c2_i32, %c0_i32, %c0_i32_0 : i32, i32, i32
  }
  func.func @transform_4(%arg0: i32) -> (i32, i32) {
    %c0_i32 = arith.constant 0 : i32
    %c0_i32_0 = arith.constant 0 : i32
    return %arg0, %c0_i32 : i32, i32
  }
}

module attributes {stable_mosaic.version = 14 : i64} {
  func.func @body(%arg0: i32, %arg1: memref<256x256xf32, #tpu.memory_space<vmem>>, %arg2: memref<256x256xf32, #tpu.memory_space<vmem>>, %arg3: memref<256x64xf32, #tpu.memory_space<vmem>>, %arg4: memref<1x64x128xf32, #tpu.memory_space<vmem>>, %arg5: memref<1x64x128xf32, #tpu.memory_space<vmem>>, %arg6: memref<1x64x64xf32, #tpu.memory_space<vmem>>, %arg7: memref<1x64x64xf32, #tpu.memory_space<vmem>>, %arg8: memref<256x256xf32, #tpu.memory_space<vmem>>) attributes {dimension_semantics = [#tpu.dimension_semantics<arbitrary>], iteration_bounds = array<i64: 40>, scalar_prefetch = 0 : i64, scratch_operands = 0 : i64, tpu.core_type = #tpu.core_type<tc>, window_params = [{transform_indices = @transform_0, window_bounds = array<i64: 256, 256>}, {transform_indices = @transform_1, window_bounds = array<i64: 256, 256>}, {transform_indices = @transform_2, window_bounds = array<i64: 256, 64>}, {transform_indices = @transform_3, window_bounds = array<i64: 1, 64, 128>}, {transform_indices = @transform_4, window_bounds = array<i64: 1, 64, 128>}, {transform_indices = @transform_5, window_bounds = array<i64: 1, 64, 64>}, {transform_indices = @transform_6, window_bounds = array<i64: 1, 64, 64>}, {transform_indices = @transform_7, window_bounds = array<i64: 256, 256>}]} {
    %get3A = arith.constant 0 : index
    %get3A_0 = arith.constant 0 : index
    %get3A_1 = vector.load %arg1[%get3A, %get3A_0] : memref<256x256xf32, #tpu.memory_space<vmem>>, vector<256x256xf32>
    %get3A_2 = arith.constant 0 : index
    %get3A_3 = arith.constant 0 : index
    %get3A_4 = vector.load %arg2[%get3A_2, %get3A_3] : memref<256x256xf32, #tpu.memory_space<vmem>>, vector<256x256xf32>
    %get3A_5 = arith.constant 0 : index
    %get3A_6 = arith.constant 0 : index
    %get3A_7 = vector.load %arg3[%get3A_5, %get3A_6] : memref<256x64xf32, #tpu.memory_space<vmem>>, vector<256x64xf32>
    %slice3A = vector.extract_strided_slice %get3A_1 {offsets = [0, 0], sizes = [256, 64], strides = [1, 1]} : vector<256x256xf32> to vector<256x64xf32>
    %slice3A_8 = vector.extract_strided_slice %get3A_4 {offsets = [0, 0], sizes = [256, 64], strides = [1, 1]} : vector<256x256xf32> to vector<256x64xf32>
    %get3A_9 = arith.constant 0 : index
    %get3A_10 = arith.constant 0 : index
    %get3A_11 = arith.constant 0 : index
    %get3A_12 = vector.load %arg4[%get3A_9, %get3A_10, %get3A_11] : memref<1x64x128xf32, #tpu.memory_space<vmem>>, vector<1x64x128xf32>
    %get3A_13 = vector.shape_cast %get3A_12 : vector<1x64x128xf32> to vector<64x128xf32>
    %dot_general3A = arith.constant dense<0.000000e+00> : vector<256x128xf32>
    %dot_general3A_14 = tpu.matmul %slice3A, %get3A_13, %dot_general3A {dimension_numbers = #tpu.dot_dimension_numbers<[1], [0], [0], [1], [0, 0, 1, 1], [], []>, precision = #tpu.contract_precision<fp32>, transpose_lhs_hint = false} : vector<256x64xf32>, vector<64x128xf32>, vector<256x128xf32> -> vector<256x128xf32>
    %mul3A = arith.mulf %slice3A_8, %get3A_7 : vector<256x64xf32>
    %get3A_15 = arith.constant 0 : index
    %get3A_16 = arith.constant 0 : index
    %get3A_17 = arith.constant 0 : index
    %get3A_18 = vector.load %arg5[%get3A_15, %get3A_16, %get3A_17] : memref<1x64x128xf32, #tpu.memory_space<vmem>>, vector<1x64x128xf32>
    %get3A_19 = vector.shape_cast %get3A_18 : vector<1x64x128xf32> to vector<64x128xf32>
    %dot_general3A_20 = arith.constant dense<0.000000e+00> : vector<256x128xf32>
    %dot_general3A_21 = tpu.matmul %mul3A, %get3A_19, %dot_general3A_20 {dimension_numbers = #tpu.dot_dimension_numbers<[1], [0], [0], [1], [0, 0, 1, 1], [], []>, precision = #tpu.contract_precision<fp32>, transpose_lhs_hint = false} : vector<256x64xf32>, vector<64x128xf32>, vector<256x128xf32> -> vector<256x128xf32>
    %add3A = arith.addf %dot_general3A_14, %dot_general3A_21 : vector<256x128xf32>
    %get3A_22 = arith.constant 0 : index
    %get3A_23 = arith.constant 0 : index
    %get3A_24 = arith.constant 0 : index
    %get3A_25 = vector.load %arg6[%get3A_22, %get3A_23, %get3A_24] : memref<1x64x64xf32, #tpu.memory_space<vmem>>, vector<1x64x64xf32>
    %get3A_26 = vector.shape_cast %get3A_25 : vector<1x64x64xf32> to vector<64x64xf32>
    %get3A_27 = arith.constant 0 : index
    %get3A_28 = arith.constant 0 : index
    %get3A_29 = arith.constant 0 : index
    %get3A_30 = vector.load %arg7[%get3A_27, %get3A_28, %get3A_29] : memref<1x64x64xf32, #tpu.memory_space<vmem>>, vector<1x64x64xf32>
    %get3A_31 = vector.shape_cast %get3A_30 : vector<1x64x64xf32> to vector<64x64xf32>
    %slice3A_32 = vector.extract_strided_slice %get3A_1 {offsets = [0, 64], sizes = [256, 64], strides = [1, 1]} : vector<256x256xf32> to vector<256x64xf32>
    %slice3A_33 = vector.extract_strided_slice %get3A_4 {offsets = [0, 64], sizes = [256, 64], strides = [1, 1]} : vector<256x256xf32> to vector<256x64xf32>
    %dot_general3A_34 = arith.constant dense<0.000000e+00> : vector<256x64xf32>
    %dot_general3A_35 = tpu.matmul %slice3A_32, %get3A_26, %dot_general3A_34 {dimension_numbers = #tpu.dot_dimension_numbers<[1], [0], [0], [1], [0, 0, 1, 1], [], []>, precision = #tpu.contract_precision<fp32>, transpose_lhs_hint = false} : vector<256x64xf32>, vector<64x64xf32>, vector<256x64xf32> -> vector<256x64xf32>
    %dot_general3A_36 = arith.constant dense<0.000000e+00> : vector<256x64xf32>
    %dot_general3A_37 = tpu.matmul %slice3A_33, %get3A_31, %dot_general3A_36 {dimension_numbers = #tpu.dot_dimension_numbers<[1], [0], [0], [1], [0, 0, 1, 1], [], []>, precision = #tpu.contract_precision<fp32>, transpose_lhs_hint = false} : vector<256x64xf32>, vector<64x64xf32>, vector<256x64xf32> -> vector<256x64xf32>
    %add3A_38 = arith.addf %dot_general3A_35, %dot_general3A_37 : vector<256x64xf32>
    %slice3A_39 = vector.extract_strided_slice %get3A_1 {offsets = [0, 128], sizes = [256, 64], strides = [1, 1]} : vector<256x256xf32> to vector<256x64xf32>
    %slice3A_40 = vector.extract_strided_slice %get3A_4 {offsets = [0, 128], sizes = [256, 64], strides = [1, 1]} : vector<256x256xf32> to vector<256x64xf32>
    %dot_general3A_41 = arith.constant dense<0.000000e+00> : vector<256x64xf32>
    %dot_general3A_42 = tpu.matmul %slice3A_39, %get3A_26, %dot_general3A_41 {dimension_numbers = #tpu.dot_dimension_numbers<[1], [0], [0], [1], [0, 0, 1, 1], [], []>, precision = #tpu.contract_precision<fp32>, transpose_lhs_hint = false} : vector<256x64xf32>, vector<64x64xf32>, vector<256x64xf32> -> vector<256x64xf32>
    %dot_general3A_43 = arith.constant dense<0.000000e+00> : vector<256x64xf32>
    %dot_general3A_44 = tpu.matmul %slice3A_40, %get3A_31, %dot_general3A_43 {dimension_numbers = #tpu.dot_dimension_numbers<[1], [0], [0], [1], [0, 0, 1, 1], [], []>, precision = #tpu.contract_precision<fp32>, transpose_lhs_hint = false} : vector<256x64xf32>, vector<64x64xf32>, vector<256x64xf32> -> vector<256x64xf32>
    %add3A_45 = arith.addf %dot_general3A_42, %dot_general3A_44 : vector<256x64xf32>
    %slice3A_46 = vector.extract_strided_slice %get3A_1 {offsets = [0, 192], sizes = [256, 64], strides = [1, 1]} : vector<256x256xf32> to vector<256x64xf32>
    %slice3A_47 = vector.extract_strided_slice %get3A_4 {offsets = [0, 192], sizes = [256, 64], strides = [1, 1]} : vector<256x256xf32> to vector<256x64xf32>
    %dot_general3A_48 = arith.constant dense<0.000000e+00> : vector<256x64xf32>
    %dot_general3A_49 = tpu.matmul %slice3A_46, %get3A_26, %dot_general3A_48 {dimension_numbers = #tpu.dot_dimension_numbers<[1], [0], [0], [1], [0, 0, 1, 1], [], []>, precision = #tpu.contract_precision<fp32>, transpose_lhs_hint = false} : vector<256x64xf32>, vector<64x64xf32>, vector<256x64xf32> -> vector<256x64xf32>
    %dot_general3A_50 = arith.constant dense<0.000000e+00> : vector<256x64xf32>
    %dot_general3A_51 = tpu.matmul %slice3A_47, %get3A_31, %dot_general3A_50 {dimension_numbers = #tpu.dot_dimension_numbers<[1], [0], [0], [1], [0, 0, 1, 1], [], []>, precision = #tpu.contract_precision<fp32>, transpose_lhs_hint = false} : vector<256x64xf32>, vector<64x64xf32>, vector<256x64xf32> -> vector<256x64xf32>
    %add3A_52 = arith.addf %dot_general3A_49, %dot_general3A_51 : vector<256x64xf32>
    %slice3A_53 = vector.extract_strided_slice %add3A {offsets = [0, 0], sizes = [256, 64], strides = [1, 1]} : vector<256x128xf32> to vector<256x64xf32>
    %logistic3A = arith.negf %slice3A_53 : vector<256x64xf32>
    %logistic3A_54 = math.exp %logistic3A : vector<256x64xf32>
    %logistic3A_55 = arith.constant 1.000000e+00 : f32
    %logistic3A_56 = vector.broadcast %logistic3A_55 : f32 to vector<256x64xf32>
    %logistic3A_57 = arith.addf %logistic3A_56, %logistic3A_54 : vector<256x64xf32>
    %logistic3A_58 = arith.divf %logistic3A_56, %logistic3A_57 : vector<256x64xf32>
    %mul3A_59 = arith.mulf %slice3A_53, %logistic3A_58 : vector<256x64xf32>
    %slice3A_60 = vector.extract_strided_slice %add3A {offsets = [0, 64], sizes = [256, 64], strides = [1, 1]} : vector<256x128xf32> to vector<256x64xf32>
    %logistic3A_61 = arith.negf %slice3A_60 : vector<256x64xf32>
    %logistic3A_62 = math.exp %logistic3A_61 : vector<256x64xf32>
    %logistic3A_63 = arith.constant 1.000000e+00 : f32
    %logistic3A_64 = vector.broadcast %logistic3A_63 : f32 to vector<256x64xf32>
    %logistic3A_65 = arith.addf %logistic3A_64, %logistic3A_62 : vector<256x64xf32>
    %logistic3A_66 = arith.divf %logistic3A_64, %logistic3A_65 : vector<256x64xf32>
    %mul3A_67 = arith.mulf %add3A_38, %logistic3A_66 : vector<256x64xf32>
    %mul3A_68 = arith.mulf %add3A_45, %logistic3A_66 : vector<256x64xf32>
    %mul3A_69 = arith.mulf %add3A_52, %logistic3A_66 : vector<256x64xf32>
    %concatenate3A = tpu.concatenate %mul3A_59, %mul3A_67, %mul3A_68, %mul3A_69 in 1 : vector<256x64xf32>, vector<256x64xf32>, vector<256x64xf32>, vector<256x64xf32> -> vector<256x256xf32>
    %swap3A = arith.constant 0 : index
    %swap3A_70 = arith.constant 0 : index
    %swap3A_71 = vector.load %arg8[%swap3A, %swap3A_70] : memref<256x256xf32, #tpu.memory_space<vmem>>, vector<256x256xf32>
    tpu.vector_store %arg8[%swap3A, %swap3A_70], %concatenate3A {strides = array<i32>} : memref<256x256xf32, #tpu.memory_space<vmem>>, vector<256x256xf32>,
    return
  }
  func.func @transform_0(%arg0: i32) -> (i32, i32) {
    %c0_i32 = arith.constant 0 : i32
    %c0_i32_0 = arith.constant 0 : i32
    return %arg0, %c0_i32 : i32, i32
  }
  func.func @transform_1(%arg0: i32) -> (i32, i32) {
    %c0_i32 = arith.constant 0 : i32
    %c0_i32_0 = arith.constant 0 : i32
    return %arg0, %c0_i32 : i32, i32
  }
  func.func @transform_2(%arg0: i32) -> (i32, i32) {
    %c0_i32 = arith.constant 0 : i32
    %c0_i32_0 = arith.constant 0 : i32
    return %arg0, %c0_i32 : i32, i32
  }
  func.func @transform_3(%arg0: i32) -> (i32, i32, i32) {
    %c2_i32 = arith.constant 2 : i32
    %c0_i32 = arith.constant 0 : i32
    %c0_i32_0 = arith.constant 0 : i32
    %c0_i32_1 = arith.constant 0 : i32
    return %c2_i32, %c0_i32, %c0_i32_0 : i32, i32, i32
  }
  func.func @transform_4(%arg0: i32) -> (i32, i32, i32) {
    %c2_i32 = arith.constant 2 : i32
    %c0_i32 = arith.constant 0 : i32
    %c0_i32_0 = arith.constant 0 : i32
    %c0_i32_1 = arith.constant 0 : i32
    return %c2_i32, %c0_i32, %c0_i32_0 : i32, i32, i32
  }
  func.func @transform_5(%arg0: i32) -> (i32, i32, i32) {
    %c2_i32 = arith.constant 2 : i32
    %c0_i32 = arith.constant 0 : i32
    %c0_i32_0 = arith.constant 0 : i32
    %c0_i32_1 = arith.constant 0 : i32
    return %c2_i32, %c0_i32, %c0_i32_0 : i32, i32, i32
  }
  func.func @transform_6(%arg0: i32) -> (i32, i32, i32) {
    %c2_i32 = arith.constant 2 : i32
    %c0_i32 = arith.constant 0 : i32
    %c0_i32_0 = arith.constant 0 : i32
    %c0_i32_1 = arith.constant 0 : i32
    return %c2_i32, %c0_i32, %c0_i32_0 : i32, i32, i32
  }
  func.func @transform_7(%arg0: i32) -> (i32, i32) {
    %c0_i32 = arith.constant 0 : i32
    %c0_i32_0 = arith.constant 0 : i32
    return %arg0, %c0_i32 : i32, i32
  }
}

module attributes {stable_mosaic.version = 14 : i64} {
  func.func @body(%arg0: i32, %arg1: memref<256x256xf32, #tpu.memory_space<vmem>>, %arg2: memref<256x3xf32, #tpu.memory_space<vmem>>, %arg3: memref<1x1x256xi32, #tpu.memory_space<vmem>>, %arg4: memref<64x64xf32, #tpu.memory_space<vmem>>, %arg5: memref<192x3xf32, #tpu.memory_space<vmem>>, %arg6: memref<64x64xf32, #tpu.memory_space<vmem>>, %arg7: memref<1x64xf32, #tpu.memory_space<vmem>>, %arg8: memref<64x1xf32, #tpu.memory_space<vmem>>, %arg9: memref<1x1xf32, #tpu.memory_space<vmem>>, %arg10: memref<64x4xf32, #tpu.memory_space<vmem>>) attributes {dimension_semantics = [#tpu.dimension_semantics<arbitrary>], iteration_bounds = array<i64: 40>, scalar_prefetch = 0 : i64, scratch_operands = 0 : i64, tpu.core_type = #tpu.core_type<tc>, window_params = [{transform_indices = @transform_0, window_bounds = array<i64: 256, 256>}, {transform_indices = @transform_1, window_bounds = array<i64: 256, 3>}, {transform_indices = @transform_2, window_bounds = array<i64: 1, 1, 256>}, {pipeline_mode = #tpu.pipeline_mode<synchronous>, transform_indices = @transform_3, window_bounds = array<i64: 64, 64>}, {pipeline_mode = #tpu.pipeline_mode<synchronous>, transform_indices = @transform_4, window_bounds = array<i64: 192, 3>}, {pipeline_mode = #tpu.pipeline_mode<synchronous>, transform_indices = @transform_5, window_bounds = array<i64: 64, 64>}, {pipeline_mode = #tpu.pipeline_mode<synchronous>, transform_indices = @transform_6, window_bounds = array<i64: 1, 64>}, {pipeline_mode = #tpu.pipeline_mode<synchronous>, transform_indices = @transform_7, window_bounds = array<i64: 64, 1>}, {pipeline_mode = #tpu.pipeline_mode<synchronous>, transform_indices = @transform_8, window_bounds = array<i64: 1, 1>}, {pipeline_mode = #tpu.pipeline_mode<synchronous>, transform_indices = @transform_9, window_bounds = array<i64: 64, 4>}]} {
    %get3A = arith.constant 0 : index
    %get3A_0 = arith.constant 0 : index
    %get3A_1 = vector.load %arg1[%get3A, %get3A_0] : memref<256x256xf32, #tpu.memory_space<vmem>>, vector<256x256xf32>
    %get3A_2 = arith.constant 0 : index
    %get3A_3 = arith.constant 0 : index
    %get3A_4 = vector.load %arg2[%get3A_2, %get3A_3] : memref<256x3xf32, #tpu.memory_space<vmem>>, vector<256x3xf32>
    %slice3A = vector.extract_strided_slice %get3A_1 {offsets = [0, 0], sizes = [256, 64], strides = [1, 1]} : vector<256x256xf32> to vector<256x64xf32>
    %slice3A_5 = vector.extract_strided_slice %get3A_1 {offsets = [0, 64], sizes = [256, 192], strides = [1, 1]} : vector<256x256xf32> to vector<256x192xf32>
    %get3A_6 = arith.constant 0 : index
    %get3A_7 = arith.constant 0 : index
    %get3A_8 = vector.load %arg4[%get3A_6, %get3A_7] : memref<64x64xf32, #tpu.memory_space<vmem>>, vector<64x64xf32>
    %dot_general3A = arith.constant dense<0.000000e+00> : vector<256x64xf32>
    %dot_general3A_9 = tpu.matmul %slice3A, %get3A_8, %dot_general3A {dimension_numbers = #tpu.dot_dimension_numbers<[1], [0], [0], [1], [0, 0, 1, 1], [], []>, precision = #tpu.contract_precision<fp32>, transpose_lhs_hint = false} : vector<256x64xf32>, vector<64x64xf32>, vector<256x64xf32> -> vector<256x64xf32>
    %get3A_10 = arith.constant 0 : index
    %get3A_11 = arith.constant 0 : index
    %get3A_12 = vector.load %arg5[%get3A_10, %get3A_11] : memref<192x3xf32, #tpu.memory_space<vmem>>, vector<192x3xf32>
    %dot_general3A_13 = arith.constant dense<0.000000e+00> : vector<256x3xf32>
    %dot_general3A_14 = tpu.matmul %slice3A_5, %get3A_12, %dot_general3A_13 {dimension_numbers = #tpu.dot_dimension_numbers<[1], [0], [0], [1], [0, 0, 1, 1], [], []>, precision = #tpu.contract_precision<fp32>, transpose_lhs_hint = false} : vector<256x192xf32>, vector<192x3xf32>, vector<256x3xf32> -> vector<256x3xf32>
    %get3A_15 = arith.constant 0 : index
    %get3A_16 = arith.constant 0 : index
    %get3A_17 = vector.load %arg6[%get3A_15, %get3A_16] : memref<64x64xf32, #tpu.memory_space<vmem>>, vector<64x64xf32>
    %dot_general3A_18 = arith.constant dense<0.000000e+00> : vector<256x64xf32>
    %dot_general3A_19 = tpu.matmul %dot_general3A_9, %get3A_17, %dot_general3A_18 {dimension_numbers = #tpu.dot_dimension_numbers<[1], [0], [0], [1], [0, 0, 1, 1], [], []>, precision = #tpu.contract_precision<fp32>, transpose_lhs_hint = false} : vector<256x64xf32>, vector<64x64xf32>, vector<256x64xf32> -> vector<256x64xf32>
    %get3A_20 = arith.constant 0 : index
    %get3A_21 = arith.constant 0 : index
    %get3A_22 = vector.load %arg7[%get3A_20, %get3A_21] : memref<1x64xf32, #tpu.memory_space<vmem>>, vector<1x64xf32>
    %add3A = vector.broadcast %get3A_22 : vector<1x64xf32> to vector<256x64xf32>
    %add3A_23 = arith.addf %dot_general3A_19, %add3A : vector<256x64xf32>
    %logistic3A = arith.negf %add3A_23 : vector<256x64xf32>
    %logistic3A_24 = math.exp %logistic3A : vector<256x64xf32>
    %logistic3A_25 = arith.constant 1.000000e+00 : f32
    %logistic3A_26 = vector.broadcast %logistic3A_25 : f32 to vector<256x64xf32>
    %logistic3A_27 = arith.addf %logistic3A_26, %logistic3A_24 : vector<256x64xf32>
    %logistic3A_28 = arith.divf %logistic3A_26, %logistic3A_27 : vector<256x64xf32>
    %mul3A = arith.mulf %add3A_23, %logistic3A_28 : vector<256x64xf32>
    %get3A_29 = arith.constant 0 : index
    %get3A_30 = arith.constant 0 : index
    %get3A_31 = vector.load %arg8[%get3A_29, %get3A_30] : memref<64x1xf32, #tpu.memory_space<vmem>>, vector<64x1xf32>
    %dot_general3A_32 = arith.constant dense<0.000000e+00> : vector<256x1xf32>
    %dot_general3A_33 = tpu.matmul %mul3A, %get3A_31, %dot_general3A_32 {dimension_numbers = #tpu.dot_dimension_numbers<[1], [0], [0], [1], [0, 0, 1, 1], [], []>, precision = #tpu.contract_precision<fp32>, transpose_lhs_hint = false} : vector<256x64xf32>, vector<64x1xf32>, vector<256x1xf32> -> vector<256x1xf32>
    %get3A_34 = arith.constant 0 : index
    %get3A_35 = arith.constant 0 : index
    %get3A_36 = vector.load %arg9[%get3A_34, %get3A_35] : memref<1x1xf32, #tpu.memory_space<vmem>>, vector<1x1xf32>
    %add3A_37 = vector.broadcast %get3A_36 : vector<1x1xf32> to vector<256x1xf32>
    %add3A_38 = arith.addf %dot_general3A_33, %add3A_37 : vector<256x1xf32>
    %mul3A_39 = arith.mulf %get3A_4, %get3A_4 : vector<256x3xf32>
    %reduce_sum3A = arith.constant dense<0.000000e+00> : vector<256xf32>
    %reduce_sum3A_40 = vector.multi_reduction <add>, %mul3A_39, %reduce_sum3A [1] : vector<256x3xf32> to vector<256xf32>
    %broadcast_in_dim3A = vector.shape_cast %reduce_sum3A_40 : vector<256xf32> to vector<256x1xf32>
    %mul3A_41 = vector.broadcast %add3A_38 : vector<256x1xf32> to vector<256x3xf32>
    %mul3A_42 = arith.mulf %mul3A_41, %get3A_4 : vector<256x3xf32>
    %add3A_43 = arith.addf %mul3A_42, %dot_general3A_14 : vector<256x3xf32>
    %mul3A_44 = arith.mulf %add3A_38, %broadcast_in_dim3A : vector<256x1xf32>
    %concatenate3A = tpu.concatenate %add3A_43, %mul3A_44 in 1 : vector<256x3xf32>, vector<256x1xf32> -> vector<256x4xf32>
    %get3A_45 = arith.constant 0 : index
    %get3A_46 = arith.constant 0 : index
    %get3A_47 = arith.constant 0 : index
    %get3A_48 = vector.load %arg3[%get3A_45, %get3A_46, %get3A_47] : memref<1x1x256xi32, #tpu.memory_space<vmem>>, vector<1x1x256xi32>
    %reshape3A = vector.shape_cast %get3A_48 : vector<1x1x256xi32> to vector<1x256xi32>
    %iota3A = tpu.iota {dimensions = array<i32: 0>} : vector<64x256xi32>
    %eq3A = vector.broadcast %reshape3A : vector<1x256xi32> to vector<64x256xi32>
    %eq3A_49 = arith.cmpi eq, %iota3A, %eq3A : vector<64x256xi32>
    %convert_element_type3A = arith.extui %eq3A_49 : vector<64x256xi1> to vector<64x256xi32>
    %convert_element_type3A_50 = arith.sitofp %convert_element_type3A : vector<64x256xi32> to vector<64x256xf32>
    %dot_general3A_51 = arith.constant dense<0.000000e+00> : vector<64x4xf32>
    %dot_general3A_52 = tpu.matmul %convert_element_type3A_50, %concatenate3A, %dot_general3A_51 {dimension_numbers = #tpu.dot_dimension_numbers<[1], [0], [0], [1], [0, 0, 1, 1], [], []>, precision = #tpu.contract_precision<fp32>, transpose_lhs_hint = false} : vector<64x256xf32>, vector<256x4xf32>, vector<64x4xf32> -> vector<64x4xf32>
    %eq3A_53 = arith.constant 0 : i32
    %eq3A_54 = arith.cmpi eq, %arg0, %eq3A_53 : i32
    %convert_element_type3A_55 = arith.extui %eq3A_54 : i1 to i32
    %cond3A = arith.constant 0 : i32
    %cond3A_56 = arith.cmpi ne, %convert_element_type3A_55, %cond3A : i32
    scf.if %cond3A_56 {
      %broadcast_in_dim3A_63 = arith.constant 0.000000e+00 : f32
      %broadcast_in_dim3A_64 = vector.broadcast %broadcast_in_dim3A_63 : f32 to vector<64x4xf32>
      %swap3A_65 = arith.constant 0 : index
      %swap3A_66 = arith.constant 0 : index
      %swap3A_67 = vector.load %arg10[%swap3A_65, %swap3A_66] : memref<64x4xf32, #tpu.memory_space<vmem>>, vector<64x4xf32>
      tpu.vector_store %arg10[%swap3A_65, %swap3A_66], %broadcast_in_dim3A_64 {strides = array<i32>} : memref<64x4xf32, #tpu.memory_space<vmem>>, vector<64x4xf32>,
    } else {
    }
    %get3A_57 = arith.constant 0 : index
    %get3A_58 = arith.constant 0 : index
    %get3A_59 = vector.load %arg10[%get3A_57, %get3A_58] : memref<64x4xf32, #tpu.memory_space<vmem>>, vector<64x4xf32>
    %add3A_60 = arith.addf %get3A_59, %dot_general3A_52 : vector<64x4xf32>
    %swap3A = arith.constant 0 : index
    %swap3A_61 = arith.constant 0 : index
    %swap3A_62 = vector.load %arg10[%swap3A, %swap3A_61] : memref<64x4xf32, #tpu.memory_space<vmem>>, vector<64x4xf32>
    tpu.vector_store %arg10[%swap3A, %swap3A_61], %add3A_60 {strides = array<i32>} : memref<64x4xf32, #tpu.memory_space<vmem>>, vector<64x4xf32>,
    return
  }
  func.func @transform_0(%arg0: i32) -> (i32, i32) {
    %c0_i32 = arith.constant 0 : i32
    %c0_i32_0 = arith.constant 0 : i32
    return %arg0, %c0_i32 : i32, i32
  }
  func.func @transform_1(%arg0: i32) -> (i32, i32) {
    %c0_i32 = arith.constant 0 : i32
    %c0_i32_0 = arith.constant 0 : i32
    return %arg0, %c0_i32 : i32, i32
  }
  func.func @transform_2(%arg0: i32) -> (i32, i32, i32) {
    %c0_i32 = arith.constant 0 : i32
    %c0_i32_0 = arith.constant 0 : i32
    %c0_i32_1 = arith.constant 0 : i32
    return %arg0, %c0_i32, %c0_i32_0 : i32, i32, i32
  }
  func.func @transform_3(%arg0: i32) -> (i32, i32) {
    %c0_i32 = arith.constant 0 : i32
    %c0_i32_0 = arith.constant 0 : i32
    %c0_i32_1 = arith.constant 0 : i32
    return %c0_i32, %c0_i32_0 : i32, i32
  }
  func.func @transform_4(%arg0: i32) -> (i32, i32) {
    %c0_i32 = arith.constant 0 : i32
    %c0_i32_0 = arith.constant 0 : i32
    %c0_i32_1 = arith.constant 0 : i32
    return %c0_i32, %c0_i32_0 : i32, i32
  }
  func.func @transform_5(%arg0: i32) -> (i32, i32) {
    %c0_i32 = arith.constant 0 : i32
    %c0_i32_0 = arith.constant 0 : i32
    %c0_i32_1 = arith.constant 0 : i32
    return %c0_i32, %c0_i32_0 : i32, i32
  }
  func.func @transform_6(%arg0: i32) -> (i32, i32) {
    %c0_i32 = arith.constant 0 : i32
    %c0_i32_0 = arith.constant 0 : i32
    %c0_i32_1 = arith.constant 0 : i32
    return %c0_i32, %c0_i32_0 : i32, i32
  }
  func.func @transform_7(%arg0: i32) -> (i32, i32) {
    %c0_i32 = arith.constant 0 : i32
    %c0_i32_0 = arith.constant 0 : i32
    %c0_i32_1 = arith.constant 0 : i32
    return %c0_i32, %c0_i32_0 : i32, i32
  }
  func.func @transform_8(%arg0: i32) -> (i32, i32) {
    %c0_i32 = arith.constant 0 : i32
    %c0_i32_0 = arith.constant 0 : i32
    %c0_i32_1 = arith.constant 0 : i32
    return %c0_i32, %c0_i32_0 : i32, i32
  }
  func.func @transform_9(%arg0: i32) -> (i32, i32) {
    %c0_i32 = arith.constant 0 : i32
    %c0_i32_0 = arith.constant 0 : i32
    %c0_i32_1 = arith.constant 0 : i32
    return %c0_i32, %c0_i32_0 : i32, i32
  }
}

</mosaic_0001>

<sc_bundles>
// kernel: kernel.19.cloned.1.call-start
scs
__scs_entry_jumppad:
0x0: {  	(pc) =	sbr.rel $0x88, $3  }
0x1: {  	(tag) =	ssettag $0x0;
	lr =	simm.s32 $0x1  }
0x2: {  	[smem:$0x3F8C] =	sst lr;
	_ =	strace $0xD0000000  }
0x3: {  	_ = 	snop  }
0x4: {  	_ = 	snop  }
0x5: {  	_ = 	snop  }
0x6: {  	_ = 	snop  }
0x7: {  	_ = 	snop  }
__scs_overlays_trampoline_lowered:
0x8: {  	[smem:$0x3F9B] =	sst s0  }
0x9: {  	[smem:$0x3F9C] =	sst s1  }
0xa: {  	[smem:$0x3F9D] =	sst s2  }
0xb: {  	[smem:$0x3F9E] =	sst s3  }
0xc: {  	[smem:$0x3F9F] =	sst s4  }
0xd: {  	[smem:$0x3FA0] =	sst s5  }
0xe: {  	[smem:$0x3FA1] =	sst s6  }
0xf: {  	[smem:$0x3FA2] =	sst s7  }
0x10: {  	[smem:$0x3FA3] =	sst s8  }
0x11: {  	[smem:$0x3FA4] =	sst s9;
	s0 =	simm.s32 @!p0 $0x0  }
0x12: {  	s1 =	sld [smem:$0x3F8A];
	s0 =	simm.s32 @p0 $0x1  }
0x13: {  	[smem:$0x3FA5] =	sst s0;
	s0 =	simm.s32 @!p1 $0x0  }
0x14: {  	s2 =	sld [smem:$0x3F89];
	s0 =	simm.s32 @p1 $0x1  }
0x15: {  	[smem:$0x3FA6] =	sst s0;
	s0 =	simm.s32 @!p2 $0x0  }
0x16: {  	s3 =	sld [smem:$0x3FDB];
	s0 =	simm.s32 @p2 $0x1  }
0x17: {  	s4 =	simm.s32 $0x1BF5;
	[smem:$0x3FA8] =	sst s0  }
0x18: {  	s0 =	sld [smem:$0x3F8B];
	_ =	swait.ge [sflag:s4], $0x0  }
0x19: {  	s7 =	sld [smem:$0x3F8C]  }
0x1a: {  	s8 =	sadd.s32 $0xFFFFE003, lr  }
0x1b: {  	s9 =	sadd.s32 $0xFFFFFEF7, lr;
	s5 =	simm.s32 $0xFFFFFFFF;
	p2 =	slt.u32 s8, $0xFFFFF086  }
0x1c: {  	p1 =	slt.u32 s9, $0xF7A;
	s5 =	simm.s32 @!p2 $0x0  }
0x1d: {  	s5 =	simm.s32 @p1 $0x1;
	p0 =	seq.s32 s7, s2  }
0x1e: {  	s7 =	smul.u32 @!p0 $0xF7A, s2;
	p2 =	seq.s32 @!p0 s5, $0x0  }
0x1f: {  	s9 =	smul.u32 $0xF7A, s1;
	s8 =	simm.s32 @!p0 $0x1BF5;
	p2 =	por !p2, p0  }
0x20: {  	[sflag:s8] =	ssyncset.s32 @!p0 $0xFFFFF086;
	s6 =	sadd.s32 @!p0 s3, s7;
	s7 =	simm.s32 @!p0 $0x108  }
0x21: {  	s3 =	sadd.s32 s3, s9;
	s6 =	sadd.s32 @!p0 $0x88, s6;
	s7 =	simm.s32 @p2 $0x1082  }
0x22: {  	[simem:s7], [sflag:s8] =	dma.local @!p0 [hbm:s6], $0xF7A  }
0x23: {  	s9 =	sor.u32 $0xD0000000, s2;
	s6 =	simm.s32 $0x108;
	_ =	swait.ge @!p0 [sflag:s8], $0x0  }
0x24: {  	s3 =	sadd.s32 $0x88, s3;
	s6 =	simm.s32 @!p1 $0x1082;
	[sflag:s4] =	ssyncset.s32 $0xFFFFF086  }
0x25: {  	[simem:s6], [sflag:s4] =	dma.local [hbm:s3], $0xF7A  }
0x26: {  	[smem:$0x3F8C] =	sst s1;
	(tag) =	ssettag s2;
	_ =	strace s9  }
0x27: {  	s1 =	sld [smem:$0x3F9C]  }
0x28: {  	s2 =	sld [smem:$0x3F9D]  }
0x29: {  	s4 =	sld [smem:$0x3F9F]  }
0x2a: {  	p0 =	seq.s32 s5, $0x0;
	s5 =	sld [smem:$0x3FA0]  }
0x2b: {  	s6 =	sld [smem:$0x3FA1]  }
0x2c: {  	s7 =	sld [smem:$0x3FA2]  }
0x2d: {  	s3 =	simm.s32 $0x108;
	s8 =	sld [smem:$0x3FA3]  }
0x2e: {  	s3 =	simm.s32 @!p0 $0x1082;
	s9 =	sld [smem:$0x3FA4]  }
0x2f: {  	lr =	sadd.s32 s0, s3;
	s0 =	sld [smem:$0x3F9B]  }
0x30: {  	s3 =	sld [smem:$0x3F9E]  }
0x31: {  	[smem:$0x3FA7] =	sst s10  }
0x32: {  	s10 =	sld [smem:$0x3FA5];
	_ =	sdelay $0x3  }
0x33: {  	p0 =	seq.s32 s10, $0x1;
	s10 =	sld [smem:$0x3FA7];
	_ =	sdelay $0x3  }
0x34: {  	[smem:$0x3FA7] =	sst s10  }
0x35: {  	s10 =	sld [smem:$0x3FA6];
	_ =	sdelay $0x3  }
0x36: {  	p1 =	seq.s32 s10, $0x1;
	s10 =	sld [smem:$0x3FA7];
	_ =	sdelay $0x3  }
0x37: {  	[smem:$0x3FA7] =	sst s10  }
0x38: {  	s10 =	sld [smem:$0x3FA8]  }
0x39: {  	_ = 	snop;
	(pc) =	sbr.ind lr, $3  }
0x3a: {  	_ = 	snop  }
0x3b: {  	_ = 	snop  }
0x3c: {  	p2 =	seq.s32 s10, $0x1;
	s10 =	sld [smem:$0x3FA7]  }
0x3d: {  	_ =	shalt  }
0x3e: {  	_ =	shalt  }
0x3f: {  	_ =	shalt  }
0x40: {  	_ =	shalt  }
0x41: {  	_ =	shalt  }
0x42: {  	_ =	shalt  }
0x43: {  	_ =	shalt  }
0x44: {  	_ =	shalt  }
0x45: {  	_ =	shalt  }
0x46: {  	_ =	shalt  }
0x47: {  	_ =	shalt  }
0x48: {  	_ =	shalt  }
0x49: {  	_ =	shalt  }
0x4a: {  	_ =	shalt  }
0x4b: {  	_ =	shalt  }
0x4c: {  	_ =	shalt  }
0x4d: {  	_ =	shalt  }
0x4e: {  	_ =	shalt  }
0x4f: {  	_ =	shalt  }
0x50: {  	_ =	shalt  }
0x51: {  	_ =	shalt  }
0x52: {  	_ =	shalt  }
0x53: {  	_ =	shalt  }
0x54: {  	_ =	shalt  }
0x55: {  	_ =	shalt  }
0x56: {  	_ =	shalt  }
0x57: {  	_ =	shalt  }
0x58: {  	_ =	shalt  }
0x59: {  	_ =	shalt  }
0x5a: {  	_ =	shalt  }
0x5b: {  	_ =	shalt  }
0x5c: {  	_ =	shalt  }
0x5d: {  	_ =	shalt  }
0x5e: {  	_ =	shalt  }
0x5f: {  	_ =	shalt  }
0x60: {  	_ =	shalt  }
0x61: {  	_ =	shalt  }
0x62: {  	_ =	shalt  }
0x63: {  	_ =	shalt  }
0x64: {  	_ =	shalt  }
0x65: {  	_ =	shalt  }
0x66: {  	_ =	shalt  }
0x67: {  	_ =	shalt  }
0x68: {  	_ =	shalt  }
0x69: {  	_ =	shalt  }
0x6a: {  	_ =	shalt  }
0x6b: {  	_ =	shalt  }
0x6c: {  	_ =	shalt  }
0x6d: {  	_ =	shalt  }
0x6e: {  	_ =	shalt  }
0x6f: {  	_ =	shalt  }
0x70: {  	_ =	shalt  }
0x71: {  	_ =	shalt  }
0x72: {  	_ =	shalt  }
0x73: {  	_ =	shalt  }
0x74: {  	_ =	shalt  }
0x75: {  	_ =	shalt  }
0x76: {  	_ =	shalt  }
0x77: {  	_ =	shalt  }
0x78: {  	_ =	shalt  }
0x79: {  	_ =	shalt  }
0x7a: {  	_ =	shalt  }
0x7b: {  	_ =	shalt  }
0x7c: {  	_ =	shalt  }
0x7d: {  	_ =	shalt  }
0x7e: {  	_ =	shalt  }
0x7f: {  	_ =	shalt  }
0x80: {  	_ =	shalt  }
0x81: {  	_ =	shalt  }
0x82: {  	_ =	shalt  }
0x83: {  	_ =	shalt  }
0x84: {  	_ =	shalt  }
0x85: {  	_ =	shalt  }
0x86: {  	_ =	shalt  }
0x87: {  	_ =	shalt  }
.Lfunc_end0:
.L_simem_size_0:
called_computation_lowered:
.L_overlay_start_0:
0x88: {  	s2 =	sld [smem:$0x3FD9]  }
0x89: {  	s3 =	sld [smem:$0x3FFE];
	_ =	sdelay $0x1  }
0x8a: {  	s1 =	srdreg.scid  }
0x8b: {  	s0 =	sand.u32 $0x1, s1  }
0x8c: {  	s17 =	sshll.u32 s0, $0xA;
	s2 =	sadd.s32 s3, s2  }
0x8d: {  	s2 =	sadd.s32 s2, s17  }
0x8e: {  	[smem:$0x3FB3] =	sst s2  }
0x8f: {  	_ = 	snop  }
0x90: {  	(tm) =	ssettm $0x1  }
0x91: {  	s18 =	sld [smem:$0x3FFB];
	_ =	sdelay $0x3  }
0x92: {  	_ =	strace s18  }
0x93: {  	s2 =	sld [smem:$0x3FFC];
	_ =	sdelay $0x3  }
0x94: {  	_ =	strace s2  }
0x95: {  	s2 =	sld [smem:$0x3FFD];
	_ =	sdelay $0x3  }
0x96: {  	_ =	strace s2  }
0x97: {  	_ =	strace $0x8FFFFFFF  }
0x98: {  	s19 =	sld [smem:$0x3FDB];
	_ =	sdelay $0x1  }
0x99: {  	s20 =	simm.s32 $_scs_section_size  }
0x9a: {  	s4 =	simm.s32 $_size__tile_overlayer_lowered;
	s5 =	simm.s32 $_tile_overlayer_lowered  }
0x9b: {  	s6 =	simm.s32 $0x1BFF;
	s21 =	sshll.u32 s5, $0x1;
	s3 =	sadd.s32 s20, s19  }
0x9c: {  	s22 =	simm.s32 $0x0;
	s4 =	sshll.u32 s4, $0x1;
	s5 =	sadd.s32 s21, s3  }
0x9d: {  	[timem:s22], [sflag:s6] =	dma.local [hbm:s5], s4  }
0x9e: {  	_ =	swait.ge [sflag:s6], s4  }
0x9f: {  	s4 =	ssub.s32 $0x0, s4;
	[sflag:s6] =	ssyncset.done $0x0  }
0xa0: {  	[sflag:s6] =	ssyncadd.s32 s4;
	_ =	sdelay $0x1  }
0xa1: {  	s23 =	simm.s32 $0x1B8B  }
0xa2: {  	_ =	swait.ge [sflag:s23], $0x1  }
0xa3: {  	[sflag:s23] =	ssyncset.done $0x0  }
0xa4: {  	[sflag:s23] =	ssyncadd.s32 $0xFFFFFFFF  }
0xa5: {  	s4 =	sld [smem:$0x0]  }
0xa6: {  	s5 =	sand.u32 $0xFFFFFFFE, s1  }
0xa7: {  	p0 =	sne.s32 s1, s5  }
0xa8: {  	s5 =	sshll.u32 @p0 s5, $0xE  }
0xa9: {  	s5 =	sadd.s32 @p0 $0x11B8D, s5;
	s6 =	sshll.u32 @p0 s4, $0x11  }
0xaa: {  	s5 =	sor.u32 @p0 s6, s5  }
0xab: {  	[sflag:s5] =	ssyncadd.remote.s32 @p0 $0x1;
	_ =	sdelay $0x1  }
0xac: {  	s5 =	simm.s32 @p0 $0x1B8D  }
0xad: {  	_ =	swait.eq @p0 [sflag:s5], $0x1  }
0xae: {  	[sflag:s5] =	ssyncadd.s32 @p0 $0xFFFFFFFF  }
0xaf: {  	s6 =	sshll.u32 @!p0 s1, $0xE  }
0xb0: {  	s6 =	sor.u32 @!p0 $0x4000, s6;
	s5 =	simm.s32 @!p0 $0x1B8D  }
0xb1: {  	s4 =	sshll.u32 @!p0 s4, $0x11;
	s6 =	sadd.s32 @!p0 $0x11B8D, s6;
	_ =	swait.eq @!p0 [sflag:s5], $0x1  }
0xb2: {  	s4 =	sor.u32 @!p0 s4, s6;
	[sflag:s5] =	ssyncadd.s32 @!p0 $0xFFFFFFFF  }
0xb3: {  	s25 =	simm.s32 $0x1B8E;
	s24 =	sld [smem:$0x3FFE];
	[sflag:s4] =	ssyncadd.remote.s32 @!p0 $0x1  }
0xb4: {  	s26 =	simm.s32 $execute0_lowered;
	[smem:$0x3FD2] =	sst s25  }
0xb5: {  	s5 =	sshll.u32 s26, $0x1;
	_ =	strace $0x80000049;
	[dreg:$0x1] =	wrdreg $0xFFFFFFFF  }
0xb6: {  	s28 =	simm.s32 $_size_execute0_lowered;
	s3 =	sadd.s32 s3, s5;
	[dreg:$0x0] =	wrdreg $0x0  }
0xb7: {  	s5 =	sshll.u32 s28, $0x1;
	[dreg:$0x2] =	wrdreg s3  }
0xb8: {  	[dreg:$0x3] =	wrdreg s5  }
0xb9: {  	[dreg:$0x4] =	wrdreg $0xC0  }
0xba: {  	_ =	task [dreg:s22], $0x5FFFF  }
0xbb: {  	[dreg:$0x1] =	wrdreg $0xFFFFFFFF  }
0xbc: {  	[dreg:$0x0] =	wrdreg $0x60  }
0xbd: {  	[dreg:$0x2] =	wrdreg s24  }
0xbe: {  	[dreg:$0x3] =	wrdreg $0x9  }
0xbf: {  	_ =	task.clear_ibuf [dreg:s22], $0x4FFFF;
	_ =	strace $0x90000049  }
0xc0: {  	s29 =	simm.s32 $0x9;
	_ =	strace $0x8000004B  }
0xc1: {  	_ =	swait.ge [sflag:s29], $0x1  }
0xc2: {  	[sflag:s29] =	ssyncadd.s32 $0xFFFFFFFF  }
0xc3: {  	_ =	strace $0x9000004B  }
0xc4: {  	_ =	sfence  }
0xc5: {  	s30 =	sld [smem:$0x0];
	_ =	sdelay $0x2  }
0xc6: {  	s31 =	sshll.u32 s1, $0xD;
	s1 =	sshrl.u32 s1, $0x2  }
0xc7: {  	s4 =	sand.u32 $0x4000, s31;
	s1 =	sadd.s32 s1, s30  }
0xc8: {  	s0 =	sor.u32 s4, s0;
	s1 =	sshll.u32 s1, $0x11  }
0xc9: {  	s0 =	sor.u32 s1, s0  }
0xca: {  	s0 =	sadd.s32 $0x8F2B, s0  }
0xcb: {  	[sflag:s0] =	ssyncadd.remote.s32 $0x1  }
0xcc: {  	_ =	sfence.sel $0xFFFF  }
0xcd: {  	[dreg:$0x0] =	wrdreg $0xFFFFFFFF;
	(pc) =	sbr.abs _section_cstart, $3  }
0xce: {  	[dreg:$0x1] =	wrdreg $0xFFFFFFFF  }
0xcf: {  	_ =	task.clear_ibuf [dreg:s22], $0x2FFFF;
	_ =	strace $0x9FFFFFFF  }
0xd0: {  	(tm) =	ssettm $0x7FFFFFFF  }
0xd1: {  	_ =	shalt  }
tec
execute0_lowered:
.L_overlay_start_1:
0x0: {  	(tag) =	ssettag $0x1  }
0x1: {  	s4 =	rddreg [dreg:$0x0]  }
0x2: {  	s0 =	rddreg [dreg:$0x1];
	s2 =	simm.s32 $0x0;
	s3 =	srdreg.scid  }
0x3: {  	s1 =	stileid.u32;
	s10 =	simm.s32 $0x1080;
	s11 =	simm.s32 $0x1880  }
0x4: {  	s12 =	simm.s32 $0x2080;
	s13 =	simm.s32 $0x2880;
	s14 =	simm.s32 $0x3080  }
0x5: {  	s15 =	simm.s32 $0x3880;
	s16 =	simm.s32 $0x4080;
	s17 =	simm.s32 $0x4880  }
0x6: {  	s18 =	simm.s32 $0x5080;
	s19 =	simm.s32 $0x5880;
	s20 =	simm.s32 $0x6080  }
0x7: {  	s21 =	simm.s32 $0x6880;
	s22 =	simm.s32 $0x7080;
	s23 =	simm.s32 $0x7880  }
0x8: {  	s24 =	simm.s32 $0x1;
	s25 =	simm.s32 $0x0;
	s6 =	smul.u32 $0x4F00, s1  }
0x9: {  	[smem:$0x7FF] =	sst s2;
	s5 =	sand.u32 $0x1, s3;
	s8 =	smul.u32 $0x9E000, s1  }
0xa: {  	s3 =	sadd.s32 $0x93C00, s4;
	s7 =	smul.u32 $0x2780, s5;
	s9 =	ssub.s32 $0x2, s5  }
0xb: {  	_ =	strace $0x8000004A;
	s5 =	smul.u32 $0x4F000, s5;
	s31 =	sshrl.u32 s9, $0x1  }
0xc: {  	s8 =	sadd.s32 s8, s4;
	s6 =	sadd.s32 s7, s6;
	s7 =	ssub.s32 s9, s31  }
0xd: {  	v2 =	vlaneseq.u32;
	s5 =	sadd.s32 s5, s8;
	s8 =	simm.s32 $0x80;
	s6 =	sshrl.u32 s6, $0x3  }
0xe: {  	vm0 =	vmmov $0xffff;
	v1 =	vshrl.u32 v2, $0x3;
	s9 =	simm.s32 $0x880;
	s5 =	sadd.s32 $0xB3BC00, s5;
	s6 =	sadd.s32 s6, s4  }
0xf: {  	v0 =	vand.u32 $0x7, v2;
	v2 =	vor.u32 $0x8, v2;
	v1 =	vmul.u32 $0x8, v1;
	s4 =	smax.u32 s7, $0x1;
	s7 =	simm.s32 $0x2;
	s6 =	sadd.s32 $0x30000, s6  }
.LBB2_1:
0x10: {  	s26 =	smov.u32 s5;
	s28 =	simm.s32 $0x0  }
.LBB2_2:
0x11: {  	s29 =	sadd.s32 s28, s6  }
0x12: {  	[tilespmem:s2], [sflag:$0x2] =	stream.linear.gather [hbm4b:s29+s2], $0x80, $0x38;
	[tilespmem:$0x8080] =	vst v63  }
0x13: {  	_ =	swait.ge [sflag:s7], $0x80  }
0x14: {  	[sflag:s7] =	ssyncset.done $0x0  }
0x15: {  	[sflag:s7] =	ssyncadd.s32 $0xFFFFFF80  }
0x16: {  	v3 =	vld [tilespmem:$0x0];
	_ =	sdelay $0x4  }
0x17: {  	v4 =	vshll.u32 v3, $0x1  }
0x18: {  	v3 =	vand.u32 $0x7, v3;
	v4 =	vand.u32 $0xFFFFFFF0, v4  }
0x19: {  	v3 =	vor.u32 v3, v4  }
0x1a: {  	v4 =	vperm.xlane v3, v0;
	_ =	sdelay $0x1  }
0x1b: {  	v3 =	vperm.xlane v3, v2;
	v4 =	vadd.s32 v1, v4;
	_ =	sdelay $0x1  }
0x1c: {  	v3 =	vadd.s32 v1, v3;
	_ =	sdelay $0x2  }
0x1d: {  	[tilespmem:s8], [sflag:$0x1] =	stream.indirect_vreg.gather [hbm4b:s3+s2], $0x80, v4, vm0, $0xb8;
	[tilespmem:$0x8080] =	vst v63  }
0x1e: {  	_ = 	snop  }
0x1f: {  	[tilespmem:s9], [sflag:$0x1] =	stream.indirect_vreg.gather [hbm4b:s3+s2], $0x80, v3, vm0, $0xb8;
	[tilespmem:$0x8080] =	vst v63  }
0x20: {  	v3 =	vld [tilespmem:$0x10];
	_ =	sdelay $0x4  }
0x21: {  	v57 =	vshll.u32 v3, $0x1  }
0x22: {  	v3 =	vand.u32 $0x7, v3;
	v4 =	vand.u32 $0xFFFFFFF0, v57  }
0x23: {  	v3 =	vor.u32 v3, v4  }
0x24: {  	v4 =	vperm.xlane v3, v0;
	_ =	sdelay $0x1  }
0x25: {  	v3 =	vperm.xlane v3, v2;
	v4 =	vadd.s32 v1, v4;
	_ =	sdelay $0x1  }
0x26: {  	v3 =	vadd.s32 v1, v3;
	_ =	sdelay $0x2  }
0x27: {  	[tilespmem:s10], [sflag:$0x1] =	stream.indirect_vreg.gather [hbm4b:s3+s2], $0x80, v4, vm0, $0xb8;
	[tilespmem:$0x8080] =	vst v63  }
0x28: {  	_ = 	snop  }
0x29: {  	[tilespmem:s11], [sflag:$0x1] =	stream.indirect_vreg.gather [hbm4b:s3+s2], $0x80, v3, vm0, $0xb8;
	[tilespmem:$0x8080] =	vst v63  }
0x2a: {  	v3 =	vld [tilespmem:$0x20];
	_ =	sdelay $0x4  }
0x2b: {  	v58 =	vshll.u32 v3, $0x1  }
0x2c: {  	v3 =	vand.u32 $0x7, v3;
	v4 =	vand.u32 $0xFFFFFFF0, v58  }
0x2d: {  	v3 =	vor.u32 v3, v4  }
0x2e: {  	v4 =	vperm.xlane v3, v0;
	_ =	sdelay $0x1  }
0x2f: {  	v3 =	vperm.xlane v3, v2;
	v4 =	vadd.s32 v1, v4;
	_ =	sdelay $0x1  }
0x30: {  	v3 =	vadd.s32 v1, v3;
	_ =	sdelay $0x2  }
0x31: {  	[tilespmem:s12], [sflag:$0x1] =	stream.indirect_vreg.gather [hbm4b:s3+s2], $0x80, v4, vm0, $0xb8;
	[tilespmem:$0x8080] =	vst v63  }
0x32: {  	_ = 	snop  }
0x33: {  	[tilespmem:s13], [sflag:$0x1] =	stream.indirect_vreg.gather [hbm4b:s3+s2], $0x80, v3, vm0, $0xb8;
	[tilespmem:$0x8080] =	vst v63  }
0x34: {  	v3 =	vld [tilespmem:$0x30];
	_ =	sdelay $0x4  }
0x35: {  	v59 =	vshll.u32 v3, $0x1  }
0x36: {  	v3 =	vand.u32 $0x7, v3;
	v4 =	vand.u32 $0xFFFFFFF0, v59  }
0x37: {  	v3 =	vor.u32 v3, v4  }
0x38: {  	v4 =	vperm.xlane v3, v0;
	_ =	sdelay $0x1  }
0x39: {  	v3 =	vperm.xlane v3, v2;
	v4 =	vadd.s32 v1, v4;
	_ =	sdelay $0x1  }
0x3a: {  	v3 =	vadd.s32 v1, v3;
	_ =	sdelay $0x2  }
0x3b: {  	[tilespmem:s14], [sflag:$0x1] =	stream.indirect_vreg.gather [hbm4b:s3+s2], $0x80, v4, vm0, $0xb8;
	[tilespmem:$0x8080] =	vst v63  }
0x3c: {  	_ = 	snop  }
0x3d: {  	[tilespmem:s15], [sflag:$0x1] =	stream.indirect_vreg.gather [hbm4b:s3+s2], $0x80, v3, vm0, $0xb8;
	[tilespmem:$0x8080] =	vst v63  }
0x3e: {  	v3 =	vld [tilespmem:$0x40];
	_ =	sdelay $0x4  }
0x3f: {  	v60 =	vshll.u32 v3, $0x1  }
0x40: {  	v3 =	vand.u32 $0x7, v3;
	v4 =	vand.u32 $0xFFFFFFF0, v60  }
0x41: {  	v3 =	vor.u32 v3, v4  }
0x42: {  	v4 =	vperm.xlane v3, v0;
	_ =	sdelay $0x1  }
0x43: {  	v3 =	vperm.xlane v3, v2;
	v4 =	vadd.s32 v1, v4;
	_ =	sdelay $0x1  }
0x44: {  	v3 =	vadd.s32 v1, v3;
	_ =	sdelay $0x2  }
0x45: {  	[tilespmem:s16], [sflag:$0x1] =	stream.indirect_vreg.gather [hbm4b:s3+s2], $0x80, v4, vm0, $0xb8;
	[tilespmem:$0x8080] =	vst v63  }
0x46: {  	_ = 	snop  }
0x47: {  	[tilespmem:s17], [sflag:$0x1] =	stream.indirect_vreg.gather [hbm4b:s3+s2], $0x80, v3, vm0, $0xb8;
	[tilespmem:$0x8080] =	vst v63  }
0x48: {  	v3 =	vld [tilespmem:$0x50];
	_ =	sdelay $0x4  }
0x49: {  	v61 =	vshll.u32 v3, $0x1  }
0x4a: {  	v3 =	vand.u32 $0x7, v3;
	v4 =	vand.u32 $0xFFFFFFF0, v61  }
0x4b: {  	v3 =	vor.u32 v3, v4  }
0x4c: {  	v4 =	vperm.xlane v3, v0;
	_ =	sdelay $0x1  }
0x4d: {  	v3 =	vperm.xlane v3, v2;
	v4 =	vadd.s32 v1, v4;
	_ =	sdelay $0x1  }
0x4e: {  	v3 =	vadd.s32 v1, v3;
	_ =	sdelay $0x2  }
0x4f: {  	[tilespmem:s18], [sflag:$0x1] =	stream.indirect_vreg.gather [hbm4b:s3+s2], $0x80, v4, vm0, $0xb8;
	[tilespmem:$0x8080] =	vst v63  }
0x50: {  	_ = 	snop  }
0x51: {  	[tilespmem:s19], [sflag:$0x1] =	stream.indirect_vreg.gather [hbm4b:s3+s2], $0x80, v3, vm0, $0xb8;
	[tilespmem:$0x8080] =	vst v63  }
0x52: {  	v3 =	vld [tilespmem:$0x60];
	_ =	sdelay $0x4  }
0x53: {  	v62 =	vshll.u32 v3, $0x1  }
0x54: {  	v3 =	vand.u32 $0x7, v3;
	v4 =	vand.u32 $0xFFFFFFF0, v62  }
0x55: {  	v3 =	vor.u32 v3, v4  }
0x56: {  	v4 =	vperm.xlane v3, v0;
	_ =	sdelay $0x1  }
0x57: {  	v3 =	vperm.xlane v3, v2;
	v4 =	vadd.s32 v1, v4;
	_ =	sdelay $0x1  }
0x58: {  	v3 =	vadd.s32 v1, v3;
	_ =	sdelay $0x2  }
0x59: {  	[tilespmem:s20], [sflag:$0x1] =	stream.indirect_vreg.gather [hbm4b:s3+s2], $0x80, v4, vm0, $0xb8;
	[tilespmem:$0x8080] =	vst v63  }
0x5a: {  	_ = 	snop  }
0x5b: {  	[tilespmem:s21], [sflag:$0x1] =	stream.indirect_vreg.gather [hbm4b:s3+s2], $0x80, v3, vm0, $0xb8;
	[tilespmem:$0x8080] =	vst v63  }
0x5c: {  	v3 =	vld [tilespmem:$0x70];
	_ =	sdelay $0x4  }
0x5d: {  	v63 =	vshll.u32 v3, $0x1  }
0x5e: {  	v3 =	vand.u32 $0x7, v3;
	v4 =	vand.u32 $0xFFFFFFF0, v63  }
0x5f: {  	v3 =	vor.u32 v3, v4  }
0x60: {  	v4 =	vperm.xlane v3, v0;
	_ =	sdelay $0x1  }
0x61: {  	v3 =	vperm.xlane v3, v2;
	v4 =	vadd.s32 v1, v4;
	_ =	sdelay $0x1  }
0x62: {  	v3 =	vadd.s32 v1, v3;
	_ =	sdelay $0x2  }
0x63: {  	[tilespmem:s22], [sflag:$0x1] =	stream.indirect_vreg.gather [hbm4b:s3+s2], $0x80, v4, vm0, $0xb8;
	[tilespmem:$0x8080] =	vst v63  }
0x64: {  	_ = 	snop  }
0x65: {  	[tilespmem:s23], [sflag:$0x1] =	stream.indirect_vreg.gather [hbm4b:s3+s2], $0x80, v3, vm0, $0xb8;
	[tilespmem:$0x8080] =	vst v63  }
0x66: {  	_ =	swait.ge [sflag:s24], $0x8000  }
0x67: {  	p0 =	sne.s32 s28, $0x4E0;
	[sflag:s24] =	ssyncset.done $0x0  }
.Ltmp0:
0x68: {  	[sflag:s24] =	ssyncadd.s32 $0xFFFF8000;
	(pc) =	sbr.rel @p0 .LBB2_2-.Ltmp0, $4  }
0x69: {  	[hbm4b:s26+s2] =	stream.linear.scatter [tilespmem:s8], [sflag:$0x2], $0x8000, $0x38;
	[tilespmem:$0x8080] =	vst v63  }
0x6a: {  	_ =	swait.ge [sflag:s7], $0x8000  }
0x6b: {  	[sflag:s7] =	ssyncset.done $0x0  }
0x6c: {  	s28 =	sadd.s32 $0x10, s28;
	s26 =	sadd.s32 $0x1000, s26;
	[sflag:s7] =	ssyncadd.s32 $0xFFFF8000  }
0x6d: {  	s25 =	sadd.s32 $0x1, s25  }
0x6e: {  	p0 =	sne.s32 s25, s4  }
.Ltmp1:
0x6f: {  	_ = 	snop;
	(pc) =	sbr.rel @p0 .LBB2_1-.Ltmp1, $1  }
0x70: {  	_ =	sdelay $0x3  }
0x71: {  	_ =	sfence.sel $0x180000  }
0x72: {  	[bflag:$0x0] =	sbarrier.arrive $0xFFFF  }
0x73: {  	p0 =	sne.s32 s1, $0x0;
	_ =	strace $0x9000004A  }
0x74: {  	s0 =	sadd.s32 @!p0 $0x100000, s0;
	[bflag:$0x2] =	sbarrier.arrive $0xFFFF  }
0x75: {  	[sflag:s0] =	ssyncadd.tile.s32 @!p0 $0x1;
	_ =	shalt  }
.Lfunc_end2:
_tile_overlayer_lowered:
.L_overlay_start_2:
0x76: {  	(tag) =	ssettag $0x2  }
0x77: {  	s0 =	rddreg [dreg:$0x0];
	s2 =	stileid.u32  }
0x78: {  	s1 =	rddreg [dreg:$0x1];
	p0 =	sne.s32 s2, $0x0  }
0x79: {  	s3 =	rddreg [dreg:$0x2];
	[bflag:$0x3] =	sbarrier.arrive $0xFFFF;
	s2 =	simm.s32 @!p0 $0x1C02  }
0x7a: {  	[timem:s3], [sflag:s2] =	dma.local @!p0 [hbm:s0], s1  }
0x7b: {  	s0 =	simm.s32 @!p0 $0x2  }
0x7c: {  	_ =	swait.ge @!p0 [sflag:s0], s1  }
0x7d: {  	s1 =	ssub.s32 @!p0 $0x0, s1;
	[sflag:s0] =	ssyncset.done @!p0 $0x0  }
0x7e: {  	[sflag:s0] =	ssyncadd.s32 @!p0 s1  }
0x7f: {  	[bflag:$0x3] =	sbarrier.arrive $0xFFFF  }
0x80: {  	_ =	shalt  }

// kernel: kernel.22.cloned.1.call-start
scs
__scs_entry_jumppad:
0x0: {  	(pc) =	sbr.rel $0x88, $3  }
0x1: {  	(tag) =	ssettag $0x0;
	lr =	simm.s32 $0x1  }
0x2: {  	[smem:$0x3F8C] =	sst lr;
	_ =	strace $0xD0000000  }
0x3: {  	_ = 	snop  }
0x4: {  	_ = 	snop  }
0x5: {  	_ = 	snop  }
0x6: {  	_ = 	snop  }
0x7: {  	_ = 	snop  }
__scs_overlays_trampoline_lowered:
0x8: {  	[smem:$0x3F9B] =	sst s0  }
0x9: {  	[smem:$0x3F9C] =	sst s1  }
0xa: {  	[smem:$0x3F9D] =	sst s2  }
0xb: {  	[smem:$0x3F9E] =	sst s3  }
0xc: {  	[smem:$0x3F9F] =	sst s4  }
0xd: {  	[smem:$0x3FA0] =	sst s5  }
0xe: {  	[smem:$0x3FA1] =	sst s6  }
0xf: {  	[smem:$0x3FA2] =	sst s7  }
0x10: {  	[smem:$0x3FA3] =	sst s8  }
0x11: {  	[smem:$0x3FA4] =	sst s9;
	s0 =	simm.s32 @!p0 $0x0  }
0x12: {  	s1 =	sld [smem:$0x3F8A];
	s0 =	simm.s32 @p0 $0x1  }
0x13: {  	[smem:$0x3FA5] =	sst s0;
	s0 =	simm.s32 @!p1 $0x0  }
0x14: {  	s2 =	sld [smem:$0x3F89];
	s0 =	simm.s32 @p1 $0x1  }
0x15: {  	[smem:$0x3FA6] =	sst s0;
	s0 =	simm.s32 @!p2 $0x0  }
0x16: {  	s3 =	sld [smem:$0x3FDB];
	s0 =	simm.s32 @p2 $0x1  }
0x17: {  	s4 =	simm.s32 $0x1BF5;
	[smem:$0x3FA8] =	sst s0  }
0x18: {  	s0 =	sld [smem:$0x3F8B];
	_ =	swait.ge [sflag:s4], $0x0  }
0x19: {  	s7 =	sld [smem:$0x3F8C]  }
0x1a: {  	s8 =	sadd.s32 $0xFFFFE003, lr  }
0x1b: {  	s9 =	sadd.s32 $0xFFFFFEF7, lr;
	s5 =	simm.s32 $0xFFFFFFFF;
	p2 =	slt.u32 s8, $0xFFFFF086  }
0x1c: {  	p1 =	slt.u32 s9, $0xF7A;
	s5 =	simm.s32 @!p2 $0x0  }
0x1d: {  	s5 =	simm.s32 @p1 $0x1;
	p0 =	seq.s32 s7, s2  }
0x1e: {  	s7 =	smul.u32 @!p0 $0xF7A, s2;
	p2 =	seq.s32 @!p0 s5, $0x0  }
0x1f: {  	s9 =	smul.u32 $0xF7A, s1;
	s8 =	simm.s32 @!p0 $0x1BF5;
	p2 =	por !p2, p0  }
0x20: {  	[sflag:s8] =	ssyncset.s32 @!p0 $0xFFFFF086;
	s6 =	sadd.s32 @!p0 s3, s7;
	s7 =	simm.s32 @!p0 $0x108  }
0x21: {  	s3 =	sadd.s32 s3, s9;
	s6 =	sadd.s32 @!p0 $0x88, s6;
	s7 =	simm.s32 @p2 $0x1082  }
0x22: {  	[simem:s7], [sflag:s8] =	dma.local @!p0 [hbm:s6], $0xF7A  }
0x23: {  	s9 =	sor.u32 $0xD0000000, s2;
	s6 =	simm.s32 $0x108;
	_ =	swait.ge @!p0 [sflag:s8], $0x0  }
0x24: {  	s3 =	sadd.s32 $0x88, s3;
	s6 =	simm.s32 @!p1 $0x1082;
	[sflag:s4] =	ssyncset.s32 $0xFFFFF086  }
0x25: {  	[simem:s6], [sflag:s4] =	dma.local [hbm:s3], $0xF7A  }
0x26: {  	[smem:$0x3F8C] =	sst s1;
	(tag) =	ssettag s2;
	_ =	strace s9  }
0x27: {  	s1 =	sld [smem:$0x3F9C]  }
0x28: {  	s2 =	sld [smem:$0x3F9D]  }
0x29: {  	s4 =	sld [smem:$0x3F9F]  }
0x2a: {  	p0 =	seq.s32 s5, $0x0;
	s5 =	sld [smem:$0x3FA0]  }
0x2b: {  	s6 =	sld [smem:$0x3FA1]  }
0x2c: {  	s7 =	sld [smem:$0x3FA2]  }
0x2d: {  	s3 =	simm.s32 $0x108;
	s8 =	sld [smem:$0x3FA3]  }
0x2e: {  	s3 =	simm.s32 @!p0 $0x1082;
	s9 =	sld [smem:$0x3FA4]  }
0x2f: {  	lr =	sadd.s32 s0, s3;
	s0 =	sld [smem:$0x3F9B]  }
0x30: {  	s3 =	sld [smem:$0x3F9E]  }
0x31: {  	[smem:$0x3FA7] =	sst s10  }
0x32: {  	s10 =	sld [smem:$0x3FA5];
	_ =	sdelay $0x3  }
0x33: {  	p0 =	seq.s32 s10, $0x1;
	s10 =	sld [smem:$0x3FA7];
	_ =	sdelay $0x3  }
0x34: {  	[smem:$0x3FA7] =	sst s10  }
0x35: {  	s10 =	sld [smem:$0x3FA6];
	_ =	sdelay $0x3  }
0x36: {  	p1 =	seq.s32 s10, $0x1;
	s10 =	sld [smem:$0x3FA7];
	_ =	sdelay $0x3  }
0x37: {  	[smem:$0x3FA7] =	sst s10  }
0x38: {  	s10 =	sld [smem:$0x3FA8]  }
0x39: {  	_ = 	snop;
	(pc) =	sbr.ind lr, $3  }
0x3a: {  	_ = 	snop  }
0x3b: {  	_ = 	snop  }
0x3c: {  	p2 =	seq.s32 s10, $0x1;
	s10 =	sld [smem:$0x3FA7]  }
0x3d: {  	_ =	shalt  }
0x3e: {  	_ =	shalt  }
0x3f: {  	_ =	shalt  }
0x40: {  	_ =	shalt  }
0x41: {  	_ =	shalt  }
0x42: {  	_ =	shalt  }
0x43: {  	_ =	shalt  }
0x44: {  	_ =	shalt  }
0x45: {  	_ =	shalt  }
0x46: {  	_ =	shalt  }
0x47: {  	_ =	shalt  }
0x48: {  	_ =	shalt  }
0x49: {  	_ =	shalt  }
0x4a: {  	_ =	shalt  }
0x4b: {  	_ =	shalt  }
0x4c: {  	_ =	shalt  }
0x4d: {  	_ =	shalt  }
0x4e: {  	_ =	shalt  }
0x4f: {  	_ =	shalt  }
0x50: {  	_ =	shalt  }
0x51: {  	_ =	shalt  }
0x52: {  	_ =	shalt  }
0x53: {  	_ =	shalt  }
0x54: {  	_ =	shalt  }
0x55: {  	_ =	shalt  }
0x56: {  	_ =	shalt  }
0x57: {  	_ =	shalt  }
0x58: {  	_ =	shalt  }
0x59: {  	_ =	shalt  }
0x5a: {  	_ =	shalt  }
0x5b: {  	_ =	shalt  }
0x5c: {  	_ =	shalt  }
0x5d: {  	_ =	shalt  }
0x5e: {  	_ =	shalt  }
0x5f: {  	_ =	shalt  }
0x60: {  	_ =	shalt  }
0x61: {  	_ =	shalt  }
0x62: {  	_ =	shalt  }
0x63: {  	_ =	shalt  }
0x64: {  	_ =	shalt  }
0x65: {  	_ =	shalt  }
0x66: {  	_ =	shalt  }
0x67: {  	_ =	shalt  }
0x68: {  	_ =	shalt  }
0x69: {  	_ =	shalt  }
0x6a: {  	_ =	shalt  }
0x6b: {  	_ =	shalt  }
0x6c: {  	_ =	shalt  }
0x6d: {  	_ =	shalt  }
0x6e: {  	_ =	shalt  }
0x6f: {  	_ =	shalt  }
0x70: {  	_ =	shalt  }
0x71: {  	_ =	shalt  }
0x72: {  	_ =	shalt  }
0x73: {  	_ =	shalt  }
0x74: {  	_ =	shalt  }
0x75: {  	_ =	shalt  }
0x76: {  	_ =	shalt  }
0x77: {  	_ =	shalt  }
0x78: {  	_ =	shalt  }
0x79: {  	_ =	shalt  }
0x7a: {  	_ =	shalt  }
0x7b: {  	_ =	shalt  }
0x7c: {  	_ =	shalt  }
0x7d: {  	_ =	shalt  }
0x7e: {  	_ =	shalt  }
0x7f: {  	_ =	shalt  }
0x80: {  	_ =	shalt  }
0x81: {  	_ =	shalt  }
0x82: {  	_ =	shalt  }
0x83: {  	_ =	shalt  }
0x84: {  	_ =	shalt  }
0x85: {  	_ =	shalt  }
0x86: {  	_ =	shalt  }
0x87: {  	_ =	shalt  }
.Lfunc_end0:
.L_simem_size_0:
called_computation.1_lowered:
.L_overlay_start_0:
0x88: {  	s2 =	sld [smem:$0x3FD9]  }
0x89: {  	s3 =	sld [smem:$0x3FFE];
	_ =	sdelay $0x1  }
0x8a: {  	s1 =	srdreg.scid  }
0x8b: {  	s0 =	sand.u32 $0x1, s1  }
0x8c: {  	s16 =	sshll.u32 s0, $0xA;
	s2 =	sadd.s32 s3, s2  }
0x8d: {  	s2 =	sadd.s32 s2, s16  }
0x8e: {  	[smem:$0x3FB3] =	sst s2  }
0x8f: {  	_ = 	snop  }
0x90: {  	(tm) =	ssettm $0x1  }
0x91: {  	s17 =	sld [smem:$0x3FFB];
	_ =	sdelay $0x3  }
0x92: {  	_ =	strace s17  }
0x93: {  	s2 =	sld [smem:$0x3FFC];
	_ =	sdelay $0x3  }
0x94: {  	_ =	strace s2  }
0x95: {  	s2 =	sld [smem:$0x3FFD];
	_ =	sdelay $0x3  }
0x96: {  	_ =	strace s2  }
0x97: {  	_ =	strace $0x8FFFFFFF  }
0x98: {  	s18 =	sld [smem:$0x3FDB];
	_ =	sdelay $0x1  }
0x99: {  	s19 =	simm.s32 $_scs_section_size  }
0x9a: {  	s4 =	simm.s32 $_size__tile_overlayer_lowered;
	s5 =	simm.s32 $_tile_overlayer_lowered  }
0x9b: {  	s22 =	simm.s32 $0x1BFF;
	s21 =	sshll.u32 s5, $0x1;
	s2 =	sadd.s32 s19, s18  }
0x9c: {  	s6 =	simm.s32 $0x0;
	s20 =	sshll.u32 s4, $0x1;
	s4 =	sadd.s32 s21, s2  }
0x9d: {  	[timem:s6], [sflag:s22] =	dma.local [hbm:s4], s20  }
0x9e: {  	_ =	swait.ge [sflag:s22], s20  }
0x9f: {  	s3 =	ssub.s32 $0x0, s20;
	[sflag:s22] =	ssyncset.done $0x0  }
0xa0: {  	[sflag:s22] =	ssyncadd.s32 s3;
	_ =	sdelay $0x1  }
0xa1: {  	s23 =	simm.s32 $0x1B8B  }
0xa2: {  	_ =	swait.ge [sflag:s23], $0x1  }
0xa3: {  	[sflag:s23] =	ssyncset.done $0x0  }
0xa4: {  	s25 =	simm.s32 $0x1B8E;
	s24 =	sld [smem:$0x3FFE];
	[sflag:s23] =	ssyncadd.s32 $0xFFFFFFFF  }
0xa5: {  	s26 =	simm.s32 $execute0_lowered;
	[smem:$0x3FD2] =	sst s25  }
0xa6: {  	s4 =	sshll.u32 s26, $0x1;
	_ =	strace $0x80000046;
	[dreg:$0x1] =	wrdreg $0xFFFFFFFF  }
0xa7: {  	s28 =	simm.s32 $_size_execute0_lowered;
	s2 =	sadd.s32 s2, s4;
	[dreg:$0x0] =	wrdreg $0x0  }
0xa8: {  	s4 =	sshll.u32 s28, $0x1;
	[dreg:$0x2] =	wrdreg s2  }
0xa9: {  	[dreg:$0x3] =	wrdreg s4  }
0xaa: {  	[dreg:$0x4] =	wrdreg $0xC0  }
0xab: {  	_ =	task [dreg:s6], $0x5FFFF  }
0xac: {  	[dreg:$0x1] =	wrdreg $0xFFFFFFFF  }
0xad: {  	[dreg:$0x0] =	wrdreg $0x60  }
0xae: {  	[dreg:$0x2] =	wrdreg s24  }
0xaf: {  	[dreg:$0x3] =	wrdreg $0xA  }
0xb0: {  	_ =	task.clear_ibuf [dreg:s6], $0x4FFFF;
	_ =	strace $0x90000046  }
0xb1: {  	s29 =	simm.s32 $0xA;
	_ =	strace $0x80000048  }
0xb2: {  	_ =	swait.ge [sflag:s29], $0x1  }
0xb3: {  	[sflag:s29] =	ssyncadd.s32 $0xFFFFFFFF  }
0xb4: {  	_ =	strace $0x90000048  }
0xb5: {  	_ =	sfence  }
0xb6: {  	s30 =	sld [smem:$0x0];
	_ =	sdelay $0x2  }
0xb7: {  	s31 =	sshll.u32 s1, $0xD;
	s1 =	sshrl.u32 s1, $0x2  }
0xb8: {  	s3 =	sand.u32 $0x4000, s31;
	s1 =	sadd.s32 s1, s30  }
0xb9: {  	s0 =	sor.u32 s3, s0;
	s1 =	sshll.u32 s1, $0x11  }
0xba: {  	s0 =	sor.u32 s1, s0  }
0xbb: {  	s0 =	sadd.s32 $0x8F2B, s0  }
0xbc: {  	[sflag:s0] =	ssyncadd.remote.s32 $0x1  }
0xbd: {  	_ =	sfence.sel $0xFFFF  }
0xbe: {  	[dreg:$0x0] =	wrdreg $0xFFFFFFFF;
	(pc) =	sbr.abs _section_cstart, $3  }
0xbf: {  	[dreg:$0x1] =	wrdreg $0xFFFFFFFF  }
0xc0: {  	_ =	task.clear_ibuf [dreg:s6], $0x2FFFF;
	_ =	strace $0x9FFFFFFF  }
0xc1: {  	(tm) =	ssettm $0x7FFFFFFF  }
tec
execute0_lowered:
.L_overlay_start_1:
0x0: {  	(tag) =	ssettag $0x1  }
0x1: {  	s4 =	rddreg [dreg:$0x0]  }
0x2: {  	s0 =	rddreg [dreg:$0x1];
	s2 =	simm.s32 $0x0;
	s3 =	srdreg.scid  }
0x3: {  	s1 =	stileid.u32;
	s10 =	simm.s32 $0x1080;
	s11 =	simm.s32 $0x1880  }
0x4: {  	s12 =	simm.s32 $0x2080;
	s13 =	simm.s32 $0x2880;
	s14 =	simm.s32 $0x3080  }
0x5: {  	s15 =	simm.s32 $0x3880;
	s16 =	simm.s32 $0x4080;
	s17 =	simm.s32 $0x4880  }
0x6: {  	s18 =	simm.s32 $0x5080;
	s19 =	simm.s32 $0x5880;
	s20 =	simm.s32 $0x6080  }
0x7: {  	s21 =	simm.s32 $0x6880;
	s22 =	simm.s32 $0x7080;
	s23 =	simm.s32 $0x7880  }
0x8: {  	s24 =	simm.s32 $0x1;
	s25 =	simm.s32 $0x0;
	s6 =	smul.u32 $0x4F00, s1  }
0x9: {  	[smem:$0x7FF] =	sst s2;
	s5 =	sand.u32 $0x1, s3;
	s8 =	smul.u32 $0x9E000, s1  }
0xa: {  	s3 =	sadd.s32 $0x43C00, s4;
	s7 =	smul.u32 $0x2780, s5;
	s9 =	ssub.s32 $0x2, s5  }
0xb: {  	_ =	strace $0x80000047;
	s5 =	smul.u32 $0x4F000, s5;
	s31 =	sshrl.u32 s9, $0x1  }
0xc: {  	s8 =	sadd.s32 s8, s4;
	s6 =	sadd.s32 s7, s6;
	s7 =	ssub.s32 s9, s31  }
0xd: {  	v2 =	vlaneseq.u32;
	s5 =	sadd.s32 s5, s8;
	s8 =	simm.s32 $0x80;
	s6 =	sshrl.u32 s6, $0x3  }
0xe: {  	vm0 =	vmmov $0xffff;
	v1 =	vshrl.u32 v2, $0x3;
	s9 =	simm.s32 $0x880;
	s5 =	sadd.s32 $0x15BC00, s5;
	s6 =	sadd.s32 s6, s4  }
0xf: {  	v0 =	vand.u32 $0x7, v2;
	v2 =	vor.u32 $0x8, v2;
	v1 =	vmul.u32 $0x8, v1;
	s4 =	smax.u32 s7, $0x1;
	s7 =	simm.s32 $0x2;
	s6 =	sadd.s32 $0x39E00, s6  }
.LBB2_1:
0x10: {  	s26 =	smov.u32 s5;
	s28 =	simm.s32 $0x0  }
.LBB2_2:
0x11: {  	s29 =	sadd.s32 s28, s6  }
0x12: {  	[tilespmem:s2], [sflag:$0x2] =	stream.linear.gather [hbm4b:s29+s2], $0x80, $0x38;
	[tilespmem:$0x8080] =	vst v63  }
0x13: {  	_ =	swait.ge [sflag:s7], $0x80  }
0x14: {  	[sflag:s7] =	ssyncset.done $0x0  }
0x15: {  	[sflag:s7] =	ssyncadd.s32 $0xFFFFFF80  }
0x16: {  	v3 =	vld [tilespmem:$0x0];
	_ =	sdelay $0x4  }
0x17: {  	v4 =	vshll.u32 v3, $0x1  }
0x18: {  	v3 =	vand.u32 $0x7, v3;
	v4 =	vand.u32 $0xFFFFFFF0, v4  }
0x19: {  	v3 =	vor.u32 v3, v4  }
0x1a: {  	v4 =	vperm.xlane v3, v0;
	_ =	sdelay $0x1  }
0x1b: {  	v3 =	vperm.xlane v3, v2;
	v4 =	vadd.s32 v1, v4;
	_ =	sdelay $0x1  }
0x1c: {  	v3 =	vadd.s32 v1, v3;
	_ =	sdelay $0x2  }
0x1d: {  	[tilespmem:s8], [sflag:$0x1] =	stream.indirect_vreg.gather [hbm4b:s3+s2], $0x80, v4, vm0, $0xb8;
	[tilespmem:$0x8080] =	vst v63  }
0x1e: {  	_ = 	snop  }
0x1f: {  	[tilespmem:s9], [sflag:$0x1] =	stream.indirect_vreg.gather [hbm4b:s3+s2], $0x80, v3, vm0, $0xb8;
	[tilespmem:$0x8080] =	vst v63  }
0x20: {  	v3 =	vld [tilespmem:$0x10];
	_ =	sdelay $0x4  }
0x21: {  	v57 =	vshll.u32 v3, $0x1  }
0x22: {  	v3 =	vand.u32 $0x7, v3;
	v4 =	vand.u32 $0xFFFFFFF0, v57  }
0x23: {  	v3 =	vor.u32 v3, v4  }
0x24: {  	v4 =	vperm.xlane v3, v0;
	_ =	sdelay $0x1  }
0x25: {  	v3 =	vperm.xlane v3, v2;
	v4 =	vadd.s32 v1, v4;
	_ =	sdelay $0x1  }
0x26: {  	v3 =	vadd.s32 v1, v3;
	_ =	sdelay $0x2  }
0x27: {  	[tilespmem:s10], [sflag:$0x1] =	stream.indirect_vreg.gather [hbm4b:s3+s2], $0x80, v4, vm0, $0xb8;
	[tilespmem:$0x8080] =	vst v63  }
0x28: {  	_ = 	snop  }
0x29: {  	[tilespmem:s11], [sflag:$0x1] =	stream.indirect_vreg.gather [hbm4b:s3+s2], $0x80, v3, vm0, $0xb8;
	[tilespmem:$0x8080] =	vst v63  }
0x2a: {  	v3 =	vld [tilespmem:$0x20];
	_ =	sdelay $0x4  }
0x2b: {  	v58 =	vshll.u32 v3, $0x1  }
0x2c: {  	v3 =	vand.u32 $0x7, v3;
	v4 =	vand.u32 $0xFFFFFFF0, v58  }
0x2d: {  	v3 =	vor.u32 v3, v4  }
0x2e: {  	v4 =	vperm.xlane v3, v0;
	_ =	sdelay $0x1  }
0x2f: {  	v3 =	vperm.xlane v3, v2;
	v4 =	vadd.s32 v1, v4;
	_ =	sdelay $0x1  }
0x30: {  	v3 =	vadd.s32 v1, v3;
	_ =	sdelay $0x2  }
0x31: {  	[tilespmem:s12], [sflag:$0x1] =	stream.indirect_vreg.gather [hbm4b:s3+s2], $0x80, v4, vm0, $0xb8;
	[tilespmem:$0x8080] =	vst v63  }
0x32: {  	_ = 	snop  }
0x33: {  	[tilespmem:s13], [sflag:$0x1] =	stream.indirect_vreg.gather [hbm4b:s3+s2], $0x80, v3, vm0, $0xb8;
	[tilespmem:$0x8080] =	vst v63  }
0x34: {  	v3 =	vld [tilespmem:$0x30];
	_ =	sdelay $0x4  }
0x35: {  	v59 =	vshll.u32 v3, $0x1  }
0x36: {  	v3 =	vand.u32 $0x7, v3;
	v4 =	vand.u32 $0xFFFFFFF0, v59  }
0x37: {  	v3 =	vor.u32 v3, v4  }
0x38: {  	v4 =	vperm.xlane v3, v0;
	_ =	sdelay $0x1  }
0x39: {  	v3 =	vperm.xlane v3, v2;
	v4 =	vadd.s32 v1, v4;
	_ =	sdelay $0x1  }
0x3a: {  	v3 =	vadd.s32 v1, v3;
	_ =	sdelay $0x2  }
0x3b: {  	[tilespmem:s14], [sflag:$0x1] =	stream.indirect_vreg.gather [hbm4b:s3+s2], $0x80, v4, vm0, $0xb8;
	[tilespmem:$0x8080] =	vst v63  }
0x3c: {  	_ = 	snop  }
0x3d: {  	[tilespmem:s15], [sflag:$0x1] =	stream.indirect_vreg.gather [hbm4b:s3+s2], $0x80, v3, vm0, $0xb8;
	[tilespmem:$0x8080] =	vst v63  }
0x3e: {  	v3 =	vld [tilespmem:$0x40];
	_ =	sdelay $0x4  }
0x3f: {  	v60 =	vshll.u32 v3, $0x1  }
0x40: {  	v3 =	vand.u32 $0x7, v3;
	v4 =	vand.u32 $0xFFFFFFF0, v60  }
0x41: {  	v3 =	vor.u32 v3, v4  }
0x42: {  	v4 =	vperm.xlane v3, v0;
	_ =	sdelay $0x1  }
0x43: {  	v3 =	vperm.xlane v3, v2;
	v4 =	vadd.s32 v1, v4;
	_ =	sdelay $0x1  }
0x44: {  	v3 =	vadd.s32 v1, v3;
	_ =	sdelay $0x2  }
0x45: {  	[tilespmem:s16], [sflag:$0x1] =	stream.indirect_vreg.gather [hbm4b:s3+s2], $0x80, v4, vm0, $0xb8;
	[tilespmem:$0x8080] =	vst v63  }
0x46: {  	_ = 	snop  }
0x47: {  	[tilespmem:s17], [sflag:$0x1] =	stream.indirect_vreg.gather [hbm4b:s3+s2], $0x80, v3, vm0, $0xb8;
	[tilespmem:$0x8080] =	vst v63  }
0x48: {  	v3 =	vld [tilespmem:$0x50];
	_ =	sdelay $0x4  }
0x49: {  	v61 =	vshll.u32 v3, $0x1  }
0x4a: {  	v3 =	vand.u32 $0x7, v3;
	v4 =	vand.u32 $0xFFFFFFF0, v61  }
0x4b: {  	v3 =	vor.u32 v3, v4  }
0x4c: {  	v4 =	vperm.xlane v3, v0;
	_ =	sdelay $0x1  }
0x4d: {  	v3 =	vperm.xlane v3, v2;
	v4 =	vadd.s32 v1, v4;
	_ =	sdelay $0x1  }
0x4e: {  	v3 =	vadd.s32 v1, v3;
	_ =	sdelay $0x2  }
0x4f: {  	[tilespmem:s18], [sflag:$0x1] =	stream.indirect_vreg.gather [hbm4b:s3+s2], $0x80, v4, vm0, $0xb8;
	[tilespmem:$0x8080] =	vst v63  }
0x50: {  	_ = 	snop  }
0x51: {  	[tilespmem:s19], [sflag:$0x1] =	stream.indirect_vreg.gather [hbm4b:s3+s2], $0x80, v3, vm0, $0xb8;
	[tilespmem:$0x8080] =	vst v63  }
0x52: {  	v3 =	vld [tilespmem:$0x60];
	_ =	sdelay $0x4  }
0x53: {  	v62 =	vshll.u32 v3, $0x1  }
0x54: {  	v3 =	vand.u32 $0x7, v3;
	v4 =	vand.u32 $0xFFFFFFF0, v62  }
0x55: {  	v3 =	vor.u32 v3, v4  }
0x56: {  	v4 =	vperm.xlane v3, v0;
	_ =	sdelay $0x1  }
0x57: {  	v3 =	vperm.xlane v3, v2;
	v4 =	vadd.s32 v1, v4;
	_ =	sdelay $0x1  }
0x58: {  	v3 =	vadd.s32 v1, v3;
	_ =	sdelay $0x2  }
0x59: {  	[tilespmem:s20], [sflag:$0x1] =	stream.indirect_vreg.gather [hbm4b:s3+s2], $0x80, v4, vm0, $0xb8;
	[tilespmem:$0x8080] =	vst v63  }
0x5a: {  	_ = 	snop  }
0x5b: {  	[tilespmem:s21], [sflag:$0x1] =	stream.indirect_vreg.gather [hbm4b:s3+s2], $0x80, v3, vm0, $0xb8;
	[tilespmem:$0x8080] =	vst v63  }
0x5c: {  	v3 =	vld [tilespmem:$0x70];
	_ =	sdelay $0x4  }
0x5d: {  	v63 =	vshll.u32 v3, $0x1  }
0x5e: {  	v3 =	vand.u32 $0x7, v3;
	v4 =	vand.u32 $0xFFFFFFF0, v63  }
0x5f: {  	v3 =	vor.u32 v3, v4  }
0x60: {  	v4 =	vperm.xlane v3, v0;
	_ =	sdelay $0x1  }
0x61: {  	v3 =	vperm.xlane v3, v2;
	v4 =	vadd.s32 v1, v4;
	_ =	sdelay $0x1  }
0x62: {  	v3 =	vadd.s32 v1, v3;
	_ =	sdelay $0x2  }
0x63: {  	[tilespmem:s22], [sflag:$0x1] =	stream.indirect_vreg.gather [hbm4b:s3+s2], $0x80, v4, vm0, $0xb8;
	[tilespmem:$0x8080] =	vst v63  }
0x64: {  	_ = 	snop  }
0x65: {  	[tilespmem:s23], [sflag:$0x1] =	stream.indirect_vreg.gather [hbm4b:s3+s2], $0x80, v3, vm0, $0xb8;
	[tilespmem:$0x8080] =	vst v63  }
0x66: {  	_ =	swait.ge [sflag:s24], $0x8000  }
0x67: {  	p0 =	sne.s32 s28, $0x4E0;
	[sflag:s24] =	ssyncset.done $0x0  }
.Ltmp0:
0x68: {  	[sflag:s24] =	ssyncadd.s32 $0xFFFF8000;
	(pc) =	sbr.rel @p0 .LBB2_2-.Ltmp0, $4  }
0x69: {  	[hbm4b:s26+s2] =	stream.linear.scatter [tilespmem:s8], [sflag:$0x2], $0x8000, $0x38;
	[tilespmem:$0x8080] =	vst v63  }
0x6a: {  	_ =	swait.ge [sflag:s7], $0x8000  }
0x6b: {  	[sflag:s7] =	ssyncset.done $0x0  }
0x6c: {  	s28 =	sadd.s32 $0x10, s28;
	s26 =	sadd.s32 $0x1000, s26;
	[sflag:s7] =	ssyncadd.s32 $0xFFFF8000  }
0x6d: {  	s25 =	sadd.s32 $0x1, s25  }
0x6e: {  	p0 =	sne.s32 s25, s4  }
.Ltmp1:
0x6f: {  	_ = 	snop;
	(pc) =	sbr.rel @p0 .LBB2_1-.Ltmp1, $1  }
0x70: {  	_ =	sdelay $0x3  }
0x71: {  	_ =	sfence.sel $0x180000  }
0x72: {  	[bflag:$0x0] =	sbarrier.arrive $0xFFFF  }
0x73: {  	p0 =	sne.s32 s1, $0x0;
	_ =	strace $0x90000047  }
0x74: {  	s0 =	sadd.s32 @!p0 $0x100000, s0;
	[bflag:$0x2] =	sbarrier.arrive $0xFFFF  }
0x75: {  	[sflag:s0] =	ssyncadd.tile.s32 @!p0 $0x1;
	_ =	shalt  }
.Lfunc_end2:
_tile_overlayer_lowered:
.L_overlay_start_2:
0x76: {  	(tag) =	ssettag $0x2  }
0x77: {  	s0 =	rddreg [dreg:$0x0];
	s2 =	stileid.u32  }
0x78: {  	s1 =	rddreg [dreg:$0x1];
	p0 =	sne.s32 s2, $0x0  }
0x79: {  	s3 =	rddreg [dreg:$0x2];
	[bflag:$0x3] =	sbarrier.arrive $0xFFFF;
	s2 =	simm.s32 @!p0 $0x1C02  }
0x7a: {  	[timem:s3], [sflag:s2] =	dma.local @!p0 [hbm:s0], s1  }
0x7b: {  	s0 =	simm.s32 @!p0 $0x2  }
0x7c: {  	_ =	swait.ge @!p0 [sflag:s0], s1  }
0x7d: {  	s1 =	ssub.s32 @!p0 $0x0, s1;
	[sflag:s0] =	ssyncset.done @!p0 $0x0  }
0x7e: {  	[sflag:s0] =	ssyncadd.s32 @!p0 s1  }
0x7f: {  	[bflag:$0x3] =	sbarrier.arrive $0xFFFF  }
0x80: {  	_ =	shalt  }

// kernel: kernel.25.cloned.1.call-start
scs
__scs_entry_jumppad:
0x0: {  	(pc) =	sbr.rel $0x88, $3  }
0x1: {  	(tag) =	ssettag $0x0;
	lr =	simm.s32 $0x1  }
0x2: {  	[smem:$0x3F8C] =	sst lr;
	_ =	strace $0xD0000000  }
0x3: {  	_ = 	snop  }
0x4: {  	_ = 	snop  }
0x5: {  	_ = 	snop  }
0x6: {  	_ = 	snop  }
0x7: {  	_ = 	snop  }
__scs_overlays_trampoline_lowered:
0x8: {  	[smem:$0x3F9B] =	sst s0  }
0x9: {  	[smem:$0x3F9C] =	sst s1  }
0xa: {  	[smem:$0x3F9D] =	sst s2  }
0xb: {  	[smem:$0x3F9E] =	sst s3  }
0xc: {  	[smem:$0x3F9F] =	sst s4  }
0xd: {  	[smem:$0x3FA0] =	sst s5  }
0xe: {  	[smem:$0x3FA1] =	sst s6  }
0xf: {  	[smem:$0x3FA2] =	sst s7  }
0x10: {  	[smem:$0x3FA3] =	sst s8  }
0x11: {  	[smem:$0x3FA4] =	sst s9;
	s0 =	simm.s32 @!p0 $0x0  }
0x12: {  	s1 =	sld [smem:$0x3F8A];
	s0 =	simm.s32 @p0 $0x1  }
0x13: {  	[smem:$0x3FA5] =	sst s0;
	s0 =	simm.s32 @!p1 $0x0  }
0x14: {  	s2 =	sld [smem:$0x3F89];
	s0 =	simm.s32 @p1 $0x1  }
0x15: {  	[smem:$0x3FA6] =	sst s0;
	s0 =	simm.s32 @!p2 $0x0  }
0x16: {  	s3 =	sld [smem:$0x3FDB];
	s0 =	simm.s32 @p2 $0x1  }
0x17: {  	s4 =	simm.s32 $0x1BF5;
	[smem:$0x3FA8] =	sst s0  }
0x18: {  	s0 =	sld [smem:$0x3F8B];
	_ =	swait.ge [sflag:s4], $0x0  }
0x19: {  	s7 =	sld [smem:$0x3F8C]  }
0x1a: {  	s8 =	sadd.s32 $0xFFFFE003, lr  }
0x1b: {  	s9 =	sadd.s32 $0xFFFFFEF7, lr;
	s5 =	simm.s32 $0xFFFFFFFF;
	p2 =	slt.u32 s8, $0xFFFFF086  }
0x1c: {  	p1 =	slt.u32 s9, $0xF7A;
	s5 =	simm.s32 @!p2 $0x0  }
0x1d: {  	s5 =	simm.s32 @p1 $0x1;
	p0 =	seq.s32 s7, s2  }
0x1e: {  	s7 =	smul.u32 @!p0 $0xF7A, s2;
	p2 =	seq.s32 @!p0 s5, $0x0  }
0x1f: {  	s9 =	smul.u32 $0xF7A, s1;
	s8 =	simm.s32 @!p0 $0x1BF5;
	p2 =	por !p2, p0  }
0x20: {  	[sflag:s8] =	ssyncset.s32 @!p0 $0xFFFFF086;
	s6 =	sadd.s32 @!p0 s3, s7;
	s7 =	simm.s32 @!p0 $0x108  }
0x21: {  	s3 =	sadd.s32 s3, s9;
	s6 =	sadd.s32 @!p0 $0x88, s6;
	s7 =	simm.s32 @p2 $0x1082  }
0x22: {  	[simem:s7], [sflag:s8] =	dma.local @!p0 [hbm:s6], $0xF7A  }
0x23: {  	s9 =	sor.u32 $0xD0000000, s2;
	s6 =	simm.s32 $0x108;
	_ =	swait.ge @!p0 [sflag:s8], $0x0  }
0x24: {  	s3 =	sadd.s32 $0x88, s3;
	s6 =	simm.s32 @!p1 $0x1082;
	[sflag:s4] =	ssyncset.s32 $0xFFFFF086  }
0x25: {  	[simem:s6], [sflag:s4] =	dma.local [hbm:s3], $0xF7A  }
0x26: {  	[smem:$0x3F8C] =	sst s1;
	(tag) =	ssettag s2;
	_ =	strace s9  }
0x27: {  	s1 =	sld [smem:$0x3F9C]  }
0x28: {  	s2 =	sld [smem:$0x3F9D]  }
0x29: {  	s4 =	sld [smem:$0x3F9F]  }
0x2a: {  	p0 =	seq.s32 s5, $0x0;
	s5 =	sld [smem:$0x3FA0]  }
0x2b: {  	s6 =	sld [smem:$0x3FA1]  }
0x2c: {  	s7 =	sld [smem:$0x3FA2]  }
0x2d: {  	s3 =	simm.s32 $0x108;
	s8 =	sld [smem:$0x3FA3]  }
0x2e: {  	s3 =	simm.s32 @!p0 $0x1082;
	s9 =	sld [smem:$0x3FA4]  }
0x2f: {  	lr =	sadd.s32 s0, s3;
	s0 =	sld [smem:$0x3F9B]  }
0x30: {  	s3 =	sld [smem:$0x3F9E]  }
0x31: {  	[smem:$0x3FA7] =	sst s10  }
0x32: {  	s10 =	sld [smem:$0x3FA5];
	_ =	sdelay $0x3  }
0x33: {  	p0 =	seq.s32 s10, $0x1;
	s10 =	sld [smem:$0x3FA7];
	_ =	sdelay $0x3  }
0x34: {  	[smem:$0x3FA7] =	sst s10  }
0x35: {  	s10 =	sld [smem:$0x3FA6];
	_ =	sdelay $0x3  }
0x36: {  	p1 =	seq.s32 s10, $0x1;
	s10 =	sld [smem:$0x3FA7];
	_ =	sdelay $0x3  }
0x37: {  	[smem:$0x3FA7] =	sst s10  }
0x38: {  	s10 =	sld [smem:$0x3FA8]  }
0x39: {  	_ = 	snop;
	(pc) =	sbr.ind lr, $3  }
0x3a: {  	_ = 	snop  }
0x3b: {  	_ = 	snop  }
0x3c: {  	p2 =	seq.s32 s10, $0x1;
	s10 =	sld [smem:$0x3FA7]  }
0x3d: {  	_ =	shalt  }
0x3e: {  	_ =	shalt  }
0x3f: {  	_ =	shalt  }
0x40: {  	_ =	shalt  }
0x41: {  	_ =	shalt  }
0x42: {  	_ =	shalt  }
0x43: {  	_ =	shalt  }
0x44: {  	_ =	shalt  }
0x45: {  	_ =	shalt  }
0x46: {  	_ =	shalt  }
0x47: {  	_ =	shalt  }
0x48: {  	_ =	shalt  }
0x49: {  	_ =	shalt  }
0x4a: {  	_ =	shalt  }
0x4b: {  	_ =	shalt  }
0x4c: {  	_ =	shalt  }
0x4d: {  	_ =	shalt  }
0x4e: {  	_ =	shalt  }
0x4f: {  	_ =	shalt  }
0x50: {  	_ =	shalt  }
0x51: {  	_ =	shalt  }
0x52: {  	_ =	shalt  }
0x53: {  	_ =	shalt  }
0x54: {  	_ =	shalt  }
0x55: {  	_ =	shalt  }
0x56: {  	_ =	shalt  }
0x57: {  	_ =	shalt  }
0x58: {  	_ =	shalt  }
0x59: {  	_ =	shalt  }
0x5a: {  	_ =	shalt  }
0x5b: {  	_ =	shalt  }
0x5c: {  	_ =	shalt  }
0x5d: {  	_ =	shalt  }
0x5e: {  	_ =	shalt  }
0x5f: {  	_ =	shalt  }
0x60: {  	_ =	shalt  }
0x61: {  	_ =	shalt  }
0x62: {  	_ =	shalt  }
0x63: {  	_ =	shalt  }
0x64: {  	_ =	shalt  }
0x65: {  	_ =	shalt  }
0x66: {  	_ =	shalt  }
0x67: {  	_ =	shalt  }
0x68: {  	_ =	shalt  }
0x69: {  	_ =	shalt  }
0x6a: {  	_ =	shalt  }
0x6b: {  	_ =	shalt  }
0x6c: {  	_ =	shalt  }
0x6d: {  	_ =	shalt  }
0x6e: {  	_ =	shalt  }
0x6f: {  	_ =	shalt  }
0x70: {  	_ =	shalt  }
0x71: {  	_ =	shalt  }
0x72: {  	_ =	shalt  }
0x73: {  	_ =	shalt  }
0x74: {  	_ =	shalt  }
0x75: {  	_ =	shalt  }
0x76: {  	_ =	shalt  }
0x77: {  	_ =	shalt  }
0x78: {  	_ =	shalt  }
0x79: {  	_ =	shalt  }
0x7a: {  	_ =	shalt  }
0x7b: {  	_ =	shalt  }
0x7c: {  	_ =	shalt  }
0x7d: {  	_ =	shalt  }
0x7e: {  	_ =	shalt  }
0x7f: {  	_ =	shalt  }
0x80: {  	_ =	shalt  }
0x81: {  	_ =	shalt  }
0x82: {  	_ =	shalt  }
0x83: {  	_ =	shalt  }
0x84: {  	_ =	shalt  }
0x85: {  	_ =	shalt  }
0x86: {  	_ =	shalt  }
0x87: {  	_ =	shalt  }
.Lfunc_end0:
.L_simem_size_0:
called_computation.2_lowered:
.L_overlay_start_0:
0x88: {  	s2 =	sld [smem:$0x3FD9]  }
0x89: {  	s3 =	sld [smem:$0x3FFE];
	_ =	sdelay $0x1  }
0x8a: {  	s1 =	srdreg.scid  }
0x8b: {  	s0 =	sand.u32 $0x1, s1  }
0x8c: {  	s17 =	sshll.u32 s0, $0xA;
	s2 =	sadd.s32 s3, s2  }
0x8d: {  	s2 =	sadd.s32 s2, s17  }
0x8e: {  	[smem:$0x3FB3] =	sst s2  }
0x8f: {  	_ = 	snop  }
0x90: {  	(tm) =	ssettm $0x1  }
0x91: {  	s18 =	sld [smem:$0x3FFB];
	_ =	sdelay $0x3  }
0x92: {  	_ =	strace s18  }
0x93: {  	s2 =	sld [smem:$0x3FFC];
	_ =	sdelay $0x3  }
0x94: {  	_ =	strace s2  }
0x95: {  	s2 =	sld [smem:$0x3FFD];
	_ =	sdelay $0x3  }
0x96: {  	_ =	strace s2  }
0x97: {  	_ =	strace $0x8FFFFFFF  }
0x98: {  	s19 =	sld [smem:$0x3FDB];
	_ =	sdelay $0x1  }
0x99: {  	s20 =	simm.s32 $_scs_section_size  }
0x9a: {  	s4 =	simm.s32 $_size__tile_overlayer_lowered;
	s5 =	simm.s32 $_tile_overlayer_lowered  }
0x9b: {  	s6 =	simm.s32 $0x1BFF;
	s21 =	sshll.u32 s5, $0x1;
	s3 =	sadd.s32 s20, s19  }
0x9c: {  	s22 =	simm.s32 $0x0;
	s4 =	sshll.u32 s4, $0x1;
	s5 =	sadd.s32 s21, s3  }
0x9d: {  	[timem:s22], [sflag:s6] =	dma.local [hbm:s5], s4  }
0x9e: {  	_ =	swait.ge [sflag:s6], s4  }
0x9f: {  	s4 =	ssub.s32 $0x0, s4;
	[sflag:s6] =	ssyncset.done $0x0  }
0xa0: {  	[sflag:s6] =	ssyncadd.s32 s4;
	_ =	sdelay $0x1  }
0xa1: {  	s23 =	simm.s32 $0x1B8B  }
0xa2: {  	_ =	swait.ge [sflag:s23], $0x1  }
0xa3: {  	[sflag:s23] =	ssyncset.done $0x0  }
0xa4: {  	[sflag:s23] =	ssyncadd.s32 $0xFFFFFFFF  }
0xa5: {  	s4 =	sld [smem:$0x0]  }
0xa6: {  	s5 =	sand.u32 $0xFFFFFFFE, s1  }
0xa7: {  	p0 =	sne.s32 s1, s5  }
0xa8: {  	s5 =	sshll.u32 @p0 s5, $0xE  }
0xa9: {  	s5 =	sadd.s32 @p0 $0x11B8D, s5;
	s6 =	sshll.u32 @p0 s4, $0x11  }
0xaa: {  	s5 =	sor.u32 @p0 s6, s5  }
0xab: {  	[sflag:s5] =	ssyncadd.remote.s32 @p0 $0x1;
	_ =	sdelay $0x1  }
0xac: {  	s5 =	simm.s32 @p0 $0x1B8D  }
0xad: {  	_ =	swait.eq @p0 [sflag:s5], $0x1  }
0xae: {  	[sflag:s5] =	ssyncadd.s32 @p0 $0xFFFFFFFF  }
0xaf: {  	s6 =	sshll.u32 @!p0 s1, $0xE  }
0xb0: {  	s6 =	sor.u32 @!p0 $0x4000, s6;
	s5 =	simm.s32 @!p0 $0x1B8D  }
0xb1: {  	s4 =	sshll.u32 @!p0 s4, $0x11;
	s6 =	sadd.s32 @!p0 $0x11B8D, s6;
	_ =	swait.eq @!p0 [sflag:s5], $0x1  }
0xb2: {  	s4 =	sor.u32 @!p0 s4, s6;
	[sflag:s5] =	ssyncadd.s32 @!p0 $0xFFFFFFFF  }
0xb3: {  	s25 =	simm.s32 $0x1B8E;
	s24 =	sld [smem:$0x3FFE];
	[sflag:s4] =	ssyncadd.remote.s32 @!p0 $0x1  }
0xb4: {  	s26 =	simm.s32 $execute0_lowered;
	[smem:$0x3FD2] =	sst s25  }
0xb5: {  	s5 =	sshll.u32 s26, $0x1;
	_ =	strace $0x8000004C;
	[dreg:$0x1] =	wrdreg $0xFFFFFFFF  }
0xb6: {  	s28 =	simm.s32 $_size_execute0_lowered;
	s3 =	sadd.s32 s3, s5;
	[dreg:$0x0] =	wrdreg $0x0  }
0xb7: {  	s5 =	sshll.u32 s28, $0x1;
	[dreg:$0x2] =	wrdreg s3  }
0xb8: {  	[dreg:$0x3] =	wrdreg s5  }
0xb9: {  	[dreg:$0x4] =	wrdreg $0xC0  }
0xba: {  	_ =	task [dreg:s22], $0x5FFFF  }
0xbb: {  	[dreg:$0x1] =	wrdreg $0xFFFFFFFF  }
0xbc: {  	[dreg:$0x0] =	wrdreg $0x60  }
0xbd: {  	[dreg:$0x2] =	wrdreg s24  }
0xbe: {  	[dreg:$0x3] =	wrdreg $0xB  }
0xbf: {  	_ =	task.clear_ibuf [dreg:s22], $0x4FFFF;
	_ =	strace $0x9000004C  }
0xc0: {  	s29 =	simm.s32 $0xB;
	_ =	strace $0x8000004E  }
0xc1: {  	_ =	swait.ge [sflag:s29], $0x1  }
0xc2: {  	[sflag:s29] =	ssyncadd.s32 $0xFFFFFFFF  }
0xc3: {  	_ =	strace $0x9000004E  }
0xc4: {  	_ =	sfence  }
0xc5: {  	s30 =	sld [smem:$0x0];
	_ =	sdelay $0x2  }
0xc6: {  	s31 =	sshll.u32 s1, $0xD;
	s1 =	sshrl.u32 s1, $0x2  }
0xc7: {  	s4 =	sand.u32 $0x4000, s31;
	s1 =	sadd.s32 s1, s30  }
0xc8: {  	s0 =	sor.u32 s4, s0;
	s1 =	sshll.u32 s1, $0x11  }
0xc9: {  	s0 =	sor.u32 s1, s0  }
0xca: {  	s0 =	sadd.s32 $0x8F2B, s0  }
0xcb: {  	[sflag:s0] =	ssyncadd.remote.s32 $0x1  }
0xcc: {  	_ =	sfence.sel $0xFFFF  }
0xcd: {  	[dreg:$0x0] =	wrdreg $0xFFFFFFFF;
	(pc) =	sbr.abs _section_cstart, $3  }
0xce: {  	[dreg:$0x1] =	wrdreg $0xFFFFFFFF  }
0xcf: {  	_ =	task.clear_ibuf [dreg:s22], $0x2FFFF;
	_ =	strace $0x9FFFFFFF  }
0xd0: {  	(tm) =	ssettm $0x7FFFFFFF  }
0xd1: {  	_ =	shalt  }
tec
execute0_lowered:
.L_overlay_start_1:
0x0: {  	(tag) =	ssettag $0x1  }
0x1: {  	s4 =	rddreg [dreg:$0x0]  }
0x2: {  	s0 =	rddreg [dreg:$0x1];
	s2 =	simm.s32 $0x0;
	s3 =	srdreg.scid  }
0x3: {  	s1 =	stileid.u32;
	s10 =	simm.s32 $0x1080;
	s11 =	simm.s32 $0x1880  }
0x4: {  	s12 =	simm.s32 $0x2080;
	s13 =	simm.s32 $0x2880;
	s14 =	simm.s32 $0x3080  }
0x5: {  	s15 =	simm.s32 $0x3880;
	s16 =	simm.s32 $0x4080;
	s17 =	simm.s32 $0x4880  }
0x6: {  	s18 =	simm.s32 $0x5080;
	s19 =	simm.s32 $0x5880;
	s20 =	simm.s32 $0x6080  }
0x7: {  	s21 =	simm.s32 $0x6880;
	s22 =	simm.s32 $0x7080;
	s23 =	simm.s32 $0x7880  }
0x8: {  	s24 =	simm.s32 $0x1;
	s25 =	simm.s32 $0x0;
	s6 =	smul.u32 $0x4F00, s1  }
0x9: {  	[smem:$0x7FF] =	sst s2;
	s5 =	sand.u32 $0x1, s3;
	s8 =	smul.u32 $0x9E000, s1  }
0xa: {  	s3 =	sadd.s32 $0xE3C00, s4;
	s7 =	smul.u32 $0x2780, s5;
	s9 =	ssub.s32 $0x2, s5  }
0xb: {  	_ =	strace $0x8000004D;
	s5 =	smul.u32 $0x4F000, s5;
	s31 =	sshrl.u32 s9, $0x1  }
0xc: {  	s8 =	sadd.s32 s8, s4;
	s6 =	sadd.s32 s7, s6;
	s7 =	ssub.s32 s9, s31  }
0xd: {  	v2 =	vlaneseq.u32;
	s5 =	sadd.s32 s5, s8;
	s8 =	simm.s32 $0x80;
	s6 =	sshrl.u32 s6, $0x3  }
0xe: {  	vm0 =	vmmov $0xffff;
	v1 =	vshrl.u32 v2, $0x3;
	s9 =	simm.s32 $0x880;
	s5 =	sadd.s32 $0x151BC00, s5;
	s6 =	sadd.s32 s6, s4  }
0xf: {  	v0 =	vand.u32 $0x7, v2;
	v2 =	vor.u32 $0x8, v2;
	v1 =	vmul.u32 $0x8, v1;
	s4 =	smax.u32 s7, $0x1;
	s7 =	simm.s32 $0x2;
	s6 =	sadd.s32 $0x30000, s6  }
.LBB2_1:
0x10: {  	s26 =	smov.u32 s5;
	s28 =	simm.s32 $0x0  }
.LBB2_2:
0x11: {  	s29 =	sadd.s32 s28, s6  }
0x12: {  	[tilespmem:s2], [sflag:$0x2] =	stream.linear.gather [hbm4b:s29+s2], $0x80, $0x38;
	[tilespmem:$0x8080] =	vst v63  }
0x13: {  	_ =	swait.ge [sflag:s7], $0x80  }
0x14: {  	[sflag:s7] =	ssyncset.done $0x0  }
0x15: {  	[sflag:s7] =	ssyncadd.s32 $0xFFFFFF80  }
0x16: {  	v3 =	vld [tilespmem:$0x0];
	_ =	sdelay $0x4  }
0x17: {  	v4 =	vshll.u32 v3, $0x1  }
0x18: {  	v3 =	vand.u32 $0x7, v3;
	v4 =	vand.u32 $0xFFFFFFF0, v4  }
0x19: {  	v3 =	vor.u32 v3, v4  }
0x1a: {  	v4 =	vperm.xlane v3, v0;
	_ =	sdelay $0x1  }
0x1b: {  	v3 =	vperm.xlane v3, v2;
	v4 =	vadd.s32 v1, v4;
	_ =	sdelay $0x1  }
0x1c: {  	v3 =	vadd.s32 v1, v3;
	_ =	sdelay $0x2  }
0x1d: {  	[tilespmem:s8], [sflag:$0x1] =	stream.indirect_vreg.gather [hbm4b:s3+s2], $0x80, v4, vm0, $0xb8;
	[tilespmem:$0x8080] =	vst v63  }
0x1e: {  	_ = 	snop  }
0x1f: {  	[tilespmem:s9], [sflag:$0x1] =	stream.indirect_vreg.gather [hbm4b:s3+s2], $0x80, v3, vm0, $0xb8;
	[tilespmem:$0x8080] =	vst v63  }
0x20: {  	v3 =	vld [tilespmem:$0x10];
	_ =	sdelay $0x4  }
0x21: {  	v57 =	vshll.u32 v3, $0x1  }
0x22: {  	v3 =	vand.u32 $0x7, v3;
	v4 =	vand.u32 $0xFFFFFFF0, v57  }
0x23: {  	v3 =	vor.u32 v3, v4  }
0x24: {  	v4 =	vperm.xlane v3, v0;
	_ =	sdelay $0x1  }
0x25: {  	v3 =	vperm.xlane v3, v2;
	v4 =	vadd.s32 v1, v4;
	_ =	sdelay $0x1  }
0x26: {  	v3 =	vadd.s32 v1, v3;
	_ =	sdelay $0x2  }
0x27: {  	[tilespmem:s10], [sflag:$0x1] =	stream.indirect_vreg.gather [hbm4b:s3+s2], $0x80, v4, vm0, $0xb8;
	[tilespmem:$0x8080] =	vst v63  }
0x28: {  	_ = 	snop  }
0x29: {  	[tilespmem:s11], [sflag:$0x1] =	stream.indirect_vreg.gather [hbm4b:s3+s2], $0x80, v3, vm0, $0xb8;
	[tilespmem:$0x8080] =	vst v63  }
0x2a: {  	v3 =	vld [tilespmem:$0x20];
	_ =	sdelay $0x4  }
0x2b: {  	v58 =	vshll.u32 v3, $0x1  }
0x2c: {  	v3 =	vand.u32 $0x7, v3;
	v4 =	vand.u32 $0xFFFFFFF0, v58  }
0x2d: {  	v3 =	vor.u32 v3, v4  }
0x2e: {  	v4 =	vperm.xlane v3, v0;
	_ =	sdelay $0x1  }
0x2f: {  	v3 =	vperm.xlane v3, v2;
	v4 =	vadd.s32 v1, v4;
	_ =	sdelay $0x1  }
0x30: {  	v3 =	vadd.s32 v1, v3;
	_ =	sdelay $0x2  }
0x31: {  	[tilespmem:s12], [sflag:$0x1] =	stream.indirect_vreg.gather [hbm4b:s3+s2], $0x80, v4, vm0, $0xb8;
	[tilespmem:$0x8080] =	vst v63  }
0x32: {  	_ = 	snop  }
0x33: {  	[tilespmem:s13], [sflag:$0x1] =	stream.indirect_vreg.gather [hbm4b:s3+s2], $0x80, v3, vm0, $0xb8;
	[tilespmem:$0x8080] =	vst v63  }
0x34: {  	v3 =	vld [tilespmem:$0x30];
	_ =	sdelay $0x4  }
0x35: {  	v59 =	vshll.u32 v3, $0x1  }
0x36: {  	v3 =	vand.u32 $0x7, v3;
	v4 =	vand.u32 $0xFFFFFFF0, v59  }
0x37: {  	v3 =	vor.u32 v3, v4  }
0x38: {  	v4 =	vperm.xlane v3, v0;
	_ =	sdelay $0x1  }
0x39: {  	v3 =	vperm.xlane v3, v2;
	v4 =	vadd.s32 v1, v4;
	_ =	sdelay $0x1  }
0x3a: {  	v3 =	vadd.s32 v1, v3;
	_ =	sdelay $0x2  }
0x3b: {  	[tilespmem:s14], [sflag:$0x1] =	stream.indirect_vreg.gather [hbm4b:s3+s2], $0x80, v4, vm0, $0xb8;
	[tilespmem:$0x8080] =	vst v63  }
0x3c: {  	_ = 	snop  }
0x3d: {  	[tilespmem:s15], [sflag:$0x1] =	stream.indirect_vreg.gather [hbm4b:s3+s2], $0x80, v3, vm0, $0xb8;
	[tilespmem:$0x8080] =	vst v63  }
0x3e: {  	v3 =	vld [tilespmem:$0x40];
	_ =	sdelay $0x4  }
0x3f: {  	v60 =	vshll.u32 v3, $0x1  }
0x40: {  	v3 =	vand.u32 $0x7, v3;
	v4 =	vand.u32 $0xFFFFFFF0, v60  }
0x41: {  	v3 =	vor.u32 v3, v4  }
0x42: {  	v4 =	vperm.xlane v3, v0;
	_ =	sdelay $0x1  }
0x43: {  	v3 =	vperm.xlane v3, v2;
	v4 =	vadd.s32 v1, v4;
	_ =	sdelay $0x1  }
0x44: {  	v3 =	vadd.s32 v1, v3;
	_ =	sdelay $0x2  }
0x45: {  	[tilespmem:s16], [sflag:$0x1] =	stream.indirect_vreg.gather [hbm4b:s3+s2], $0x80, v4, vm0, $0xb8;
	[tilespmem:$0x8080] =	vst v63  }
0x46: {  	_ = 	snop  }
0x47: {  	[tilespmem:s17], [sflag:$0x1] =	stream.indirect_vreg.gather [hbm4b:s3+s2], $0x80, v3, vm0, $0xb8;
	[tilespmem:$0x8080] =	vst v63  }
0x48: {  	v3 =	vld [tilespmem:$0x50];
	_ =	sdelay $0x4  }
0x49: {  	v61 =	vshll.u32 v3, $0x1  }
0x4a: {  	v3 =	vand.u32 $0x7, v3;
	v4 =	vand.u32 $0xFFFFFFF0, v61  }
0x4b: {  	v3 =	vor.u32 v3, v4  }
0x4c: {  	v4 =	vperm.xlane v3, v0;
	_ =	sdelay $0x1  }
0x4d: {  	v3 =	vperm.xlane v3, v2;
	v4 =	vadd.s32 v1, v4;
	_ =	sdelay $0x1  }
0x4e: {  	v3 =	vadd.s32 v1, v3;
	_ =	sdelay $0x2  }
0x4f: {  	[tilespmem:s18], [sflag:$0x1] =	stream.indirect_vreg.gather [hbm4b:s3+s2], $0x80, v4, vm0, $0xb8;
	[tilespmem:$0x8080] =	vst v63  }
0x50: {  	_ = 	snop  }
0x51: {  	[tilespmem:s19], [sflag:$0x1] =	stream.indirect_vreg.gather [hbm4b:s3+s2], $0x80, v3, vm0, $0xb8;
	[tilespmem:$0x8080] =	vst v63  }
0x52: {  	v3 =	vld [tilespmem:$0x60];
	_ =	sdelay $0x4  }
0x53: {  	v62 =	vshll.u32 v3, $0x1  }
0x54: {  	v3 =	vand.u32 $0x7, v3;
	v4 =	vand.u32 $0xFFFFFFF0, v62  }
0x55: {  	v3 =	vor.u32 v3, v4  }
0x56: {  	v4 =	vperm.xlane v3, v0;
	_ =	sdelay $0x1  }
0x57: {  	v3 =	vperm.xlane v3, v2;
	v4 =	vadd.s32 v1, v4;
	_ =	sdelay $0x1  }
0x58: {  	v3 =	vadd.s32 v1, v3;
	_ =	sdelay $0x2  }
0x59: {  	[tilespmem:s20], [sflag:$0x1] =	stream.indirect_vreg.gather [hbm4b:s3+s2], $0x80, v4, vm0, $0xb8;
	[tilespmem:$0x8080] =	vst v63  }
0x5a: {  	_ = 	snop  }
0x5b: {  	[tilespmem:s21], [sflag:$0x1] =	stream.indirect_vreg.gather [hbm4b:s3+s2], $0x80, v3, vm0, $0xb8;
	[tilespmem:$0x8080] =	vst v63  }
0x5c: {  	v3 =	vld [tilespmem:$0x70];
	_ =	sdelay $0x4  }
0x5d: {  	v63 =	vshll.u32 v3, $0x1  }
0x5e: {  	v3 =	vand.u32 $0x7, v3;
	v4 =	vand.u32 $0xFFFFFFF0, v63  }
0x5f: {  	v3 =	vor.u32 v3, v4  }
0x60: {  	v4 =	vperm.xlane v3, v0;
	_ =	sdelay $0x1  }
0x61: {  	v3 =	vperm.xlane v3, v2;
	v4 =	vadd.s32 v1, v4;
	_ =	sdelay $0x1  }
0x62: {  	v3 =	vadd.s32 v1, v3;
	_ =	sdelay $0x2  }
0x63: {  	[tilespmem:s22], [sflag:$0x1] =	stream.indirect_vreg.gather [hbm4b:s3+s2], $0x80, v4, vm0, $0xb8;
	[tilespmem:$0x8080] =	vst v63  }
0x64: {  	_ = 	snop  }
0x65: {  	[tilespmem:s23], [sflag:$0x1] =	stream.indirect_vreg.gather [hbm4b:s3+s2], $0x80, v3, vm0, $0xb8;
	[tilespmem:$0x8080] =	vst v63  }
0x66: {  	_ =	swait.ge [sflag:s24], $0x8000  }
0x67: {  	p0 =	sne.s32 s28, $0x4E0;
	[sflag:s24] =	ssyncset.done $0x0  }
.Ltmp0:
0x68: {  	[sflag:s24] =	ssyncadd.s32 $0xFFFF8000;
	(pc) =	sbr.rel @p0 .LBB2_2-.Ltmp0, $4  }
0x69: {  	[hbm4b:s26+s2] =	stream.linear.scatter [tilespmem:s8], [sflag:$0x2], $0x8000, $0x38;
	[tilespmem:$0x8080] =	vst v63  }
0x6a: {  	_ =	swait.ge [sflag:s7], $0x8000  }
0x6b: {  	[sflag:s7] =	ssyncset.done $0x0  }
0x6c: {  	s28 =	sadd.s32 $0x10, s28;
	s26 =	sadd.s32 $0x1000, s26;
	[sflag:s7] =	ssyncadd.s32 $0xFFFF8000  }
0x6d: {  	s25 =	sadd.s32 $0x1, s25  }
0x6e: {  	p0 =	sne.s32 s25, s4  }
.Ltmp1:
0x6f: {  	_ = 	snop;
	(pc) =	sbr.rel @p0 .LBB2_1-.Ltmp1, $1  }
0x70: {  	_ =	sdelay $0x3  }
0x71: {  	_ =	sfence.sel $0x180000  }
0x72: {  	[bflag:$0x0] =	sbarrier.arrive $0xFFFF  }
0x73: {  	p0 =	sne.s32 s1, $0x0;
	_ =	strace $0x9000004D  }
0x74: {  	s0 =	sadd.s32 @!p0 $0x100000, s0;
	[bflag:$0x2] =	sbarrier.arrive $0xFFFF  }
0x75: {  	[sflag:s0] =	ssyncadd.tile.s32 @!p0 $0x1;
	_ =	shalt  }
.Lfunc_end2:
_tile_overlayer_lowered:
.L_overlay_start_2:
0x76: {  	(tag) =	ssettag $0x2  }
0x77: {  	s0 =	rddreg [dreg:$0x0];
	s2 =	stileid.u32  }
0x78: {  	s1 =	rddreg [dreg:$0x1];
	p0 =	sne.s32 s2, $0x0  }
0x79: {  	s3 =	rddreg [dreg:$0x2];
	[bflag:$0x3] =	sbarrier.arrive $0xFFFF;
	s2 =	simm.s32 @!p0 $0x1C02  }
0x7a: {  	[timem:s3], [sflag:s2] =	dma.local @!p0 [hbm:s0], s1  }
0x7b: {  	s0 =	simm.s32 @!p0 $0x2  }
0x7c: {  	_ =	swait.ge @!p0 [sflag:s0], s1  }
0x7d: {  	s1 =	ssub.s32 @!p0 $0x0, s1;
	[sflag:s0] =	ssyncset.done @!p0 $0x0  }
0x7e: {  	[sflag:s0] =	ssyncadd.s32 @!p0 s1  }
0x7f: {  	[bflag:$0x3] =	sbarrier.arrive $0xFFFF  }
0x80: {  	_ =	shalt  }

// kernel: kernel.28.cloned.1.call-start
scs
__scs_entry_jumppad:
0x0: {  	(pc) =	sbr.rel $0x88, $3  }
0x1: {  	(tag) =	ssettag $0x0;
	lr =	simm.s32 $0x1  }
0x2: {  	[smem:$0x3F8C] =	sst lr;
	_ =	strace $0xD0000000  }
0x3: {  	_ = 	snop  }
0x4: {  	_ = 	snop  }
0x5: {  	_ = 	snop  }
0x6: {  	_ = 	snop  }
0x7: {  	_ = 	snop  }
__scs_overlays_trampoline_lowered:
0x8: {  	[smem:$0x3F9B] =	sst s0  }
0x9: {  	[smem:$0x3F9C] =	sst s1  }
0xa: {  	[smem:$0x3F9D] =	sst s2  }
0xb: {  	[smem:$0x3F9E] =	sst s3  }
0xc: {  	[smem:$0x3F9F] =	sst s4  }
0xd: {  	[smem:$0x3FA0] =	sst s5  }
0xe: {  	[smem:$0x3FA1] =	sst s6  }
0xf: {  	[smem:$0x3FA2] =	sst s7  }
0x10: {  	[smem:$0x3FA3] =	sst s8  }
0x11: {  	[smem:$0x3FA4] =	sst s9;
	s0 =	simm.s32 @!p0 $0x0  }
0x12: {  	s1 =	sld [smem:$0x3F8A];
	s0 =	simm.s32 @p0 $0x1  }
0x13: {  	[smem:$0x3FA5] =	sst s0;
	s0 =	simm.s32 @!p1 $0x0  }
0x14: {  	s2 =	sld [smem:$0x3F89];
	s0 =	simm.s32 @p1 $0x1  }
0x15: {  	[smem:$0x3FA6] =	sst s0;
	s0 =	simm.s32 @!p2 $0x0  }
0x16: {  	s3 =	sld [smem:$0x3FDB];
	s0 =	simm.s32 @p2 $0x1  }
0x17: {  	s4 =	simm.s32 $0x1BF5;
	[smem:$0x3FA8] =	sst s0  }
0x18: {  	s0 =	sld [smem:$0x3F8B];
	_ =	swait.ge [sflag:s4], $0x0  }
0x19: {  	s7 =	sld [smem:$0x3F8C]  }
0x1a: {  	s8 =	sadd.s32 $0xFFFFE003, lr  }
0x1b: {  	s9 =	sadd.s32 $0xFFFFFEF7, lr;
	s5 =	simm.s32 $0xFFFFFFFF;
	p2 =	slt.u32 s8, $0xFFFFF086  }
0x1c: {  	p1 =	slt.u32 s9, $0xF7A;
	s5 =	simm.s32 @!p2 $0x0  }
0x1d: {  	s5 =	simm.s32 @p1 $0x1;
	p0 =	seq.s32 s7, s2  }
0x1e: {  	s7 =	smul.u32 @!p0 $0xF7A, s2;
	p2 =	seq.s32 @!p0 s5, $0x0  }
0x1f: {  	s9 =	smul.u32 $0xF7A, s1;
	s8 =	simm.s32 @!p0 $0x1BF5;
	p2 =	por !p2, p0  }
0x20: {  	[sflag:s8] =	ssyncset.s32 @!p0 $0xFFFFF086;
	s6 =	sadd.s32 @!p0 s3, s7;
	s7 =	simm.s32 @!p0 $0x108  }
0x21: {  	s3 =	sadd.s32 s3, s9;
	s6 =	sadd.s32 @!p0 $0x88, s6;
	s7 =	simm.s32 @p2 $0x1082  }
0x22: {  	[simem:s7], [sflag:s8] =	dma.local @!p0 [hbm:s6], $0xF7A  }
0x23: {  	s9 =	sor.u32 $0xD0000000, s2;
	s6 =	simm.s32 $0x108;
	_ =	swait.ge @!p0 [sflag:s8], $0x0  }
0x24: {  	s3 =	sadd.s32 $0x88, s3;
	s6 =	simm.s32 @!p1 $0x1082;
	[sflag:s4] =	ssyncset.s32 $0xFFFFF086  }
0x25: {  	[simem:s6], [sflag:s4] =	dma.local [hbm:s3], $0xF7A  }
0x26: {  	[smem:$0x3F8C] =	sst s1;
	(tag) =	ssettag s2;
	_ =	strace s9  }
0x27: {  	s1 =	sld [smem:$0x3F9C]  }
0x28: {  	s2 =	sld [smem:$0x3F9D]  }
0x29: {  	s4 =	sld [smem:$0x3F9F]  }
0x2a: {  	p0 =	seq.s32 s5, $0x0;
	s5 =	sld [smem:$0x3FA0]  }
0x2b: {  	s6 =	sld [smem:$0x3FA1]  }
0x2c: {  	s7 =	sld [smem:$0x3FA2]  }
0x2d: {  	s3 =	simm.s32 $0x108;
	s8 =	sld [smem:$0x3FA3]  }
0x2e: {  	s3 =	simm.s32 @!p0 $0x1082;
	s9 =	sld [smem:$0x3FA4]  }
0x2f: {  	lr =	sadd.s32 s0, s3;
	s0 =	sld [smem:$0x3F9B]  }
0x30: {  	s3 =	sld [smem:$0x3F9E]  }
0x31: {  	[smem:$0x3FA7] =	sst s10  }
0x32: {  	s10 =	sld [smem:$0x3FA5];
	_ =	sdelay $0x3  }
0x33: {  	p0 =	seq.s32 s10, $0x1;
	s10 =	sld [smem:$0x3FA7];
	_ =	sdelay $0x3  }
0x34: {  	[smem:$0x3FA7] =	sst s10  }
0x35: {  	s10 =	sld [smem:$0x3FA6];
	_ =	sdelay $0x3  }
0x36: {  	p1 =	seq.s32 s10, $0x1;
	s10 =	sld [smem:$0x3FA7];
	_ =	sdelay $0x3  }
0x37: {  	[smem:$0x3FA7] =	sst s10  }
0x38: {  	s10 =	sld [smem:$0x3FA8]  }
0x39: {  	_ = 	snop;
	(pc) =	sbr.ind lr, $3  }
0x3a: {  	_ = 	snop  }
0x3b: {  	_ = 	snop  }
0x3c: {  	p2 =	seq.s32 s10, $0x1;
	s10 =	sld [smem:$0x3FA7]  }
0x3d: {  	_ =	shalt  }
0x3e: {  	_ =	shalt  }
0x3f: {  	_ =	shalt  }
0x40: {  	_ =	shalt  }
0x41: {  	_ =	shalt  }
0x42: {  	_ =	shalt  }
0x43: {  	_ =	shalt  }
0x44: {  	_ =	shalt  }
0x45: {  	_ =	shalt  }
0x46: {  	_ =	shalt  }
0x47: {  	_ =	shalt  }
0x48: {  	_ =	shalt  }
0x49: {  	_ =	shalt  }
0x4a: {  	_ =	shalt  }
0x4b: {  	_ =	shalt  }
0x4c: {  	_ =	shalt  }
0x4d: {  	_ =	shalt  }
0x4e: {  	_ =	shalt  }
0x4f: {  	_ =	shalt  }
0x50: {  	_ =	shalt  }
0x51: {  	_ =	shalt  }
0x52: {  	_ =	shalt  }
0x53: {  	_ =	shalt  }
0x54: {  	_ =	shalt  }
0x55: {  	_ =	shalt  }
0x56: {  	_ =	shalt  }
0x57: {  	_ =	shalt  }
0x58: {  	_ =	shalt  }
0x59: {  	_ =	shalt  }
0x5a: {  	_ =	shalt  }
0x5b: {  	_ =	shalt  }
0x5c: {  	_ =	shalt  }
0x5d: {  	_ =	shalt  }
0x5e: {  	_ =	shalt  }
0x5f: {  	_ =	shalt  }
0x60: {  	_ =	shalt  }
0x61: {  	_ =	shalt  }
0x62: {  	_ =	shalt  }
0x63: {  	_ =	shalt  }
0x64: {  	_ =	shalt  }
0x65: {  	_ =	shalt  }
0x66: {  	_ =	shalt  }
0x67: {  	_ =	shalt  }
0x68: {  	_ =	shalt  }
0x69: {  	_ =	shalt  }
0x6a: {  	_ =	shalt  }
0x6b: {  	_ =	shalt  }
0x6c: {  	_ =	shalt  }
0x6d: {  	_ =	shalt  }
0x6e: {  	_ =	shalt  }
0x6f: {  	_ =	shalt  }
0x70: {  	_ =	shalt  }
0x71: {  	_ =	shalt  }
0x72: {  	_ =	shalt  }
0x73: {  	_ =	shalt  }
0x74: {  	_ =	shalt  }
0x75: {  	_ =	shalt  }
0x76: {  	_ =	shalt  }
0x77: {  	_ =	shalt  }
0x78: {  	_ =	shalt  }
0x79: {  	_ =	shalt  }
0x7a: {  	_ =	shalt  }
0x7b: {  	_ =	shalt  }
0x7c: {  	_ =	shalt  }
0x7d: {  	_ =	shalt  }
0x7e: {  	_ =	shalt  }
0x7f: {  	_ =	shalt  }
0x80: {  	_ =	shalt  }
0x81: {  	_ =	shalt  }
0x82: {  	_ =	shalt  }
0x83: {  	_ =	shalt  }
0x84: {  	_ =	shalt  }
0x85: {  	_ =	shalt  }
0x86: {  	_ =	shalt  }
0x87: {  	_ =	shalt  }
.Lfunc_end0:
.L_simem_size_0:
called_computation.3_lowered:
.L_overlay_start_0:
0x88: {  	s2 =	sld [smem:$0x3FD9]  }
0x89: {  	s3 =	sld [smem:$0x3FFE];
	_ =	sdelay $0x1  }
0x8a: {  	s1 =	srdreg.scid  }
0x8b: {  	s0 =	sand.u32 $0x1, s1  }
0x8c: {  	s16 =	sshll.u32 s0, $0xA;
	s2 =	sadd.s32 s3, s2  }
0x8d: {  	s2 =	sadd.s32 s2, s16  }
0x8e: {  	[smem:$0x3FB3] =	sst s2  }
0x8f: {  	_ = 	snop  }
0x90: {  	(tm) =	ssettm $0x1  }
0x91: {  	s17 =	sld [smem:$0x3FFB];
	_ =	sdelay $0x3  }
0x92: {  	_ =	strace s17  }
0x93: {  	s2 =	sld [smem:$0x3FFC];
	_ =	sdelay $0x3  }
0x94: {  	_ =	strace s2  }
0x95: {  	s2 =	sld [smem:$0x3FFD];
	_ =	sdelay $0x3  }
0x96: {  	_ =	strace s2  }
0x97: {  	_ =	strace $0x8FFFFFFF  }
0x98: {  	s18 =	sld [smem:$0x3FDB];
	_ =	sdelay $0x1  }
0x99: {  	s19 =	simm.s32 $_scs_section_size  }
0x9a: {  	s4 =	simm.s32 $_size__tile_overlayer_lowered;
	s5 =	simm.s32 $_tile_overlayer_lowered  }
0x9b: {  	s22 =	simm.s32 $0x1BFF;
	s21 =	sshll.u32 s5, $0x1;
	s2 =	sadd.s32 s19, s18  }
0x9c: {  	s6 =	simm.s32 $0x0;
	s20 =	sshll.u32 s4, $0x1;
	s4 =	sadd.s32 s21, s2  }
0x9d: {  	[timem:s6], [sflag:s22] =	dma.local [hbm:s4], s20  }
0x9e: {  	_ =	swait.ge [sflag:s22], s20  }
0x9f: {  	s3 =	ssub.s32 $0x0, s20;
	[sflag:s22] =	ssyncset.done $0x0  }
0xa0: {  	[sflag:s22] =	ssyncadd.s32 s3;
	_ =	sdelay $0x1  }
0xa1: {  	s23 =	simm.s32 $0x1B8B  }
0xa2: {  	_ =	swait.ge [sflag:s23], $0x1  }
0xa3: {  	[sflag:s23] =	ssyncset.done $0x0  }
0xa4: {  	s25 =	simm.s32 $0x1B8E;
	s24 =	sld [smem:$0x3FFE];
	[sflag:s23] =	ssyncadd.s32 $0xFFFFFFFF  }
0xa5: {  	s26 =	simm.s32 $execute0_lowered;
	[smem:$0x3FD2] =	sst s25  }
0xa6: {  	s4 =	sshll.u32 s26, $0x1;
	_ =	strace $0x8000004F;
	[dreg:$0x1] =	wrdreg $0xFFFFFFFF  }
0xa7: {  	s28 =	simm.s32 $_size_execute0_lowered;
	s2 =	sadd.s32 s2, s4;
	[dreg:$0x0] =	wrdreg $0x0  }
0xa8: {  	s4 =	sshll.u32 s28, $0x1;
	[dreg:$0x2] =	wrdreg s2  }
0xa9: {  	[dreg:$0x3] =	wrdreg s4  }
0xaa: {  	[dreg:$0x4] =	wrdreg $0xC0  }
0xab: {  	_ =	task [dreg:s6], $0x5FFFF  }
0xac: {  	[dreg:$0x1] =	wrdreg $0xFFFFFFFF  }
0xad: {  	[dreg:$0x0] =	wrdreg $0x60  }
0xae: {  	[dreg:$0x2] =	wrdreg s24  }
0xaf: {  	[dreg:$0x3] =	wrdreg $0x40800  }
0xb0: {  	[dreg:$0x4] =	wrdreg $0x9  }
0xb1: {  	_ =	task.clear_ibuf [dreg:s6], $0x5FFFF;
	_ =	strace $0x9000004F  }
0xb2: {  	s29 =	simm.s32 $0x9;
	_ =	strace $0x80000051  }
0xb3: {  	_ =	swait.ge [sflag:s29], $0x1  }
0xb4: {  	[sflag:s29] =	ssyncadd.s32 $0xFFFFFFFF  }
0xb5: {  	_ =	strace $0x90000051  }
0xb6: {  	_ =	sfence  }
0xb7: {  	s30 =	sld [smem:$0x0];
	_ =	sdelay $0x2  }
0xb8: {  	s31 =	sshll.u32 s1, $0xD;
	s1 =	sshrl.u32 s1, $0x2  }
0xb9: {  	s3 =	sand.u32 $0x4000, s31;
	s1 =	sadd.s32 s1, s30  }
0xba: {  	s0 =	sor.u32 s3, s0;
	s1 =	sshll.u32 s1, $0x11  }
0xbb: {  	s0 =	sor.u32 s1, s0  }
0xbc: {  	s0 =	sadd.s32 $0x8F2B, s0  }
0xbd: {  	[sflag:s0] =	ssyncadd.remote.s32 $0x1  }
0xbe: {  	_ =	sfence.sel $0xFFFF  }
0xbf: {  	[dreg:$0x0] =	wrdreg $0xFFFFFFFF;
	(pc) =	sbr.abs _section_cstart, $3  }
0xc0: {  	[dreg:$0x1] =	wrdreg $0xFFFFFFFF  }
0xc1: {  	_ =	task.clear_ibuf [dreg:s6], $0x2FFFF;
	_ =	strace $0x9FFFFFFF  }
0xc2: {  	(tm) =	ssettm $0x7FFFFFFF  }
0xc3: {  	_ =	shalt  }
tec
execute0_lowered:
.L_overlay_start_1:
0x0: {  	(tag) =	ssettag $0x1  }
0x1: {  	s4 =	rddreg [dreg:$0x0]  }
0x2: {  	s2 =	rddreg [dreg:$0x1]  }
0x3: {  	s0 =	rddreg [dreg:$0x2];
	s1 =	stileid.u32  }
0x4: {  	s3 =	simm.s32 $0x0;
	s7 =	srdreg.scid;
	s5 =	smul.u32 $0x9E000, s1  }
0x5: {  	s14 =	simm.s32 $0x80;
	s15 =	simm.s32 $0x8;
	s6 =	smul.u32 $0x9E0, s1  }
0x6: {  	s16 =	simm.s32 $0x100;
	s17 =	simm.s32 $0x0;
	s26 =	smul.u32 $0x28000, s1  }
0x7: {  	[smem:$0x7FF] =	sst s3;
	s25 =	sand.u32 $0x1, s7;
	s28 =	smul.u32 $0x2800, s1  }
0x8: {  	s11 =	smul.u32 $0x50000, s1;
	s31 =	sshll.u32 s1, $0x6;
	_ =	strace $0x80000050  }
0x9: {  	s10 =	sshll.u32 s25, $0xA;
	s29 =	ssub.s32 $0x2, s25;
	s13 =	sshll.u32 s25, $0x7  }
0xa: {  	s8 =	sadd.s32 s5, s4;
	s9 =	sadd.s32 s6, s4;
	s7 =	sor.u32 s10, s26  }
0xb: {  	s6 =	sadd.s32 s28, s4;
	s12 =	sshrl.u32 s29, $0x1;
	s30 =	sshrl.u32 s11, $0x2  }
0xc: {  	s5 =	sor.u32 $0x1C01, s31;
	s7 =	sshrl.u32 s7, $0x3;
	s10 =	ssub.s32 s29, s12  }
0xd: {  	s11 =	sadd.s32 s30, s2;
	s8 =	sadd.s32 s13, s8;
	s9 =	sadd.s32 $0x39E00, s9  }
0xe: {  	s12 =	simm.s32 $0x400;
	s13 =	simm.s32 $0x800;
	s7 =	sadd.s32 s7, s4  }
0xf: {  	s4 =	sadd.s32 $0x43C00, s6;
	s8 =	sadd.s32 $0x15BC00, s8;
	s6 =	sadd.s32 $0x6BC00, s7  }
0x10: {  	s7 =	smax.u32 s10, $0x1;
	s10 =	sshrl.u32 s11, $0x3;
	s11 =	simm.s32 $0x1  }
.LBB2_1:
0x11: {  	[spmem:s10], [sflag:s5] =	dma.local [hbm:s4], $0x2800  }
0x12: {  	_ =	swait.ge [sflag:s11], $0x2800  }
0x13: {  	[sflag:s11] =	ssyncset.done $0x0  }
0x14: {  	[sflag:s11] =	ssyncadd.s32 $0xFFFFD800  }
0x15: {  	s18 =	sadd.s32 $0x0, s9;
	[bflag:$0x0] =	sbarrier.arrive $0xFFFF  }
0x16: {  	[tilespmem:s3], [sflag:$0x1] =	stream.linear.gather [hbm4b:s18+s3], $0x80, $0x38;
	[tilespmem:$0x18080] =	vst v63  }
0x17: {  	_ =	swait.ge [sflag:s11], $0x80  }
0x18: {  	[sflag:s11] =	ssyncset.done $0x0  }
0x19: {  	[sflag:s11] =	ssyncadd.s32 $0xFFFFFF80  }
0x1a: {  	[tilespmem:s14], [sflag:$0x1] =	stream.strided.gather [hbm4b:s8+s12], $0x4000, s13, s12, $0x38;
	[tilespmem:$0x18080] =	vst v63  }
0x1b: {  	_ =	swait.ge [sflag:s11], $0x4000  }
0x1c: {  	[sflag:s11] =	ssyncset.done $0x0  }
0x1d: {  	[sflag:s11] =	ssyncadd.s32 $0xFFFFC000  }
0x1e: {  	[spmem:s2] =	stream.indirect.scatter.add.f32 [tilespmem:s14], [sflag:$0x1], $0x80, s3, s14, $0xb8;
	[tilespmem:$0x18080] =	vst v63  }
0x1f: {  	s19 =	simm.s32 $0x10;
	_ =	swait.ge [sflag:s11], $0x4000  }
0x20: {  	s20 =	simm.s32 $0x20;
	s18 =	sadd.s32 $0x1000, s8;
	[sflag:s11] =	ssyncset.done $0x0  }
.LBB2_2:
0x21: {  	s21 =	sadd.s32 s19, s9  }
0x22: {  	[sflag:s11] =	ssyncadd.s32 $0xFFFFC000;
	s19 =	smov.u32 s20;
	s22 =	sadd.s32 $0x10, s20  }
0x23: {  	[tilespmem:s3], [sflag:$0x1] =	stream.linear.gather [hbm4b:s21+s3], $0x80, $0x38;
	[tilespmem:$0x18080] =	vst v63  }
0x24: {  	p0 =	sne.s32 s20, $0x9D0;
	_ =	swait.ge [sflag:s11], $0x80  }
0x25: {  	[sflag:s11] =	ssyncset.done $0x0  }
0x26: {  	[sflag:s11] =	ssyncadd.s32 $0xFFFFFF80  }
0x27: {  	[tilespmem:s14], [sflag:$0x1] =	stream.strided.gather [hbm4b:s18+s12], $0x4000, s13, s12, $0x38;
	[tilespmem:$0x18080] =	vst v63  }
0x28: {  	_ =	swait.ge [sflag:s11], $0x4000  }
.Ltmp0:
0x29: {  	[sflag:s11] =	ssyncset.done $0x0;
	(pc) =	sbr.rel @p0 .LBB2_2-.Ltmp0, $4  }
0x2a: {  	[sflag:s11] =	ssyncadd.s32 $0xFFFFC000  }
0x2b: {  	[spmem:s2] =	stream.indirect.scatter.add.f32 [tilespmem:s14], [sflag:$0x1], $0x80, s3, s14, $0xb8;
	[tilespmem:$0x18080] =	vst v63  }
0x2c: {  	_ =	swait.ge [sflag:s11], $0x4000  }
0x2d: {  	s20 =	smov.u32 s22;
	s18 =	sadd.s32 $0x1000, s18;
	[sflag:s11] =	ssyncset.done $0x0  }
0x2e: {  	s19 =	sadd.s32 s19, s9;
	[sflag:s11] =	ssyncadd.s32 $0xFFFFC000  }
0x2f: {  	[tilespmem:s3], [sflag:$0x1] =	stream.linear.gather [hbm4b:s19+s3], $0x80, $0x38;
	[tilespmem:$0x18080] =	vst v63  }
0x30: {  	_ =	swait.ge [sflag:s11], $0x80  }
0x31: {  	[sflag:s11] =	ssyncset.done $0x0  }
0x32: {  	[sflag:s11] =	ssyncadd.s32 $0xFFFFFF80  }
0x33: {  	[tilespmem:s14], [sflag:$0x1] =	stream.strided.gather [hbm4b:s18+s12], $0x4000, s13, s12, $0x38;
	[tilespmem:$0x18080] =	vst v63  }
0x34: {  	_ =	swait.ge [sflag:s11], $0x4000  }
0x35: {  	[sflag:s11] =	ssyncset.done $0x0  }
0x36: {  	[sflag:s11] =	ssyncadd.s32 $0xFFFFC000  }
0x37: {  	[spmem:s2] =	stream.indirect.scatter.add.f32 [tilespmem:s14], [sflag:$0x1], $0x80, s3, s14, $0xb8;
	[tilespmem:$0x18080] =	vst v63  }
0x38: {  	_ =	swait.ge [sflag:s11], $0x4000  }
0x39: {  	s17 =	sadd.s32 $0x1, s17;
	[sflag:s11] =	ssyncset.done $0x0  }
0x3a: {  	p0 =	sne.s32 s17, s7;
	[sflag:s11] =	ssyncadd.s32 $0xFFFFC000  }
.Ltmp1:
0x3b: {  	[bflag:$0x0] =	sbarrier.arrive $0xFFFF;
	(pc) =	sbr.rel @p0 .LBB2_1-.Ltmp1, $4  }
0x3c: {  	[hbm:s6@s16], [sflag:s5] =	dma.strided [spmem:s10@s14], $0x2800, s15, $0x10   }
0x3d: {  	_ =	swait.ge [sflag:s11], $0x2800  }
0x3e: {  	[sflag:s11] =	ssyncset.done $0x0  }
0x3f: {  	[sflag:s11] =	ssyncadd.s32 $0xFFFFD800  }
0x40: {  	_ =	sfence.sel $0x180000  }
0x41: {  	[bflag:$0x0] =	sbarrier.arrive $0xFFFF  }
0x42: {  	p0 =	sne.s32 s1, $0x0;
	_ =	strace $0x90000050  }
0x43: {  	s0 =	sadd.s32 @!p0 $0x100000, s0;
	[bflag:$0x2] =	sbarrier.arrive $0xFFFF  }
0x44: {  	[sflag:s0] =	ssyncadd.tile.s32 @!p0 $0x1;
	_ =	shalt  }
.Lfunc_end2:
_tile_overlayer_lowered:
.L_overlay_start_2:
0x45: {  	(tag) =	ssettag $0x2  }
0x46: {  	s0 =	rddreg [dreg:$0x0];
	s2 =	stileid.u32  }
0x47: {  	s1 =	rddreg [dreg:$0x1];
	p0 =	sne.s32 s2, $0x0  }
0x48: {  	s3 =	rddreg [dreg:$0x2];
	[bflag:$0x3] =	sbarrier.arrive $0xFFFF;
	s2 =	simm.s32 @!p0 $0x1C01  }
0x49: {  	[timem:s3], [sflag:s2] =	dma.local @!p0 [hbm:s0], s1  }
0x4a: {  	s0 =	simm.s32 @!p0 $0x1  }
0x4b: {  	_ =	swait.ge @!p0 [sflag:s0], s1  }
0x4c: {  	s1 =	ssub.s32 @!p0 $0x0, s1;
	[sflag:s0] =	ssyncset.done @!p0 $0x0  }
0x4d: {  	[sflag:s0] =	ssyncadd.s32 @!p0 s1  }
0x4e: {  	[bflag:$0x3] =	sbarrier.arrive $0xFFFF  }
0x4f: {  	_ =	shalt  }

// kernel: kernel.31.cloned.1.call-start
scs
__scs_entry_jumppad:
0x0: {  	(pc) =	sbr.rel $0x88, $3  }
0x1: {  	(tag) =	ssettag $0x0;
	lr =	simm.s32 $0x1  }
0x2: {  	[smem:$0x3F8C] =	sst lr;
	_ =	strace $0xD0000000  }
0x3: {  	_ = 	snop  }
0x4: {  	_ = 	snop  }
0x5: {  	_ = 	snop  }
0x6: {  	_ = 	snop  }
0x7: {  	_ = 	snop  }
__scs_overlays_trampoline_lowered:
0x8: {  	[smem:$0x3F9B] =	sst s0  }
0x9: {  	[smem:$0x3F9C] =	sst s1  }
0xa: {  	[smem:$0x3F9D] =	sst s2  }
0xb: {  	[smem:$0x3F9E] =	sst s3  }
0xc: {  	[smem:$0x3F9F] =	sst s4  }
0xd: {  	[smem:$0x3FA0] =	sst s5  }
0xe: {  	[smem:$0x3FA1] =	sst s6  }
0xf: {  	[smem:$0x3FA2] =	sst s7  }
0x10: {  	[smem:$0x3FA3] =	sst s8  }
0x11: {  	[smem:$0x3FA4] =	sst s9;
	s0 =	simm.s32 @!p0 $0x0  }
0x12: {  	s1 =	sld [smem:$0x3F8A];
	s0 =	simm.s32 @p0 $0x1  }
0x13: {  	[smem:$0x3FA5] =	sst s0;
	s0 =	simm.s32 @!p1 $0x0  }
0x14: {  	s2 =	sld [smem:$0x3F89];
	s0 =	simm.s32 @p1 $0x1  }
0x15: {  	[smem:$0x3FA6] =	sst s0;
	s0 =	simm.s32 @!p2 $0x0  }
0x16: {  	s3 =	sld [smem:$0x3FDB];
	s0 =	simm.s32 @p2 $0x1  }
0x17: {  	s4 =	simm.s32 $0x1BF5;
	[smem:$0x3FA8] =	sst s0  }
0x18: {  	s0 =	sld [smem:$0x3F8B];
	_ =	swait.ge [sflag:s4], $0x0  }
0x19: {  	s7 =	sld [smem:$0x3F8C]  }
0x1a: {  	s8 =	sadd.s32 $0xFFFFE003, lr  }
0x1b: {  	s9 =	sadd.s32 $0xFFFFFEF7, lr;
	s5 =	simm.s32 $0xFFFFFFFF;
	p2 =	slt.u32 s8, $0xFFFFF086  }
0x1c: {  	p1 =	slt.u32 s9, $0xF7A;
	s5 =	simm.s32 @!p2 $0x0  }
0x1d: {  	s5 =	simm.s32 @p1 $0x1;
	p0 =	seq.s32 s7, s2  }
0x1e: {  	s7 =	smul.u32 @!p0 $0xF7A, s2;
	p2 =	seq.s32 @!p0 s5, $0x0  }
0x1f: {  	s9 =	smul.u32 $0xF7A, s1;
	s8 =	simm.s32 @!p0 $0x1BF5;
	p2 =	por !p2, p0  }
0x20: {  	[sflag:s8] =	ssyncset.s32 @!p0 $0xFFFFF086;
	s6 =	sadd.s32 @!p0 s3, s7;
	s7 =	simm.s32 @!p0 $0x108  }
0x21: {  	s3 =	sadd.s32 s3, s9;
	s6 =	sadd.s32 @!p0 $0x88, s6;
	s7 =	simm.s32 @p2 $0x1082  }
0x22: {  	[simem:s7], [sflag:s8] =	dma.local @!p0 [hbm:s6], $0xF7A  }
0x23: {  	s9 =	sor.u32 $0xD0000000, s2;
	s6 =	simm.s32 $0x108;
	_ =	swait.ge @!p0 [sflag:s8], $0x0  }
0x24: {  	s3 =	sadd.s32 $0x88, s3;
	s6 =	simm.s32 @!p1 $0x1082;
	[sflag:s4] =	ssyncset.s32 $0xFFFFF086  }
0x25: {  	[simem:s6], [sflag:s4] =	dma.local [hbm:s3], $0xF7A  }
0x26: {  	[smem:$0x3F8C] =	sst s1;
	(tag) =	ssettag s2;
	_ =	strace s9  }
0x27: {  	s1 =	sld [smem:$0x3F9C]  }
0x28: {  	s2 =	sld [smem:$0x3F9D]  }
0x29: {  	s4 =	sld [smem:$0x3F9F]  }
0x2a: {  	p0 =	seq.s32 s5, $0x0;
	s5 =	sld [smem:$0x3FA0]  }
0x2b: {  	s6 =	sld [smem:$0x3FA1]  }
0x2c: {  	s7 =	sld [smem:$0x3FA2]  }
0x2d: {  	s3 =	simm.s32 $0x108;
	s8 =	sld [smem:$0x3FA3]  }
0x2e: {  	s3 =	simm.s32 @!p0 $0x1082;
	s9 =	sld [smem:$0x3FA4]  }
0x2f: {  	lr =	sadd.s32 s0, s3;
	s0 =	sld [smem:$0x3F9B]  }
0x30: {  	s3 =	sld [smem:$0x3F9E]  }
0x31: {  	[smem:$0x3FA7] =	sst s10  }
0x32: {  	s10 =	sld [smem:$0x3FA5];
	_ =	sdelay $0x3  }
0x33: {  	p0 =	seq.s32 s10, $0x1;
	s10 =	sld [smem:$0x3FA7];
	_ =	sdelay $0x3  }
0x34: {  	[smem:$0x3FA7] =	sst s10  }
0x35: {  	s10 =	sld [smem:$0x3FA6];
	_ =	sdelay $0x3  }
0x36: {  	p1 =	seq.s32 s10, $0x1;
	s10 =	sld [smem:$0x3FA7];
	_ =	sdelay $0x3  }
0x37: {  	[smem:$0x3FA7] =	sst s10  }
0x38: {  	s10 =	sld [smem:$0x3FA8]  }
0x39: {  	_ = 	snop;
	(pc) =	sbr.ind lr, $3  }
0x3a: {  	_ = 	snop  }
0x3b: {  	_ = 	snop  }
0x3c: {  	p2 =	seq.s32 s10, $0x1;
	s10 =	sld [smem:$0x3FA7]  }
0x3d: {  	_ =	shalt  }
0x3e: {  	_ =	shalt  }
0x3f: {  	_ =	shalt  }
0x40: {  	_ =	shalt  }
0x41: {  	_ =	shalt  }
0x42: {  	_ =	shalt  }
0x43: {  	_ =	shalt  }
0x44: {  	_ =	shalt  }
0x45: {  	_ =	shalt  }
0x46: {  	_ =	shalt  }
0x47: {  	_ =	shalt  }
0x48: {  	_ =	shalt  }
0x49: {  	_ =	shalt  }
0x4a: {  	_ =	shalt  }
0x4b: {  	_ =	shalt  }
0x4c: {  	_ =	shalt  }
0x4d: {  	_ =	shalt  }
0x4e: {  	_ =	shalt  }
0x4f: {  	_ =	shalt  }
0x50: {  	_ =	shalt  }
0x51: {  	_ =	shalt  }
0x52: {  	_ =	shalt  }
0x53: {  	_ =	shalt  }
0x54: {  	_ =	shalt  }
0x55: {  	_ =	shalt  }
0x56: {  	_ =	shalt  }
0x57: {  	_ =	shalt  }
0x58: {  	_ =	shalt  }
0x59: {  	_ =	shalt  }
0x5a: {  	_ =	shalt  }
0x5b: {  	_ =	shalt  }
0x5c: {  	_ =	shalt  }
0x5d: {  	_ =	shalt  }
0x5e: {  	_ =	shalt  }
0x5f: {  	_ =	shalt  }
0x60: {  	_ =	shalt  }
0x61: {  	_ =	shalt  }
0x62: {  	_ =	shalt  }
0x63: {  	_ =	shalt  }
0x64: {  	_ =	shalt  }
0x65: {  	_ =	shalt  }
0x66: {  	_ =	shalt  }
0x67: {  	_ =	shalt  }
0x68: {  	_ =	shalt  }
0x69: {  	_ =	shalt  }
0x6a: {  	_ =	shalt  }
0x6b: {  	_ =	shalt  }
0x6c: {  	_ =	shalt  }
0x6d: {  	_ =	shalt  }
0x6e: {  	_ =	shalt  }
0x6f: {  	_ =	shalt  }
0x70: {  	_ =	shalt  }
0x71: {  	_ =	shalt  }
0x72: {  	_ =	shalt  }
0x73: {  	_ =	shalt  }
0x74: {  	_ =	shalt  }
0x75: {  	_ =	shalt  }
0x76: {  	_ =	shalt  }
0x77: {  	_ =	shalt  }
0x78: {  	_ =	shalt  }
0x79: {  	_ =	shalt  }
0x7a: {  	_ =	shalt  }
0x7b: {  	_ =	shalt  }
0x7c: {  	_ =	shalt  }
0x7d: {  	_ =	shalt  }
0x7e: {  	_ =	shalt  }
0x7f: {  	_ =	shalt  }
0x80: {  	_ =	shalt  }
0x81: {  	_ =	shalt  }
0x82: {  	_ =	shalt  }
0x83: {  	_ =	shalt  }
0x84: {  	_ =	shalt  }
0x85: {  	_ =	shalt  }
0x86: {  	_ =	shalt  }
0x87: {  	_ =	shalt  }
.Lfunc_end0:
.L_simem_size_0:
called_computation.4_lowered:
.L_overlay_start_0:
0x88: {  	s2 =	sld [smem:$0x3FD9]  }
0x89: {  	s3 =	sld [smem:$0x3FFE];
	_ =	sdelay $0x1  }
0x8a: {  	s1 =	srdreg.scid  }
0x8b: {  	s0 =	sand.u32 $0x1, s1  }
0x8c: {  	s16 =	sshll.u32 s0, $0xA;
	s2 =	sadd.s32 s3, s2  }
0x8d: {  	s2 =	sadd.s32 s2, s16  }
0x8e: {  	[smem:$0x3FB3] =	sst s2  }
0x8f: {  	_ = 	snop  }
0x90: {  	(tm) =	ssettm $0x1  }
0x91: {  	s17 =	sld [smem:$0x3FFB];
	_ =	sdelay $0x3  }
0x92: {  	_ =	strace s17  }
0x93: {  	s2 =	sld [smem:$0x3FFC];
	_ =	sdelay $0x3  }
0x94: {  	_ =	strace s2  }
0x95: {  	s2 =	sld [smem:$0x3FFD];
	_ =	sdelay $0x3  }
0x96: {  	_ =	strace s2  }
0x97: {  	_ =	strace $0x8FFFFFFF  }
0x98: {  	s18 =	sld [smem:$0x3FDB];
	_ =	sdelay $0x1  }
0x99: {  	s19 =	simm.s32 $_scs_section_size  }
0x9a: {  	s4 =	simm.s32 $_size__tile_overlayer_lowered;
	s5 =	simm.s32 $_tile_overlayer_lowered  }
0x9b: {  	s22 =	simm.s32 $0x1BFF;
	s21 =	sshll.u32 s5, $0x1;
	s2 =	sadd.s32 s19, s18  }
0x9c: {  	s6 =	simm.s32 $0x0;
	s20 =	sshll.u32 s4, $0x1;
	s4 =	sadd.s32 s21, s2  }
0x9d: {  	[timem:s6], [sflag:s22] =	dma.local [hbm:s4], s20  }
0x9e: {  	_ =	swait.ge [sflag:s22], s20  }
0x9f: {  	s3 =	ssub.s32 $0x0, s20;
	[sflag:s22] =	ssyncset.done $0x0  }
0xa0: {  	[sflag:s22] =	ssyncadd.s32 s3;
	_ =	sdelay $0x1  }
0xa1: {  	s23 =	simm.s32 $0x1B8B  }
0xa2: {  	_ =	swait.ge [sflag:s23], $0x1  }
0xa3: {  	[sflag:s23] =	ssyncset.done $0x0  }
0xa4: {  	s25 =	simm.s32 $0x1B8E;
	s24 =	sld [smem:$0x3FFE];
	[sflag:s23] =	ssyncadd.s32 $0xFFFFFFFF  }
0xa5: {  	s26 =	simm.s32 $execute0_lowered;
	[smem:$0x3FD2] =	sst s25  }
0xa6: {  	s4 =	sshll.u32 s26, $0x1;
	_ =	strace $0x80000052;
	[dreg:$0x1] =	wrdreg $0xFFFFFFFF  }
0xa7: {  	s28 =	simm.s32 $_size_execute0_lowered;
	s2 =	sadd.s32 s2, s4;
	[dreg:$0x0] =	wrdreg $0x0  }
0xa8: {  	s4 =	sshll.u32 s28, $0x1;
	[dreg:$0x2] =	wrdreg s2  }
0xa9: {  	[dreg:$0x3] =	wrdreg s4  }
0xaa: {  	[dreg:$0x4] =	wrdreg $0xC0  }
0xab: {  	_ =	task [dreg:s6], $0x5FFFF  }
0xac: {  	[dreg:$0x1] =	wrdreg $0xFFFFFFFF  }
0xad: {  	[dreg:$0x0] =	wrdreg $0x60  }
0xae: {  	[dreg:$0x2] =	wrdreg s24  }
0xaf: {  	[dreg:$0x3] =	wrdreg $0x9  }
0xb0: {  	_ =	task.clear_ibuf [dreg:s6], $0x4FFFF;
	_ =	strace $0x90000052  }
0xb1: {  	s29 =	simm.s32 $0x9;
	_ =	strace $0x80000054  }
0xb2: {  	_ =	swait.ge [sflag:s29], $0x1  }
0xb3: {  	[sflag:s29] =	ssyncadd.s32 $0xFFFFFFFF  }
0xb4: {  	_ =	strace $0x90000054  }
0xb5: {  	_ =	sfence  }
0xb6: {  	s30 =	sld [smem:$0x0];
	_ =	sdelay $0x2  }
0xb7: {  	s31 =	sshll.u32 s1, $0xD;
	s1 =	sshrl.u32 s1, $0x2  }
0xb8: {  	s3 =	sand.u32 $0x4000, s31;
	s1 =	sadd.s32 s1, s30  }
0xb9: {  	s0 =	sor.u32 s3, s0;
	s1 =	sshll.u32 s1, $0x11  }
0xba: {  	s0 =	sor.u32 s1, s0  }
0xbb: {  	s0 =	sadd.s32 $0x8F2B, s0  }
0xbc: {  	[sflag:s0] =	ssyncadd.remote.s32 $0x1  }
0xbd: {  	_ =	sfence.sel $0xFFFF  }
0xbe: {  	[dreg:$0x0] =	wrdreg $0xFFFFFFFF;
	(pc) =	sbr.abs _section_cstart, $3  }
0xbf: {  	[dreg:$0x1] =	wrdreg $0xFFFFFFFF  }
0xc0: {  	_ =	task.clear_ibuf [dreg:s6], $0x2FFFF;
	_ =	strace $0x9FFFFFFF  }
0xc1: {  	(tm) =	ssettm $0x7FFFFFFF  }
tec
execute0_lowered:
.L_overlay_start_1:
0x0: {  	(tag) =	ssettag $0x1  }
0x1: {  	s4 =	rddreg [dreg:$0x0]  }
0x2: {  	s0 =	rddreg [dreg:$0x1];
	s2 =	simm.s32 $0x0;
	s3 =	srdreg.scid  }
0x3: {  	s1 =	stileid.u32;
	s10 =	simm.s32 $0x1080;
	s11 =	simm.s32 $0x1880  }
0x4: {  	s12 =	simm.s32 $0x2080;
	s13 =	simm.s32 $0x2880;
	s14 =	simm.s32 $0x3080  }
0x5: {  	s15 =	simm.s32 $0x3880;
	s16 =	simm.s32 $0x4080;
	s17 =	simm.s32 $0x4880  }
0x6: {  	s18 =	simm.s32 $0x5080;
	s19 =	simm.s32 $0x5880;
	s20 =	simm.s32 $0x6080  }
0x7: {  	s21 =	simm.s32 $0x6880;
	s22 =	simm.s32 $0x7080;
	s23 =	simm.s32 $0x7880  }
0x8: {  	s24 =	simm.s32 $0x1;
	s25 =	simm.s32 $0x0;
	s6 =	smul.u32 $0x4F00, s1  }
0x9: {  	[smem:$0x7FF] =	sst s2;
	s5 =	sand.u32 $0x1, s3;
	s8 =	smul.u32 $0x9E000, s1  }
0xa: {  	s3 =	sadd.s32 $0x6BC00, s4;
	s7 =	smul.u32 $0x2780, s5;
	s9 =	ssub.s32 $0x2, s5  }
0xb: {  	_ =	strace $0x80000053;
	s5 =	smul.u32 $0x4F000, s5;
	s31 =	sshrl.u32 s9, $0x1  }
0xc: {  	s8 =	sadd.s32 s8, s4;
	s6 =	sadd.s32 s7, s6;
	s7 =	ssub.s32 s9, s31  }
0xd: {  	v2 =	vlaneseq.u32;
	s5 =	sadd.s32 s5, s8;
	s8 =	simm.s32 $0x80;
	s6 =	sshrl.u32 s6, $0x3  }
0xe: {  	vm0 =	vmmov $0xffff;
	v1 =	vshrl.u32 v2, $0x3;
	s9 =	simm.s32 $0x880;
	s5 =	sadd.s32 $0x15BC00, s5;
	s6 =	sadd.s32 s6, s4  }
0xf: {  	v0 =	vand.u32 $0x7, v2;
	v2 =	vor.u32 $0x8, v2;
	v1 =	vmul.u32 $0x8, v1;
	s4 =	smax.u32 s7, $0x1;
	s7 =	simm.s32 $0x2;
	s6 =	sadd.s32 $0x30000, s6  }
.LBB2_1:
0x10: {  	s26 =	smov.u32 s5;
	s28 =	simm.s32 $0x0  }
.LBB2_2:
0x11: {  	s29 =	sadd.s32 s28, s6  }
0x12: {  	[tilespmem:s2], [sflag:$0x2] =	stream.linear.gather [hbm4b:s29+s2], $0x80, $0x38;
	[tilespmem:$0x8080] =	vst v63  }
0x13: {  	_ =	swait.ge [sflag:s7], $0x80  }
0x14: {  	[sflag:s7] =	ssyncset.done $0x0  }
0x15: {  	[sflag:s7] =	ssyncadd.s32 $0xFFFFFF80  }
0x16: {  	v3 =	vld [tilespmem:$0x0];
	_ =	sdelay $0x4  }
0x17: {  	v4 =	vshll.u32 v3, $0x1  }
0x18: {  	v3 =	vand.u32 $0x7, v3;
	v4 =	vand.u32 $0xFFFFFFF0, v4  }
0x19: {  	v3 =	vor.u32 v3, v4  }
0x1a: {  	v4 =	vperm.xlane v3, v0;
	_ =	sdelay $0x1  }
0x1b: {  	v3 =	vperm.xlane v3, v2;
	v4 =	vadd.s32 v1, v4;
	_ =	sdelay $0x1  }
0x1c: {  	v3 =	vadd.s32 v1, v3;
	_ =	sdelay $0x2  }
0x1d: {  	[tilespmem:s8], [sflag:$0x1] =	stream.indirect_vreg.gather [hbm4b:s3+s2], $0x80, v4, vm0, $0xb8;
	[tilespmem:$0x8080] =	vst v63  }
0x1e: {  	_ = 	snop  }
0x1f: {  	[tilespmem:s9], [sflag:$0x1] =	stream.indirect_vreg.gather [hbm4b:s3+s2], $0x80, v3, vm0, $0xb8;
	[tilespmem:$0x8080] =	vst v63  }
0x20: {  	v3 =	vld [tilespmem:$0x10];
	_ =	sdelay $0x4  }
0x21: {  	v57 =	vshll.u32 v3, $0x1  }
0x22: {  	v3 =	vand.u32 $0x7, v3;
	v4 =	vand.u32 $0xFFFFFFF0, v57  }
0x23: {  	v3 =	vor.u32 v3, v4  }
0x24: {  	v4 =	vperm.xlane v3, v0;
	_ =	sdelay $0x1  }
0x25: {  	v3 =	vperm.xlane v3, v2;
	v4 =	vadd.s32 v1, v4;
	_ =	sdelay $0x1  }
0x26: {  	v3 =	vadd.s32 v1, v3;
	_ =	sdelay $0x2  }
0x27: {  	[tilespmem:s10], [sflag:$0x1] =	stream.indirect_vreg.gather [hbm4b:s3+s2], $0x80, v4, vm0, $0xb8;
	[tilespmem:$0x8080] =	vst v63  }
0x28: {  	_ = 	snop  }
0x29: {  	[tilespmem:s11], [sflag:$0x1] =	stream.indirect_vreg.gather [hbm4b:s3+s2], $0x80, v3, vm0, $0xb8;
	[tilespmem:$0x8080] =	vst v63  }
0x2a: {  	v3 =	vld [tilespmem:$0x20];
	_ =	sdelay $0x4  }
0x2b: {  	v58 =	vshll.u32 v3, $0x1  }
0x2c: {  	v3 =	vand.u32 $0x7, v3;
	v4 =	vand.u32 $0xFFFFFFF0, v58  }
0x2d: {  	v3 =	vor.u32 v3, v4  }
0x2e: {  	v4 =	vperm.xlane v3, v0;
	_ =	sdelay $0x1  }
0x2f: {  	v3 =	vperm.xlane v3, v2;
	v4 =	vadd.s32 v1, v4;
	_ =	sdelay $0x1  }
0x30: {  	v3 =	vadd.s32 v1, v3;
	_ =	sdelay $0x2  }
0x31: {  	[tilespmem:s12], [sflag:$0x1] =	stream.indirect_vreg.gather [hbm4b:s3+s2], $0x80, v4, vm0, $0xb8;
	[tilespmem:$0x8080] =	vst v63  }
0x32: {  	_ = 	snop  }
0x33: {  	[tilespmem:s13], [sflag:$0x1] =	stream.indirect_vreg.gather [hbm4b:s3+s2], $0x80, v3, vm0, $0xb8;
	[tilespmem:$0x8080] =	vst v63  }
0x34: {  	v3 =	vld [tilespmem:$0x30];
	_ =	sdelay $0x4  }
0x35: {  	v59 =	vshll.u32 v3, $0x1  }
0x36: {  	v3 =	vand.u32 $0x7, v3;
	v4 =	vand.u32 $0xFFFFFFF0, v59  }
0x37: {  	v3 =	vor.u32 v3, v4  }
0x38: {  	v4 =	vperm.xlane v3, v0;
	_ =	sdelay $0x1  }
0x39: {  	v3 =	vperm.xlane v3, v2;
	v4 =	vadd.s32 v1, v4;
	_ =	sdelay $0x1  }
0x3a: {  	v3 =	vadd.s32 v1, v3;
	_ =	sdelay $0x2  }
0x3b: {  	[tilespmem:s14], [sflag:$0x1] =	stream.indirect_vreg.gather [hbm4b:s3+s2], $0x80, v4, vm0, $0xb8;
	[tilespmem:$0x8080] =	vst v63  }
0x3c: {  	_ = 	snop  }
0x3d: {  	[tilespmem:s15], [sflag:$0x1] =	stream.indirect_vreg.gather [hbm4b:s3+s2], $0x80, v3, vm0, $0xb8;
	[tilespmem:$0x8080] =	vst v63  }
0x3e: {  	v3 =	vld [tilespmem:$0x40];
	_ =	sdelay $0x4  }
0x3f: {  	v60 =	vshll.u32 v3, $0x1  }
0x40: {  	v3 =	vand.u32 $0x7, v3;
	v4 =	vand.u32 $0xFFFFFFF0, v60  }
0x41: {  	v3 =	vor.u32 v3, v4  }
0x42: {  	v4 =	vperm.xlane v3, v0;
	_ =	sdelay $0x1  }
0x43: {  	v3 =	vperm.xlane v3, v2;
	v4 =	vadd.s32 v1, v4;
	_ =	sdelay $0x1  }
0x44: {  	v3 =	vadd.s32 v1, v3;
	_ =	sdelay $0x2  }
0x45: {  	[tilespmem:s16], [sflag:$0x1] =	stream.indirect_vreg.gather [hbm4b:s3+s2], $0x80, v4, vm0, $0xb8;
	[tilespmem:$0x8080] =	vst v63  }
0x46: {  	_ = 	snop  }
0x47: {  	[tilespmem:s17], [sflag:$0x1] =	stream.indirect_vreg.gather [hbm4b:s3+s2], $0x80, v3, vm0, $0xb8;
	[tilespmem:$0x8080] =	vst v63  }
0x48: {  	v3 =	vld [tilespmem:$0x50];
	_ =	sdelay $0x4  }
0x49: {  	v61 =	vshll.u32 v3, $0x1  }
0x4a: {  	v3 =	vand.u32 $0x7, v3;
	v4 =	vand.u32 $0xFFFFFFF0, v61  }
0x4b: {  	v3 =	vor.u32 v3, v4  }
0x4c: {  	v4 =	vperm.xlane v3, v0;
	_ =	sdelay $0x1  }
0x4d: {  	v3 =	vperm.xlane v3, v2;
	v4 =	vadd.s32 v1, v4;
	_ =	sdelay $0x1  }
0x4e: {  	v3 =	vadd.s32 v1, v3;
	_ =	sdelay $0x2  }
0x4f: {  	[tilespmem:s18], [sflag:$0x1] =	stream.indirect_vreg.gather [hbm4b:s3+s2], $0x80, v4, vm0, $0xb8;
	[tilespmem:$0x8080] =	vst v63  }
0x50: {  	_ = 	snop  }
0x51: {  	[tilespmem:s19], [sflag:$0x1] =	stream.indirect_vreg.gather [hbm4b:s3+s2], $0x80, v3, vm0, $0xb8;
	[tilespmem:$0x8080] =	vst v63  }
0x52: {  	v3 =	vld [tilespmem:$0x60];
	_ =	sdelay $0x4  }
0x53: {  	v62 =	vshll.u32 v3, $0x1  }
0x54: {  	v3 =	vand.u32 $0x7, v3;
	v4 =	vand.u32 $0xFFFFFFF0, v62  }
0x55: {  	v3 =	vor.u32 v3, v4  }
0x56: {  	v4 =	vperm.xlane v3, v0;
	_ =	sdelay $0x1  }
0x57: {  	v3 =	vperm.xlane v3, v2;
	v4 =	vadd.s32 v1, v4;
	_ =	sdelay $0x1  }
0x58: {  	v3 =	vadd.s32 v1, v3;
	_ =	sdelay $0x2  }
0x59: {  	[tilespmem:s20], [sflag:$0x1] =	stream.indirect_vreg.gather [hbm4b:s3+s2], $0x80, v4, vm0, $0xb8;
	[tilespmem:$0x8080] =	vst v63  }
0x5a: {  	_ = 	snop  }
0x5b: {  	[tilespmem:s21], [sflag:$0x1] =	stream.indirect_vreg.gather [hbm4b:s3+s2], $0x80, v3, vm0, $0xb8;
	[tilespmem:$0x8080] =	vst v63  }
0x5c: {  	v3 =	vld [tilespmem:$0x70];
	_ =	sdelay $0x4  }
0x5d: {  	v63 =	vshll.u32 v3, $0x1  }
0x5e: {  	v3 =	vand.u32 $0x7, v3;
	v4 =	vand.u32 $0xFFFFFFF0, v63  }
0x5f: {  	v3 =	vor.u32 v3, v4  }
0x60: {  	v4 =	vperm.xlane v3, v0;
	_ =	sdelay $0x1  }
0x61: {  	v3 =	vperm.xlane v3, v2;
	v4 =	vadd.s32 v1, v4;
	_ =	sdelay $0x1  }
0x62: {  	v3 =	vadd.s32 v1, v3;
	_ =	sdelay $0x2  }
0x63: {  	[tilespmem:s22], [sflag:$0x1] =	stream.indirect_vreg.gather [hbm4b:s3+s2], $0x80, v4, vm0, $0xb8;
	[tilespmem:$0x8080] =	vst v63  }
0x64: {  	_ = 	snop  }
0x65: {  	[tilespmem:s23], [sflag:$0x1] =	stream.indirect_vreg.gather [hbm4b:s3+s2], $0x80, v3, vm0, $0xb8;
	[tilespmem:$0x8080] =	vst v63  }
0x66: {  	_ =	swait.ge [sflag:s24], $0x8000  }
0x67: {  	p0 =	sne.s32 s28, $0x4E0;
	[sflag:s24] =	ssyncset.done $0x0  }
.Ltmp0:
0x68: {  	[sflag:s24] =	ssyncadd.s32 $0xFFFF8000;
	(pc) =	sbr.rel @p0 .LBB2_2-.Ltmp0, $4  }
0x69: {  	[hbm4b:s26+s2] =	stream.linear.scatter [tilespmem:s8], [sflag:$0x2], $0x8000, $0x38;
	[tilespmem:$0x8080] =	vst v63  }
0x6a: {  	_ =	swait.ge [sflag:s7], $0x8000  }
0x6b: {  	[sflag:s7] =	ssyncset.done $0x0  }
0x6c: {  	s28 =	sadd.s32 $0x10, s28;
	s26 =	sadd.s32 $0x1000, s26;
	[sflag:s7] =	ssyncadd.s32 $0xFFFF8000  }
0x6d: {  	s25 =	sadd.s32 $0x1, s25  }
0x6e: {  	p0 =	sne.s32 s25, s4  }
.Ltmp1:
0x6f: {  	_ = 	snop;
	(pc) =	sbr.rel @p0 .LBB2_1-.Ltmp1, $1  }
0x70: {  	_ =	sdelay $0x3  }
0x71: {  	_ =	sfence.sel $0x180000  }
0x72: {  	[bflag:$0x0] =	sbarrier.arrive $0xFFFF  }
0x73: {  	p0 =	sne.s32 s1, $0x0;
	_ =	strace $0x90000053  }
0x74: {  	s0 =	sadd.s32 @!p0 $0x100000, s0;
	[bflag:$0x2] =	sbarrier.arrive $0xFFFF  }
0x75: {  	[sflag:s0] =	ssyncadd.tile.s32 @!p0 $0x1;
	_ =	shalt  }
.Lfunc_end2:
_tile_overlayer_lowered:
.L_overlay_start_2:
0x76: {  	(tag) =	ssettag $0x2  }
0x77: {  	s0 =	rddreg [dreg:$0x0];
	s2 =	stileid.u32  }
0x78: {  	s1 =	rddreg [dreg:$0x1];
	p0 =	sne.s32 s2, $0x0  }
0x79: {  	s3 =	rddreg [dreg:$0x2];
	[bflag:$0x3] =	sbarrier.arrive $0xFFFF;
	s2 =	simm.s32 @!p0 $0x1C02  }
0x7a: {  	[timem:s3], [sflag:s2] =	dma.local @!p0 [hbm:s0], s1  }
0x7b: {  	s0 =	simm.s32 @!p0 $0x2  }
0x7c: {  	_ =	swait.ge @!p0 [sflag:s0], s1  }
0x7d: {  	s1 =	ssub.s32 @!p0 $0x0, s1;
	[sflag:s0] =	ssyncset.done @!p0 $0x0  }
0x7e: {  	[sflag:s0] =	ssyncadd.s32 @!p0 s1  }
0x7f: {  	[bflag:$0x3] =	sbarrier.arrive $0xFFFF  }
0x80: {  	_ =	shalt  }

// kernel: kernel.34.cloned.1.call-start
scs
__scs_entry_jumppad:
0x0: {  	(pc) =	sbr.rel $0x88, $3  }
0x1: {  	(tag) =	ssettag $0x0;
	lr =	simm.s32 $0x1  }
0x2: {  	[smem:$0x3F8C] =	sst lr;
	_ =	strace $0xD0000000  }
0x3: {  	_ = 	snop  }
0x4: {  	_ = 	snop  }
0x5: {  	_ = 	snop  }
0x6: {  	_ = 	snop  }
0x7: {  	_ = 	snop  }
__scs_overlays_trampoline_lowered:
0x8: {  	[smem:$0x3F9B] =	sst s0  }
0x9: {  	[smem:$0x3F9C] =	sst s1  }
0xa: {  	[smem:$0x3F9D] =	sst s2  }
0xb: {  	[smem:$0x3F9E] =	sst s3  }
0xc: {  	[smem:$0x3F9F] =	sst s4  }
0xd: {  	[smem:$0x3FA0] =	sst s5  }
0xe: {  	[smem:$0x3FA1] =	sst s6  }
0xf: {  	[smem:$0x3FA2] =	sst s7  }
0x10: {  	[smem:$0x3FA3] =	sst s8  }
0x11: {  	[smem:$0x3FA4] =	sst s9;
	s0 =	simm.s32 @!p0 $0x0  }
0x12: {  	s1 =	sld [smem:$0x3F8A];
	s0 =	simm.s32 @p0 $0x1  }
0x13: {  	[smem:$0x3FA5] =	sst s0;
	s0 =	simm.s32 @!p1 $0x0  }
0x14: {  	s2 =	sld [smem:$0x3F89];
	s0 =	simm.s32 @p1 $0x1  }
0x15: {  	[smem:$0x3FA6] =	sst s0;
	s0 =	simm.s32 @!p2 $0x0  }
0x16: {  	s3 =	sld [smem:$0x3FDB];
	s0 =	simm.s32 @p2 $0x1  }
0x17: {  	s4 =	simm.s32 $0x1BF5;
	[smem:$0x3FA8] =	sst s0  }
0x18: {  	s0 =	sld [smem:$0x3F8B];
	_ =	swait.ge [sflag:s4], $0x0  }
0x19: {  	s7 =	sld [smem:$0x3F8C]  }
0x1a: {  	s8 =	sadd.s32 $0xFFFFE003, lr  }
0x1b: {  	s9 =	sadd.s32 $0xFFFFFEF7, lr;
	s5 =	simm.s32 $0xFFFFFFFF;
	p2 =	slt.u32 s8, $0xFFFFF086  }
0x1c: {  	p1 =	slt.u32 s9, $0xF7A;
	s5 =	simm.s32 @!p2 $0x0  }
0x1d: {  	s5 =	simm.s32 @p1 $0x1;
	p0 =	seq.s32 s7, s2  }
0x1e: {  	s7 =	smul.u32 @!p0 $0xF7A, s2;
	p2 =	seq.s32 @!p0 s5, $0x0  }
0x1f: {  	s9 =	smul.u32 $0xF7A, s1;
	s8 =	simm.s32 @!p0 $0x1BF5;
	p2 =	por !p2, p0  }
0x20: {  	[sflag:s8] =	ssyncset.s32 @!p0 $0xFFFFF086;
	s6 =	sadd.s32 @!p0 s3, s7;
	s7 =	simm.s32 @!p0 $0x108  }
0x21: {  	s3 =	sadd.s32 s3, s9;
	s6 =	sadd.s32 @!p0 $0x88, s6;
	s7 =	simm.s32 @p2 $0x1082  }
0x22: {  	[simem:s7], [sflag:s8] =	dma.local @!p0 [hbm:s6], $0xF7A  }
0x23: {  	s9 =	sor.u32 $0xD0000000, s2;
	s6 =	simm.s32 $0x108;
	_ =	swait.ge @!p0 [sflag:s8], $0x0  }
0x24: {  	s3 =	sadd.s32 $0x88, s3;
	s6 =	simm.s32 @!p1 $0x1082;
	[sflag:s4] =	ssyncset.s32 $0xFFFFF086  }
0x25: {  	[simem:s6], [sflag:s4] =	dma.local [hbm:s3], $0xF7A  }
0x26: {  	[smem:$0x3F8C] =	sst s1;
	(tag) =	ssettag s2;
	_ =	strace s9  }
0x27: {  	s1 =	sld [smem:$0x3F9C]  }
0x28: {  	s2 =	sld [smem:$0x3F9D]  }
0x29: {  	s4 =	sld [smem:$0x3F9F]  }
0x2a: {  	p0 =	seq.s32 s5, $0x0;
	s5 =	sld [smem:$0x3FA0]  }
0x2b: {  	s6 =	sld [smem:$0x3FA1]  }
0x2c: {  	s7 =	sld [smem:$0x3FA2]  }
0x2d: {  	s3 =	simm.s32 $0x108;
	s8 =	sld [smem:$0x3FA3]  }
0x2e: {  	s3 =	simm.s32 @!p0 $0x1082;
	s9 =	sld [smem:$0x3FA4]  }
0x2f: {  	lr =	sadd.s32 s0, s3;
	s0 =	sld [smem:$0x3F9B]  }
0x30: {  	s3 =	sld [smem:$0x3F9E]  }
0x31: {  	[smem:$0x3FA7] =	sst s10  }
0x32: {  	s10 =	sld [smem:$0x3FA5];
	_ =	sdelay $0x3  }
0x33: {  	p0 =	seq.s32 s10, $0x1;
	s10 =	sld [smem:$0x3FA7];
	_ =	sdelay $0x3  }
0x34: {  	[smem:$0x3FA7] =	sst s10  }
0x35: {  	s10 =	sld [smem:$0x3FA6];
	_ =	sdelay $0x3  }
0x36: {  	p1 =	seq.s32 s10, $0x1;
	s10 =	sld [smem:$0x3FA7];
	_ =	sdelay $0x3  }
0x37: {  	[smem:$0x3FA7] =	sst s10  }
0x38: {  	s10 =	sld [smem:$0x3FA8]  }
0x39: {  	_ = 	snop;
	(pc) =	sbr.ind lr, $3  }
0x3a: {  	_ = 	snop  }
0x3b: {  	_ = 	snop  }
0x3c: {  	p2 =	seq.s32 s10, $0x1;
	s10 =	sld [smem:$0x3FA7]  }
0x3d: {  	_ =	shalt  }
0x3e: {  	_ =	shalt  }
0x3f: {  	_ =	shalt  }
0x40: {  	_ =	shalt  }
0x41: {  	_ =	shalt  }
0x42: {  	_ =	shalt  }
0x43: {  	_ =	shalt  }
0x44: {  	_ =	shalt  }
0x45: {  	_ =	shalt  }
0x46: {  	_ =	shalt  }
0x47: {  	_ =	shalt  }
0x48: {  	_ =	shalt  }
0x49: {  	_ =	shalt  }
0x4a: {  	_ =	shalt  }
0x4b: {  	_ =	shalt  }
0x4c: {  	_ =	shalt  }
0x4d: {  	_ =	shalt  }
0x4e: {  	_ =	shalt  }
0x4f: {  	_ =	shalt  }
0x50: {  	_ =	shalt  }
0x51: {  	_ =	shalt  }
0x52: {  	_ =	shalt  }
0x53: {  	_ =	shalt  }
0x54: {  	_ =	shalt  }
0x55: {  	_ =	shalt  }
0x56: {  	_ =	shalt  }
0x57: {  	_ =	shalt  }
0x58: {  	_ =	shalt  }
0x59: {  	_ =	shalt  }
0x5a: {  	_ =	shalt  }
0x5b: {  	_ =	shalt  }
0x5c: {  	_ =	shalt  }
0x5d: {  	_ =	shalt  }
0x5e: {  	_ =	shalt  }
0x5f: {  	_ =	shalt  }
0x60: {  	_ =	shalt  }
0x61: {  	_ =	shalt  }
0x62: {  	_ =	shalt  }
0x63: {  	_ =	shalt  }
0x64: {  	_ =	shalt  }
0x65: {  	_ =	shalt  }
0x66: {  	_ =	shalt  }
0x67: {  	_ =	shalt  }
0x68: {  	_ =	shalt  }
0x69: {  	_ =	shalt  }
0x6a: {  	_ =	shalt  }
0x6b: {  	_ =	shalt  }
0x6c: {  	_ =	shalt  }
0x6d: {  	_ =	shalt  }
0x6e: {  	_ =	shalt  }
0x6f: {  	_ =	shalt  }
0x70: {  	_ =	shalt  }
0x71: {  	_ =	shalt  }
0x72: {  	_ =	shalt  }
0x73: {  	_ =	shalt  }
0x74: {  	_ =	shalt  }
0x75: {  	_ =	shalt  }
0x76: {  	_ =	shalt  }
0x77: {  	_ =	shalt  }
0x78: {  	_ =	shalt  }
0x79: {  	_ =	shalt  }
0x7a: {  	_ =	shalt  }
0x7b: {  	_ =	shalt  }
0x7c: {  	_ =	shalt  }
0x7d: {  	_ =	shalt  }
0x7e: {  	_ =	shalt  }
0x7f: {  	_ =	shalt  }
0x80: {  	_ =	shalt  }
0x81: {  	_ =	shalt  }
0x82: {  	_ =	shalt  }
0x83: {  	_ =	shalt  }
0x84: {  	_ =	shalt  }
0x85: {  	_ =	shalt  }
0x86: {  	_ =	shalt  }
0x87: {  	_ =	shalt  }
.Lfunc_end0:
.L_simem_size_0:
called_computation.5_lowered:
.L_overlay_start_0:
0x88: {  	s2 =	sld [smem:$0x3FD9]  }
0x89: {  	s3 =	sld [smem:$0x3FFE];
	_ =	sdelay $0x1  }
0x8a: {  	s1 =	srdreg.scid  }
0x8b: {  	s0 =	sand.u32 $0x1, s1  }
0x8c: {  	s16 =	sshll.u32 s0, $0xA;
	s2 =	sadd.s32 s3, s2  }
0x8d: {  	s2 =	sadd.s32 s2, s16  }
0x8e: {  	[smem:$0x3FB3] =	sst s2  }
0x8f: {  	_ = 	snop  }
0x90: {  	(tm) =	ssettm $0x1  }
0x91: {  	s17 =	sld [smem:$0x3FFB];
	_ =	sdelay $0x3  }
0x92: {  	_ =	strace s17  }
0x93: {  	s2 =	sld [smem:$0x3FFC];
	_ =	sdelay $0x3  }
0x94: {  	_ =	strace s2  }
0x95: {  	s2 =	sld [smem:$0x3FFD];
	_ =	sdelay $0x3  }
0x96: {  	_ =	strace s2  }
0x97: {  	_ =	strace $0x8FFFFFFF  }
0x98: {  	s18 =	sld [smem:$0x3FDB];
	_ =	sdelay $0x1  }
0x99: {  	s19 =	simm.s32 $_scs_section_size  }
0x9a: {  	s4 =	simm.s32 $_size__tile_overlayer_lowered;
	s5 =	simm.s32 $_tile_overlayer_lowered  }
0x9b: {  	s22 =	simm.s32 $0x1BFF;
	s21 =	sshll.u32 s5, $0x1;
	s2 =	sadd.s32 s19, s18  }
0x9c: {  	s6 =	simm.s32 $0x0;
	s20 =	sshll.u32 s4, $0x1;
	s4 =	sadd.s32 s21, s2  }
0x9d: {  	[timem:s6], [sflag:s22] =	dma.local [hbm:s4], s20  }
0x9e: {  	_ =	swait.ge [sflag:s22], s20  }
0x9f: {  	s3 =	ssub.s32 $0x0, s20;
	[sflag:s22] =	ssyncset.done $0x0  }
0xa0: {  	[sflag:s22] =	ssyncadd.s32 s3;
	_ =	sdelay $0x1  }
0xa1: {  	s23 =	simm.s32 $0x1B8B  }
0xa2: {  	_ =	swait.ge [sflag:s23], $0x1  }
0xa3: {  	[sflag:s23] =	ssyncset.done $0x0  }
0xa4: {  	s25 =	simm.s32 $0x1B8E;
	s24 =	sld [smem:$0x3FFE];
	[sflag:s23] =	ssyncadd.s32 $0xFFFFFFFF  }
0xa5: {  	s26 =	simm.s32 $execute0_lowered;
	[smem:$0x3FD2] =	sst s25  }
0xa6: {  	s4 =	sshll.u32 s26, $0x1;
	_ =	strace $0x80000055;
	[dreg:$0x1] =	wrdreg $0xFFFFFFFF  }
0xa7: {  	s28 =	simm.s32 $_size_execute0_lowered;
	s2 =	sadd.s32 s2, s4;
	[dreg:$0x0] =	wrdreg $0x0  }
0xa8: {  	s4 =	sshll.u32 s28, $0x1;
	[dreg:$0x2] =	wrdreg s2  }
0xa9: {  	[dreg:$0x3] =	wrdreg s4  }
0xaa: {  	[dreg:$0x4] =	wrdreg $0xC0  }
0xab: {  	_ =	task [dreg:s6], $0x5FFFF  }
0xac: {  	[dreg:$0x1] =	wrdreg $0xFFFFFFFF  }
0xad: {  	[dreg:$0x0] =	wrdreg $0x60  }
0xae: {  	[dreg:$0x2] =	wrdreg s24  }
0xaf: {  	[dreg:$0x3] =	wrdreg $0x40800  }
0xb0: {  	[dreg:$0x4] =	wrdreg $0x9  }
0xb1: {  	_ =	task.clear_ibuf [dreg:s6], $0x5FFFF;
	_ =	strace $0x90000055  }
0xb2: {  	s29 =	simm.s32 $0x9;
	_ =	strace $0x80000057  }
0xb3: {  	_ =	swait.ge [sflag:s29], $0x1  }
0xb4: {  	[sflag:s29] =	ssyncadd.s32 $0xFFFFFFFF  }
0xb5: {  	_ =	strace $0x90000057  }
0xb6: {  	_ =	sfence  }
0xb7: {  	s30 =	sld [smem:$0x0];
	_ =	sdelay $0x2  }
0xb8: {  	s31 =	sshll.u32 s1, $0xD;
	s1 =	sshrl.u32 s1, $0x2  }
0xb9: {  	s3 =	sand.u32 $0x4000, s31;
	s1 =	sadd.s32 s1, s30  }
0xba: {  	s0 =	sor.u32 s3, s0;
	s1 =	sshll.u32 s1, $0x11  }
0xbb: {  	s0 =	sor.u32 s1, s0  }
0xbc: {  	s0 =	sadd.s32 $0x8F2B, s0  }
0xbd: {  	[sflag:s0] =	ssyncadd.remote.s32 $0x1  }
0xbe: {  	_ =	sfence.sel $0xFFFF  }
0xbf: {  	[dreg:$0x0] =	wrdreg $0xFFFFFFFF;
	(pc) =	sbr.abs _section_cstart, $3  }
0xc0: {  	[dreg:$0x1] =	wrdreg $0xFFFFFFFF  }
0xc1: {  	_ =	task.clear_ibuf [dreg:s6], $0x2FFFF;
	_ =	strace $0x9FFFFFFF  }
0xc2: {  	(tm) =	ssettm $0x7FFFFFFF  }
0xc3: {  	_ =	shalt  }
tec
execute0_lowered:
.L_overlay_start_1:
0x0: {  	(tag) =	ssettag $0x1  }
0x1: {  	s4 =	rddreg [dreg:$0x0]  }
0x2: {  	s2 =	rddreg [dreg:$0x1]  }
0x3: {  	s0 =	rddreg [dreg:$0x2];
	s1 =	stileid.u32  }
0x4: {  	s3 =	simm.s32 $0x0;
	s7 =	srdreg.scid;
	s5 =	smul.u32 $0x9E000, s1  }
0x5: {  	s14 =	simm.s32 $0x80;
	s15 =	simm.s32 $0x8;
	s6 =	smul.u32 $0x9E0, s1  }
0x6: {  	s16 =	simm.s32 $0x100;
	s17 =	simm.s32 $0x0;
	s26 =	smul.u32 $0x28000, s1  }
0x7: {  	[smem:$0x7FF] =	sst s3;
	s25 =	sand.u32 $0x1, s7;
	s28 =	smul.u32 $0x2800, s1  }
0x8: {  	s11 =	smul.u32 $0x50000, s1;
	s31 =	sshll.u32 s1, $0x6;
	_ =	strace $0x80000056  }
0x9: {  	s10 =	sshll.u32 s25, $0xA;
	s29 =	ssub.s32 $0x2, s25;
	s13 =	sshll.u32 s25, $0x7  }
0xa: {  	s8 =	sadd.s32 s5, s4;
	s9 =	sadd.s32 s6, s4;
	s7 =	sor.u32 s10, s26  }
0xb: {  	s6 =	sadd.s32 s28, s4;
	s12 =	sshrl.u32 s29, $0x1;
	s30 =	sshrl.u32 s11, $0x2  }
0xc: {  	s5 =	sor.u32 $0x1C01, s31;
	s7 =	sshrl.u32 s7, $0x3;
	s10 =	ssub.s32 s29, s12  }
0xd: {  	s11 =	sadd.s32 s30, s2;
	s8 =	sadd.s32 s13, s8;
	s9 =	sadd.s32 $0x39E00, s9  }
0xe: {  	s12 =	simm.s32 $0x400;
	s13 =	simm.s32 $0x800;
	s7 =	sadd.s32 s7, s4  }
0xf: {  	s4 =	sadd.s32 $0x43C00, s6;
	s8 =	sadd.s32 $0xB3BC00, s8;
	s6 =	sadd.s32 $0xBBC00, s7  }
0x10: {  	s7 =	smax.u32 s10, $0x1;
	s10 =	sshrl.u32 s11, $0x3;
	s11 =	simm.s32 $0x1  }
.LBB2_1:
0x11: {  	[spmem:s10], [sflag:s5] =	dma.local [hbm:s4], $0x2800  }
0x12: {  	_ =	swait.ge [sflag:s11], $0x2800  }
0x13: {  	[sflag:s11] =	ssyncset.done $0x0  }
0x14: {  	[sflag:s11] =	ssyncadd.s32 $0xFFFFD800  }
0x15: {  	s18 =	sadd.s32 $0x0, s9;
	[bflag:$0x0] =	sbarrier.arrive $0xFFFF  }
0x16: {  	[tilespmem:s3], [sflag:$0x1] =	stream.linear.gather [hbm4b:s18+s3], $0x80, $0x38;
	[tilespmem:$0x18080] =	vst v63  }
0x17: {  	_ =	swait.ge [sflag:s11], $0x80  }
0x18: {  	[sflag:s11] =	ssyncset.done $0x0  }
0x19: {  	[sflag:s11] =	ssyncadd.s32 $0xFFFFFF80  }
0x1a: {  	[tilespmem:s14], [sflag:$0x1] =	stream.strided.gather [hbm4b:s8+s12], $0x4000, s13, s12, $0x38;
	[tilespmem:$0x18080] =	vst v63  }
0x1b: {  	_ =	swait.ge [sflag:s11], $0x4000  }
0x1c: {  	[sflag:s11] =	ssyncset.done $0x0  }
0x1d: {  	[sflag:s11] =	ssyncadd.s32 $0xFFFFC000  }
0x1e: {  	[spmem:s2] =	stream.indirect.scatter.add.f32 [tilespmem:s14], [sflag:$0x1], $0x80, s3, s14, $0xb8;
	[tilespmem:$0x18080] =	vst v63  }
0x1f: {  	s19 =	simm.s32 $0x10;
	_ =	swait.ge [sflag:s11], $0x4000  }
0x20: {  	s20 =	simm.s32 $0x20;
	s18 =	sadd.s32 $0x1000, s8;
	[sflag:s11] =	ssyncset.done $0x0  }
.LBB2_2:
0x21: {  	s21 =	sadd.s32 s19, s9  }
0x22: {  	[sflag:s11] =	ssyncadd.s32 $0xFFFFC000;
	s19 =	smov.u32 s20;
	s22 =	sadd.s32 $0x10, s20  }
0x23: {  	[tilespmem:s3], [sflag:$0x1] =	stream.linear.gather [hbm4b:s21+s3], $0x80, $0x38;
	[tilespmem:$0x18080] =	vst v63  }
0x24: {  	p0 =	sne.s32 s20, $0x9D0;
	_ =	swait.ge [sflag:s11], $0x80  }
0x25: {  	[sflag:s11] =	ssyncset.done $0x0  }
0x26: {  	[sflag:s11] =	ssyncadd.s32 $0xFFFFFF80  }
0x27: {  	[tilespmem:s14], [sflag:$0x1] =	stream.strided.gather [hbm4b:s18+s12], $0x4000, s13, s12, $0x38;
	[tilespmem:$0x18080] =	vst v63  }
0x28: {  	_ =	swait.ge [sflag:s11], $0x4000  }
.Ltmp0:
0x29: {  	[sflag:s11] =	ssyncset.done $0x0;
	(pc) =	sbr.rel @p0 .LBB2_2-.Ltmp0, $4  }
0x2a: {  	[sflag:s11] =	ssyncadd.s32 $0xFFFFC000  }
0x2b: {  	[spmem:s2] =	stream.indirect.scatter.add.f32 [tilespmem:s14], [sflag:$0x1], $0x80, s3, s14, $0xb8;
	[tilespmem:$0x18080] =	vst v63  }
0x2c: {  	_ =	swait.ge [sflag:s11], $0x4000  }
0x2d: {  	s20 =	smov.u32 s22;
	s18 =	sadd.s32 $0x1000, s18;
	[sflag:s11] =	ssyncset.done $0x0  }
0x2e: {  	s19 =	sadd.s32 s19, s9;
	[sflag:s11] =	ssyncadd.s32 $0xFFFFC000  }
0x2f: {  	[tilespmem:s3], [sflag:$0x1] =	stream.linear.gather [hbm4b:s19+s3], $0x80, $0x38;
	[tilespmem:$0x18080] =	vst v63  }
0x30: {  	_ =	swait.ge [sflag:s11], $0x80  }
0x31: {  	[sflag:s11] =	ssyncset.done $0x0  }
0x32: {  	[sflag:s11] =	ssyncadd.s32 $0xFFFFFF80  }
0x33: {  	[tilespmem:s14], [sflag:$0x1] =	stream.strided.gather [hbm4b:s18+s12], $0x4000, s13, s12, $0x38;
	[tilespmem:$0x18080] =	vst v63  }
0x34: {  	_ =	swait.ge [sflag:s11], $0x4000  }
0x35: {  	[sflag:s11] =	ssyncset.done $0x0  }
0x36: {  	[sflag:s11] =	ssyncadd.s32 $0xFFFFC000  }
0x37: {  	[spmem:s2] =	stream.indirect.scatter.add.f32 [tilespmem:s14], [sflag:$0x1], $0x80, s3, s14, $0xb8;
	[tilespmem:$0x18080] =	vst v63  }
0x38: {  	_ =	swait.ge [sflag:s11], $0x4000  }
0x39: {  	s17 =	sadd.s32 $0x1, s17;
	[sflag:s11] =	ssyncset.done $0x0  }
0x3a: {  	p0 =	sne.s32 s17, s7;
	[sflag:s11] =	ssyncadd.s32 $0xFFFFC000  }
.Ltmp1:
0x3b: {  	[bflag:$0x0] =	sbarrier.arrive $0xFFFF;
	(pc) =	sbr.rel @p0 .LBB2_1-.Ltmp1, $4  }
0x3c: {  	[hbm:s6@s16], [sflag:s5] =	dma.strided [spmem:s10@s14], $0x2800, s15, $0x10   }
0x3d: {  	_ =	swait.ge [sflag:s11], $0x2800  }
0x3e: {  	[sflag:s11] =	ssyncset.done $0x0  }
0x3f: {  	[sflag:s11] =	ssyncadd.s32 $0xFFFFD800  }
0x40: {  	_ =	sfence.sel $0x180000  }
0x41: {  	[bflag:$0x0] =	sbarrier.arrive $0xFFFF  }
0x42: {  	p0 =	sne.s32 s1, $0x0;
	_ =	strace $0x90000056  }
0x43: {  	s0 =	sadd.s32 @!p0 $0x100000, s0;
	[bflag:$0x2] =	sbarrier.arrive $0xFFFF  }
0x44: {  	[sflag:s0] =	ssyncadd.tile.s32 @!p0 $0x1;
	_ =	shalt  }
.Lfunc_end2:
_tile_overlayer_lowered:
.L_overlay_start_2:
0x45: {  	(tag) =	ssettag $0x2  }
0x46: {  	s0 =	rddreg [dreg:$0x0];
	s2 =	stileid.u32  }
0x47: {  	s1 =	rddreg [dreg:$0x1];
	p0 =	sne.s32 s2, $0x0  }
0x48: {  	s3 =	rddreg [dreg:$0x2];
	[bflag:$0x3] =	sbarrier.arrive $0xFFFF;
	s2 =	simm.s32 @!p0 $0x1C01  }
0x49: {  	[timem:s3], [sflag:s2] =	dma.local @!p0 [hbm:s0], s1  }
0x4a: {  	s0 =	simm.s32 @!p0 $0x1  }
0x4b: {  	_ =	swait.ge @!p0 [sflag:s0], s1  }
0x4c: {  	s1 =	ssub.s32 @!p0 $0x0, s1;
	[sflag:s0] =	ssyncset.done @!p0 $0x0  }
0x4d: {  	[sflag:s0] =	ssyncadd.s32 @!p0 s1  }
0x4e: {  	[bflag:$0x3] =	sbarrier.arrive $0xFFFF  }
0x4f: {  	_ =	shalt  }

// kernel: kernel.37.cloned.1.call-start
scs
__scs_entry_jumppad:
0x0: {  	(pc) =	sbr.rel $0x88, $3  }
0x1: {  	(tag) =	ssettag $0x0;
	lr =	simm.s32 $0x1  }
0x2: {  	[smem:$0x3F8C] =	sst lr;
	_ =	strace $0xD0000000  }
0x3: {  	_ = 	snop  }
0x4: {  	_ = 	snop  }
0x5: {  	_ = 	snop  }
0x6: {  	_ = 	snop  }
0x7: {  	_ = 	snop  }
__scs_overlays_trampoline_lowered:
0x8: {  	[smem:$0x3F9B] =	sst s0  }
0x9: {  	[smem:$0x3F9C] =	sst s1  }
0xa: {  	[smem:$0x3F9D] =	sst s2  }
0xb: {  	[smem:$0x3F9E] =	sst s3  }
0xc: {  	[smem:$0x3F9F] =	sst s4  }
0xd: {  	[smem:$0x3FA0] =	sst s5  }
0xe: {  	[smem:$0x3FA1] =	sst s6  }
0xf: {  	[smem:$0x3FA2] =	sst s7  }
0x10: {  	[smem:$0x3FA3] =	sst s8  }
0x11: {  	[smem:$0x3FA4] =	sst s9;
	s0 =	simm.s32 @!p0 $0x0  }
0x12: {  	s1 =	sld [smem:$0x3F8A];
	s0 =	simm.s32 @p0 $0x1  }
0x13: {  	[smem:$0x3FA5] =	sst s0;
	s0 =	simm.s32 @!p1 $0x0  }
0x14: {  	s2 =	sld [smem:$0x3F89];
	s0 =	simm.s32 @p1 $0x1  }
0x15: {  	[smem:$0x3FA6] =	sst s0;
	s0 =	simm.s32 @!p2 $0x0  }
0x16: {  	s3 =	sld [smem:$0x3FDB];
	s0 =	simm.s32 @p2 $0x1  }
0x17: {  	s4 =	simm.s32 $0x1BF5;
	[smem:$0x3FA8] =	sst s0  }
0x18: {  	s0 =	sld [smem:$0x3F8B];
	_ =	swait.ge [sflag:s4], $0x0  }
0x19: {  	s7 =	sld [smem:$0x3F8C]  }
0x1a: {  	s8 =	sadd.s32 $0xFFFFE003, lr  }
0x1b: {  	s9 =	sadd.s32 $0xFFFFFEF7, lr;
	s5 =	simm.s32 $0xFFFFFFFF;
	p2 =	slt.u32 s8, $0xFFFFF086  }
0x1c: {  	p1 =	slt.u32 s9, $0xF7A;
	s5 =	simm.s32 @!p2 $0x0  }
0x1d: {  	s5 =	simm.s32 @p1 $0x1;
	p0 =	seq.s32 s7, s2  }
0x1e: {  	s7 =	smul.u32 @!p0 $0xF7A, s2;
	p2 =	seq.s32 @!p0 s5, $0x0  }
0x1f: {  	s9 =	smul.u32 $0xF7A, s1;
	s8 =	simm.s32 @!p0 $0x1BF5;
	p2 =	por !p2, p0  }
0x20: {  	[sflag:s8] =	ssyncset.s32 @!p0 $0xFFFFF086;
	s6 =	sadd.s32 @!p0 s3, s7;
	s7 =	simm.s32 @!p0 $0x108  }
0x21: {  	s3 =	sadd.s32 s3, s9;
	s6 =	sadd.s32 @!p0 $0x88, s6;
	s7 =	simm.s32 @p2 $0x1082  }
0x22: {  	[simem:s7], [sflag:s8] =	dma.local @!p0 [hbm:s6], $0xF7A  }
0x23: {  	s9 =	sor.u32 $0xD0000000, s2;
	s6 =	simm.s32 $0x108;
	_ =	swait.ge @!p0 [sflag:s8], $0x0  }
0x24: {  	s3 =	sadd.s32 $0x88, s3;
	s6 =	simm.s32 @!p1 $0x1082;
	[sflag:s4] =	ssyncset.s32 $0xFFFFF086  }
0x25: {  	[simem:s6], [sflag:s4] =	dma.local [hbm:s3], $0xF7A  }
0x26: {  	[smem:$0x3F8C] =	sst s1;
	(tag) =	ssettag s2;
	_ =	strace s9  }
0x27: {  	s1 =	sld [smem:$0x3F9C]  }
0x28: {  	s2 =	sld [smem:$0x3F9D]  }
0x29: {  	s4 =	sld [smem:$0x3F9F]  }
0x2a: {  	p0 =	seq.s32 s5, $0x0;
	s5 =	sld [smem:$0x3FA0]  }
0x2b: {  	s6 =	sld [smem:$0x3FA1]  }
0x2c: {  	s7 =	sld [smem:$0x3FA2]  }
0x2d: {  	s3 =	simm.s32 $0x108;
	s8 =	sld [smem:$0x3FA3]  }
0x2e: {  	s3 =	simm.s32 @!p0 $0x1082;
	s9 =	sld [smem:$0x3FA4]  }
0x2f: {  	lr =	sadd.s32 s0, s3;
	s0 =	sld [smem:$0x3F9B]  }
0x30: {  	s3 =	sld [smem:$0x3F9E]  }
0x31: {  	[smem:$0x3FA7] =	sst s10  }
0x32: {  	s10 =	sld [smem:$0x3FA5];
	_ =	sdelay $0x3  }
0x33: {  	p0 =	seq.s32 s10, $0x1;
	s10 =	sld [smem:$0x3FA7];
	_ =	sdelay $0x3  }
0x34: {  	[smem:$0x3FA7] =	sst s10  }
0x35: {  	s10 =	sld [smem:$0x3FA6];
	_ =	sdelay $0x3  }
0x36: {  	p1 =	seq.s32 s10, $0x1;
	s10 =	sld [smem:$0x3FA7];
	_ =	sdelay $0x3  }
0x37: {  	[smem:$0x3FA7] =	sst s10  }
0x38: {  	s10 =	sld [smem:$0x3FA8]  }
0x39: {  	_ = 	snop;
	(pc) =	sbr.ind lr, $3  }
0x3a: {  	_ = 	snop  }
0x3b: {  	_ = 	snop  }
0x3c: {  	p2 =	seq.s32 s10, $0x1;
	s10 =	sld [smem:$0x3FA7]  }
0x3d: {  	_ =	shalt  }
0x3e: {  	_ =	shalt  }
0x3f: {  	_ =	shalt  }
0x40: {  	_ =	shalt  }
0x41: {  	_ =	shalt  }
0x42: {  	_ =	shalt  }
0x43: {  	_ =	shalt  }
0x44: {  	_ =	shalt  }
0x45: {  	_ =	shalt  }
0x46: {  	_ =	shalt  }
0x47: {  	_ =	shalt  }
0x48: {  	_ =	shalt  }
0x49: {  	_ =	shalt  }
0x4a: {  	_ =	shalt  }
0x4b: {  	_ =	shalt  }
0x4c: {  	_ =	shalt  }
0x4d: {  	_ =	shalt  }
0x4e: {  	_ =	shalt  }
0x4f: {  	_ =	shalt  }
0x50: {  	_ =	shalt  }
0x51: {  	_ =	shalt  }
0x52: {  	_ =	shalt  }
0x53: {  	_ =	shalt  }
0x54: {  	_ =	shalt  }
0x55: {  	_ =	shalt  }
0x56: {  	_ =	shalt  }
0x57: {  	_ =	shalt  }
0x58: {  	_ =	shalt  }
0x59: {  	_ =	shalt  }
0x5a: {  	_ =	shalt  }
0x5b: {  	_ =	shalt  }
0x5c: {  	_ =	shalt  }
0x5d: {  	_ =	shalt  }
0x5e: {  	_ =	shalt  }
0x5f: {  	_ =	shalt  }
0x60: {  	_ =	shalt  }
0x61: {  	_ =	shalt  }
0x62: {  	_ =	shalt  }
0x63: {  	_ =	shalt  }
0x64: {  	_ =	shalt  }
0x65: {  	_ =	shalt  }
0x66: {  	_ =	shalt  }
0x67: {  	_ =	shalt  }
0x68: {  	_ =	shalt  }
0x69: {  	_ =	shalt  }
0x6a: {  	_ =	shalt  }
0x6b: {  	_ =	shalt  }
0x6c: {  	_ =	shalt  }
0x6d: {  	_ =	shalt  }
0x6e: {  	_ =	shalt  }
0x6f: {  	_ =	shalt  }
0x70: {  	_ =	shalt  }
0x71: {  	_ =	shalt  }
0x72: {  	_ =	shalt  }
0x73: {  	_ =	shalt  }
0x74: {  	_ =	shalt  }
0x75: {  	_ =	shalt  }
0x76: {  	_ =	shalt  }
0x77: {  	_ =	shalt  }
0x78: {  	_ =	shalt  }
0x79: {  	_ =	shalt  }
0x7a: {  	_ =	shalt  }
0x7b: {  	_ =	shalt  }
0x7c: {  	_ =	shalt  }
0x7d: {  	_ =	shalt  }
0x7e: {  	_ =	shalt  }
0x7f: {  	_ =	shalt  }
0x80: {  	_ =	shalt  }
0x81: {  	_ =	shalt  }
0x82: {  	_ =	shalt  }
0x83: {  	_ =	shalt  }
0x84: {  	_ =	shalt  }
0x85: {  	_ =	shalt  }
0x86: {  	_ =	shalt  }
0x87: {  	_ =	shalt  }
.Lfunc_end0:
.L_simem_size_0:
called_computation.6_lowered:
.L_overlay_start_0:
0x88: {  	s2 =	sld [smem:$0x3FD9]  }
0x89: {  	s3 =	sld [smem:$0x3FFE];
	_ =	sdelay $0x1  }
0x8a: {  	s1 =	srdreg.scid  }
0x8b: {  	s0 =	sand.u32 $0x1, s1  }
0x8c: {  	s16 =	sshll.u32 s0, $0xA;
	s2 =	sadd.s32 s3, s2  }
0x8d: {  	s2 =	sadd.s32 s2, s16  }
0x8e: {  	[smem:$0x3FB3] =	sst s2  }
0x8f: {  	_ = 	snop  }
0x90: {  	(tm) =	ssettm $0x1  }
0x91: {  	s17 =	sld [smem:$0x3FFB];
	_ =	sdelay $0x3  }
0x92: {  	_ =	strace s17  }
0x93: {  	s2 =	sld [smem:$0x3FFC];
	_ =	sdelay $0x3  }
0x94: {  	_ =	strace s2  }
0x95: {  	s2 =	sld [smem:$0x3FFD];
	_ =	sdelay $0x3  }
0x96: {  	_ =	strace s2  }
0x97: {  	_ =	strace $0x8FFFFFFF  }
0x98: {  	s18 =	sld [smem:$0x3FDB];
	_ =	sdelay $0x1  }
0x99: {  	s19 =	simm.s32 $_scs_section_size  }
0x9a: {  	s4 =	simm.s32 $_size__tile_overlayer_lowered;
	s5 =	simm.s32 $_tile_overlayer_lowered  }
0x9b: {  	s22 =	simm.s32 $0x1BFF;
	s21 =	sshll.u32 s5, $0x1;
	s2 =	sadd.s32 s19, s18  }
0x9c: {  	s6 =	simm.s32 $0x0;
	s20 =	sshll.u32 s4, $0x1;
	s4 =	sadd.s32 s21, s2  }
0x9d: {  	[timem:s6], [sflag:s22] =	dma.local [hbm:s4], s20  }
0x9e: {  	_ =	swait.ge [sflag:s22], s20  }
0x9f: {  	s3 =	ssub.s32 $0x0, s20;
	[sflag:s22] =	ssyncset.done $0x0  }
0xa0: {  	[sflag:s22] =	ssyncadd.s32 s3;
	_ =	sdelay $0x1  }
0xa1: {  	s23 =	simm.s32 $0x1B8B  }
0xa2: {  	_ =	swait.ge [sflag:s23], $0x1  }
0xa3: {  	[sflag:s23] =	ssyncset.done $0x0  }
0xa4: {  	s25 =	simm.s32 $0x1B8E;
	s24 =	sld [smem:$0x3FFE];
	[sflag:s23] =	ssyncadd.s32 $0xFFFFFFFF  }
0xa5: {  	s26 =	simm.s32 $execute0_lowered;
	[smem:$0x3FD2] =	sst s25  }
0xa6: {  	s4 =	sshll.u32 s26, $0x1;
	_ =	strace $0x80000058;
	[dreg:$0x1] =	wrdreg $0xFFFFFFFF  }
0xa7: {  	s28 =	simm.s32 $_size_execute0_lowered;
	s2 =	sadd.s32 s2, s4;
	[dreg:$0x0] =	wrdreg $0x0  }
0xa8: {  	s4 =	sshll.u32 s28, $0x1;
	[dreg:$0x2] =	wrdreg s2  }
0xa9: {  	[dreg:$0x3] =	wrdreg s4  }
0xaa: {  	[dreg:$0x4] =	wrdreg $0xC0  }
0xab: {  	_ =	task [dreg:s6], $0x5FFFF  }
0xac: {  	[dreg:$0x1] =	wrdreg $0xFFFFFFFF  }
0xad: {  	[dreg:$0x0] =	wrdreg $0x60  }
0xae: {  	[dreg:$0x2] =	wrdreg s24  }
0xaf: {  	[dreg:$0x3] =	wrdreg $0x9  }
0xb0: {  	_ =	task.clear_ibuf [dreg:s6], $0x4FFFF;
	_ =	strace $0x90000058  }
0xb1: {  	s29 =	simm.s32 $0x9;
	_ =	strace $0x8000005A  }
0xb2: {  	_ =	swait.ge [sflag:s29], $0x1  }
0xb3: {  	[sflag:s29] =	ssyncadd.s32 $0xFFFFFFFF  }
0xb4: {  	_ =	strace $0x9000005A  }
0xb5: {  	_ =	sfence  }
0xb6: {  	s30 =	sld [smem:$0x0];
	_ =	sdelay $0x2  }
0xb7: {  	s31 =	sshll.u32 s1, $0xD;
	s1 =	sshrl.u32 s1, $0x2  }
0xb8: {  	s3 =	sand.u32 $0x4000, s31;
	s1 =	sadd.s32 s1, s30  }
0xb9: {  	s0 =	sor.u32 s3, s0;
	s1 =	sshll.u32 s1, $0x11  }
0xba: {  	s0 =	sor.u32 s1, s0  }
0xbb: {  	s0 =	sadd.s32 $0x8F2B, s0  }
0xbc: {  	[sflag:s0] =	ssyncadd.remote.s32 $0x1  }
0xbd: {  	_ =	sfence.sel $0xFFFF  }
0xbe: {  	[dreg:$0x0] =	wrdreg $0xFFFFFFFF;
	(pc) =	sbr.abs _section_cstart, $3  }
0xbf: {  	[dreg:$0x1] =	wrdreg $0xFFFFFFFF  }
0xc0: {  	_ =	task.clear_ibuf [dreg:s6], $0x2FFFF;
	_ =	strace $0x9FFFFFFF  }
0xc1: {  	(tm) =	ssettm $0x7FFFFFFF  }
tec
execute0_lowered:
.L_overlay_start_1:
0x0: {  	(tag) =	ssettag $0x1  }
0x1: {  	s4 =	rddreg [dreg:$0x0]  }
0x2: {  	s0 =	rddreg [dreg:$0x1];
	s2 =	simm.s32 $0x0;
	s3 =	srdreg.scid  }
0x3: {  	s1 =	stileid.u32;
	s10 =	simm.s32 $0x1080;
	s11 =	simm.s32 $0x1880  }
0x4: {  	s12 =	simm.s32 $0x2080;
	s13 =	simm.s32 $0x2880;
	s14 =	simm.s32 $0x3080  }
0x5: {  	s15 =	simm.s32 $0x3880;
	s16 =	simm.s32 $0x4080;
	s17 =	simm.s32 $0x4880  }
0x6: {  	s18 =	simm.s32 $0x5080;
	s19 =	simm.s32 $0x5880;
	s20 =	simm.s32 $0x6080  }
0x7: {  	s21 =	simm.s32 $0x6880;
	s22 =	simm.s32 $0x7080;
	s23 =	simm.s32 $0x7880  }
0x8: {  	s24 =	simm.s32 $0x1;
	s25 =	simm.s32 $0x0;
	s6 =	smul.u32 $0x4F00, s1  }
0x9: {  	[smem:$0x7FF] =	sst s2;
	s5 =	sand.u32 $0x1, s3;
	s8 =	smul.u32 $0x9E000, s1  }
0xa: {  	s3 =	sadd.s32 $0x6BC00, s4;
	s7 =	smul.u32 $0x2780, s5;
	s9 =	ssub.s32 $0x2, s5  }
0xb: {  	_ =	strace $0x80000059;
	s5 =	smul.u32 $0x4F000, s5;
	s31 =	sshrl.u32 s9, $0x1  }
0xc: {  	s8 =	sadd.s32 s8, s4;
	s6 =	sadd.s32 s7, s6;
	s7 =	ssub.s32 s9, s31  }
0xd: {  	v2 =	vlaneseq.u32;
	s5 =	sadd.s32 s5, s8;
	s8 =	simm.s32 $0x80;
	s6 =	sshrl.u32 s6, $0x3  }
0xe: {  	vm0 =	vmmov $0xffff;
	v1 =	vshrl.u32 v2, $0x3;
	s9 =	simm.s32 $0x880;
	s5 =	sadd.s32 $0x15BC00, s5;
	s6 =	sadd.s32 s6, s4  }
0xf: {  	v0 =	vand.u32 $0x7, v2;
	v2 =	vor.u32 $0x8, v2;
	v1 =	vmul.u32 $0x8, v1;
	s4 =	smax.u32 s7, $0x1;
	s7 =	simm.s32 $0x2;
	s6 =	sadd.s32 $0x30000, s6  }
.LBB2_1:
0x10: {  	s26 =	smov.u32 s5;
	s28 =	simm.s32 $0x0  }
.LBB2_2:
0x11: {  	s29 =	sadd.s32 s28, s6  }
0x12: {  	[tilespmem:s2], [sflag:$0x2] =	stream.linear.gather [hbm4b:s29+s2], $0x80, $0x38;
	[tilespmem:$0x8080] =	vst v63  }
0x13: {  	_ =	swait.ge [sflag:s7], $0x80  }
0x14: {  	[sflag:s7] =	ssyncset.done $0x0  }
0x15: {  	[sflag:s7] =	ssyncadd.s32 $0xFFFFFF80  }
0x16: {  	v3 =	vld [tilespmem:$0x0];
	_ =	sdelay $0x4  }
0x17: {  	v4 =	vshll.u32 v3, $0x1  }
0x18: {  	v3 =	vand.u32 $0x7, v3;
	v4 =	vand.u32 $0xFFFFFFF0, v4  }
0x19: {  	v3 =	vor.u32 v3, v4  }
0x1a: {  	v4 =	vperm.xlane v3, v0;
	_ =	sdelay $0x1  }
0x1b: {  	v3 =	vperm.xlane v3, v2;
	v4 =	vadd.s32 v1, v4;
	_ =	sdelay $0x1  }
0x1c: {  	v3 =	vadd.s32 v1, v3;
	_ =	sdelay $0x2  }
0x1d: {  	[tilespmem:s8], [sflag:$0x1] =	stream.indirect_vreg.gather [hbm4b:s3+s2], $0x80, v4, vm0, $0xb8;
	[tilespmem:$0x8080] =	vst v63  }
0x1e: {  	_ = 	snop  }
0x1f: {  	[tilespmem:s9], [sflag:$0x1] =	stream.indirect_vreg.gather [hbm4b:s3+s2], $0x80, v3, vm0, $0xb8;
	[tilespmem:$0x8080] =	vst v63  }
0x20: {  	v3 =	vld [tilespmem:$0x10];
	_ =	sdelay $0x4  }
0x21: {  	v57 =	vshll.u32 v3, $0x1  }
0x22: {  	v3 =	vand.u32 $0x7, v3;
	v4 =	vand.u32 $0xFFFFFFF0, v57  }
0x23: {  	v3 =	vor.u32 v3, v4  }
0x24: {  	v4 =	vperm.xlane v3, v0;
	_ =	sdelay $0x1  }
0x25: {  	v3 =	vperm.xlane v3, v2;
	v4 =	vadd.s32 v1, v4;
	_ =	sdelay $0x1  }
0x26: {  	v3 =	vadd.s32 v1, v3;
	_ =	sdelay $0x2  }
0x27: {  	[tilespmem:s10], [sflag:$0x1] =	stream.indirect_vreg.gather [hbm4b:s3+s2], $0x80, v4, vm0, $0xb8;
	[tilespmem:$0x8080] =	vst v63  }
0x28: {  	_ = 	snop  }
0x29: {  	[tilespmem:s11], [sflag:$0x1] =	stream.indirect_vreg.gather [hbm4b:s3+s2], $0x80, v3, vm0, $0xb8;
	[tilespmem:$0x8080] =	vst v63  }
0x2a: {  	v3 =	vld [tilespmem:$0x20];
	_ =	sdelay $0x4  }
0x2b: {  	v58 =	vshll.u32 v3, $0x1  }
0x2c: {  	v3 =	vand.u32 $0x7, v3;
	v4 =	vand.u32 $0xFFFFFFF0, v58  }
0x2d: {  	v3 =	vor.u32 v3, v4  }
0x2e: {  	v4 =	vperm.xlane v3, v0;
	_ =	sdelay $0x1  }
0x2f: {  	v3 =	vperm.xlane v3, v2;
	v4 =	vadd.s32 v1, v4;
	_ =	sdelay $0x1  }
0x30: {  	v3 =	vadd.s32 v1, v3;
	_ =	sdelay $0x2  }
0x31: {  	[tilespmem:s12], [sflag:$0x1] =	stream.indirect_vreg.gather [hbm4b:s3+s2], $0x80, v4, vm0, $0xb8;
	[tilespmem:$0x8080] =	vst v63  }
0x32: {  	_ = 	snop  }
0x33: {  	[tilespmem:s13], [sflag:$0x1] =	stream.indirect_vreg.gather [hbm4b:s3+s2], $0x80, v3, vm0, $0xb8;
	[tilespmem:$0x8080] =	vst v63  }
0x34: {  	v3 =	vld [tilespmem:$0x30];
	_ =	sdelay $0x4  }
0x35: {  	v59 =	vshll.u32 v3, $0x1  }
0x36: {  	v3 =	vand.u32 $0x7, v3;
	v4 =	vand.u32 $0xFFFFFFF0, v59  }
0x37: {  	v3 =	vor.u32 v3, v4  }
0x38: {  	v4 =	vperm.xlane v3, v0;
	_ =	sdelay $0x1  }
0x39: {  	v3 =	vperm.xlane v3, v2;
	v4 =	vadd.s32 v1, v4;
	_ =	sdelay $0x1  }
0x3a: {  	v3 =	vadd.s32 v1, v3;
	_ =	sdelay $0x2  }
0x3b: {  	[tilespmem:s14], [sflag:$0x1] =	stream.indirect_vreg.gather [hbm4b:s3+s2], $0x80, v4, vm0, $0xb8;
	[tilespmem:$0x8080] =	vst v63  }
0x3c: {  	_ = 	snop  }
0x3d: {  	[tilespmem:s15], [sflag:$0x1] =	stream.indirect_vreg.gather [hbm4b:s3+s2], $0x80, v3, vm0, $0xb8;
	[tilespmem:$0x8080] =	vst v63  }
0x3e: {  	v3 =	vld [tilespmem:$0x40];
	_ =	sdelay $0x4  }
0x3f: {  	v60 =	vshll.u32 v3, $0x1  }
0x40: {  	v3 =	vand.u32 $0x7, v3;
	v4 =	vand.u32 $0xFFFFFFF0, v60  }
0x41: {  	v3 =	vor.u32 v3, v4  }
0x42: {  	v4 =	vperm.xlane v3, v0;
	_ =	sdelay $0x1  }
0x43: {  	v3 =	vperm.xlane v3, v2;
	v4 =	vadd.s32 v1, v4;
	_ =	sdelay $0x1  }
0x44: {  	v3 =	vadd.s32 v1, v3;
	_ =	sdelay $0x2  }
0x45: {  	[tilespmem:s16], [sflag:$0x1] =	stream.indirect_vreg.gather [hbm4b:s3+s2], $0x80, v4, vm0, $0xb8;
	[tilespmem:$0x8080] =	vst v63  }
0x46: {  	_ = 	snop  }
0x47: {  	[tilespmem:s17], [sflag:$0x1] =	stream.indirect_vreg.gather [hbm4b:s3+s2], $0x80, v3, vm0, $0xb8;
	[tilespmem:$0x8080] =	vst v63  }
0x48: {  	v3 =	vld [tilespmem:$0x50];
	_ =	sdelay $0x4  }
0x49: {  	v61 =	vshll.u32 v3, $0x1  }
0x4a: {  	v3 =	vand.u32 $0x7, v3;
	v4 =	vand.u32 $0xFFFFFFF0, v61  }
0x4b: {  	v3 =	vor.u32 v3, v4  }
0x4c: {  	v4 =	vperm.xlane v3, v0;
	_ =	sdelay $0x1  }
0x4d: {  	v3 =	vperm.xlane v3, v2;
	v4 =	vadd.s32 v1, v4;
	_ =	sdelay $0x1  }
0x4e: {  	v3 =	vadd.s32 v1, v3;
	_ =	sdelay $0x2  }
0x4f: {  	[tilespmem:s18], [sflag:$0x1] =	stream.indirect_vreg.gather [hbm4b:s3+s2], $0x80, v4, vm0, $0xb8;
	[tilespmem:$0x8080] =	vst v63  }
0x50: {  	_ = 	snop  }
0x51: {  	[tilespmem:s19], [sflag:$0x1] =	stream.indirect_vreg.gather [hbm4b:s3+s2], $0x80, v3, vm0, $0xb8;
	[tilespmem:$0x8080] =	vst v63  }
0x52: {  	v3 =	vld [tilespmem:$0x60];
	_ =	sdelay $0x4  }
0x53: {  	v62 =	vshll.u32 v3, $0x1  }
0x54: {  	v3 =	vand.u32 $0x7, v3;
	v4 =	vand.u32 $0xFFFFFFF0, v62  }
0x55: {  	v3 =	vor.u32 v3, v4  }
0x56: {  	v4 =	vperm.xlane v3, v0;
	_ =	sdelay $0x1  }
0x57: {  	v3 =	vperm.xlane v3, v2;
	v4 =	vadd.s32 v1, v4;
	_ =	sdelay $0x1  }
0x58: {  	v3 =	vadd.s32 v1, v3;
	_ =	sdelay $0x2  }
0x59: {  	[tilespmem:s20], [sflag:$0x1] =	stream.indirect_vreg.gather [hbm4b:s3+s2], $0x80, v4, vm0, $0xb8;
	[tilespmem:$0x8080] =	vst v63  }
0x5a: {  	_ = 	snop  }
0x5b: {  	[tilespmem:s21], [sflag:$0x1] =	stream.indirect_vreg.gather [hbm4b:s3+s2], $0x80, v3, vm0, $0xb8;
	[tilespmem:$0x8080] =	vst v63  }
0x5c: {  	v3 =	vld [tilespmem:$0x70];
	_ =	sdelay $0x4  }
0x5d: {  	v63 =	vshll.u32 v3, $0x1  }
0x5e: {  	v3 =	vand.u32 $0x7, v3;
	v4 =	vand.u32 $0xFFFFFFF0, v63  }
0x5f: {  	v3 =	vor.u32 v3, v4  }
0x60: {  	v4 =	vperm.xlane v3, v0;
	_ =	sdelay $0x1  }
0x61: {  	v3 =	vperm.xlane v3, v2;
	v4 =	vadd.s32 v1, v4;
	_ =	sdelay $0x1  }
0x62: {  	v3 =	vadd.s32 v1, v3;
	_ =	sdelay $0x2  }
0x63: {  	[tilespmem:s22], [sflag:$0x1] =	stream.indirect_vreg.gather [hbm4b:s3+s2], $0x80, v4, vm0, $0xb8;
	[tilespmem:$0x8080] =	vst v63  }
0x64: {  	_ = 	snop  }
0x65: {  	[tilespmem:s23], [sflag:$0x1] =	stream.indirect_vreg.gather [hbm4b:s3+s2], $0x80, v3, vm0, $0xb8;
	[tilespmem:$0x8080] =	vst v63  }
0x66: {  	_ =	swait.ge [sflag:s24], $0x8000  }
0x67: {  	p0 =	sne.s32 s28, $0x4E0;
	[sflag:s24] =	ssyncset.done $0x0  }
.Ltmp0:
0x68: {  	[sflag:s24] =	ssyncadd.s32 $0xFFFF8000;
	(pc) =	sbr.rel @p0 .LBB2_2-.Ltmp0, $4  }
0x69: {  	[hbm4b:s26+s2] =	stream.linear.scatter [tilespmem:s8], [sflag:$0x2], $0x8000, $0x38;
	[tilespmem:$0x8080] =	vst v63  }
0x6a: {  	_ =	swait.ge [sflag:s7], $0x8000  }
0x6b: {  	[sflag:s7] =	ssyncset.done $0x0  }
0x6c: {  	s28 =	sadd.s32 $0x10, s28;
	s26 =	sadd.s32 $0x1000, s26;
	[sflag:s7] =	ssyncadd.s32 $0xFFFF8000  }
0x6d: {  	s25 =	sadd.s32 $0x1, s25  }
0x6e: {  	p0 =	sne.s32 s25, s4  }
.Ltmp1:
0x6f: {  	_ = 	snop;
	(pc) =	sbr.rel @p0 .LBB2_1-.Ltmp1, $1  }
0x70: {  	_ =	sdelay $0x3  }
0x71: {  	_ =	sfence.sel $0x180000  }
0x72: {  	[bflag:$0x0] =	sbarrier.arrive $0xFFFF  }
0x73: {  	p0 =	sne.s32 s1, $0x0;
	_ =	strace $0x90000059  }
0x74: {  	s0 =	sadd.s32 @!p0 $0x100000, s0;
	[bflag:$0x2] =	sbarrier.arrive $0xFFFF  }
0x75: {  	[sflag:s0] =	ssyncadd.tile.s32 @!p0 $0x1;
	_ =	shalt  }
.Lfunc_end2:
_tile_overlayer_lowered:
.L_overlay_start_2:
0x76: {  	(tag) =	ssettag $0x2  }
0x77: {  	s0 =	rddreg [dreg:$0x0];
	s2 =	stileid.u32  }
0x78: {  	s1 =	rddreg [dreg:$0x1];
	p0 =	sne.s32 s2, $0x0  }
0x79: {  	s3 =	rddreg [dreg:$0x2];
	[bflag:$0x3] =	sbarrier.arrive $0xFFFF;
	s2 =	simm.s32 @!p0 $0x1C02  }
0x7a: {  	[timem:s3], [sflag:s2] =	dma.local @!p0 [hbm:s0], s1  }
0x7b: {  	s0 =	simm.s32 @!p0 $0x2  }
0x7c: {  	_ =	swait.ge @!p0 [sflag:s0], s1  }
0x7d: {  	s1 =	ssub.s32 @!p0 $0x0, s1;
	[sflag:s0] =	ssyncset.done @!p0 $0x0  }
0x7e: {  	[sflag:s0] =	ssyncadd.s32 @!p0 s1  }
0x7f: {  	[bflag:$0x3] =	sbarrier.arrive $0xFFFF  }
0x80: {  	_ =	shalt  }

// kernel: kernel.40.cloned.1.call-start
scs
__scs_entry_jumppad:
0x0: {  	(pc) =	sbr.rel $0x88, $3  }
0x1: {  	(tag) =	ssettag $0x0;
	lr =	simm.s32 $0x1  }
0x2: {  	[smem:$0x3F8C] =	sst lr;
	_ =	strace $0xD0000000  }
0x3: {  	_ = 	snop  }
0x4: {  	_ = 	snop  }
0x5: {  	_ = 	snop  }
0x6: {  	_ = 	snop  }
0x7: {  	_ = 	snop  }
__scs_overlays_trampoline_lowered:
0x8: {  	[smem:$0x3F9B] =	sst s0  }
0x9: {  	[smem:$0x3F9C] =	sst s1  }
0xa: {  	[smem:$0x3F9D] =	sst s2  }
0xb: {  	[smem:$0x3F9E] =	sst s3  }
0xc: {  	[smem:$0x3F9F] =	sst s4  }
0xd: {  	[smem:$0x3FA0] =	sst s5  }
0xe: {  	[smem:$0x3FA1] =	sst s6  }
0xf: {  	[smem:$0x3FA2] =	sst s7  }
0x10: {  	[smem:$0x3FA3] =	sst s8  }
0x11: {  	[smem:$0x3FA4] =	sst s9;
	s0 =	simm.s32 @!p0 $0x0  }
0x12: {  	s1 =	sld [smem:$0x3F8A];
	s0 =	simm.s32 @p0 $0x1  }
0x13: {  	[smem:$0x3FA5] =	sst s0;
	s0 =	simm.s32 @!p1 $0x0  }
0x14: {  	s2 =	sld [smem:$0x3F89];
	s0 =	simm.s32 @p1 $0x1  }
0x15: {  	[smem:$0x3FA6] =	sst s0;
	s0 =	simm.s32 @!p2 $0x0  }
0x16: {  	s3 =	sld [smem:$0x3FDB];
	s0 =	simm.s32 @p2 $0x1  }
0x17: {  	s4 =	simm.s32 $0x1BF5;
	[smem:$0x3FA8] =	sst s0  }
0x18: {  	s0 =	sld [smem:$0x3F8B];
	_ =	swait.ge [sflag:s4], $0x0  }
0x19: {  	s7 =	sld [smem:$0x3F8C]  }
0x1a: {  	s8 =	sadd.s32 $0xFFFFE003, lr  }
0x1b: {  	s9 =	sadd.s32 $0xFFFFFEF7, lr;
	s5 =	simm.s32 $0xFFFFFFFF;
	p2 =	slt.u32 s8, $0xFFFFF086  }
0x1c: {  	p1 =	slt.u32 s9, $0xF7A;
	s5 =	simm.s32 @!p2 $0x0  }
0x1d: {  	s5 =	simm.s32 @p1 $0x1;
	p0 =	seq.s32 s7, s2  }
0x1e: {  	s7 =	smul.u32 @!p0 $0xF7A, s2;
	p2 =	seq.s32 @!p0 s5, $0x0  }
0x1f: {  	s9 =	smul.u32 $0xF7A, s1;
	s8 =	simm.s32 @!p0 $0x1BF5;
	p2 =	por !p2, p0  }
0x20: {  	[sflag:s8] =	ssyncset.s32 @!p0 $0xFFFFF086;
	s6 =	sadd.s32 @!p0 s3, s7;
	s7 =	simm.s32 @!p0 $0x108  }
0x21: {  	s3 =	sadd.s32 s3, s9;
	s6 =	sadd.s32 @!p0 $0x88, s6;
	s7 =	simm.s32 @p2 $0x1082  }
0x22: {  	[simem:s7], [sflag:s8] =	dma.local @!p0 [hbm:s6], $0xF7A  }
0x23: {  	s9 =	sor.u32 $0xD0000000, s2;
	s6 =	simm.s32 $0x108;
	_ =	swait.ge @!p0 [sflag:s8], $0x0  }
0x24: {  	s3 =	sadd.s32 $0x88, s3;
	s6 =	simm.s32 @!p1 $0x1082;
	[sflag:s4] =	ssyncset.s32 $0xFFFFF086  }
0x25: {  	[simem:s6], [sflag:s4] =	dma.local [hbm:s3], $0xF7A  }
0x26: {  	[smem:$0x3F8C] =	sst s1;
	(tag) =	ssettag s2;
	_ =	strace s9  }
0x27: {  	s1 =	sld [smem:$0x3F9C]  }
0x28: {  	s2 =	sld [smem:$0x3F9D]  }
0x29: {  	s4 =	sld [smem:$0x3F9F]  }
0x2a: {  	p0 =	seq.s32 s5, $0x0;
	s5 =	sld [smem:$0x3FA0]  }
0x2b: {  	s6 =	sld [smem:$0x3FA1]  }
0x2c: {  	s7 =	sld [smem:$0x3FA2]  }
0x2d: {  	s3 =	simm.s32 $0x108;
	s8 =	sld [smem:$0x3FA3]  }
0x2e: {  	s3 =	simm.s32 @!p0 $0x1082;
	s9 =	sld [smem:$0x3FA4]  }
0x2f: {  	lr =	sadd.s32 s0, s3;
	s0 =	sld [smem:$0x3F9B]  }
0x30: {  	s3 =	sld [smem:$0x3F9E]  }
0x31: {  	[smem:$0x3FA7] =	sst s10  }
0x32: {  	s10 =	sld [smem:$0x3FA5];
	_ =	sdelay $0x3  }
0x33: {  	p0 =	seq.s32 s10, $0x1;
	s10 =	sld [smem:$0x3FA7];
	_ =	sdelay $0x3  }
0x34: {  	[smem:$0x3FA7] =	sst s10  }
0x35: {  	s10 =	sld [smem:$0x3FA6];
	_ =	sdelay $0x3  }
0x36: {  	p1 =	seq.s32 s10, $0x1;
	s10 =	sld [smem:$0x3FA7];
	_ =	sdelay $0x3  }
0x37: {  	[smem:$0x3FA7] =	sst s10  }
0x38: {  	s10 =	sld [smem:$0x3FA8]  }
0x39: {  	_ = 	snop;
	(pc) =	sbr.ind lr, $3  }
0x3a: {  	_ = 	snop  }
0x3b: {  	_ = 	snop  }
0x3c: {  	p2 =	seq.s32 s10, $0x1;
	s10 =	sld [smem:$0x3FA7]  }
0x3d: {  	_ =	shalt  }
0x3e: {  	_ =	shalt  }
0x3f: {  	_ =	shalt  }
0x40: {  	_ =	shalt  }
0x41: {  	_ =	shalt  }
0x42: {  	_ =	shalt  }
0x43: {  	_ =	shalt  }
0x44: {  	_ =	shalt  }
0x45: {  	_ =	shalt  }
0x46: {  	_ =	shalt  }
0x47: {  	_ =	shalt  }
0x48: {  	_ =	shalt  }
0x49: {  	_ =	shalt  }
0x4a: {  	_ =	shalt  }
0x4b: {  	_ =	shalt  }
0x4c: {  	_ =	shalt  }
0x4d: {  	_ =	shalt  }
0x4e: {  	_ =	shalt  }
0x4f: {  	_ =	shalt  }
0x50: {  	_ =	shalt  }
0x51: {  	_ =	shalt  }
0x52: {  	_ =	shalt  }
0x53: {  	_ =	shalt  }
0x54: {  	_ =	shalt  }
0x55: {  	_ =	shalt  }
0x56: {  	_ =	shalt  }
0x57: {  	_ =	shalt  }
0x58: {  	_ =	shalt  }
0x59: {  	_ =	shalt  }
0x5a: {  	_ =	shalt  }
0x5b: {  	_ =	shalt  }
0x5c: {  	_ =	shalt  }
0x5d: {  	_ =	shalt  }
0x5e: {  	_ =	shalt  }
0x5f: {  	_ =	shalt  }
0x60: {  	_ =	shalt  }
0x61: {  	_ =	shalt  }
0x62: {  	_ =	shalt  }
0x63: {  	_ =	shalt  }
0x64: {  	_ =	shalt  }
0x65: {  	_ =	shalt  }
0x66: {  	_ =	shalt  }
0x67: {  	_ =	shalt  }
0x68: {  	_ =	shalt  }
0x69: {  	_ =	shalt  }
0x6a: {  	_ =	shalt  }
0x6b: {  	_ =	shalt  }
0x6c: {  	_ =	shalt  }
0x6d: {  	_ =	shalt  }
0x6e: {  	_ =	shalt  }
0x6f: {  	_ =	shalt  }
0x70: {  	_ =	shalt  }
0x71: {  	_ =	shalt  }
0x72: {  	_ =	shalt  }
0x73: {  	_ =	shalt  }
0x74: {  	_ =	shalt  }
0x75: {  	_ =	shalt  }
0x76: {  	_ =	shalt  }
0x77: {  	_ =	shalt  }
0x78: {  	_ =	shalt  }
0x79: {  	_ =	shalt  }
0x7a: {  	_ =	shalt  }
0x7b: {  	_ =	shalt  }
0x7c: {  	_ =	shalt  }
0x7d: {  	_ =	shalt  }
0x7e: {  	_ =	shalt  }
0x7f: {  	_ =	shalt  }
0x80: {  	_ =	shalt  }
0x81: {  	_ =	shalt  }
0x82: {  	_ =	shalt  }
0x83: {  	_ =	shalt  }
0x84: {  	_ =	shalt  }
0x85: {  	_ =	shalt  }
0x86: {  	_ =	shalt  }
0x87: {  	_ =	shalt  }
.Lfunc_end0:
.L_simem_size_0:
called_computation.7_lowered:
.L_overlay_start_0:
0x88: {  	s2 =	sld [smem:$0x3FD9]  }
0x89: {  	s3 =	sld [smem:$0x3FFE];
	_ =	sdelay $0x1  }
0x8a: {  	s1 =	srdreg.scid  }
0x8b: {  	s0 =	sand.u32 $0x1, s1  }
0x8c: {  	s16 =	sshll.u32 s0, $0xA;
	s2 =	sadd.s32 s3, s2  }
0x8d: {  	s2 =	sadd.s32 s2, s16  }
0x8e: {  	[smem:$0x3FB3] =	sst s2  }
0x8f: {  	_ = 	snop  }
0x90: {  	(tm) =	ssettm $0x1  }
0x91: {  	s17 =	sld [smem:$0x3FFB];
	_ =	sdelay $0x3  }
0x92: {  	_ =	strace s17  }
0x93: {  	s2 =	sld [smem:$0x3FFC];
	_ =	sdelay $0x3  }
0x94: {  	_ =	strace s2  }
0x95: {  	s2 =	sld [smem:$0x3FFD];
	_ =	sdelay $0x3  }
0x96: {  	_ =	strace s2  }
0x97: {  	_ =	strace $0x8FFFFFFF  }
0x98: {  	s18 =	sld [smem:$0x3FDB];
	_ =	sdelay $0x1  }
0x99: {  	s19 =	simm.s32 $_scs_section_size  }
0x9a: {  	s4 =	simm.s32 $_size__tile_overlayer_lowered;
	s5 =	simm.s32 $_tile_overlayer_lowered  }
0x9b: {  	s22 =	simm.s32 $0x1BFF;
	s21 =	sshll.u32 s5, $0x1;
	s2 =	sadd.s32 s19, s18  }
0x9c: {  	s6 =	simm.s32 $0x0;
	s20 =	sshll.u32 s4, $0x1;
	s4 =	sadd.s32 s21, s2  }
0x9d: {  	[timem:s6], [sflag:s22] =	dma.local [hbm:s4], s20  }
0x9e: {  	_ =	swait.ge [sflag:s22], s20  }
0x9f: {  	s3 =	ssub.s32 $0x0, s20;
	[sflag:s22] =	ssyncset.done $0x0  }
0xa0: {  	[sflag:s22] =	ssyncadd.s32 s3;
	_ =	sdelay $0x1  }
0xa1: {  	s23 =	simm.s32 $0x1B8B  }
0xa2: {  	_ =	swait.ge [sflag:s23], $0x1  }
0xa3: {  	[sflag:s23] =	ssyncset.done $0x0  }
0xa4: {  	s25 =	simm.s32 $0x1B8E;
	s24 =	sld [smem:$0x3FFE];
	[sflag:s23] =	ssyncadd.s32 $0xFFFFFFFF  }
0xa5: {  	s26 =	simm.s32 $execute0_lowered;
	[smem:$0x3FD2] =	sst s25  }
0xa6: {  	s4 =	sshll.u32 s26, $0x1;
	_ =	strace $0x8000005B;
	[dreg:$0x1] =	wrdreg $0xFFFFFFFF  }
0xa7: {  	s28 =	simm.s32 $_size_execute0_lowered;
	s2 =	sadd.s32 s2, s4;
	[dreg:$0x0] =	wrdreg $0x0  }
0xa8: {  	s4 =	sshll.u32 s28, $0x1;
	[dreg:$0x2] =	wrdreg s2  }
0xa9: {  	[dreg:$0x3] =	wrdreg s4  }
0xaa: {  	[dreg:$0x4] =	wrdreg $0xC0  }
0xab: {  	_ =	task [dreg:s6], $0x5FFFF  }
0xac: {  	[dreg:$0x1] =	wrdreg $0xFFFFFFFF  }
0xad: {  	[dreg:$0x0] =	wrdreg $0x60  }
0xae: {  	[dreg:$0x2] =	wrdreg s24  }
0xaf: {  	[dreg:$0x3] =	wrdreg $0x40800  }
0xb0: {  	[dreg:$0x4] =	wrdreg $0x9  }
0xb1: {  	_ =	task.clear_ibuf [dreg:s6], $0x5FFFF;
	_ =	strace $0x9000005B  }
0xb2: {  	s29 =	simm.s32 $0x9;
	_ =	strace $0x8000005D  }
0xb3: {  	_ =	swait.ge [sflag:s29], $0x1  }
0xb4: {  	[sflag:s29] =	ssyncadd.s32 $0xFFFFFFFF  }
0xb5: {  	_ =	strace $0x9000005D  }
0xb6: {  	_ =	sfence  }
0xb7: {  	s30 =	sld [smem:$0x0];
	_ =	sdelay $0x2  }
0xb8: {  	s31 =	sshll.u32 s1, $0xD;
	s1 =	sshrl.u32 s1, $0x2  }
0xb9: {  	s3 =	sand.u32 $0x4000, s31;
	s1 =	sadd.s32 s1, s30  }
0xba: {  	s0 =	sor.u32 s3, s0;
	s1 =	sshll.u32 s1, $0x11  }
0xbb: {  	s0 =	sor.u32 s1, s0  }
0xbc: {  	s0 =	sadd.s32 $0x8F2B, s0  }
0xbd: {  	[sflag:s0] =	ssyncadd.remote.s32 $0x1  }
0xbe: {  	_ =	sfence.sel $0xFFFF  }
0xbf: {  	[dreg:$0x0] =	wrdreg $0xFFFFFFFF;
	(pc) =	sbr.abs _section_cstart, $3  }
0xc0: {  	[dreg:$0x1] =	wrdreg $0xFFFFFFFF  }
0xc1: {  	_ =	task.clear_ibuf [dreg:s6], $0x2FFFF;
	_ =	strace $0x9FFFFFFF  }
0xc2: {  	(tm) =	ssettm $0x7FFFFFFF  }
0xc3: {  	_ =	shalt  }
tec
execute0_lowered:
.L_overlay_start_1:
0x0: {  	(tag) =	ssettag $0x1  }
0x1: {  	s4 =	rddreg [dreg:$0x0]  }
0x2: {  	s2 =	rddreg [dreg:$0x1]  }
0x3: {  	s0 =	rddreg [dreg:$0x2];
	s1 =	stileid.u32  }
0x4: {  	s3 =	simm.s32 $0x0;
	s7 =	srdreg.scid;
	s5 =	smul.u32 $0x9E000, s1  }
0x5: {  	s14 =	simm.s32 $0x80;
	s15 =	simm.s32 $0x8;
	s6 =	smul.u32 $0x9E0, s1  }
0x6: {  	s16 =	simm.s32 $0x100;
	s17 =	simm.s32 $0x0;
	s26 =	smul.u32 $0x28000, s1  }
0x7: {  	[smem:$0x7FF] =	sst s3;
	s25 =	sand.u32 $0x1, s7;
	s28 =	smul.u32 $0x2800, s1  }
0x8: {  	s11 =	smul.u32 $0x50000, s1;
	s31 =	sshll.u32 s1, $0x6;
	_ =	strace $0x8000005C  }
0x9: {  	s10 =	sshll.u32 s25, $0xA;
	s29 =	ssub.s32 $0x2, s25;
	s13 =	sshll.u32 s25, $0x7  }
0xa: {  	s8 =	sadd.s32 s5, s4;
	s9 =	sadd.s32 s6, s4;
	s7 =	sor.u32 s10, s26  }
0xb: {  	s6 =	sadd.s32 s28, s4;
	s12 =	sshrl.u32 s29, $0x1;
	s30 =	sshrl.u32 s11, $0x2  }
0xc: {  	s5 =	sor.u32 $0x1C01, s31;
	s7 =	sshrl.u32 s7, $0x3;
	s10 =	ssub.s32 s29, s12  }
0xd: {  	s11 =	sadd.s32 s30, s2;
	s8 =	sadd.s32 s13, s8;
	s9 =	sadd.s32 $0x39E00, s9  }
0xe: {  	s12 =	simm.s32 $0x400;
	s13 =	simm.s32 $0x800;
	s7 =	sadd.s32 s7, s4  }
0xf: {  	s4 =	sadd.s32 $0x43C00, s6;
	s8 =	sadd.s32 $0xB3BC00, s8;
	s6 =	sadd.s32 $0xBBC00, s7  }
0x10: {  	s7 =	smax.u32 s10, $0x1;
	s10 =	sshrl.u32 s11, $0x3;
	s11 =	simm.s32 $0x1  }
.LBB2_1:
0x11: {  	[spmem:s10], [sflag:s5] =	dma.local [hbm:s4], $0x2800  }
0x12: {  	_ =	swait.ge [sflag:s11], $0x2800  }
0x13: {  	[sflag:s11] =	ssyncset.done $0x0  }
0x14: {  	[sflag:s11] =	ssyncadd.s32 $0xFFFFD800  }
0x15: {  	s18 =	sadd.s32 $0x0, s9;
	[bflag:$0x0] =	sbarrier.arrive $0xFFFF  }
0x16: {  	[tilespmem:s3], [sflag:$0x1] =	stream.linear.gather [hbm4b:s18+s3], $0x80, $0x38;
	[tilespmem:$0x18080] =	vst v63  }
0x17: {  	_ =	swait.ge [sflag:s11], $0x80  }
0x18: {  	[sflag:s11] =	ssyncset.done $0x0  }
0x19: {  	[sflag:s11] =	ssyncadd.s32 $0xFFFFFF80  }
0x1a: {  	[tilespmem:s14], [sflag:$0x1] =	stream.strided.gather [hbm4b:s8+s12], $0x4000, s13, s12, $0x38;
	[tilespmem:$0x18080] =	vst v63  }
0x1b: {  	_ =	swait.ge [sflag:s11], $0x4000  }
0x1c: {  	[sflag:s11] =	ssyncset.done $0x0  }
0x1d: {  	[sflag:s11] =	ssyncadd.s32 $0xFFFFC000  }
0x1e: {  	[spmem:s2] =	stream.indirect.scatter.add.f32 [tilespmem:s14], [sflag:$0x1], $0x80, s3, s14, $0xb8;
	[tilespmem:$0x18080] =	vst v63  }
0x1f: {  	s19 =	simm.s32 $0x10;
	_ =	swait.ge [sflag:s11], $0x4000  }
0x20: {  	s20 =	simm.s32 $0x20;
	s18 =	sadd.s32 $0x1000, s8;
	[sflag:s11] =	ssyncset.done $0x0  }
.LBB2_2:
0x21: {  	s21 =	sadd.s32 s19, s9  }
0x22: {  	[sflag:s11] =	ssyncadd.s32 $0xFFFFC000;
	s19 =	smov.u32 s20;
	s22 =	sadd.s32 $0x10, s20  }
0x23: {  	[tilespmem:s3], [sflag:$0x1] =	stream.linear.gather [hbm4b:s21+s3], $0x80, $0x38;
	[tilespmem:$0x18080] =	vst v63  }
0x24: {  	p0 =	sne.s32 s20, $0x9D0;
	_ =	swait.ge [sflag:s11], $0x80  }
0x25: {  	[sflag:s11] =	ssyncset.done $0x0  }
0x26: {  	[sflag:s11] =	ssyncadd.s32 $0xFFFFFF80  }
0x27: {  	[tilespmem:s14], [sflag:$0x1] =	stream.strided.gather [hbm4b:s18+s12], $0x4000, s13, s12, $0x38;
	[tilespmem:$0x18080] =	vst v63  }
0x28: {  	_ =	swait.ge [sflag:s11], $0x4000  }
.Ltmp0:
0x29: {  	[sflag:s11] =	ssyncset.done $0x0;
	(pc) =	sbr.rel @p0 .LBB2_2-.Ltmp0, $4  }
0x2a: {  	[sflag:s11] =	ssyncadd.s32 $0xFFFFC000  }
0x2b: {  	[spmem:s2] =	stream.indirect.scatter.add.f32 [tilespmem:s14], [sflag:$0x1], $0x80, s3, s14, $0xb8;
	[tilespmem:$0x18080] =	vst v63  }
0x2c: {  	_ =	swait.ge [sflag:s11], $0x4000  }
0x2d: {  	s20 =	smov.u32 s22;
	s18 =	sadd.s32 $0x1000, s18;
	[sflag:s11] =	ssyncset.done $0x0  }
0x2e: {  	s19 =	sadd.s32 s19, s9;
	[sflag:s11] =	ssyncadd.s32 $0xFFFFC000  }
0x2f: {  	[tilespmem:s3], [sflag:$0x1] =	stream.linear.gather [hbm4b:s19+s3], $0x80, $0x38;
	[tilespmem:$0x18080] =	vst v63  }
0x30: {  	_ =	swait.ge [sflag:s11], $0x80  }
0x31: {  	[sflag:s11] =	ssyncset.done $0x0  }
0x32: {  	[sflag:s11] =	ssyncadd.s32 $0xFFFFFF80  }
0x33: {  	[tilespmem:s14], [sflag:$0x1] =	stream.strided.gather [hbm4b:s18+s12], $0x4000, s13, s12, $0x38;
	[tilespmem:$0x18080] =	vst v63  }
0x34: {  	_ =	swait.ge [sflag:s11], $0x4000  }
0x35: {  	[sflag:s11] =	ssyncset.done $0x0  }
0x36: {  	[sflag:s11] =	ssyncadd.s32 $0xFFFFC000  }
0x37: {  	[spmem:s2] =	stream.indirect.scatter.add.f32 [tilespmem:s14], [sflag:$0x1], $0x80, s3, s14, $0xb8;
	[tilespmem:$0x18080] =	vst v63  }
0x38: {  	_ =	swait.ge [sflag:s11], $0x4000  }
0x39: {  	s17 =	sadd.s32 $0x1, s17;
	[sflag:s11] =	ssyncset.done $0x0  }
0x3a: {  	p0 =	sne.s32 s17, s7;
	[sflag:s11] =	ssyncadd.s32 $0xFFFFC000  }
.Ltmp1:
0x3b: {  	[bflag:$0x0] =	sbarrier.arrive $0xFFFF;
	(pc) =	sbr.rel @p0 .LBB2_1-.Ltmp1, $4  }
0x3c: {  	[hbm:s6@s16], [sflag:s5] =	dma.strided [spmem:s10@s14], $0x2800, s15, $0x10   }
0x3d: {  	_ =	swait.ge [sflag:s11], $0x2800  }
0x3e: {  	[sflag:s11] =	ssyncset.done $0x0  }
0x3f: {  	[sflag:s11] =	ssyncadd.s32 $0xFFFFD800  }
0x40: {  	_ =	sfence.sel $0x180000  }
0x41: {  	[bflag:$0x0] =	sbarrier.arrive $0xFFFF  }
0x42: {  	p0 =	sne.s32 s1, $0x0;
	_ =	strace $0x9000005C  }
0x43: {  	s0 =	sadd.s32 @!p0 $0x100000, s0;
	[bflag:$0x2] =	sbarrier.arrive $0xFFFF  }
0x44: {  	[sflag:s0] =	ssyncadd.tile.s32 @!p0 $0x1;
	_ =	shalt  }
.Lfunc_end2:
_tile_overlayer_lowered:
.L_overlay_start_2:
0x45: {  	(tag) =	ssettag $0x2  }
0x46: {  	s0 =	rddreg [dreg:$0x0];
	s2 =	stileid.u32  }
0x47: {  	s1 =	rddreg [dreg:$0x1];
	p0 =	sne.s32 s2, $0x0  }
0x48: {  	s3 =	rddreg [dreg:$0x2];
	[bflag:$0x3] =	sbarrier.arrive $0xFFFF;
	s2 =	simm.s32 @!p0 $0x1C01  }
0x49: {  	[timem:s3], [sflag:s2] =	dma.local @!p0 [hbm:s0], s1  }
0x4a: {  	s0 =	simm.s32 @!p0 $0x1  }
0x4b: {  	_ =	swait.ge @!p0 [sflag:s0], s1  }
0x4c: {  	s1 =	ssub.s32 @!p0 $0x0, s1;
	[sflag:s0] =	ssyncset.done @!p0 $0x0  }
0x4d: {  	[sflag:s0] =	ssyncadd.s32 @!p0 s1  }
0x4e: {  	[bflag:$0x3] =	sbarrier.arrive $0xFFFF  }
0x4f: {  	_ =	shalt  }

</sc_bundles>
